<compile_context>
chip_gen: v7x
topology: tpu7x:2x2x1
jax: 0.10.2.dev20260603
libtpu: 0.0.44.dev20260713+nightly
codegen_flags: <defaults>
</compile_context>

<pallas_src>
import functools

import jax
import jax.numpy as jnp
from jax import lax
from jax.experimental import pallas as pl
from jax.experimental.pallas import tpu as pltpu, tpu_sc as plsc

N = 10000
NP = 10240
D = 128
E = 320000
NC = 2
NS = 16
NW = NC * NS
K = 128
CB = 8
NB = 10
C = CB * NB
EP = NW * C * K
RPT = NP // NS

_mesh = plsc.VectorSubcoreMesh(core_axis_name="c", subcore_axis_name="s")


@functools.partial(
    pl.kernel,
    out_type=jax.ShapeDtypeStruct((NC, NP), jnp.float32),
    mesh=_mesh,
    scratch_types=[
        pltpu.VMEM((CB, K), jnp.int32),
        pltpu.VMEM((CB, K), jnp.int32),
        pltpu.VMEM((K,), jnp.float32),
        pltpu.VMEM_SHARED((NP,), jnp.float32),
        pltpu.SemaphoreType.DMA,
        pltpu.SemaphoreType.DMA,
        pltpu.SemaphoreType.DMA,
    ],
)
def _sc_degree(dst_hbm, zeros1_hbm, degp_hbm, iA, iB, ones_v, deg_sh,
               semA, semB, sem_i):
    c = lax.axis_index("c")
    s = lax.axis_index("s")
    wid = c * NS + s
    for t in range(K // 16):
        ones_v[pl.ds(t * 16, 16)] = jnp.ones((16,), jnp.float32)
    rows = pl.ds(pl.multiple_of(s * RPT, 8), RPT)
    pltpu.sync_copy(dst_hbm.at[wid, 0], iA)
    pltpu.sync_copy(zeros1_hbm.at[rows], deg_sh.at[rows])
    plsc.subcore_barrier()

    bufs, sems = (iA, iB), (semA, semB)
    for b in range(NB):
        me, sem_me = bufs[b % 2], sems[b % 2]
        nxt, sem_nxt = bufs[(b + 1) % 2], sems[(b + 1) % 2]
        if b > 0:
            pltpu.make_async_copy(dst_hbm.at[wid, b], me, sem_i).wait()
        for j in range(CB):
            pltpu.async_copy(ones_v, deg_sh.at[me.at[j]], sem_me, add=True)
        if b + 1 < NB:
            if b > 0:
                for j in range(CB):
                    pltpu.make_async_copy(ones_v, deg_sh.at[nxt.at[j]],
                                          sem_nxt).wait()
            pltpu.async_copy(dst_hbm.at[wid, b + 1], nxt, sem_i)
    for j in range(CB):
        pltpu.make_async_copy(ones_v, deg_sh.at[iA.at[j]], semA).wait()
    for j in range(CB):
        pltpu.make_async_copy(ones_v, deg_sh.at[iB.at[j]], semB).wait()
    plsc.subcore_barrier()

    @pl.when(s == 0)
    def _():
        pltpu.sync_copy(deg_sh, degp_hbm.at[c])


@functools.partial(
    pl.kernel,
    out_type=jax.ShapeDtypeStruct((NC, NP, D), jnp.float32),
    mesh=_mesh,
    scratch_types=[
        pltpu.VMEM((CB, K), jnp.int32),
        pltpu.VMEM((CB, K), jnp.int32),
        pltpu.VMEM((CB, K), jnp.int32),
        pltpu.VMEM((CB, K), jnp.int32),
        pltpu.VMEM((K, D), jnp.float32),
        pltpu.VMEM((K, D), jnp.float32),
        pltpu.VMEM_SHARED((NP, D), jnp.float32),
        pltpu.SemaphoreType.DMA,
        pltpu.SemaphoreType.DMA,
        pltpu.SemaphoreType.DMA,
    ],
)
def _sc_scatter(u_hbm, src_hbm, dst_hbm, zeros_hbm, p_hbm,
                isA, idA, isB, idB, r0, r1, agg_sh, sem0, sem1, sem_i):
    c = lax.axis_index("c")
    s = lax.axis_index("s")
    wid = c * NS + s
    rows = pl.ds(pl.multiple_of(s * RPT, 8), RPT)

    pltpu.sync_copy(src_hbm.at[wid, 0], isA)
    pltpu.sync_copy(dst_hbm.at[wid, 0], idA)
    pltpu.async_copy(u_hbm.at[isA.at[0]], r0, sem0)

    pltpu.sync_copy(zeros_hbm, agg_sh.at[rows])

    plsc.subcore_barrier()

    def do_block(b, is_v, id_v, nis, nid):
        @pl.when(b + 1 < NB)
        def _():
            pltpu.async_copy(src_hbm.at[wid, b + 1], nis, sem_i)
            pltpu.async_copy(dst_hbm.at[wid, b + 1], nid, sem_i)

        def body(j2, carry2):
            j = j2 * 2
            pltpu.async_copy(u_hbm.at[is_v.at[j + 1]], r1, sem1)
            pltpu.make_async_copy(u_hbm.at[is_v.at[j]], r0, sem0).wait()
            pltpu.sync_copy(r0, agg_sh.at[id_v.at[j]], add=True)

            @pl.when(j + 2 < CB)
            def _():
                pltpu.async_copy(u_hbm.at[is_v.at[j + 2]], r0, sem0)

            @pl.when(jnp.logical_and(j2 == CB // 2 - 1, b + 1 < NB))
            def _():
                pltpu.make_async_copy(src_hbm.at[wid, b + 1], nis, sem_i).wait()
                pltpu.make_async_copy(dst_hbm.at[wid, b + 1], nid, sem_i).wait()
                pltpu.async_copy(u_hbm.at[nis.at[0]], r0, sem0)

            pltpu.make_async_copy(u_hbm.at[is_v.at[j + 1]], r1, sem1).wait()
            pltpu.sync_copy(r1, agg_sh.at[id_v.at[j + 1]], add=True)
            return carry2

        lax.fori_loop(0, CB // 2, body, 0)

    def blkpair(bb, carry):
        b = bb * 2
        do_block(b, isA, idA, isB, idB)
        do_block(b + 1, isB, idB, isA, idA)
        return carry

    lax.fori_loop(0, NB // 2, blkpair, 0)
    plsc.subcore_barrier()
    pltpu.sync_copy(agg_sh.at[rows], p_hbm.at[c, rows])


def _u_body(x_ref, w1_ref, b1_ref, wg_ref, dp_ref, u_ref):
    h = lax.dot_general(x_ref[...], w1_ref[...], (((1,), (1,)), ((), ())),
                        preferred_element_type=jnp.float32)
    h = jnp.maximum(h + b1_ref[...], 0.0)
    h2 = lax.dot_general(h, wg_ref[...], (((1,), (1,)), ((), ())),
                         preferred_element_type=jnp.float32)
    deg = 1.0 + dp_ref[:, 0:1] + dp_ref[:, 1:2]
    u_ref[...] = h2 * lax.rsqrt(deg)


def _f_body(p_ref, u_ref, dp_ref, bg_ref, w2_ref, b2_ref, o_ref):
    ssum = p_ref[0] + p_ref[1] + u_ref[...]
    deg = 1.0 + dp_ref[:, 0:1] + dp_ref[:, 1:2]
    gcn = ssum * lax.rsqrt(deg) + bg_ref[...]
    o_ref[...] = lax.dot_general(gcn, w2_ref[...], (((1,), (1,)), ((), ())),
                                 preferred_element_type=jnp.float32) + b2_ref[...]


_R = 1000


def _tc_u(x, W1, b1r, Wg, dpT):
    return pl.pallas_call(
        _u_body,
        grid=(N // _R,),
        in_specs=[
            pl.BlockSpec((_R, D), lambda i: (i, 0)),
            pl.BlockSpec((D, D), lambda i: (0, 0)),
            pl.BlockSpec((1, D), lambda i: (0, 0)),
            pl.BlockSpec((D, D), lambda i: (0, 0)),
            pl.BlockSpec((_R, 2), lambda i: (i, 0)),
        ],
        out_specs=pl.BlockSpec((_R, D), lambda i: (i, 0)),
        out_shape=jax.ShapeDtypeStruct((N, D), jnp.float32),
    )(x, W1, b1r, Wg, dpT)


def _tc_final(p, u, dpT, bgr, W2, b2r):
    return pl.pallas_call(
        _f_body,
        grid=(N // _R,),
        in_specs=[
            pl.BlockSpec((NC, _R, D), lambda i: (0, i, 0)),
            pl.BlockSpec((_R, D), lambda i: (i, 0)),
            pl.BlockSpec((_R, 2), lambda i: (i, 0)),
            pl.BlockSpec((1, D), lambda i: (0, 0)),
            pl.BlockSpec((D, D), lambda i: (0, 0)),
            pl.BlockSpec((1, D), lambda i: (0, 0)),
        ],
        out_specs=pl.BlockSpec((_R, D), lambda i: (i, 0)),
        out_shape=jax.ShapeDtypeStruct((N, D), jnp.float32),
    )(p, u, dpT, bgr, W2, b2r)


def kernel(x, edge_index, W1, b1, Wg, bg, W2, b2):
    pad = jnp.arange(EP - E, dtype=jnp.int32)
    src = jnp.concatenate([edge_index[0], pad % N]).reshape(NW, NB, CB, K)
    dst = jnp.concatenate([edge_index[1], N + pad % (NP - N)]
                          ).reshape(NW, NB, CB, K)
    zeros3 = jnp.zeros((RPT, D), jnp.float32)
    zeros1 = jnp.zeros((NP,), jnp.float32)

    degp = _sc_degree(dst, zeros1)
    dpT = degp.T[:N]
    u = _tc_u(x, W1, b1.reshape(1, D), Wg, dpT)
    p = _sc_scatter(u, src, dst, zeros3)
    return _tc_final(p, u, dpT, bg.reshape(1, D), W2, b2.reshape(1, D))

# --- scband reference (transcript-rebuilt; emitter-appended) ---
"""Pipeline reference for scband-hgnn-11630771437844 (READ-ONLY COPY).

The authoritative reference and input builder live on the scoring server;
editing this copy changes nothing except your own understanding.
"""

import jax, jax.numpy as jnp
import numpy as np

N_NODES = 10000
D_IN = 128
D_HID = 128
D_OUT = 128
N_EDGES = 320000


def setup_inputs(seed: int = 0) -> dict:
    key = jax.random.key(seed)
    ks = jax.random.split(key, 8)
    x = jax.random.normal(ks[0], (N_NODES, D_IN), dtype=jnp.float32)
    edge_index = jax.random.randint(ks[1], (2, N_EDGES), 0, N_NODES, dtype=jnp.int64 if jax.config.jax_enable_x64 else jnp.int32).astype(jnp.int32)
    s1 = 1.0 / np.sqrt(D_IN)
    W1 = jax.random.uniform(ks[2], (D_HID, D_IN), dtype=jnp.float32, minval=-s1, maxval=s1)
    b1 = jax.random.uniform(ks[3], (D_HID,), dtype=jnp.float32, minval=-s1, maxval=s1)
    sg = 1.0 / np.sqrt(D_HID)
    Wg = jax.random.uniform(ks[4], (D_HID, D_HID), dtype=jnp.float32, minval=-sg, maxval=sg)
    bg = jnp.zeros((D_HID,), dtype=jnp.float32)
    W2 = jax.random.uniform(ks[5], (D_OUT, D_HID), dtype=jnp.float32, minval=-sg, maxval=sg)
    b2 = jax.random.uniform(ks[6], (D_OUT,), dtype=jnp.float32, minval=-sg, maxval=sg)
    return {"x": x, "edge_index": edge_index, "W1": W1, "b1": b1, "Wg": Wg, "bg": bg, "W2": W2, "b2": b2}


def _gcn_conv(x, edge_index, Wg, bg):
    # Faithful PyG-style GCNConv: add self-loops, symmetric normalization,
    # linear transform then normalized scatter-add aggregation, bias after.
    num_nodes = x.shape[0]
    src = edge_index[0]
    dst = edge_index[1]
    loop = jnp.arange(num_nodes, dtype=src.dtype)
    src = jnp.concatenate([src, loop], axis=0)
    dst = jnp.concatenate([dst, loop], axis=0)
    deg = jnp.zeros((num_nodes,), dtype=x.dtype).at[dst].add(1.0)
    deg_inv_sqrt = jnp.where(deg > 0, 1.0 / jnp.sqrt(deg), 0.0)
    norm = deg_inv_sqrt[src] * deg_inv_sqrt[dst]
    h = x @ Wg.T
    msg = h[src] * norm[:, None]
    out = jnp.zeros((num_nodes, h.shape[1]), dtype=x.dtype).at[dst].add(msg)
    return out + bg


def reference(x, edge_index, W1, b1, Wg, bg, W2, b2):
    h = x @ W1.T + b1
    h = jax.nn.relu(h)
    h = _gcn_conv(h, edge_index, Wg, bg)
    out = h @ W2.T + b2
    return out

if __name__ == "__main__":
    import jax
    _d = setup_inputs()
    print(jax.jit(kernel)(*tuple(_d.values())))

</pallas_src>

<mosaic_0001>
#map = affine_map<(d0, d1) -> (0, 0, 0, 0)>
#map1 = affine_map<(d0, d1) -> (0)>
#map2 = affine_map<(d0, d1) -> (0, 0)>
module attributes {stable_mosaic.version = 14 : i64} {
  func.func @_sc_degree(%arg0: i32, %arg1: i32, %arg2: memref<32x10x8x128xi32, #tpu.memory_space<hbm>>, %arg3: memref<10240xf32, #tpu.memory_space<hbm>>, %arg4: memref<2x10240xf32, #tpu.memory_space<hbm>>, %arg5: memref<8x128xi32, #tpu.memory_space<vmem>>, %arg6: memref<8x128xi32, #tpu.memory_space<vmem>>, %arg7: memref<128xf32, #tpu.memory_space<vmem>>, %arg8: memref<10240xf32, #tpu.memory_space<vmem_shared>>, %arg9: memref<!tpu.dma_semaphore, #tpu.memory_space<semaphore_mem>>, %arg10: memref<!tpu.dma_semaphore, #tpu.memory_space<semaphore_mem>>, %arg11: memref<!tpu.dma_semaphore, #tpu.memory_space<semaphore_mem>>) attributes {dimension_semantics = [#tpu.dimension_semantics<core_parallel>, #tpu.dimension_semantics<subcore_parallel>], iteration_bounds = array<i64: 2, 16>, scalar_prefetch = 0 : i64, scratch_operands = 7 : i64, tpu.core_type = #tpu.core_type<sc_vector_subcore>, window_params = [{transform_indices = #map}, {transform_indices = #map1}, {transform_indices = #map2}]} {
    %mul3A = arith.constant 16 : i32
    %mul3A_0 = arith.muli %arg0, %mul3A : i32
    %add3A = arith.addi %mul3A_0, %arg1 : i32
    %broadcast_in_dim3A = arith.constant 1.000000e+00 : f32
    %broadcast_in_dim3A_1 = vector.broadcast %broadcast_in_dim3A : f32 to vector<16xf32>
    %swap3A = arith.constant 0 : index
    %swap3A_2 = tpu.vector_load %arg7[%swap3A] {strides = array<i32>} : memref<128xf32, #tpu.memory_space<vmem>>, vector<16xf32>,
    %swap3A_3 = vector.shape_cast %swap3A_2 : vector<16xf32> to vector<16xf32>
    %swap3A_4 = vector.shape_cast %broadcast_in_dim3A_1 : vector<16xf32> to vector<16xf32>
    tpu.vector_store %arg7[%swap3A], %swap3A_4 {strides = array<i32>} : memref<128xf32, #tpu.memory_space<vmem>>, vector<16xf32>,
    %broadcast_in_dim3A_5 = arith.constant 1.000000e+00 : f32
    %broadcast_in_dim3A_6 = vector.broadcast %broadcast_in_dim3A_5 : f32 to vector<16xf32>
    %swap3A_7 = arith.constant 16 : index
    %swap3A_8 = tpu.vector_load %arg7[%swap3A_7] {strides = array<i32>} : memref<128xf32, #tpu.memory_space<vmem>>, vector<16xf32>,
    %swap3A_9 = vector.shape_cast %swap3A_8 : vector<16xf32> to vector<16xf32>
    %swap3A_10 = vector.shape_cast %broadcast_in_dim3A_6 : vector<16xf32> to vector<16xf32>
    tpu.vector_store %arg7[%swap3A_7], %swap3A_10 {strides = array<i32>} : memref<128xf32, #tpu.memory_space<vmem>>, vector<16xf32>,
    %broadcast_in_dim3A_11 = arith.constant 1.000000e+00 : f32
    %broadcast_in_dim3A_12 = vector.broadcast %broadcast_in_dim3A_11 : f32 to vector<16xf32>
    %swap3A_13 = arith.constant 32 : index
    %swap3A_14 = tpu.vector_load %arg7[%swap3A_13] {strides = array<i32>} : memref<128xf32, #tpu.memory_space<vmem>>, vector<16xf32>,
    %swap3A_15 = vector.shape_cast %swap3A_14 : vector<16xf32> to vector<16xf32>
    %swap3A_16 = vector.shape_cast %broadcast_in_dim3A_12 : vector<16xf32> to vector<16xf32>
    tpu.vector_store %arg7[%swap3A_13], %swap3A_16 {strides = array<i32>} : memref<128xf32, #tpu.memory_space<vmem>>, vector<16xf32>,
    %broadcast_in_dim3A_17 = arith.constant 1.000000e+00 : f32
    %broadcast_in_dim3A_18 = vector.broadcast %broadcast_in_dim3A_17 : f32 to vector<16xf32>
    %swap3A_19 = arith.constant 48 : index
    %swap3A_20 = tpu.vector_load %arg7[%swap3A_19] {strides = array<i32>} : memref<128xf32, #tpu.memory_space<vmem>>, vector<16xf32>,
    %swap3A_21 = vector.shape_cast %swap3A_20 : vector<16xf32> to vector<16xf32>
    %swap3A_22 = vector.shape_cast %broadcast_in_dim3A_18 : vector<16xf32> to vector<16xf32>
    tpu.vector_store %arg7[%swap3A_19], %swap3A_22 {strides = array<i32>} : memref<128xf32, #tpu.memory_space<vmem>>, vector<16xf32>,
    %broadcast_in_dim3A_23 = arith.constant 1.000000e+00 : f32
    %broadcast_in_dim3A_24 = vector.broadcast %broadcast_in_dim3A_23 : f32 to vector<16xf32>
    %swap3A_25 = arith.constant 64 : index
    %swap3A_26 = tpu.vector_load %arg7[%swap3A_25] {strides = array<i32>} : memref<128xf32, #tpu.memory_space<vmem>>, vector<16xf32>,
    %swap3A_27 = vector.shape_cast %swap3A_26 : vector<16xf32> to vector<16xf32>
    %swap3A_28 = vector.shape_cast %broadcast_in_dim3A_24 : vector<16xf32> to vector<16xf32>
    tpu.vector_store %arg7[%swap3A_25], %swap3A_28 {strides = array<i32>} : memref<128xf32, #tpu.memory_space<vmem>>, vector<16xf32>,
    %broadcast_in_dim3A_29 = arith.constant 1.000000e+00 : f32
    %broadcast_in_dim3A_30 = vector.broadcast %broadcast_in_dim3A_29 : f32 to vector<16xf32>
    %swap3A_31 = arith.constant 80 : index
    %swap3A_32 = tpu.vector_load %arg7[%swap3A_31] {strides = array<i32>} : memref<128xf32, #tpu.memory_space<vmem>>, vector<16xf32>,
    %swap3A_33 = vector.shape_cast %swap3A_32 : vector<16xf32> to vector<16xf32>
    %swap3A_34 = vector.shape_cast %broadcast_in_dim3A_30 : vector<16xf32> to vector<16xf32>
    tpu.vector_store %arg7[%swap3A_31], %swap3A_34 {strides = array<i32>} : memref<128xf32, #tpu.memory_space<vmem>>, vector<16xf32>,
    %broadcast_in_dim3A_35 = arith.constant 1.000000e+00 : f32
    %broadcast_in_dim3A_36 = vector.broadcast %broadcast_in_dim3A_35 : f32 to vector<16xf32>
    %swap3A_37 = arith.constant 96 : index
    %swap3A_38 = tpu.vector_load %arg7[%swap3A_37] {strides = array<i32>} : memref<128xf32, #tpu.memory_space<vmem>>, vector<16xf32>,
    %swap3A_39 = vector.shape_cast %swap3A_38 : vector<16xf32> to vector<16xf32>
    %swap3A_40 = vector.shape_cast %broadcast_in_dim3A_36 : vector<16xf32> to vector<16xf32>
    tpu.vector_store %arg7[%swap3A_37], %swap3A_40 {strides = array<i32>} : memref<128xf32, #tpu.memory_space<vmem>>, vector<16xf32>,
    %broadcast_in_dim3A_41 = arith.constant 1.000000e+00 : f32
    %broadcast_in_dim3A_42 = vector.broadcast %broadcast_in_dim3A_41 : f32 to vector<16xf32>
    %swap3A_43 = arith.constant 112 : index
    %swap3A_44 = tpu.vector_load %arg7[%swap3A_43] {strides = array<i32>} : memref<128xf32, #tpu.memory_space<vmem>>, vector<16xf32>,
    %swap3A_45 = vector.shape_cast %swap3A_44 : vector<16xf32> to vector<16xf32>
    %swap3A_46 = vector.shape_cast %broadcast_in_dim3A_42 : vector<16xf32> to vector<16xf32>
    tpu.vector_store %arg7[%swap3A_43], %swap3A_46 {strides = array<i32>} : memref<128xf32, #tpu.memory_space<vmem>>, vector<16xf32>,
    %mul3A_47 = arith.constant 640 : i32
    %mul3A_48 = arith.muli %arg1, %mul3A_47 : i32
    %multiple_of3A = tpu.assume_multiple %mul3A_48, 8 : i32
    %run_scoped3A = arith.constant 0 : i32
    "tpu.region"() ({
      %run_scoped3A_1172 = tpu.sem_alloc : memref<!tpu.dma_semaphore, #tpu.memory_space<semaphore_mem>>
      %dma_start3A_1173 = arith.constant 0 : i32
      %dma_start3A_1174 = arith.constant 0 : i32
      %dma_start3A_1175 = tpu.memref_slice %arg2[%add3A, %run_scoped3A, %dma_start3A_1173, %dma_start3A_1174] : memref<32x10x8x128xi32, #tpu.memory_space<hbm>> -> memref<1x1x8x128xi32, #tpu.memory_space<hbm>>
      %dma_start3A_1176 = tpu.memref_squeeze %dma_start3A_1175 : memref<1x1x8x128xi32, #tpu.memory_space<hbm>> -> memref<8x128xi32, #tpu.memory_space<hbm>>
      %dma_start3A_1177 = arith.constant 0 : i32
      %dma_start3A_1178 = arith.constant 0 : i32
      %dma_start3A_1179 = tpu.memref_slice %arg2[%add3A, %run_scoped3A, %dma_start3A_1177, %dma_start3A_1178] : memref<32x10x8x128xi32, #tpu.memory_space<hbm>> -> memref<1x1x8x128xi32, #tpu.memory_space<hbm>>
      %dma_start3A_1180 = tpu.memref_squeeze %dma_start3A_1179 : memref<1x1x8x128xi32, #tpu.memory_space<hbm>> -> memref<8x128xi32, #tpu.memory_space<hbm>>
      tpu.enqueue_dma source(%dma_start3A_1180 : memref<8x128xi32, #tpu.memory_space<hbm>>) target(%arg5 : memref<8x128xi32, #tpu.memory_space<vmem>>) target_semaphore(%run_scoped3A_1172 : memref<!tpu.dma_semaphore, #tpu.memory_space<semaphore_mem>>)
      %dma_wait3A_1181 = arith.constant 0 : i32
      %dma_wait3A_1182 = arith.constant 0 : i32
      %dma_wait3A_1183 = tpu.memref_slice %arg2[%add3A, %run_scoped3A, %dma_wait3A_1181, %dma_wait3A_1182] : memref<32x10x8x128xi32, #tpu.memory_space<hbm>> -> memref<1x1x8x128xi32, #tpu.memory_space<hbm>>
      %dma_wait3A_1184 = tpu.memref_squeeze %dma_wait3A_1183 : memref<1x1x8x128xi32, #tpu.memory_space<hbm>> -> memref<8x128xi32, #tpu.memory_space<hbm>>
      %dma_wait3A_1185 = arith.constant 0 : i32
      %dma_wait3A_1186 = arith.constant 0 : i32
      %dma_wait3A_1187 = tpu.memref_slice %arg2[%add3A, %run_scoped3A, %dma_wait3A_1185, %dma_wait3A_1186] : memref<32x10x8x128xi32, #tpu.memory_space<hbm>> -> memref<1x1x8x128xi32, #tpu.memory_space<hbm>>
      %dma_wait3A_1188 = tpu.memref_squeeze %dma_wait3A_1187 : memref<1x1x8x128xi32, #tpu.memory_space<hbm>> -> memref<8x128xi32, #tpu.memory_space<hbm>>
      tpu.wait_dma2 semaphore(%run_scoped3A_1172 : memref<!tpu.dma_semaphore, #tpu.memory_space<semaphore_mem>>) src(%dma_wait3A_1188 : memref<8x128xi32, #tpu.memory_space<hbm>>) dst(%arg5 : memref<8x128xi32, #tpu.memory_space<vmem>>)
      tpu.yield
    }) : () -> ()
    "tpu.region"() ({
      %run_scoped3A_1172 = tpu.sem_alloc : memref<!tpu.dma_semaphore, #tpu.memory_space<semaphore_mem>>
      %dma_start3A_1173 = tpu.memref_slice %arg8[%multiple_of3A] : memref<10240xf32, #tpu.memory_space<vmem_shared>> -> memref<640xf32, #tpu.memory_space<vmem_shared>>
      %dma_start3A_1174 = tpu.memref_slice %arg3[%multiple_of3A] : memref<10240xf32, #tpu.memory_space<hbm>> -> memref<640xf32, #tpu.memory_space<hbm>>
      tpu.enqueue_dma source(%dma_start3A_1174 : memref<640xf32, #tpu.memory_space<hbm>>) target(%dma_start3A_1173 : memref<640xf32, #tpu.memory_space<vmem_shared>>) target_semaphore(%run_scoped3A_1172 : memref<!tpu.dma_semaphore, #tpu.memory_space<semaphore_mem>>)
      %dma_wait3A_1175 = tpu.memref_slice %arg8[%multiple_of3A] : memref<10240xf32, #tpu.memory_space<vmem_shared>> -> memref<640xf32, #tpu.memory_space<vmem_shared>>
      %dma_wait3A_1176 = tpu.memref_slice %arg3[%multiple_of3A] : memref<10240xf32, #tpu.memory_space<hbm>> -> memref<640xf32, #tpu.memory_space<hbm>>
      tpu.wait_dma2 semaphore(%run_scoped3A_1172 : memref<!tpu.dma_semaphore, #tpu.memory_space<semaphore_mem>>) src(%dma_wait3A_1176 : memref<640xf32, #tpu.memory_space<hbm>>) dst(%dma_wait3A_1175 : memref<640xf32, #tpu.memory_space<vmem_shared>>)
      tpu.yield
    }) : () -> ()
    %barrier3A = arith.constant 0 : index
    tpu.barrier barrier_id(%barrier3A)
    %dma_start3A = arith.constant 0 : i32
    %dma_start3A_49 = arith.constant 0 : i32
    %dma_start3A_50 = tpu.memref_slice %arg5[%dma_start3A, %dma_start3A_49] : memref<8x128xi32, #tpu.memory_space<vmem>> -> memref<1x128xi32, #tpu.memory_space<vmem>>
    %dma_start3A_51 = tpu.memref_squeeze %dma_start3A_50 : memref<1x128xi32, #tpu.memory_space<vmem>> -> memref<128xi32, #tpu.memory_space<vmem>>
    %dma_start3A_52 = arith.constant 0 : i32
    %dma_start3A_53 = tpu.memref_slice %arg8[%dma_start3A_52] : memref<10240xf32, #tpu.memory_space<vmem_shared>> -> memref<10240xf32, #tpu.memory_space<vmem_shared>>
    tpu.enqueue_indirect_dma source(%arg7 : memref<128xf32, #tpu.memory_space<vmem>>) target(%dma_start3A_53 : memref<10240xf32, #tpu.memory_space<vmem_shared>>) offsets(%dma_start3A_51 : memref<128xi32, #tpu.memory_space<vmem>>) semaphore(%arg9 : memref<!tpu.dma_semaphore, #tpu.memory_space<semaphore_mem>>) {add = true}
    %dma_start3A_54 = arith.constant 1 : i32
    %dma_start3A_55 = arith.constant 0 : i32
    %dma_start3A_56 = tpu.memref_slice %arg5[%dma_start3A_54, %dma_start3A_55] : memref<8x128xi32, #tpu.memory_space<vmem>> -> memref<1x128xi32, #tpu.memory_space<vmem>>
    %dma_start3A_57 = tpu.memref_squeeze %dma_start3A_56 : memref<1x128xi32, #tpu.memory_space<vmem>> -> memref<128xi32, #tpu.memory_space<vmem>>
    %dma_start3A_58 = arith.constant 0 : i32
    %dma_start3A_59 = tpu.memref_slice %arg8[%dma_start3A_58] : memref<10240xf32, #tpu.memory_space<vmem_shared>> -> memref<10240xf32, #tpu.memory_space<vmem_shared>>
    tpu.enqueue_indirect_dma source(%arg7 : memref<128xf32, #tpu.memory_space<vmem>>) target(%dma_start3A_59 : memref<10240xf32, #tpu.memory_space<vmem_shared>>) offsets(%dma_start3A_57 : memref<128xi32, #tpu.memory_space<vmem>>) semaphore(%arg9 : memref<!tpu.dma_semaphore, #tpu.memory_space<semaphore_mem>>) {add = true}
    %dma_start3A_60 = arith.constant 2 : i32
    %dma_start3A_61 = arith.constant 0 : i32
    %dma_start3A_62 = tpu.memref_slice %arg5[%dma_start3A_60, %dma_start3A_61] : memref<8x128xi32, #tpu.memory_space<vmem>> -> memref<1x128xi32, #tpu.memory_space<vmem>>
    %dma_start3A_63 = tpu.memref_squeeze %dma_start3A_62 : memref<1x128xi32, #tpu.memory_space<vmem>> -> memref<128xi32, #tpu.memory_space<vmem>>
    %dma_start3A_64 = arith.constant 0 : i32
    %dma_start3A_65 = tpu.memref_slice %arg8[%dma_start3A_64] : memref<10240xf32, #tpu.memory_space<vmem_shared>> -> memref<10240xf32, #tpu.memory_space<vmem_shared>>
    tpu.enqueue_indirect_dma source(%arg7 : memref<128xf32, #tpu.memory_space<vmem>>) target(%dma_start3A_65 : memref<10240xf32, #tpu.memory_space<vmem_shared>>) offsets(%dma_start3A_63 : memref<128xi32, #tpu.memory_space<vmem>>) semaphore(%arg9 : memref<!tpu.dma_semaphore, #tpu.memory_space<semaphore_mem>>) {add = true}
    %dma_start3A_66 = arith.constant 3 : i32
    %dma_start3A_67 = arith.constant 0 : i32
    %dma_start3A_68 = tpu.memref_slice %arg5[%dma_start3A_66, %dma_start3A_67] : memref<8x128xi32, #tpu.memory_space<vmem>> -> memref<1x128xi32, #tpu.memory_space<vmem>>
    %dma_start3A_69 = tpu.memref_squeeze %dma_start3A_68 : memref<1x128xi32, #tpu.memory_space<vmem>> -> memref<128xi32, #tpu.memory_space<vmem>>
    %dma_start3A_70 = arith.constant 0 : i32
    %dma_start3A_71 = tpu.memref_slice %arg8[%dma_start3A_70] : memref<10240xf32, #tpu.memory_space<vmem_shared>> -> memref<10240xf32, #tpu.memory_space<vmem_shared>>
    tpu.enqueue_indirect_dma source(%arg7 : memref<128xf32, #tpu.memory_space<vmem>>) target(%dma_start3A_71 : memref<10240xf32, #tpu.memory_space<vmem_shared>>) offsets(%dma_start3A_69 : memref<128xi32, #tpu.memory_space<vmem>>) semaphore(%arg9 : memref<!tpu.dma_semaphore, #tpu.memory_space<semaphore_mem>>) {add = true}
    %dma_start3A_72 = arith.constant 4 : i32
    %dma_start3A_73 = arith.constant 0 : i32
    %dma_start3A_74 = tpu.memref_slice %arg5[%dma_start3A_72, %dma_start3A_73] : memref<8x128xi32, #tpu.memory_space<vmem>> -> memref<1x128xi32, #tpu.memory_space<vmem>>
    %dma_start3A_75 = tpu.memref_squeeze %dma_start3A_74 : memref<1x128xi32, #tpu.memory_space<vmem>> -> memref<128xi32, #tpu.memory_space<vmem>>
    %dma_start3A_76 = arith.constant 0 : i32
    %dma_start3A_77 = tpu.memref_slice %arg8[%dma_start3A_76] : memref<10240xf32, #tpu.memory_space<vmem_shared>> -> memref<10240xf32, #tpu.memory_space<vmem_shared>>
    tpu.enqueue_indirect_dma source(%arg7 : memref<128xf32, #tpu.memory_space<vmem>>) target(%dma_start3A_77 : memref<10240xf32, #tpu.memory_space<vmem_shared>>) offsets(%dma_start3A_75 : memref<128xi32, #tpu.memory_space<vmem>>) semaphore(%arg9 : memref<!tpu.dma_semaphore, #tpu.memory_space<semaphore_mem>>) {add = true}
    %dma_start3A_78 = arith.constant 5 : i32
    %dma_start3A_79 = arith.constant 0 : i32
    %dma_start3A_80 = tpu.memref_slice %arg5[%dma_start3A_78, %dma_start3A_79] : memref<8x128xi32, #tpu.memory_space<vmem>> -> memref<1x128xi32, #tpu.memory_space<vmem>>
    %dma_start3A_81 = tpu.memref_squeeze %dma_start3A_80 : memref<1x128xi32, #tpu.memory_space<vmem>> -> memref<128xi32, #tpu.memory_space<vmem>>
    %dma_start3A_82 = arith.constant 0 : i32
    %dma_start3A_83 = tpu.memref_slice %arg8[%dma_start3A_82] : memref<10240xf32, #tpu.memory_space<vmem_shared>> -> memref<10240xf32, #tpu.memory_space<vmem_shared>>
    tpu.enqueue_indirect_dma source(%arg7 : memref<128xf32, #tpu.memory_space<vmem>>) target(%dma_start3A_83 : memref<10240xf32, #tpu.memory_space<vmem_shared>>) offsets(%dma_start3A_81 : memref<128xi32, #tpu.memory_space<vmem>>) semaphore(%arg9 : memref<!tpu.dma_semaphore, #tpu.memory_space<semaphore_mem>>) {add = true}
    %dma_start3A_84 = arith.constant 6 : i32
    %dma_start3A_85 = arith.constant 0 : i32
    %dma_start3A_86 = tpu.memref_slice %arg5[%dma_start3A_84, %dma_start3A_85] : memref<8x128xi32, #tpu.memory_space<vmem>> -> memref<1x128xi32, #tpu.memory_space<vmem>>
    %dma_start3A_87 = tpu.memref_squeeze %dma_start3A_86 : memref<1x128xi32, #tpu.memory_space<vmem>> -> memref<128xi32, #tpu.memory_space<vmem>>
    %dma_start3A_88 = arith.constant 0 : i32
    %dma_start3A_89 = tpu.memref_slice %arg8[%dma_start3A_88] : memref<10240xf32, #tpu.memory_space<vmem_shared>> -> memref<10240xf32, #tpu.memory_space<vmem_shared>>
    tpu.enqueue_indirect_dma source(%arg7 : memref<128xf32, #tpu.memory_space<vmem>>) target(%dma_start3A_89 : memref<10240xf32, #tpu.memory_space<vmem_shared>>) offsets(%dma_start3A_87 : memref<128xi32, #tpu.memory_space<vmem>>) semaphore(%arg9 : memref<!tpu.dma_semaphore, #tpu.memory_space<semaphore_mem>>) {add = true}
    %dma_start3A_90 = arith.constant 7 : i32
    %dma_start3A_91 = arith.constant 0 : i32
    %dma_start3A_92 = tpu.memref_slice %arg5[%dma_start3A_90, %dma_start3A_91] : memref<8x128xi32, #tpu.memory_space<vmem>> -> memref<1x128xi32, #tpu.memory_space<vmem>>
    %dma_start3A_93 = tpu.memref_squeeze %dma_start3A_92 : memref<1x128xi32, #tpu.memory_space<vmem>> -> memref<128xi32, #tpu.memory_space<vmem>>
    %dma_start3A_94 = arith.constant 0 : i32
    %dma_start3A_95 = tpu.memref_slice %arg8[%dma_start3A_94] : memref<10240xf32, #tpu.memory_space<vmem_shared>> -> memref<10240xf32, #tpu.memory_space<vmem_shared>>
    tpu.enqueue_indirect_dma source(%arg7 : memref<128xf32, #tpu.memory_space<vmem>>) target(%dma_start3A_95 : memref<10240xf32, #tpu.memory_space<vmem_shared>>) offsets(%dma_start3A_93 : memref<128xi32, #tpu.memory_space<vmem>>) semaphore(%arg9 : memref<!tpu.dma_semaphore, #tpu.memory_space<semaphore_mem>>) {add = true}
    %dma_start3A_96 = arith.constant 1 : i32
    %dma_start3A_97 = arith.constant 0 : i32
    %dma_start3A_98 = arith.constant 0 : i32
    %dma_start3A_99 = tpu.memref_slice %arg2[%add3A, %dma_start3A_96, %dma_start3A_97, %dma_start3A_98] : memref<32x10x8x128xi32, #tpu.memory_space<hbm>> -> memref<1x1x8x128xi32, #tpu.memory_space<hbm>>
    %dma_start3A_100 = tpu.memref_squeeze %dma_start3A_99 : memref<1x1x8x128xi32, #tpu.memory_space<hbm>> -> memref<8x128xi32, #tpu.memory_space<hbm>>
    %dma_start3A_101 = arith.constant 0 : i32
    %dma_start3A_102 = arith.constant 0 : i32
    %dma_start3A_103 = tpu.memref_slice %arg2[%add3A, %dma_start3A_96, %dma_start3A_101, %dma_start3A_102] : memref<32x10x8x128xi32, #tpu.memory_space<hbm>> -> memref<1x1x8x128xi32, #tpu.memory_space<hbm>>
    %dma_start3A_104 = tpu.memref_squeeze %dma_start3A_103 : memref<1x1x8x128xi32, #tpu.memory_space<hbm>> -> memref<8x128xi32, #tpu.memory_space<hbm>>
    tpu.enqueue_dma source(%dma_start3A_104 : memref<8x128xi32, #tpu.memory_space<hbm>>) target(%arg6 : memref<8x128xi32, #tpu.memory_space<vmem>>) target_semaphore(%arg11 : memref<!tpu.dma_semaphore, #tpu.memory_space<semaphore_mem>>)
    %dma_wait3A = arith.constant 1 : i32
    %dma_wait3A_105 = arith.constant 0 : i32
    %dma_wait3A_106 = arith.constant 0 : i32
    %dma_wait3A_107 = tpu.memref_slice %arg2[%add3A, %dma_wait3A, %dma_wait3A_105, %dma_wait3A_106] : memref<32x10x8x128xi32, #tpu.memory_space<hbm>> -> memref<1x1x8x128xi32, #tpu.memory_space<hbm>>
    %dma_wait3A_108 = tpu.memref_squeeze %dma_wait3A_107 : memref<1x1x8x128xi32, #tpu.memory_space<hbm>> -> memref<8x128xi32, #tpu.memory_space<hbm>>
    %dma_wait3A_109 = arith.constant 0 : i32
    %dma_wait3A_110 = arith.constant 0 : i32
    %dma_wait3A_111 = tpu.memref_slice %arg2[%add3A, %dma_wait3A, %dma_wait3A_109, %dma_wait3A_110] : memref<32x10x8x128xi32, #tpu.memory_space<hbm>> -> memref<1x1x8x128xi32, #tpu.memory_space<hbm>>
    %dma_wait3A_112 = tpu.memref_squeeze %dma_wait3A_111 : memref<1x1x8x128xi32, #tpu.memory_space<hbm>> -> memref<8x128xi32, #tpu.memory_space<hbm>>
    tpu.wait_dma2 semaphore(%arg11 : memref<!tpu.dma_semaphore, #tpu.memory_space<semaphore_mem>>) src(%dma_wait3A_112 : memref<8x128xi32, #tpu.memory_space<hbm>>) dst(%arg6 : memref<8x128xi32, #tpu.memory_space<vmem>>)
    %dma_start3A_113 = arith.constant 0 : i32
    %dma_start3A_114 = arith.constant 0 : i32
    %dma_start3A_115 = tpu.memref_slice %arg6[%dma_start3A_113, %dma_start3A_114] : memref<8x128xi32, #tpu.memory_space<vmem>> -> memref<1x128xi32, #tpu.memory_space<vmem>>
    %dma_start3A_116 = tpu.memref_squeeze %dma_start3A_115 : memref<1x128xi32, #tpu.memory_space<vmem>> -> memref<128xi32, #tpu.memory_space<vmem>>
    %dma_start3A_117 = arith.constant 0 : i32
    %dma_start3A_118 = tpu.memref_slice %arg8[%dma_start3A_117] : memref<10240xf32, #tpu.memory_space<vmem_shared>> -> memref<10240xf32, #tpu.memory_space<vmem_shared>>
    tpu.enqueue_indirect_dma source(%arg7 : memref<128xf32, #tpu.memory_space<vmem>>) target(%dma_start3A_118 : memref<10240xf32, #tpu.memory_space<vmem_shared>>) offsets(%dma_start3A_116 : memref<128xi32, #tpu.memory_space<vmem>>) semaphore(%arg10 : memref<!tpu.dma_semaphore, #tpu.memory_space<semaphore_mem>>) {add = true}
    %dma_start3A_119 = arith.constant 1 : i32
    %dma_start3A_120 = arith.constant 0 : i32
    %dma_start3A_121 = tpu.memref_slice %arg6[%dma_start3A_119, %dma_start3A_120] : memref<8x128xi32, #tpu.memory_space<vmem>> -> memref<1x128xi32, #tpu.memory_space<vmem>>
    %dma_start3A_122 = tpu.memref_squeeze %dma_start3A_121 : memref<1x128xi32, #tpu.memory_space<vmem>> -> memref<128xi32, #tpu.memory_space<vmem>>
    %dma_start3A_123 = arith.constant 0 : i32
    %dma_start3A_124 = tpu.memref_slice %arg8[%dma_start3A_123] : memref<10240xf32, #tpu.memory_space<vmem_shared>> -> memref<10240xf32, #tpu.memory_space<vmem_shared>>
    tpu.enqueue_indirect_dma source(%arg7 : memref<128xf32, #tpu.memory_space<vmem>>) target(%dma_start3A_124 : memref<10240xf32, #tpu.memory_space<vmem_shared>>) offsets(%dma_start3A_122 : memref<128xi32, #tpu.memory_space<vmem>>) semaphore(%arg10 : memref<!tpu.dma_semaphore, #tpu.memory_space<semaphore_mem>>) {add = true}
    %dma_start3A_125 = arith.constant 2 : i32
    %dma_start3A_126 = arith.constant 0 : i32
    %dma_start3A_127 = tpu.memref_slice %arg6[%dma_start3A_125, %dma_start3A_126] : memref<8x128xi32, #tpu.memory_space<vmem>> -> memref<1x128xi32, #tpu.memory_space<vmem>>
    %dma_start3A_128 = tpu.memref_squeeze %dma_start3A_127 : memref<1x128xi32, #tpu.memory_space<vmem>> -> memref<128xi32, #tpu.memory_space<vmem>>
    %dma_start3A_129 = arith.constant 0 : i32
    %dma_start3A_130 = tpu.memref_slice %arg8[%dma_start3A_129] : memref<10240xf32, #tpu.memory_space<vmem_shared>> -> memref<10240xf32, #tpu.memory_space<vmem_shared>>
    tpu.enqueue_indirect_dma source(%arg7 : memref<128xf32, #tpu.memory_space<vmem>>) target(%dma_start3A_130 : memref<10240xf32, #tpu.memory_space<vmem_shared>>) offsets(%dma_start3A_128 : memref<128xi32, #tpu.memory_space<vmem>>) semaphore(%arg10 : memref<!tpu.dma_semaphore, #tpu.memory_space<semaphore_mem>>) {add = true}
    %dma_start3A_131 = arith.constant 3 : i32
    %dma_start3A_132 = arith.constant 0 : i32
    %dma_start3A_133 = tpu.memref_slice %arg6[%dma_start3A_131, %dma_start3A_132] : memref<8x128xi32, #tpu.memory_space<vmem>> -> memref<1x128xi32, #tpu.memory_space<vmem>>
    %dma_start3A_134 = tpu.memref_squeeze %dma_start3A_133 : memref<1x128xi32, #tpu.memory_space<vmem>> -> memref<128xi32, #tpu.memory_space<vmem>>
    %dma_start3A_135 = arith.constant 0 : i32
    %dma_start3A_136 = tpu.memref_slice %arg8[%dma_start3A_135] : memref<10240xf32, #tpu.memory_space<vmem_shared>> -> memref<10240xf32, #tpu.memory_space<vmem_shared>>
    tpu.enqueue_indirect_dma source(%arg7 : memref<128xf32, #tpu.memory_space<vmem>>) target(%dma_start3A_136 : memref<10240xf32, #tpu.memory_space<vmem_shared>>) offsets(%dma_start3A_134 : memref<128xi32, #tpu.memory_space<vmem>>) semaphore(%arg10 : memref<!tpu.dma_semaphore, #tpu.memory_space<semaphore_mem>>) {add = true}
    %dma_start3A_137 = arith.constant 4 : i32
    %dma_start3A_138 = arith.constant 0 : i32
    %dma_start3A_139 = tpu.memref_slice %arg6[%dma_start3A_137, %dma_start3A_138] : memref<8x128xi32, #tpu.memory_space<vmem>> -> memref<1x128xi32, #tpu.memory_space<vmem>>
    %dma_start3A_140 = tpu.memref_squeeze %dma_start3A_139 : memref<1x128xi32, #tpu.memory_space<vmem>> -> memref<128xi32, #tpu.memory_space<vmem>>
    %dma_start3A_141 = arith.constant 0 : i32
    %dma_start3A_142 = tpu.memref_slice %arg8[%dma_start3A_141] : memref<10240xf32, #tpu.memory_space<vmem_shared>> -> memref<10240xf32, #tpu.memory_space<vmem_shared>>
    tpu.enqueue_indirect_dma source(%arg7 : memref<128xf32, #tpu.memory_space<vmem>>) target(%dma_start3A_142 : memref<10240xf32, #tpu.memory_space<vmem_shared>>) offsets(%dma_start3A_140 : memref<128xi32, #tpu.memory_space<vmem>>) semaphore(%arg10 : memref<!tpu.dma_semaphore, #tpu.memory_space<semaphore_mem>>) {add = true}
    %dma_start3A_143 = arith.constant 5 : i32
    %dma_start3A_144 = arith.constant 0 : i32
    %dma_start3A_145 = tpu.memref_slice %arg6[%dma_start3A_143, %dma_start3A_144] : memref<8x128xi32, #tpu.memory_space<vmem>> -> memref<1x128xi32, #tpu.memory_space<vmem>>
    %dma_start3A_146 = tpu.memref_squeeze %dma_start3A_145 : memref<1x128xi32, #tpu.memory_space<vmem>> -> memref<128xi32, #tpu.memory_space<vmem>>
    %dma_start3A_147 = arith.constant 0 : i32
    %dma_start3A_148 = tpu.memref_slice %arg8[%dma_start3A_147] : memref<10240xf32, #tpu.memory_space<vmem_shared>> -> memref<10240xf32, #tpu.memory_space<vmem_shared>>
    tpu.enqueue_indirect_dma source(%arg7 : memref<128xf32, #tpu.memory_space<vmem>>) target(%dma_start3A_148 : memref<10240xf32, #tpu.memory_space<vmem_shared>>) offsets(%dma_start3A_146 : memref<128xi32, #tpu.memory_space<vmem>>) semaphore(%arg10 : memref<!tpu.dma_semaphore, #tpu.memory_space<semaphore_mem>>) {add = true}
    %dma_start3A_149 = arith.constant 6 : i32
    %dma_start3A_150 = arith.constant 0 : i32
    %dma_start3A_151 = tpu.memref_slice %arg6[%dma_start3A_149, %dma_start3A_150] : memref<8x128xi32, #tpu.memory_space<vmem>> -> memref<1x128xi32, #tpu.memory_space<vmem>>
    %dma_start3A_152 = tpu.memref_squeeze %dma_start3A_151 : memref<1x128xi32, #tpu.memory_space<vmem>> -> memref<128xi32, #tpu.memory_space<vmem>>
    %dma_start3A_153 = arith.constant 0 : i32
    %dma_start3A_154 = tpu.memref_slice %arg8[%dma_start3A_153] : memref<10240xf32, #tpu.memory_space<vmem_shared>> -> memref<10240xf32, #tpu.memory_space<vmem_shared>>
    tpu.enqueue_indirect_dma source(%arg7 : memref<128xf32, #tpu.memory_space<vmem>>) target(%dma_start3A_154 : memref<10240xf32, #tpu.memory_space<vmem_shared>>) offsets(%dma_start3A_152 : memref<128xi32, #tpu.memory_space<vmem>>) semaphore(%arg10 : memref<!tpu.dma_semaphore, #tpu.memory_space<semaphore_mem>>) {add = true}
    %dma_start3A_155 = arith.constant 7 : i32
    %dma_start3A_156 = arith.constant 0 : i32
    %dma_start3A_157 = tpu.memref_slice %arg6[%dma_start3A_155, %dma_start3A_156] : memref<8x128xi32, #tpu.memory_space<vmem>> -> memref<1x128xi32, #tpu.memory_space<vmem>>
    %dma_start3A_158 = tpu.memref_squeeze %dma_start3A_157 : memref<1x128xi32, #tpu.memory_space<vmem>> -> memref<128xi32, #tpu.memory_space<vmem>>
    %dma_start3A_159 = arith.constant 0 : i32
    %dma_start3A_160 = tpu.memref_slice %arg8[%dma_start3A_159] : memref<10240xf32, #tpu.memory_space<vmem_shared>> -> memref<10240xf32, #tpu.memory_space<vmem_shared>>
    tpu.enqueue_indirect_dma source(%arg7 : memref<128xf32, #tpu.memory_space<vmem>>) target(%dma_start3A_160 : memref<10240xf32, #tpu.memory_space<vmem_shared>>) offsets(%dma_start3A_158 : memref<128xi32, #tpu.memory_space<vmem>>) semaphore(%arg10 : memref<!tpu.dma_semaphore, #tpu.memory_space<semaphore_mem>>) {add = true}
    %dma_wait3A_161 = arith.constant 0 : i32
    %dma_wait3A_162 = arith.constant 0 : i32
    %dma_wait3A_163 = tpu.memref_slice %arg5[%dma_wait3A_161, %dma_wait3A_162] : memref<8x128xi32, #tpu.memory_space<vmem>> -> memref<1x128xi32, #tpu.memory_space<vmem>>
    %dma_wait3A_164 = tpu.memref_squeeze %dma_wait3A_163 : memref<1x128xi32, #tpu.memory_space<vmem>> -> memref<128xi32, #tpu.memory_space<vmem>>
    %dma_wait3A_165 = arith.constant 0 : i32
    %dma_wait3A_166 = tpu.memref_slice %arg8[%dma_wait3A_165] : memref<10240xf32, #tpu.memory_space<vmem_shared>> -> memref<10240xf32, #tpu.memory_space<vmem_shared>>
    tpu.wait_indirect_dma semaphore(%arg9 : memref<!tpu.dma_semaphore, #tpu.memory_space<semaphore_mem>>) src(%arg7 : memref<128xf32, #tpu.memory_space<vmem>>) dst(%dma_wait3A_166 : memref<10240xf32, #tpu.memory_space<vmem_shared>>)
    %dma_wait3A_167 = arith.constant 1 : i32
    %dma_wait3A_168 = arith.constant 0 : i32
    %dma_wait3A_169 = tpu.memref_slice %arg5[%dma_wait3A_167, %dma_wait3A_168] : memref<8x128xi32, #tpu.memory_space<vmem>> -> memref<1x128xi32, #tpu.memory_space<vmem>>
    %dma_wait3A_170 = tpu.memref_squeeze %dma_wait3A_169 : memref<1x128xi32, #tpu.memory_space<vmem>> -> memref<128xi32, #tpu.memory_space<vmem>>
    %dma_wait3A_171 = arith.constant 0 : i32
    %dma_wait3A_172 = tpu.memref_slice %arg8[%dma_wait3A_171] : memref<10240xf32, #tpu.memory_space<vmem_shared>> -> memref<10240xf32, #tpu.memory_space<vmem_shared>>
    tpu.wait_indirect_dma semaphore(%arg9 : memref<!tpu.dma_semaphore, #tpu.memory_space<semaphore_mem>>) src(%arg7 : memref<128xf32, #tpu.memory_space<vmem>>) dst(%dma_wait3A_172 : memref<10240xf32, #tpu.memory_space<vmem_shared>>)
    %dma_wait3A_173 = arith.constant 2 : i32
    %dma_wait3A_174 = arith.constant 0 : i32
    %dma_wait3A_175 = tpu.memref_slice %arg5[%dma_wait3A_173, %dma_wait3A_174] : memref<8x128xi32, #tpu.memory_space<vmem>> -> memref<1x128xi32, #tpu.memory_space<vmem>>
    %dma_wait3A_176 = tpu.memref_squeeze %dma_wait3A_175 : memref<1x128xi32, #tpu.memory_space<vmem>> -> memref<128xi32, #tpu.memory_space<vmem>>
    %dma_wait3A_177 = arith.constant 0 : i32
    %dma_wait3A_178 = tpu.memref_slice %arg8[%dma_wait3A_177] : memref<10240xf32, #tpu.memory_space<vmem_shared>> -> memref<10240xf32, #tpu.memory_space<vmem_shared>>
    tpu.wait_indirect_dma semaphore(%arg9 : memref<!tpu.dma_semaphore, #tpu.memory_space<semaphore_mem>>) src(%arg7 : memref<128xf32, #tpu.memory_space<vmem>>) dst(%dma_wait3A_178 : memref<10240xf32, #tpu.memory_space<vmem_shared>>)
    %dma_wait3A_179 = arith.constant 3 : i32
    %dma_wait3A_180 = arith.constant 0 : i32
    %dma_wait3A_181 = tpu.memref_slice %arg5[%dma_wait3A_179, %dma_wait3A_180] : memref<8x128xi32, #tpu.memory_space<vmem>> -> memref<1x128xi32, #tpu.memory_space<vmem>>
    %dma_wait3A_182 = tpu.memref_squeeze %dma_wait3A_181 : memref<1x128xi32, #tpu.memory_space<vmem>> -> memref<128xi32, #tpu.memory_space<vmem>>
    %dma_wait3A_183 = arith.constant 0 : i32
    %dma_wait3A_184 = tpu.memref_slice %arg8[%dma_wait3A_183] : memref<10240xf32, #tpu.memory_space<vmem_shared>> -> memref<10240xf32, #tpu.memory_space<vmem_shared>>
    tpu.wait_indirect_dma semaphore(%arg9 : memref<!tpu.dma_semaphore, #tpu.memory_space<semaphore_mem>>) src(%arg7 : memref<128xf32, #tpu.memory_space<vmem>>) dst(%dma_wait3A_184 : memref<10240xf32, #tpu.memory_space<vmem_shared>>)
    %dma_wait3A_185 = arith.constant 4 : i32
    %dma_wait3A_186 = arith.constant 0 : i32
    %dma_wait3A_187 = tpu.memref_slice %arg5[%dma_wait3A_185, %dma_wait3A_186] : memref<8x128xi32, #tpu.memory_space<vmem>> -> memref<1x128xi32, #tpu.memory_space<vmem>>
    %dma_wait3A_188 = tpu.memref_squeeze %dma_wait3A_187 : memref<1x128xi32, #tpu.memory_space<vmem>> -> memref<128xi32, #tpu.memory_space<vmem>>
    %dma_wait3A_189 = arith.constant 0 : i32
    %dma_wait3A_190 = tpu.memref_slice %arg8[%dma_wait3A_189] : memref<10240xf32, #tpu.memory_space<vmem_shared>> -> memref<10240xf32, #tpu.memory_space<vmem_shared>>
    tpu.wait_indirect_dma semaphore(%arg9 : memref<!tpu.dma_semaphore, #tpu.memory_space<semaphore_mem>>) src(%arg7 : memref<128xf32, #tpu.memory_space<vmem>>) dst(%dma_wait3A_190 : memref<10240xf32, #tpu.memory_space<vmem_shared>>)
    %dma_wait3A_191 = arith.constant 5 : i32
    %dma_wait3A_192 = arith.constant 0 : i32
    %dma_wait3A_193 = tpu.memref_slice %arg5[%dma_wait3A_191, %dma_wait3A_192] : memref<8x128xi32, #tpu.memory_space<vmem>> -> memref<1x128xi32, #tpu.memory_space<vmem>>
    %dma_wait3A_194 = tpu.memref_squeeze %dma_wait3A_193 : memref<1x128xi32, #tpu.memory_space<vmem>> -> memref<128xi32, #tpu.memory_space<vmem>>
    %dma_wait3A_195 = arith.constant 0 : i32
    %dma_wait3A_196 = tpu.memref_slice %arg8[%dma_wait3A_195] : memref<10240xf32, #tpu.memory_space<vmem_shared>> -> memref<10240xf32, #tpu.memory_space<vmem_shared>>
    tpu.wait_indirect_dma semaphore(%arg9 : memref<!tpu.dma_semaphore, #tpu.memory_space<semaphore_mem>>) src(%arg7 : memref<128xf32, #tpu.memory_space<vmem>>) dst(%dma_wait3A_196 : memref<10240xf32, #tpu.memory_space<vmem_shared>>)
    %dma_wait3A_197 = arith.constant 6 : i32
    %dma_wait3A_198 = arith.constant 0 : i32
    %dma_wait3A_199 = tpu.memref_slice %arg5[%dma_wait3A_197, %dma_wait3A_198] : memref<8x128xi32, #tpu.memory_space<vmem>> -> memref<1x128xi32, #tpu.memory_space<vmem>>
    %dma_wait3A_200 = tpu.memref_squeeze %dma_wait3A_199 : memref<1x128xi32, #tpu.memory_space<vmem>> -> memref<128xi32, #tpu.memory_space<vmem>>
    %dma_wait3A_201 = arith.constant 0 : i32
    %dma_wait3A_202 = tpu.memref_slice %arg8[%dma_wait3A_201] : memref<10240xf32, #tpu.memory_space<vmem_shared>> -> memref<10240xf32, #tpu.memory_space<vmem_shared>>
    tpu.wait_indirect_dma semaphore(%arg9 : memref<!tpu.dma_semaphore, #tpu.memory_space<semaphore_mem>>) src(%arg7 : memref<128xf32, #tpu.memory_space<vmem>>) dst(%dma_wait3A_202 : memref<10240xf32, #tpu.memory_space<vmem_shared>>)
    %dma_wait3A_203 = arith.constant 7 : i32
    %dma_wait3A_204 = arith.constant 0 : i32
    %dma_wait3A_205 = tpu.memref_slice %arg5[%dma_wait3A_203, %dma_wait3A_204] : memref<8x128xi32, #tpu.memory_space<vmem>> -> memref<1x128xi32, #tpu.memory_space<vmem>>
    %dma_wait3A_206 = tpu.memref_squeeze %dma_wait3A_205 : memref<1x128xi32, #tpu.memory_space<vmem>> -> memref<128xi32, #tpu.memory_space<vmem>>
    %dma_wait3A_207 = arith.constant 0 : i32
    %dma_wait3A_208 = tpu.memref_slice %arg8[%dma_wait3A_207] : memref<10240xf32, #tpu.memory_space<vmem_shared>> -> memref<10240xf32, #tpu.memory_space<vmem_shared>>
    tpu.wait_indirect_dma semaphore(%arg9 : memref<!tpu.dma_semaphore, #tpu.memory_space<semaphore_mem>>) src(%arg7 : memref<128xf32, #tpu.memory_space<vmem>>) dst(%dma_wait3A_208 : memref<10240xf32, #tpu.memory_space<vmem_shared>>)
    %dma_start3A_209 = arith.constant 2 : i32
    %dma_start3A_210 = arith.constant 0 : i32
    %dma_start3A_211 = arith.constant 0 : i32
    %dma_start3A_212 = tpu.memref_slice %arg2[%add3A, %dma_start3A_209, %dma_start3A_210, %dma_start3A_211] : memref<32x10x8x128xi32, #tpu.memory_space<hbm>> -> memref<1x1x8x128xi32, #tpu.memory_space<hbm>>
    %dma_start3A_213 = tpu.memref_squeeze %dma_start3A_212 : memref<1x1x8x128xi32, #tpu.memory_space<hbm>> -> memref<8x128xi32, #tpu.memory_space<hbm>>
    %dma_start3A_214 = arith.constant 0 : i32
    %dma_start3A_215 = arith.constant 0 : i32
    %dma_start3A_216 = tpu.memref_slice %arg2[%add3A, %dma_start3A_209, %dma_start3A_214, %dma_start3A_215] : memref<32x10x8x128xi32, #tpu.memory_space<hbm>> -> memref<1x1x8x128xi32, #tpu.memory_space<hbm>>
    %dma_start3A_217 = tpu.memref_squeeze %dma_start3A_216 : memref<1x1x8x128xi32, #tpu.memory_space<hbm>> -> memref<8x128xi32, #tpu.memory_space<hbm>>
    tpu.enqueue_dma source(%dma_start3A_217 : memref<8x128xi32, #tpu.memory_space<hbm>>) target(%arg5 : memref<8x128xi32, #tpu.memory_space<vmem>>) target_semaphore(%arg11 : memref<!tpu.dma_semaphore, #tpu.memory_space<semaphore_mem>>)
    %dma_wait3A_218 = arith.constant 2 : i32
    %dma_wait3A_219 = arith.constant 0 : i32
    %dma_wait3A_220 = arith.constant 0 : i32
    %dma_wait3A_221 = tpu.memref_slice %arg2[%add3A, %dma_wait3A_218, %dma_wait3A_219, %dma_wait3A_220] : memref<32x10x8x128xi32, #tpu.memory_space<hbm>> -> memref<1x1x8x128xi32, #tpu.memory_space<hbm>>
    %dma_wait3A_222 = tpu.memref_squeeze %dma_wait3A_221 : memref<1x1x8x128xi32, #tpu.memory_space<hbm>> -> memref<8x128xi32, #tpu.memory_space<hbm>>
    %dma_wait3A_223 = arith.constant 0 : i32
    %dma_wait3A_224 = arith.constant 0 : i32
    %dma_wait3A_225 = tpu.memref_slice %arg2[%add3A, %dma_wait3A_218, %dma_wait3A_223, %dma_wait3A_224] : memref<32x10x8x128xi32, #tpu.memory_space<hbm>> -> memref<1x1x8x128xi32, #tpu.memory_space<hbm>>
    %dma_wait3A_226 = tpu.memref_squeeze %dma_wait3A_225 : memref<1x1x8x128xi32, #tpu.memory_space<hbm>> -> memref<8x128xi32, #tpu.memory_space<hbm>>
    tpu.wait_dma2 semaphore(%arg11 : memref<!tpu.dma_semaphore, #tpu.memory_space<semaphore_mem>>) src(%dma_wait3A_226 : memref<8x128xi32, #tpu.memory_space<hbm>>) dst(%arg5 : memref<8x128xi32, #tpu.memory_space<vmem>>)
    %dma_start3A_227 = arith.constant 0 : i32
    %dma_start3A_228 = arith.constant 0 : i32
    %dma_start3A_229 = tpu.memref_slice %arg5[%dma_start3A_227, %dma_start3A_228] : memref<8x128xi32, #tpu.memory_space<vmem>> -> memref<1x128xi32, #tpu.memory_space<vmem>>
    %dma_start3A_230 = tpu.memref_squeeze %dma_start3A_229 : memref<1x128xi32, #tpu.memory_space<vmem>> -> memref<128xi32, #tpu.memory_space<vmem>>
    %dma_start3A_231 = arith.constant 0 : i32
    %dma_start3A_232 = tpu.memref_slice %arg8[%dma_start3A_231] : memref<10240xf32, #tpu.memory_space<vmem_shared>> -> memref<10240xf32, #tpu.memory_space<vmem_shared>>
    tpu.enqueue_indirect_dma source(%arg7 : memref<128xf32, #tpu.memory_space<vmem>>) target(%dma_start3A_232 : memref<10240xf32, #tpu.memory_space<vmem_shared>>) offsets(%dma_start3A_230 : memref<128xi32, #tpu.memory_space<vmem>>) semaphore(%arg9 : memref<!tpu.dma_semaphore, #tpu.memory_space<semaphore_mem>>) {add = true}
    %dma_start3A_233 = arith.constant 1 : i32
    %dma_start3A_234 = arith.constant 0 : i32
    %dma_start3A_235 = tpu.memref_slice %arg5[%dma_start3A_233, %dma_start3A_234] : memref<8x128xi32, #tpu.memory_space<vmem>> -> memref<1x128xi32, #tpu.memory_space<vmem>>
    %dma_start3A_236 = tpu.memref_squeeze %dma_start3A_235 : memref<1x128xi32, #tpu.memory_space<vmem>> -> memref<128xi32, #tpu.memory_space<vmem>>
    %dma_start3A_237 = arith.constant 0 : i32
    %dma_start3A_238 = tpu.memref_slice %arg8[%dma_start3A_237] : memref<10240xf32, #tpu.memory_space<vmem_shared>> -> memref<10240xf32, #tpu.memory_space<vmem_shared>>
    tpu.enqueue_indirect_dma source(%arg7 : memref<128xf32, #tpu.memory_space<vmem>>) target(%dma_start3A_238 : memref<10240xf32, #tpu.memory_space<vmem_shared>>) offsets(%dma_start3A_236 : memref<128xi32, #tpu.memory_space<vmem>>) semaphore(%arg9 : memref<!tpu.dma_semaphore, #tpu.memory_space<semaphore_mem>>) {add = true}
    %dma_start3A_239 = arith.constant 2 : i32
    %dma_start3A_240 = arith.constant 0 : i32
    %dma_start3A_241 = tpu.memref_slice %arg5[%dma_start3A_239, %dma_start3A_240] : memref<8x128xi32, #tpu.memory_space<vmem>> -> memref<1x128xi32, #tpu.memory_space<vmem>>
    %dma_start3A_242 = tpu.memref_squeeze %dma_start3A_241 : memref<1x128xi32, #tpu.memory_space<vmem>> -> memref<128xi32, #tpu.memory_space<vmem>>
    %dma_start3A_243 = arith.constant 0 : i32
    %dma_start3A_244 = tpu.memref_slice %arg8[%dma_start3A_243] : memref<10240xf32, #tpu.memory_space<vmem_shared>> -> memref<10240xf32, #tpu.memory_space<vmem_shared>>
    tpu.enqueue_indirect_dma source(%arg7 : memref<128xf32, #tpu.memory_space<vmem>>) target(%dma_start3A_244 : memref<10240xf32, #tpu.memory_space<vmem_shared>>) offsets(%dma_start3A_242 : memref<128xi32, #tpu.memory_space<vmem>>) semaphore(%arg9 : memref<!tpu.dma_semaphore, #tpu.memory_space<semaphore_mem>>) {add = true}
    %dma_start3A_245 = arith.constant 3 : i32
    %dma_start3A_246 = arith.constant 0 : i32
    %dma_start3A_247 = tpu.memref_slice %arg5[%dma_start3A_245, %dma_start3A_246] : memref<8x128xi32, #tpu.memory_space<vmem>> -> memref<1x128xi32, #tpu.memory_space<vmem>>
    %dma_start3A_248 = tpu.memref_squeeze %dma_start3A_247 : memref<1x128xi32, #tpu.memory_space<vmem>> -> memref<128xi32, #tpu.memory_space<vmem>>
    %dma_start3A_249 = arith.constant 0 : i32
    %dma_start3A_250 = tpu.memref_slice %arg8[%dma_start3A_249] : memref<10240xf32, #tpu.memory_space<vmem_shared>> -> memref<10240xf32, #tpu.memory_space<vmem_shared>>
    tpu.enqueue_indirect_dma source(%arg7 : memref<128xf32, #tpu.memory_space<vmem>>) target(%dma_start3A_250 : memref<10240xf32, #tpu.memory_space<vmem_shared>>) offsets(%dma_start3A_248 : memref<128xi32, #tpu.memory_space<vmem>>) semaphore(%arg9 : memref<!tpu.dma_semaphore, #tpu.memory_space<semaphore_mem>>) {add = true}
    %dma_start3A_251 = arith.constant 4 : i32
    %dma_start3A_252 = arith.constant 0 : i32
    %dma_start3A_253 = tpu.memref_slice %arg5[%dma_start3A_251, %dma_start3A_252] : memref<8x128xi32, #tpu.memory_space<vmem>> -> memref<1x128xi32, #tpu.memory_space<vmem>>
    %dma_start3A_254 = tpu.memref_squeeze %dma_start3A_253 : memref<1x128xi32, #tpu.memory_space<vmem>> -> memref<128xi32, #tpu.memory_space<vmem>>
    %dma_start3A_255 = arith.constant 0 : i32
    %dma_start3A_256 = tpu.memref_slice %arg8[%dma_start3A_255] : memref<10240xf32, #tpu.memory_space<vmem_shared>> -> memref<10240xf32, #tpu.memory_space<vmem_shared>>
    tpu.enqueue_indirect_dma source(%arg7 : memref<128xf32, #tpu.memory_space<vmem>>) target(%dma_start3A_256 : memref<10240xf32, #tpu.memory_space<vmem_shared>>) offsets(%dma_start3A_254 : memref<128xi32, #tpu.memory_space<vmem>>) semaphore(%arg9 : memref<!tpu.dma_semaphore, #tpu.memory_space<semaphore_mem>>) {add = true}
    %dma_start3A_257 = arith.constant 5 : i32
    %dma_start3A_258 = arith.constant 0 : i32
    %dma_start3A_259 = tpu.memref_slice %arg5[%dma_start3A_257, %dma_start3A_258] : memref<8x128xi32, #tpu.memory_space<vmem>> -> memref<1x128xi32, #tpu.memory_space<vmem>>
    %dma_start3A_260 = tpu.memref_squeeze %dma_start3A_259 : memref<1x128xi32, #tpu.memory_space<vmem>> -> memref<128xi32, #tpu.memory_space<vmem>>
    %dma_start3A_261 = arith.constant 0 : i32
    %dma_start3A_262 = tpu.memref_slice %arg8[%dma_start3A_261] : memref<10240xf32, #tpu.memory_space<vmem_shared>> -> memref<10240xf32, #tpu.memory_space<vmem_shared>>
    tpu.enqueue_indirect_dma source(%arg7 : memref<128xf32, #tpu.memory_space<vmem>>) target(%dma_start3A_262 : memref<10240xf32, #tpu.memory_space<vmem_shared>>) offsets(%dma_start3A_260 : memref<128xi32, #tpu.memory_space<vmem>>) semaphore(%arg9 : memref<!tpu.dma_semaphore, #tpu.memory_space<semaphore_mem>>) {add = true}
    %dma_start3A_263 = arith.constant 6 : i32
    %dma_start3A_264 = arith.constant 0 : i32
    %dma_start3A_265 = tpu.memref_slice %arg5[%dma_start3A_263, %dma_start3A_264] : memref<8x128xi32, #tpu.memory_space<vmem>> -> memref<1x128xi32, #tpu.memory_space<vmem>>
    %dma_start3A_266 = tpu.memref_squeeze %dma_start3A_265 : memref<1x128xi32, #tpu.memory_space<vmem>> -> memref<128xi32, #tpu.memory_space<vmem>>
    %dma_start3A_267 = arith.constant 0 : i32
    %dma_start3A_268 = tpu.memref_slice %arg8[%dma_start3A_267] : memref<10240xf32, #tpu.memory_space<vmem_shared>> -> memref<10240xf32, #tpu.memory_space<vmem_shared>>
    tpu.enqueue_indirect_dma source(%arg7 : memref<128xf32, #tpu.memory_space<vmem>>) target(%dma_start3A_268 : memref<10240xf32, #tpu.memory_space<vmem_shared>>) offsets(%dma_start3A_266 : memref<128xi32, #tpu.memory_space<vmem>>) semaphore(%arg9 : memref<!tpu.dma_semaphore, #tpu.memory_space<semaphore_mem>>) {add = true}
    %dma_start3A_269 = arith.constant 7 : i32
    %dma_start3A_270 = arith.constant 0 : i32
    %dma_start3A_271 = tpu.memref_slice %arg5[%dma_start3A_269, %dma_start3A_270] : memref<8x128xi32, #tpu.memory_space<vmem>> -> memref<1x128xi32, #tpu.memory_space<vmem>>
    %dma_start3A_272 = tpu.memref_squeeze %dma_start3A_271 : memref<1x128xi32, #tpu.memory_space<vmem>> -> memref<128xi32, #tpu.memory_space<vmem>>
    %dma_start3A_273 = arith.constant 0 : i32
    %dma_start3A_274 = tpu.memref_slice %arg8[%dma_start3A_273] : memref<10240xf32, #tpu.memory_space<vmem_shared>> -> memref<10240xf32, #tpu.memory_space<vmem_shared>>
    tpu.enqueue_indirect_dma source(%arg7 : memref<128xf32, #tpu.memory_space<vmem>>) target(%dma_start3A_274 : memref<10240xf32, #tpu.memory_space<vmem_shared>>) offsets(%dma_start3A_272 : memref<128xi32, #tpu.memory_space<vmem>>) semaphore(%arg9 : memref<!tpu.dma_semaphore, #tpu.memory_space<semaphore_mem>>) {add = true}
    %dma_wait3A_275 = arith.constant 0 : i32
    %dma_wait3A_276 = arith.constant 0 : i32
    %dma_wait3A_277 = tpu.memref_slice %arg6[%dma_wait3A_275, %dma_wait3A_276] : memref<8x128xi32, #tpu.memory_space<vmem>> -> memref<1x128xi32, #tpu.memory_space<vmem>>
    %dma_wait3A_278 = tpu.memref_squeeze %dma_wait3A_277 : memref<1x128xi32, #tpu.memory_space<vmem>> -> memref<128xi32, #tpu.memory_space<vmem>>
    %dma_wait3A_279 = arith.constant 0 : i32
    %dma_wait3A_280 = tpu.memref_slice %arg8[%dma_wait3A_279] : memref<10240xf32, #tpu.memory_space<vmem_shared>> -> memref<10240xf32, #tpu.memory_space<vmem_shared>>
    tpu.wait_indirect_dma semaphore(%arg10 : memref<!tpu.dma_semaphore, #tpu.memory_space<semaphore_mem>>) src(%arg7 : memref<128xf32, #tpu.memory_space<vmem>>) dst(%dma_wait3A_280 : memref<10240xf32, #tpu.memory_space<vmem_shared>>)
    %dma_wait3A_281 = arith.constant 1 : i32
    %dma_wait3A_282 = arith.constant 0 : i32
    %dma_wait3A_283 = tpu.memref_slice %arg6[%dma_wait3A_281, %dma_wait3A_282] : memref<8x128xi32, #tpu.memory_space<vmem>> -> memref<1x128xi32, #tpu.memory_space<vmem>>
    %dma_wait3A_284 = tpu.memref_squeeze %dma_wait3A_283 : memref<1x128xi32, #tpu.memory_space<vmem>> -> memref<128xi32, #tpu.memory_space<vmem>>
    %dma_wait3A_285 = arith.constant 0 : i32
    %dma_wait3A_286 = tpu.memref_slice %arg8[%dma_wait3A_285] : memref<10240xf32, #tpu.memory_space<vmem_shared>> -> memref<10240xf32, #tpu.memory_space<vmem_shared>>
    tpu.wait_indirect_dma semaphore(%arg10 : memref<!tpu.dma_semaphore, #tpu.memory_space<semaphore_mem>>) src(%arg7 : memref<128xf32, #tpu.memory_space<vmem>>) dst(%dma_wait3A_286 : memref<10240xf32, #tpu.memory_space<vmem_shared>>)
    %dma_wait3A_287 = arith.constant 2 : i32
    %dma_wait3A_288 = arith.constant 0 : i32
    %dma_wait3A_289 = tpu.memref_slice %arg6[%dma_wait3A_287, %dma_wait3A_288] : memref<8x128xi32, #tpu.memory_space<vmem>> -> memref<1x128xi32, #tpu.memory_space<vmem>>
    %dma_wait3A_290 = tpu.memref_squeeze %dma_wait3A_289 : memref<1x128xi32, #tpu.memory_space<vmem>> -> memref<128xi32, #tpu.memory_space<vmem>>
    %dma_wait3A_291 = arith.constant 0 : i32
    %dma_wait3A_292 = tpu.memref_slice %arg8[%dma_wait3A_291] : memref<10240xf32, #tpu.memory_space<vmem_shared>> -> memref<10240xf32, #tpu.memory_space<vmem_shared>>
    tpu.wait_indirect_dma semaphore(%arg10 : memref<!tpu.dma_semaphore, #tpu.memory_space<semaphore_mem>>) src(%arg7 : memref<128xf32, #tpu.memory_space<vmem>>) dst(%dma_wait3A_292 : memref<10240xf32, #tpu.memory_space<vmem_shared>>)
    %dma_wait3A_293 = arith.constant 3 : i32
    %dma_wait3A_294 = arith.constant 0 : i32
    %dma_wait3A_295 = tpu.memref_slice %arg6[%dma_wait3A_293, %dma_wait3A_294] : memref<8x128xi32, #tpu.memory_space<vmem>> -> memref<1x128xi32, #tpu.memory_space<vmem>>
    %dma_wait3A_296 = tpu.memref_squeeze %dma_wait3A_295 : memref<1x128xi32, #tpu.memory_space<vmem>> -> memref<128xi32, #tpu.memory_space<vmem>>
    %dma_wait3A_297 = arith.constant 0 : i32
    %dma_wait3A_298 = tpu.memref_slice %arg8[%dma_wait3A_297] : memref<10240xf32, #tpu.memory_space<vmem_shared>> -> memref<10240xf32, #tpu.memory_space<vmem_shared>>
    tpu.wait_indirect_dma semaphore(%arg10 : memref<!tpu.dma_semaphore, #tpu.memory_space<semaphore_mem>>) src(%arg7 : memref<128xf32, #tpu.memory_space<vmem>>) dst(%dma_wait3A_298 : memref<10240xf32, #tpu.memory_space<vmem_shared>>)
    %dma_wait3A_299 = arith.constant 4 : i32
    %dma_wait3A_300 = arith.constant 0 : i32
    %dma_wait3A_301 = tpu.memref_slice %arg6[%dma_wait3A_299, %dma_wait3A_300] : memref<8x128xi32, #tpu.memory_space<vmem>> -> memref<1x128xi32, #tpu.memory_space<vmem>>
    %dma_wait3A_302 = tpu.memref_squeeze %dma_wait3A_301 : memref<1x128xi32, #tpu.memory_space<vmem>> -> memref<128xi32, #tpu.memory_space<vmem>>
    %dma_wait3A_303 = arith.constant 0 : i32
    %dma_wait3A_304 = tpu.memref_slice %arg8[%dma_wait3A_303] : memref<10240xf32, #tpu.memory_space<vmem_shared>> -> memref<10240xf32, #tpu.memory_space<vmem_shared>>
    tpu.wait_indirect_dma semaphore(%arg10 : memref<!tpu.dma_semaphore, #tpu.memory_space<semaphore_mem>>) src(%arg7 : memref<128xf32, #tpu.memory_space<vmem>>) dst(%dma_wait3A_304 : memref<10240xf32, #tpu.memory_space<vmem_shared>>)
    %dma_wait3A_305 = arith.constant 5 : i32
    %dma_wait3A_306 = arith.constant 0 : i32
    %dma_wait3A_307 = tpu.memref_slice %arg6[%dma_wait3A_305, %dma_wait3A_306] : memref<8x128xi32, #tpu.memory_space<vmem>> -> memref<1x128xi32, #tpu.memory_space<vmem>>
    %dma_wait3A_308 = tpu.memref_squeeze %dma_wait3A_307 : memref<1x128xi32, #tpu.memory_space<vmem>> -> memref<128xi32, #tpu.memory_space<vmem>>
    %dma_wait3A_309 = arith.constant 0 : i32
    %dma_wait3A_310 = tpu.memref_slice %arg8[%dma_wait3A_309] : memref<10240xf32, #tpu.memory_space<vmem_shared>> -> memref<10240xf32, #tpu.memory_space<vmem_shared>>
    tpu.wait_indirect_dma semaphore(%arg10 : memref<!tpu.dma_semaphore, #tpu.memory_space<semaphore_mem>>) src(%arg7 : memref<128xf32, #tpu.memory_space<vmem>>) dst(%dma_wait3A_310 : memref<10240xf32, #tpu.memory_space<vmem_shared>>)
    %dma_wait3A_311 = arith.constant 6 : i32
    %dma_wait3A_312 = arith.constant 0 : i32
    %dma_wait3A_313 = tpu.memref_slice %arg6[%dma_wait3A_311, %dma_wait3A_312] : memref<8x128xi32, #tpu.memory_space<vmem>> -> memref<1x128xi32, #tpu.memory_space<vmem>>
    %dma_wait3A_314 = tpu.memref_squeeze %dma_wait3A_313 : memref<1x128xi32, #tpu.memory_space<vmem>> -> memref<128xi32, #tpu.memory_space<vmem>>
    %dma_wait3A_315 = arith.constant 0 : i32
    %dma_wait3A_316 = tpu.memref_slice %arg8[%dma_wait3A_315] : memref<10240xf32, #tpu.memory_space<vmem_shared>> -> memref<10240xf32, #tpu.memory_space<vmem_shared>>
    tpu.wait_indirect_dma semaphore(%arg10 : memref<!tpu.dma_semaphore, #tpu.memory_space<semaphore_mem>>) src(%arg7 : memref<128xf32, #tpu.memory_space<vmem>>) dst(%dma_wait3A_316 : memref<10240xf32, #tpu.memory_space<vmem_shared>>)
    %dma_wait3A_317 = arith.constant 7 : i32
    %dma_wait3A_318 = arith.constant 0 : i32
    %dma_wait3A_319 = tpu.memref_slice %arg6[%dma_wait3A_317, %dma_wait3A_318] : memref<8x128xi32, #tpu.memory_space<vmem>> -> memref<1x128xi32, #tpu.memory_space<vmem>>
    %dma_wait3A_320 = tpu.memref_squeeze %dma_wait3A_319 : memref<1x128xi32, #tpu.memory_space<vmem>> -> memref<128xi32, #tpu.memory_space<vmem>>
    %dma_wait3A_321 = arith.constant 0 : i32
    %dma_wait3A_322 = tpu.memref_slice %arg8[%dma_wait3A_321] : memref<10240xf32, #tpu.memory_space<vmem_shared>> -> memref<10240xf32, #tpu.memory_space<vmem_shared>>
    tpu.wait_indirect_dma semaphore(%arg10 : memref<!tpu.dma_semaphore, #tpu.memory_space<semaphore_mem>>) src(%arg7 : memref<128xf32, #tpu.memory_space<vmem>>) dst(%dma_wait3A_322 : memref<10240xf32, #tpu.memory_space<vmem_shared>>)
    %dma_start3A_323 = arith.constant 3 : i32
    %dma_start3A_324 = arith.constant 0 : i32
    %dma_start3A_325 = arith.constant 0 : i32
    %dma_start3A_326 = tpu.memref_slice %arg2[%add3A, %dma_start3A_323, %dma_start3A_324, %dma_start3A_325] : memref<32x10x8x128xi32, #tpu.memory_space<hbm>> -> memref<1x1x8x128xi32, #tpu.memory_space<hbm>>
    %dma_start3A_327 = tpu.memref_squeeze %dma_start3A_326 : memref<1x1x8x128xi32, #tpu.memory_space<hbm>> -> memref<8x128xi32, #tpu.memory_space<hbm>>
    %dma_start3A_328 = arith.constant 0 : i32
    %dma_start3A_329 = arith.constant 0 : i32
    %dma_start3A_330 = tpu.memref_slice %arg2[%add3A, %dma_start3A_323, %dma_start3A_328, %dma_start3A_329] : memref<32x10x8x128xi32, #tpu.memory_space<hbm>> -> memref<1x1x8x128xi32, #tpu.memory_space<hbm>>
    %dma_start3A_331 = tpu.memref_squeeze %dma_start3A_330 : memref<1x1x8x128xi32, #tpu.memory_space<hbm>> -> memref<8x128xi32, #tpu.memory_space<hbm>>
    tpu.enqueue_dma source(%dma_start3A_331 : memref<8x128xi32, #tpu.memory_space<hbm>>) target(%arg6 : memref<8x128xi32, #tpu.memory_space<vmem>>) target_semaphore(%arg11 : memref<!tpu.dma_semaphore, #tpu.memory_space<semaphore_mem>>)
    %dma_wait3A_332 = arith.constant 3 : i32
    %dma_wait3A_333 = arith.constant 0 : i32
    %dma_wait3A_334 = arith.constant 0 : i32
    %dma_wait3A_335 = tpu.memref_slice %arg2[%add3A, %dma_wait3A_332, %dma_wait3A_333, %dma_wait3A_334] : memref<32x10x8x128xi32, #tpu.memory_space<hbm>> -> memref<1x1x8x128xi32, #tpu.memory_space<hbm>>
    %dma_wait3A_336 = tpu.memref_squeeze %dma_wait3A_335 : memref<1x1x8x128xi32, #tpu.memory_space<hbm>> -> memref<8x128xi32, #tpu.memory_space<hbm>>
    %dma_wait3A_337 = arith.constant 0 : i32
    %dma_wait3A_338 = arith.constant 0 : i32
    %dma_wait3A_339 = tpu.memref_slice %arg2[%add3A, %dma_wait3A_332, %dma_wait3A_337, %dma_wait3A_338] : memref<32x10x8x128xi32, #tpu.memory_space<hbm>> -> memref<1x1x8x128xi32, #tpu.memory_space<hbm>>
    %dma_wait3A_340 = tpu.memref_squeeze %dma_wait3A_339 : memref<1x1x8x128xi32, #tpu.memory_space<hbm>> -> memref<8x128xi32, #tpu.memory_space<hbm>>
    tpu.wait_dma2 semaphore(%arg11 : memref<!tpu.dma_semaphore, #tpu.memory_space<semaphore_mem>>) src(%dma_wait3A_340 : memref<8x128xi32, #tpu.memory_space<hbm>>) dst(%arg6 : memref<8x128xi32, #tpu.memory_space<vmem>>)
    %dma_start3A_341 = arith.constant 0 : i32
    %dma_start3A_342 = arith.constant 0 : i32
    %dma_start3A_343 = tpu.memref_slice %arg6[%dma_start3A_341, %dma_start3A_342] : memref<8x128xi32, #tpu.memory_space<vmem>> -> memref<1x128xi32, #tpu.memory_space<vmem>>
    %dma_start3A_344 = tpu.memref_squeeze %dma_start3A_343 : memref<1x128xi32, #tpu.memory_space<vmem>> -> memref<128xi32, #tpu.memory_space<vmem>>
    %dma_start3A_345 = arith.constant 0 : i32
    %dma_start3A_346 = tpu.memref_slice %arg8[%dma_start3A_345] : memref<10240xf32, #tpu.memory_space<vmem_shared>> -> memref<10240xf32, #tpu.memory_space<vmem_shared>>
    tpu.enqueue_indirect_dma source(%arg7 : memref<128xf32, #tpu.memory_space<vmem>>) target(%dma_start3A_346 : memref<10240xf32, #tpu.memory_space<vmem_shared>>) offsets(%dma_start3A_344 : memref<128xi32, #tpu.memory_space<vmem>>) semaphore(%arg10 : memref<!tpu.dma_semaphore, #tpu.memory_space<semaphore_mem>>) {add = true}
    %dma_start3A_347 = arith.constant 1 : i32
    %dma_start3A_348 = arith.constant 0 : i32
    %dma_start3A_349 = tpu.memref_slice %arg6[%dma_start3A_347, %dma_start3A_348] : memref<8x128xi32, #tpu.memory_space<vmem>> -> memref<1x128xi32, #tpu.memory_space<vmem>>
    %dma_start3A_350 = tpu.memref_squeeze %dma_start3A_349 : memref<1x128xi32, #tpu.memory_space<vmem>> -> memref<128xi32, #tpu.memory_space<vmem>>
    %dma_start3A_351 = arith.constant 0 : i32
    %dma_start3A_352 = tpu.memref_slice %arg8[%dma_start3A_351] : memref<10240xf32, #tpu.memory_space<vmem_shared>> -> memref<10240xf32, #tpu.memory_space<vmem_shared>>
    tpu.enqueue_indirect_dma source(%arg7 : memref<128xf32, #tpu.memory_space<vmem>>) target(%dma_start3A_352 : memref<10240xf32, #tpu.memory_space<vmem_shared>>) offsets(%dma_start3A_350 : memref<128xi32, #tpu.memory_space<vmem>>) semaphore(%arg10 : memref<!tpu.dma_semaphore, #tpu.memory_space<semaphore_mem>>) {add = true}
    %dma_start3A_353 = arith.constant 2 : i32
    %dma_start3A_354 = arith.constant 0 : i32
    %dma_start3A_355 = tpu.memref_slice %arg6[%dma_start3A_353, %dma_start3A_354] : memref<8x128xi32, #tpu.memory_space<vmem>> -> memref<1x128xi32, #tpu.memory_space<vmem>>
    %dma_start3A_356 = tpu.memref_squeeze %dma_start3A_355 : memref<1x128xi32, #tpu.memory_space<vmem>> -> memref<128xi32, #tpu.memory_space<vmem>>
    %dma_start3A_357 = arith.constant 0 : i32
    %dma_start3A_358 = tpu.memref_slice %arg8[%dma_start3A_357] : memref<10240xf32, #tpu.memory_space<vmem_shared>> -> memref<10240xf32, #tpu.memory_space<vmem_shared>>
    tpu.enqueue_indirect_dma source(%arg7 : memref<128xf32, #tpu.memory_space<vmem>>) target(%dma_start3A_358 : memref<10240xf32, #tpu.memory_space<vmem_shared>>) offsets(%dma_start3A_356 : memref<128xi32, #tpu.memory_space<vmem>>) semaphore(%arg10 : memref<!tpu.dma_semaphore, #tpu.memory_space<semaphore_mem>>) {add = true}
    %dma_start3A_359 = arith.constant 3 : i32
    %dma_start3A_360 = arith.constant 0 : i32
    %dma_start3A_361 = tpu.memref_slice %arg6[%dma_start3A_359, %dma_start3A_360] : memref<8x128xi32, #tpu.memory_space<vmem>> -> memref<1x128xi32, #tpu.memory_space<vmem>>
    %dma_start3A_362 = tpu.memref_squeeze %dma_start3A_361 : memref<1x128xi32, #tpu.memory_space<vmem>> -> memref<128xi32, #tpu.memory_space<vmem>>
    %dma_start3A_363 = arith.constant 0 : i32
    %dma_start3A_364 = tpu.memref_slice %arg8[%dma_start3A_363] : memref<10240xf32, #tpu.memory_space<vmem_shared>> -> memref<10240xf32, #tpu.memory_space<vmem_shared>>
    tpu.enqueue_indirect_dma source(%arg7 : memref<128xf32, #tpu.memory_space<vmem>>) target(%dma_start3A_364 : memref<10240xf32, #tpu.memory_space<vmem_shared>>) offsets(%dma_start3A_362 : memref<128xi32, #tpu.memory_space<vmem>>) semaphore(%arg10 : memref<!tpu.dma_semaphore, #tpu.memory_space<semaphore_mem>>) {add = true}
    %dma_start3A_365 = arith.constant 4 : i32
    %dma_start3A_366 = arith.constant 0 : i32
    %dma_start3A_367 = tpu.memref_slice %arg6[%dma_start3A_365, %dma_start3A_366] : memref<8x128xi32, #tpu.memory_space<vmem>> -> memref<1x128xi32, #tpu.memory_space<vmem>>
    %dma_start3A_368 = tpu.memref_squeeze %dma_start3A_367 : memref<1x128xi32, #tpu.memory_space<vmem>> -> memref<128xi32, #tpu.memory_space<vmem>>
    %dma_start3A_369 = arith.constant 0 : i32
    %dma_start3A_370 = tpu.memref_slice %arg8[%dma_start3A_369] : memref<10240xf32, #tpu.memory_space<vmem_shared>> -> memref<10240xf32, #tpu.memory_space<vmem_shared>>
    tpu.enqueue_indirect_dma source(%arg7 : memref<128xf32, #tpu.memory_space<vmem>>) target(%dma_start3A_370 : memref<10240xf32, #tpu.memory_space<vmem_shared>>) offsets(%dma_start3A_368 : memref<128xi32, #tpu.memory_space<vmem>>) semaphore(%arg10 : memref<!tpu.dma_semaphore, #tpu.memory_space<semaphore_mem>>) {add = true}
    %dma_start3A_371 = arith.constant 5 : i32
    %dma_start3A_372 = arith.constant 0 : i32
    %dma_start3A_373 = tpu.memref_slice %arg6[%dma_start3A_371, %dma_start3A_372] : memref<8x128xi32, #tpu.memory_space<vmem>> -> memref<1x128xi32, #tpu.memory_space<vmem>>
    %dma_start3A_374 = tpu.memref_squeeze %dma_start3A_373 : memref<1x128xi32, #tpu.memory_space<vmem>> -> memref<128xi32, #tpu.memory_space<vmem>>
    %dma_start3A_375 = arith.constant 0 : i32
    %dma_start3A_376 = tpu.memref_slice %arg8[%dma_start3A_375] : memref<10240xf32, #tpu.memory_space<vmem_shared>> -> memref<10240xf32, #tpu.memory_space<vmem_shared>>
    tpu.enqueue_indirect_dma source(%arg7 : memref<128xf32, #tpu.memory_space<vmem>>) target(%dma_start3A_376 : memref<10240xf32, #tpu.memory_space<vmem_shared>>) offsets(%dma_start3A_374 : memref<128xi32, #tpu.memory_space<vmem>>) semaphore(%arg10 : memref<!tpu.dma_semaphore, #tpu.memory_space<semaphore_mem>>) {add = true}
    %dma_start3A_377 = arith.constant 6 : i32
    %dma_start3A_378 = arith.constant 0 : i32
    %dma_start3A_379 = tpu.memref_slice %arg6[%dma_start3A_377, %dma_start3A_378] : memref<8x128xi32, #tpu.memory_space<vmem>> -> memref<1x128xi32, #tpu.memory_space<vmem>>
    %dma_start3A_380 = tpu.memref_squeeze %dma_start3A_379 : memref<1x128xi32, #tpu.memory_space<vmem>> -> memref<128xi32, #tpu.memory_space<vmem>>
    %dma_start3A_381 = arith.constant 0 : i32
    %dma_start3A_382 = tpu.memref_slice %arg8[%dma_start3A_381] : memref<10240xf32, #tpu.memory_space<vmem_shared>> -> memref<10240xf32, #tpu.memory_space<vmem_shared>>
    tpu.enqueue_indirect_dma source(%arg7 : memref<128xf32, #tpu.memory_space<vmem>>) target(%dma_start3A_382 : memref<10240xf32, #tpu.memory_space<vmem_shared>>) offsets(%dma_start3A_380 : memref<128xi32, #tpu.memory_space<vmem>>) semaphore(%arg10 : memref<!tpu.dma_semaphore, #tpu.memory_space<semaphore_mem>>) {add = true}
    %dma_start3A_383 = arith.constant 7 : i32
    %dma_start3A_384 = arith.constant 0 : i32
    %dma_start3A_385 = tpu.memref_slice %arg6[%dma_start3A_383, %dma_start3A_384] : memref<8x128xi32, #tpu.memory_space<vmem>> -> memref<1x128xi32, #tpu.memory_space<vmem>>
    %dma_start3A_386 = tpu.memref_squeeze %dma_start3A_385 : memref<1x128xi32, #tpu.memory_space<vmem>> -> memref<128xi32, #tpu.memory_space<vmem>>
    %dma_start3A_387 = arith.constant 0 : i32
    %dma_start3A_388 = tpu.memref_slice %arg8[%dma_start3A_387] : memref<10240xf32, #tpu.memory_space<vmem_shared>> -> memref<10240xf32, #tpu.memory_space<vmem_shared>>
    tpu.enqueue_indirect_dma source(%arg7 : memref<128xf32, #tpu.memory_space<vmem>>) target(%dma_start3A_388 : memref<10240xf32, #tpu.memory_space<vmem_shared>>) offsets(%dma_start3A_386 : memref<128xi32, #tpu.memory_space<vmem>>) semaphore(%arg10 : memref<!tpu.dma_semaphore, #tpu.memory_space<semaphore_mem>>) {add = true}
    %dma_wait3A_389 = arith.constant 0 : i32
    %dma_wait3A_390 = arith.constant 0 : i32
    %dma_wait3A_391 = tpu.memref_slice %arg5[%dma_wait3A_389, %dma_wait3A_390] : memref<8x128xi32, #tpu.memory_space<vmem>> -> memref<1x128xi32, #tpu.memory_space<vmem>>
    %dma_wait3A_392 = tpu.memref_squeeze %dma_wait3A_391 : memref<1x128xi32, #tpu.memory_space<vmem>> -> memref<128xi32, #tpu.memory_space<vmem>>
    %dma_wait3A_393 = arith.constant 0 : i32
    %dma_wait3A_394 = tpu.memref_slice %arg8[%dma_wait3A_393] : memref<10240xf32, #tpu.memory_space<vmem_shared>> -> memref<10240xf32, #tpu.memory_space<vmem_shared>>
    tpu.wait_indirect_dma semaphore(%arg9 : memref<!tpu.dma_semaphore, #tpu.memory_space<semaphore_mem>>) src(%arg7 : memref<128xf32, #tpu.memory_space<vmem>>) dst(%dma_wait3A_394 : memref<10240xf32, #tpu.memory_space<vmem_shared>>)
    %dma_wait3A_395 = arith.constant 1 : i32
    %dma_wait3A_396 = arith.constant 0 : i32
    %dma_wait3A_397 = tpu.memref_slice %arg5[%dma_wait3A_395, %dma_wait3A_396] : memref<8x128xi32, #tpu.memory_space<vmem>> -> memref<1x128xi32, #tpu.memory_space<vmem>>
    %dma_wait3A_398 = tpu.memref_squeeze %dma_wait3A_397 : memref<1x128xi32, #tpu.memory_space<vmem>> -> memref<128xi32, #tpu.memory_space<vmem>>
    %dma_wait3A_399 = arith.constant 0 : i32
    %dma_wait3A_400 = tpu.memref_slice %arg8[%dma_wait3A_399] : memref<10240xf32, #tpu.memory_space<vmem_shared>> -> memref<10240xf32, #tpu.memory_space<vmem_shared>>
    tpu.wait_indirect_dma semaphore(%arg9 : memref<!tpu.dma_semaphore, #tpu.memory_space<semaphore_mem>>) src(%arg7 : memref<128xf32, #tpu.memory_space<vmem>>) dst(%dma_wait3A_400 : memref<10240xf32, #tpu.memory_space<vmem_shared>>)
    %dma_wait3A_401 = arith.constant 2 : i32
    %dma_wait3A_402 = arith.constant 0 : i32
    %dma_wait3A_403 = tpu.memref_slice %arg5[%dma_wait3A_401, %dma_wait3A_402] : memref<8x128xi32, #tpu.memory_space<vmem>> -> memref<1x128xi32, #tpu.memory_space<vmem>>
    %dma_wait3A_404 = tpu.memref_squeeze %dma_wait3A_403 : memref<1x128xi32, #tpu.memory_space<vmem>> -> memref<128xi32, #tpu.memory_space<vmem>>
    %dma_wait3A_405 = arith.constant 0 : i32
    %dma_wait3A_406 = tpu.memref_slice %arg8[%dma_wait3A_405] : memref<10240xf32, #tpu.memory_space<vmem_shared>> -> memref<10240xf32, #tpu.memory_space<vmem_shared>>
    tpu.wait_indirect_dma semaphore(%arg9 : memref<!tpu.dma_semaphore, #tpu.memory_space<semaphore_mem>>) src(%arg7 : memref<128xf32, #tpu.memory_space<vmem>>) dst(%dma_wait3A_406 : memref<10240xf32, #tpu.memory_space<vmem_shared>>)
    %dma_wait3A_407 = arith.constant 3 : i32
    %dma_wait3A_408 = arith.constant 0 : i32
    %dma_wait3A_409 = tpu.memref_slice %arg5[%dma_wait3A_407, %dma_wait3A_408] : memref<8x128xi32, #tpu.memory_space<vmem>> -> memref<1x128xi32, #tpu.memory_space<vmem>>
    %dma_wait3A_410 = tpu.memref_squeeze %dma_wait3A_409 : memref<1x128xi32, #tpu.memory_space<vmem>> -> memref<128xi32, #tpu.memory_space<vmem>>
    %dma_wait3A_411 = arith.constant 0 : i32
    %dma_wait3A_412 = tpu.memref_slice %arg8[%dma_wait3A_411] : memref<10240xf32, #tpu.memory_space<vmem_shared>> -> memref<10240xf32, #tpu.memory_space<vmem_shared>>
    tpu.wait_indirect_dma semaphore(%arg9 : memref<!tpu.dma_semaphore, #tpu.memory_space<semaphore_mem>>) src(%arg7 : memref<128xf32, #tpu.memory_space<vmem>>) dst(%dma_wait3A_412 : memref<10240xf32, #tpu.memory_space<vmem_shared>>)
    %dma_wait3A_413 = arith.constant 4 : i32
    %dma_wait3A_414 = arith.constant 0 : i32
    %dma_wait3A_415 = tpu.memref_slice %arg5[%dma_wait3A_413, %dma_wait3A_414] : memref<8x128xi32, #tpu.memory_space<vmem>> -> memref<1x128xi32, #tpu.memory_space<vmem>>
    %dma_wait3A_416 = tpu.memref_squeeze %dma_wait3A_415 : memref<1x128xi32, #tpu.memory_space<vmem>> -> memref<128xi32, #tpu.memory_space<vmem>>
    %dma_wait3A_417 = arith.constant 0 : i32
    %dma_wait3A_418 = tpu.memref_slice %arg8[%dma_wait3A_417] : memref<10240xf32, #tpu.memory_space<vmem_shared>> -> memref<10240xf32, #tpu.memory_space<vmem_shared>>
    tpu.wait_indirect_dma semaphore(%arg9 : memref<!tpu.dma_semaphore, #tpu.memory_space<semaphore_mem>>) src(%arg7 : memref<128xf32, #tpu.memory_space<vmem>>) dst(%dma_wait3A_418 : memref<10240xf32, #tpu.memory_space<vmem_shared>>)
    %dma_wait3A_419 = arith.constant 5 : i32
    %dma_wait3A_420 = arith.constant 0 : i32
    %dma_wait3A_421 = tpu.memref_slice %arg5[%dma_wait3A_419, %dma_wait3A_420] : memref<8x128xi32, #tpu.memory_space<vmem>> -> memref<1x128xi32, #tpu.memory_space<vmem>>
    %dma_wait3A_422 = tpu.memref_squeeze %dma_wait3A_421 : memref<1x128xi32, #tpu.memory_space<vmem>> -> memref<128xi32, #tpu.memory_space<vmem>>
    %dma_wait3A_423 = arith.constant 0 : i32
    %dma_wait3A_424 = tpu.memref_slice %arg8[%dma_wait3A_423] : memref<10240xf32, #tpu.memory_space<vmem_shared>> -> memref<10240xf32, #tpu.memory_space<vmem_shared>>
    tpu.wait_indirect_dma semaphore(%arg9 : memref<!tpu.dma_semaphore, #tpu.memory_space<semaphore_mem>>) src(%arg7 : memref<128xf32, #tpu.memory_space<vmem>>) dst(%dma_wait3A_424 : memref<10240xf32, #tpu.memory_space<vmem_shared>>)
    %dma_wait3A_425 = arith.constant 6 : i32
    %dma_wait3A_426 = arith.constant 0 : i32
    %dma_wait3A_427 = tpu.memref_slice %arg5[%dma_wait3A_425, %dma_wait3A_426] : memref<8x128xi32, #tpu.memory_space<vmem>> -> memref<1x128xi32, #tpu.memory_space<vmem>>
    %dma_wait3A_428 = tpu.memref_squeeze %dma_wait3A_427 : memref<1x128xi32, #tpu.memory_space<vmem>> -> memref<128xi32, #tpu.memory_space<vmem>>
    %dma_wait3A_429 = arith.constant 0 : i32
    %dma_wait3A_430 = tpu.memref_slice %arg8[%dma_wait3A_429] : memref<10240xf32, #tpu.memory_space<vmem_shared>> -> memref<10240xf32, #tpu.memory_space<vmem_shared>>
    tpu.wait_indirect_dma semaphore(%arg9 : memref<!tpu.dma_semaphore, #tpu.memory_space<semaphore_mem>>) src(%arg7 : memref<128xf32, #tpu.memory_space<vmem>>) dst(%dma_wait3A_430 : memref<10240xf32, #tpu.memory_space<vmem_shared>>)
    %dma_wait3A_431 = arith.constant 7 : i32
    %dma_wait3A_432 = arith.constant 0 : i32
    %dma_wait3A_433 = tpu.memref_slice %arg5[%dma_wait3A_431, %dma_wait3A_432] : memref<8x128xi32, #tpu.memory_space<vmem>> -> memref<1x128xi32, #tpu.memory_space<vmem>>
    %dma_wait3A_434 = tpu.memref_squeeze %dma_wait3A_433 : memref<1x128xi32, #tpu.memory_space<vmem>> -> memref<128xi32, #tpu.memory_space<vmem>>
    %dma_wait3A_435 = arith.constant 0 : i32
    %dma_wait3A_436 = tpu.memref_slice %arg8[%dma_wait3A_435] : memref<10240xf32, #tpu.memory_space<vmem_shared>> -> memref<10240xf32, #tpu.memory_space<vmem_shared>>
    tpu.wait_indirect_dma semaphore(%arg9 : memref<!tpu.dma_semaphore, #tpu.memory_space<semaphore_mem>>) src(%arg7 : memref<128xf32, #tpu.memory_space<vmem>>) dst(%dma_wait3A_436 : memref<10240xf32, #tpu.memory_space<vmem_shared>>)
    %dma_start3A_437 = arith.constant 4 : i32
    %dma_start3A_438 = arith.constant 0 : i32
    %dma_start3A_439 = arith.constant 0 : i32
    %dma_start3A_440 = tpu.memref_slice %arg2[%add3A, %dma_start3A_437, %dma_start3A_438, %dma_start3A_439] : memref<32x10x8x128xi32, #tpu.memory_space<hbm>> -> memref<1x1x8x128xi32, #tpu.memory_space<hbm>>
    %dma_start3A_441 = tpu.memref_squeeze %dma_start3A_440 : memref<1x1x8x128xi32, #tpu.memory_space<hbm>> -> memref<8x128xi32, #tpu.memory_space<hbm>>
    %dma_start3A_442 = arith.constant 0 : i32
    %dma_start3A_443 = arith.constant 0 : i32
    %dma_start3A_444 = tpu.memref_slice %arg2[%add3A, %dma_start3A_437, %dma_start3A_442, %dma_start3A_443] : memref<32x10x8x128xi32, #tpu.memory_space<hbm>> -> memref<1x1x8x128xi32, #tpu.memory_space<hbm>>
    %dma_start3A_445 = tpu.memref_squeeze %dma_start3A_444 : memref<1x1x8x128xi32, #tpu.memory_space<hbm>> -> memref<8x128xi32, #tpu.memory_space<hbm>>
    tpu.enqueue_dma source(%dma_start3A_445 : memref<8x128xi32, #tpu.memory_space<hbm>>) target(%arg5 : memref<8x128xi32, #tpu.memory_space<vmem>>) target_semaphore(%arg11 : memref<!tpu.dma_semaphore, #tpu.memory_space<semaphore_mem>>)
    %dma_wait3A_446 = arith.constant 4 : i32
    %dma_wait3A_447 = arith.constant 0 : i32
    %dma_wait3A_448 = arith.constant 0 : i32
    %dma_wait3A_449 = tpu.memref_slice %arg2[%add3A, %dma_wait3A_446, %dma_wait3A_447, %dma_wait3A_448] : memref<32x10x8x128xi32, #tpu.memory_space<hbm>> -> memref<1x1x8x128xi32, #tpu.memory_space<hbm>>
    %dma_wait3A_450 = tpu.memref_squeeze %dma_wait3A_449 : memref<1x1x8x128xi32, #tpu.memory_space<hbm>> -> memref<8x128xi32, #tpu.memory_space<hbm>>
    %dma_wait3A_451 = arith.constant 0 : i32
    %dma_wait3A_452 = arith.constant 0 : i32
    %dma_wait3A_453 = tpu.memref_slice %arg2[%add3A, %dma_wait3A_446, %dma_wait3A_451, %dma_wait3A_452] : memref<32x10x8x128xi32, #tpu.memory_space<hbm>> -> memref<1x1x8x128xi32, #tpu.memory_space<hbm>>
    %dma_wait3A_454 = tpu.memref_squeeze %dma_wait3A_453 : memref<1x1x8x128xi32, #tpu.memory_space<hbm>> -> memref<8x128xi32, #tpu.memory_space<hbm>>
    tpu.wait_dma2 semaphore(%arg11 : memref<!tpu.dma_semaphore, #tpu.memory_space<semaphore_mem>>) src(%dma_wait3A_454 : memref<8x128xi32, #tpu.memory_space<hbm>>) dst(%arg5 : memref<8x128xi32, #tpu.memory_space<vmem>>)
    %dma_start3A_455 = arith.constant 0 : i32
    %dma_start3A_456 = arith.constant 0 : i32
    %dma_start3A_457 = tpu.memref_slice %arg5[%dma_start3A_455, %dma_start3A_456] : memref<8x128xi32, #tpu.memory_space<vmem>> -> memref<1x128xi32, #tpu.memory_space<vmem>>
    %dma_start3A_458 = tpu.memref_squeeze %dma_start3A_457 : memref<1x128xi32, #tpu.memory_space<vmem>> -> memref<128xi32, #tpu.memory_space<vmem>>
    %dma_start3A_459 = arith.constant 0 : i32
    %dma_start3A_460 = tpu.memref_slice %arg8[%dma_start3A_459] : memref<10240xf32, #tpu.memory_space<vmem_shared>> -> memref<10240xf32, #tpu.memory_space<vmem_shared>>
    tpu.enqueue_indirect_dma source(%arg7 : memref<128xf32, #tpu.memory_space<vmem>>) target(%dma_start3A_460 : memref<10240xf32, #tpu.memory_space<vmem_shared>>) offsets(%dma_start3A_458 : memref<128xi32, #tpu.memory_space<vmem>>) semaphore(%arg9 : memref<!tpu.dma_semaphore, #tpu.memory_space<semaphore_mem>>) {add = true}
    %dma_start3A_461 = arith.constant 1 : i32
    %dma_start3A_462 = arith.constant 0 : i32
    %dma_start3A_463 = tpu.memref_slice %arg5[%dma_start3A_461, %dma_start3A_462] : memref<8x128xi32, #tpu.memory_space<vmem>> -> memref<1x128xi32, #tpu.memory_space<vmem>>
    %dma_start3A_464 = tpu.memref_squeeze %dma_start3A_463 : memref<1x128xi32, #tpu.memory_space<vmem>> -> memref<128xi32, #tpu.memory_space<vmem>>
    %dma_start3A_465 = arith.constant 0 : i32
    %dma_start3A_466 = tpu.memref_slice %arg8[%dma_start3A_465] : memref<10240xf32, #tpu.memory_space<vmem_shared>> -> memref<10240xf32, #tpu.memory_space<vmem_shared>>
    tpu.enqueue_indirect_dma source(%arg7 : memref<128xf32, #tpu.memory_space<vmem>>) target(%dma_start3A_466 : memref<10240xf32, #tpu.memory_space<vmem_shared>>) offsets(%dma_start3A_464 : memref<128xi32, #tpu.memory_space<vmem>>) semaphore(%arg9 : memref<!tpu.dma_semaphore, #tpu.memory_space<semaphore_mem>>) {add = true}
    %dma_start3A_467 = arith.constant 2 : i32
    %dma_start3A_468 = arith.constant 0 : i32
    %dma_start3A_469 = tpu.memref_slice %arg5[%dma_start3A_467, %dma_start3A_468] : memref<8x128xi32, #tpu.memory_space<vmem>> -> memref<1x128xi32, #tpu.memory_space<vmem>>
    %dma_start3A_470 = tpu.memref_squeeze %dma_start3A_469 : memref<1x128xi32, #tpu.memory_space<vmem>> -> memref<128xi32, #tpu.memory_space<vmem>>
    %dma_start3A_471 = arith.constant 0 : i32
    %dma_start3A_472 = tpu.memref_slice %arg8[%dma_start3A_471] : memref<10240xf32, #tpu.memory_space<vmem_shared>> -> memref<10240xf32, #tpu.memory_space<vmem_shared>>
    tpu.enqueue_indirect_dma source(%arg7 : memref<128xf32, #tpu.memory_space<vmem>>) target(%dma_start3A_472 : memref<10240xf32, #tpu.memory_space<vmem_shared>>) offsets(%dma_start3A_470 : memref<128xi32, #tpu.memory_space<vmem>>) semaphore(%arg9 : memref<!tpu.dma_semaphore, #tpu.memory_space<semaphore_mem>>) {add = true}
    %dma_start3A_473 = arith.constant 3 : i32
    %dma_start3A_474 = arith.constant 0 : i32
    %dma_start3A_475 = tpu.memref_slice %arg5[%dma_start3A_473, %dma_start3A_474] : memref<8x128xi32, #tpu.memory_space<vmem>> -> memref<1x128xi32, #tpu.memory_space<vmem>>
    %dma_start3A_476 = tpu.memref_squeeze %dma_start3A_475 : memref<1x128xi32, #tpu.memory_space<vmem>> -> memref<128xi32, #tpu.memory_space<vmem>>
    %dma_start3A_477 = arith.constant 0 : i32
    %dma_start3A_478 = tpu.memref_slice %arg8[%dma_start3A_477] : memref<10240xf32, #tpu.memory_space<vmem_shared>> -> memref<10240xf32, #tpu.memory_space<vmem_shared>>
    tpu.enqueue_indirect_dma source(%arg7 : memref<128xf32, #tpu.memory_space<vmem>>) target(%dma_start3A_478 : memref<10240xf32, #tpu.memory_space<vmem_shared>>) offsets(%dma_start3A_476 : memref<128xi32, #tpu.memory_space<vmem>>) semaphore(%arg9 : memref<!tpu.dma_semaphore, #tpu.memory_space<semaphore_mem>>) {add = true}
    %dma_start3A_479 = arith.constant 4 : i32
    %dma_start3A_480 = arith.constant 0 : i32
    %dma_start3A_481 = tpu.memref_slice %arg5[%dma_start3A_479, %dma_start3A_480] : memref<8x128xi32, #tpu.memory_space<vmem>> -> memref<1x128xi32, #tpu.memory_space<vmem>>
    %dma_start3A_482 = tpu.memref_squeeze %dma_start3A_481 : memref<1x128xi32, #tpu.memory_space<vmem>> -> memref<128xi32, #tpu.memory_space<vmem>>
    %dma_start3A_483 = arith.constant 0 : i32
    %dma_start3A_484 = tpu.memref_slice %arg8[%dma_start3A_483] : memref<10240xf32, #tpu.memory_space<vmem_shared>> -> memref<10240xf32, #tpu.memory_space<vmem_shared>>
    tpu.enqueue_indirect_dma source(%arg7 : memref<128xf32, #tpu.memory_space<vmem>>) target(%dma_start3A_484 : memref<10240xf32, #tpu.memory_space<vmem_shared>>) offsets(%dma_start3A_482 : memref<128xi32, #tpu.memory_space<vmem>>) semaphore(%arg9 : memref<!tpu.dma_semaphore, #tpu.memory_space<semaphore_mem>>) {add = true}
    %dma_start3A_485 = arith.constant 5 : i32
    %dma_start3A_486 = arith.constant 0 : i32
    %dma_start3A_487 = tpu.memref_slice %arg5[%dma_start3A_485, %dma_start3A_486] : memref<8x128xi32, #tpu.memory_space<vmem>> -> memref<1x128xi32, #tpu.memory_space<vmem>>
    %dma_start3A_488 = tpu.memref_squeeze %dma_start3A_487 : memref<1x128xi32, #tpu.memory_space<vmem>> -> memref<128xi32, #tpu.memory_space<vmem>>
    %dma_start3A_489 = arith.constant 0 : i32
    %dma_start3A_490 = tpu.memref_slice %arg8[%dma_start3A_489] : memref<10240xf32, #tpu.memory_space<vmem_shared>> -> memref<10240xf32, #tpu.memory_space<vmem_shared>>
    tpu.enqueue_indirect_dma source(%arg7 : memref<128xf32, #tpu.memory_space<vmem>>) target(%dma_start3A_490 : memref<10240xf32, #tpu.memory_space<vmem_shared>>) offsets(%dma_start3A_488 : memref<128xi32, #tpu.memory_space<vmem>>) semaphore(%arg9 : memref<!tpu.dma_semaphore, #tpu.memory_space<semaphore_mem>>) {add = true}
    %dma_start3A_491 = arith.constant 6 : i32
    %dma_start3A_492 = arith.constant 0 : i32
    %dma_start3A_493 = tpu.memref_slice %arg5[%dma_start3A_491, %dma_start3A_492] : memref<8x128xi32, #tpu.memory_space<vmem>> -> memref<1x128xi32, #tpu.memory_space<vmem>>
    %dma_start3A_494 = tpu.memref_squeeze %dma_start3A_493 : memref<1x128xi32, #tpu.memory_space<vmem>> -> memref<128xi32, #tpu.memory_space<vmem>>
    %dma_start3A_495 = arith.constant 0 : i32
    %dma_start3A_496 = tpu.memref_slice %arg8[%dma_start3A_495] : memref<10240xf32, #tpu.memory_space<vmem_shared>> -> memref<10240xf32, #tpu.memory_space<vmem_shared>>
    tpu.enqueue_indirect_dma source(%arg7 : memref<128xf32, #tpu.memory_space<vmem>>) target(%dma_start3A_496 : memref<10240xf32, #tpu.memory_space<vmem_shared>>) offsets(%dma_start3A_494 : memref<128xi32, #tpu.memory_space<vmem>>) semaphore(%arg9 : memref<!tpu.dma_semaphore, #tpu.memory_space<semaphore_mem>>) {add = true}
    %dma_start3A_497 = arith.constant 7 : i32
    %dma_start3A_498 = arith.constant 0 : i32
    %dma_start3A_499 = tpu.memref_slice %arg5[%dma_start3A_497, %dma_start3A_498] : memref<8x128xi32, #tpu.memory_space<vmem>> -> memref<1x128xi32, #tpu.memory_space<vmem>>
    %dma_start3A_500 = tpu.memref_squeeze %dma_start3A_499 : memref<1x128xi32, #tpu.memory_space<vmem>> -> memref<128xi32, #tpu.memory_space<vmem>>
    %dma_start3A_501 = arith.constant 0 : i32
    %dma_start3A_502 = tpu.memref_slice %arg8[%dma_start3A_501] : memref<10240xf32, #tpu.memory_space<vmem_shared>> -> memref<10240xf32, #tpu.memory_space<vmem_shared>>
    tpu.enqueue_indirect_dma source(%arg7 : memref<128xf32, #tpu.memory_space<vmem>>) target(%dma_start3A_502 : memref<10240xf32, #tpu.memory_space<vmem_shared>>) offsets(%dma_start3A_500 : memref<128xi32, #tpu.memory_space<vmem>>) semaphore(%arg9 : memref<!tpu.dma_semaphore, #tpu.memory_space<semaphore_mem>>) {add = true}
    %dma_wait3A_503 = arith.constant 0 : i32
    %dma_wait3A_504 = arith.constant 0 : i32
    %dma_wait3A_505 = tpu.memref_slice %arg6[%dma_wait3A_503, %dma_wait3A_504] : memref<8x128xi32, #tpu.memory_space<vmem>> -> memref<1x128xi32, #tpu.memory_space<vmem>>
    %dma_wait3A_506 = tpu.memref_squeeze %dma_wait3A_505 : memref<1x128xi32, #tpu.memory_space<vmem>> -> memref<128xi32, #tpu.memory_space<vmem>>
    %dma_wait3A_507 = arith.constant 0 : i32
    %dma_wait3A_508 = tpu.memref_slice %arg8[%dma_wait3A_507] : memref<10240xf32, #tpu.memory_space<vmem_shared>> -> memref<10240xf32, #tpu.memory_space<vmem_shared>>
    tpu.wait_indirect_dma semaphore(%arg10 : memref<!tpu.dma_semaphore, #tpu.memory_space<semaphore_mem>>) src(%arg7 : memref<128xf32, #tpu.memory_space<vmem>>) dst(%dma_wait3A_508 : memref<10240xf32, #tpu.memory_space<vmem_shared>>)
    %dma_wait3A_509 = arith.constant 1 : i32
    %dma_wait3A_510 = arith.constant 0 : i32
    %dma_wait3A_511 = tpu.memref_slice %arg6[%dma_wait3A_509, %dma_wait3A_510] : memref<8x128xi32, #tpu.memory_space<vmem>> -> memref<1x128xi32, #tpu.memory_space<vmem>>
    %dma_wait3A_512 = tpu.memref_squeeze %dma_wait3A_511 : memref<1x128xi32, #tpu.memory_space<vmem>> -> memref<128xi32, #tpu.memory_space<vmem>>
    %dma_wait3A_513 = arith.constant 0 : i32
    %dma_wait3A_514 = tpu.memref_slice %arg8[%dma_wait3A_513] : memref<10240xf32, #tpu.memory_space<vmem_shared>> -> memref<10240xf32, #tpu.memory_space<vmem_shared>>
    tpu.wait_indirect_dma semaphore(%arg10 : memref<!tpu.dma_semaphore, #tpu.memory_space<semaphore_mem>>) src(%arg7 : memref<128xf32, #tpu.memory_space<vmem>>) dst(%dma_wait3A_514 : memref<10240xf32, #tpu.memory_space<vmem_shared>>)
    %dma_wait3A_515 = arith.constant 2 : i32
    %dma_wait3A_516 = arith.constant 0 : i32
    %dma_wait3A_517 = tpu.memref_slice %arg6[%dma_wait3A_515, %dma_wait3A_516] : memref<8x128xi32, #tpu.memory_space<vmem>> -> memref<1x128xi32, #tpu.memory_space<vmem>>
    %dma_wait3A_518 = tpu.memref_squeeze %dma_wait3A_517 : memref<1x128xi32, #tpu.memory_space<vmem>> -> memref<128xi32, #tpu.memory_space<vmem>>
    %dma_wait3A_519 = arith.constant 0 : i32
    %dma_wait3A_520 = tpu.memref_slice %arg8[%dma_wait3A_519] : memref<10240xf32, #tpu.memory_space<vmem_shared>> -> memref<10240xf32, #tpu.memory_space<vmem_shared>>
    tpu.wait_indirect_dma semaphore(%arg10 : memref<!tpu.dma_semaphore, #tpu.memory_space<semaphore_mem>>) src(%arg7 : memref<128xf32, #tpu.memory_space<vmem>>) dst(%dma_wait3A_520 : memref<10240xf32, #tpu.memory_space<vmem_shared>>)
    %dma_wait3A_521 = arith.constant 3 : i32
    %dma_wait3A_522 = arith.constant 0 : i32
    %dma_wait3A_523 = tpu.memref_slice %arg6[%dma_wait3A_521, %dma_wait3A_522] : memref<8x128xi32, #tpu.memory_space<vmem>> -> memref<1x128xi32, #tpu.memory_space<vmem>>
    %dma_wait3A_524 = tpu.memref_squeeze %dma_wait3A_523 : memref<1x128xi32, #tpu.memory_space<vmem>> -> memref<128xi32, #tpu.memory_space<vmem>>
    %dma_wait3A_525 = arith.constant 0 : i32
    %dma_wait3A_526 = tpu.memref_slice %arg8[%dma_wait3A_525] : memref<10240xf32, #tpu.memory_space<vmem_shared>> -> memref<10240xf32, #tpu.memory_space<vmem_shared>>
    tpu.wait_indirect_dma semaphore(%arg10 : memref<!tpu.dma_semaphore, #tpu.memory_space<semaphore_mem>>) src(%arg7 : memref<128xf32, #tpu.memory_space<vmem>>) dst(%dma_wait3A_526 : memref<10240xf32, #tpu.memory_space<vmem_shared>>)
    %dma_wait3A_527 = arith.constant 4 : i32
    %dma_wait3A_528 = arith.constant 0 : i32
    %dma_wait3A_529 = tpu.memref_slice %arg6[%dma_wait3A_527, %dma_wait3A_528] : memref<8x128xi32, #tpu.memory_space<vmem>> -> memref<1x128xi32, #tpu.memory_space<vmem>>
    %dma_wait3A_530 = tpu.memref_squeeze %dma_wait3A_529 : memref<1x128xi32, #tpu.memory_space<vmem>> -> memref<128xi32, #tpu.memory_space<vmem>>
    %dma_wait3A_531 = arith.constant 0 : i32
    %dma_wait3A_532 = tpu.memref_slice %arg8[%dma_wait3A_531] : memref<10240xf32, #tpu.memory_space<vmem_shared>> -> memref<10240xf32, #tpu.memory_space<vmem_shared>>
    tpu.wait_indirect_dma semaphore(%arg10 : memref<!tpu.dma_semaphore, #tpu.memory_space<semaphore_mem>>) src(%arg7 : memref<128xf32, #tpu.memory_space<vmem>>) dst(%dma_wait3A_532 : memref<10240xf32, #tpu.memory_space<vmem_shared>>)
    %dma_wait3A_533 = arith.constant 5 : i32
    %dma_wait3A_534 = arith.constant 0 : i32
    %dma_wait3A_535 = tpu.memref_slice %arg6[%dma_wait3A_533, %dma_wait3A_534] : memref<8x128xi32, #tpu.memory_space<vmem>> -> memref<1x128xi32, #tpu.memory_space<vmem>>
    %dma_wait3A_536 = tpu.memref_squeeze %dma_wait3A_535 : memref<1x128xi32, #tpu.memory_space<vmem>> -> memref<128xi32, #tpu.memory_space<vmem>>
    %dma_wait3A_537 = arith.constant 0 : i32
    %dma_wait3A_538 = tpu.memref_slice %arg8[%dma_wait3A_537] : memref<10240xf32, #tpu.memory_space<vmem_shared>> -> memref<10240xf32, #tpu.memory_space<vmem_shared>>
    tpu.wait_indirect_dma semaphore(%arg10 : memref<!tpu.dma_semaphore, #tpu.memory_space<semaphore_mem>>) src(%arg7 : memref<128xf32, #tpu.memory_space<vmem>>) dst(%dma_wait3A_538 : memref<10240xf32, #tpu.memory_space<vmem_shared>>)
    %dma_wait3A_539 = arith.constant 6 : i32
    %dma_wait3A_540 = arith.constant 0 : i32
    %dma_wait3A_541 = tpu.memref_slice %arg6[%dma_wait3A_539, %dma_wait3A_540] : memref<8x128xi32, #tpu.memory_space<vmem>> -> memref<1x128xi32, #tpu.memory_space<vmem>>
    %dma_wait3A_542 = tpu.memref_squeeze %dma_wait3A_541 : memref<1x128xi32, #tpu.memory_space<vmem>> -> memref<128xi32, #tpu.memory_space<vmem>>
    %dma_wait3A_543 = arith.constant 0 : i32
    %dma_wait3A_544 = tpu.memref_slice %arg8[%dma_wait3A_543] : memref<10240xf32, #tpu.memory_space<vmem_shared>> -> memref<10240xf32, #tpu.memory_space<vmem_shared>>
    tpu.wait_indirect_dma semaphore(%arg10 : memref<!tpu.dma_semaphore, #tpu.memory_space<semaphore_mem>>) src(%arg7 : memref<128xf32, #tpu.memory_space<vmem>>) dst(%dma_wait3A_544 : memref<10240xf32, #tpu.memory_space<vmem_shared>>)
    %dma_wait3A_545 = arith.constant 7 : i32
    %dma_wait3A_546 = arith.constant 0 : i32
    %dma_wait3A_547 = tpu.memref_slice %arg6[%dma_wait3A_545, %dma_wait3A_546] : memref<8x128xi32, #tpu.memory_space<vmem>> -> memref<1x128xi32, #tpu.memory_space<vmem>>
    %dma_wait3A_548 = tpu.memref_squeeze %dma_wait3A_547 : memref<1x128xi32, #tpu.memory_space<vmem>> -> memref<128xi32, #tpu.memory_space<vmem>>
    %dma_wait3A_549 = arith.constant 0 : i32
    %dma_wait3A_550 = tpu.memref_slice %arg8[%dma_wait3A_549] : memref<10240xf32, #tpu.memory_space<vmem_shared>> -> memref<10240xf32, #tpu.memory_space<vmem_shared>>
    tpu.wait_indirect_dma semaphore(%arg10 : memref<!tpu.dma_semaphore, #tpu.memory_space<semaphore_mem>>) src(%arg7 : memref<128xf32, #tpu.memory_space<vmem>>) dst(%dma_wait3A_550 : memref<10240xf32, #tpu.memory_space<vmem_shared>>)
    %dma_start3A_551 = arith.constant 5 : i32
    %dma_start3A_552 = arith.constant 0 : i32
    %dma_start3A_553 = arith.constant 0 : i32
    %dma_start3A_554 = tpu.memref_slice %arg2[%add3A, %dma_start3A_551, %dma_start3A_552, %dma_start3A_553] : memref<32x10x8x128xi32, #tpu.memory_space<hbm>> -> memref<1x1x8x128xi32, #tpu.memory_space<hbm>>
    %dma_start3A_555 = tpu.memref_squeeze %dma_start3A_554 : memref<1x1x8x128xi32, #tpu.memory_space<hbm>> -> memref<8x128xi32, #tpu.memory_space<hbm>>
    %dma_start3A_556 = arith.constant 0 : i32
    %dma_start3A_557 = arith.constant 0 : i32
    %dma_start3A_558 = tpu.memref_slice %arg2[%add3A, %dma_start3A_551, %dma_start3A_556, %dma_start3A_557] : memref<32x10x8x128xi32, #tpu.memory_space<hbm>> -> memref<1x1x8x128xi32, #tpu.memory_space<hbm>>
    %dma_start3A_559 = tpu.memref_squeeze %dma_start3A_558 : memref<1x1x8x128xi32, #tpu.memory_space<hbm>> -> memref<8x128xi32, #tpu.memory_space<hbm>>
    tpu.enqueue_dma source(%dma_start3A_559 : memref<8x128xi32, #tpu.memory_space<hbm>>) target(%arg6 : memref<8x128xi32, #tpu.memory_space<vmem>>) target_semaphore(%arg11 : memref<!tpu.dma_semaphore, #tpu.memory_space<semaphore_mem>>)
    %dma_wait3A_560 = arith.constant 5 : i32
    %dma_wait3A_561 = arith.constant 0 : i32
    %dma_wait3A_562 = arith.constant 0 : i32
    %dma_wait3A_563 = tpu.memref_slice %arg2[%add3A, %dma_wait3A_560, %dma_wait3A_561, %dma_wait3A_562] : memref<32x10x8x128xi32, #tpu.memory_space<hbm>> -> memref<1x1x8x128xi32, #tpu.memory_space<hbm>>
    %dma_wait3A_564 = tpu.memref_squeeze %dma_wait3A_563 : memref<1x1x8x128xi32, #tpu.memory_space<hbm>> -> memref<8x128xi32, #tpu.memory_space<hbm>>
    %dma_wait3A_565 = arith.constant 0 : i32
    %dma_wait3A_566 = arith.constant 0 : i32
    %dma_wait3A_567 = tpu.memref_slice %arg2[%add3A, %dma_wait3A_560, %dma_wait3A_565, %dma_wait3A_566] : memref<32x10x8x128xi32, #tpu.memory_space<hbm>> -> memref<1x1x8x128xi32, #tpu.memory_space<hbm>>
    %dma_wait3A_568 = tpu.memref_squeeze %dma_wait3A_567 : memref<1x1x8x128xi32, #tpu.memory_space<hbm>> -> memref<8x128xi32, #tpu.memory_space<hbm>>
    tpu.wait_dma2 semaphore(%arg11 : memref<!tpu.dma_semaphore, #tpu.memory_space<semaphore_mem>>) src(%dma_wait3A_568 : memref<8x128xi32, #tpu.memory_space<hbm>>) dst(%arg6 : memref<8x128xi32, #tpu.memory_space<vmem>>)
    %dma_start3A_569 = arith.constant 0 : i32
    %dma_start3A_570 = arith.constant 0 : i32
    %dma_start3A_571 = tpu.memref_slice %arg6[%dma_start3A_569, %dma_start3A_570] : memref<8x128xi32, #tpu.memory_space<vmem>> -> memref<1x128xi32, #tpu.memory_space<vmem>>
    %dma_start3A_572 = tpu.memref_squeeze %dma_start3A_571 : memref<1x128xi32, #tpu.memory_space<vmem>> -> memref<128xi32, #tpu.memory_space<vmem>>
    %dma_start3A_573 = arith.constant 0 : i32
    %dma_start3A_574 = tpu.memref_slice %arg8[%dma_start3A_573] : memref<10240xf32, #tpu.memory_space<vmem_shared>> -> memref<10240xf32, #tpu.memory_space<vmem_shared>>
    tpu.enqueue_indirect_dma source(%arg7 : memref<128xf32, #tpu.memory_space<vmem>>) target(%dma_start3A_574 : memref<10240xf32, #tpu.memory_space<vmem_shared>>) offsets(%dma_start3A_572 : memref<128xi32, #tpu.memory_space<vmem>>) semaphore(%arg10 : memref<!tpu.dma_semaphore, #tpu.memory_space<semaphore_mem>>) {add = true}
    %dma_start3A_575 = arith.constant 1 : i32
    %dma_start3A_576 = arith.constant 0 : i32
    %dma_start3A_577 = tpu.memref_slice %arg6[%dma_start3A_575, %dma_start3A_576] : memref<8x128xi32, #tpu.memory_space<vmem>> -> memref<1x128xi32, #tpu.memory_space<vmem>>
    %dma_start3A_578 = tpu.memref_squeeze %dma_start3A_577 : memref<1x128xi32, #tpu.memory_space<vmem>> -> memref<128xi32, #tpu.memory_space<vmem>>
    %dma_start3A_579 = arith.constant 0 : i32
    %dma_start3A_580 = tpu.memref_slice %arg8[%dma_start3A_579] : memref<10240xf32, #tpu.memory_space<vmem_shared>> -> memref<10240xf32, #tpu.memory_space<vmem_shared>>
    tpu.enqueue_indirect_dma source(%arg7 : memref<128xf32, #tpu.memory_space<vmem>>) target(%dma_start3A_580 : memref<10240xf32, #tpu.memory_space<vmem_shared>>) offsets(%dma_start3A_578 : memref<128xi32, #tpu.memory_space<vmem>>) semaphore(%arg10 : memref<!tpu.dma_semaphore, #tpu.memory_space<semaphore_mem>>) {add = true}
    %dma_start3A_581 = arith.constant 2 : i32
    %dma_start3A_582 = arith.constant 0 : i32
    %dma_start3A_583 = tpu.memref_slice %arg6[%dma_start3A_581, %dma_start3A_582] : memref<8x128xi32, #tpu.memory_space<vmem>> -> memref<1x128xi32, #tpu.memory_space<vmem>>
    %dma_start3A_584 = tpu.memref_squeeze %dma_start3A_583 : memref<1x128xi32, #tpu.memory_space<vmem>> -> memref<128xi32, #tpu.memory_space<vmem>>
    %dma_start3A_585 = arith.constant 0 : i32
    %dma_start3A_586 = tpu.memref_slice %arg8[%dma_start3A_585] : memref<10240xf32, #tpu.memory_space<vmem_shared>> -> memref<10240xf32, #tpu.memory_space<vmem_shared>>
    tpu.enqueue_indirect_dma source(%arg7 : memref<128xf32, #tpu.memory_space<vmem>>) target(%dma_start3A_586 : memref<10240xf32, #tpu.memory_space<vmem_shared>>) offsets(%dma_start3A_584 : memref<128xi32, #tpu.memory_space<vmem>>) semaphore(%arg10 : memref<!tpu.dma_semaphore, #tpu.memory_space<semaphore_mem>>) {add = true}
    %dma_start3A_587 = arith.constant 3 : i32
    %dma_start3A_588 = arith.constant 0 : i32
    %dma_start3A_589 = tpu.memref_slice %arg6[%dma_start3A_587, %dma_start3A_588] : memref<8x128xi32, #tpu.memory_space<vmem>> -> memref<1x128xi32, #tpu.memory_space<vmem>>
    %dma_start3A_590 = tpu.memref_squeeze %dma_start3A_589 : memref<1x128xi32, #tpu.memory_space<vmem>> -> memref<128xi32, #tpu.memory_space<vmem>>
    %dma_start3A_591 = arith.constant 0 : i32
    %dma_start3A_592 = tpu.memref_slice %arg8[%dma_start3A_591] : memref<10240xf32, #tpu.memory_space<vmem_shared>> -> memref<10240xf32, #tpu.memory_space<vmem_shared>>
    tpu.enqueue_indirect_dma source(%arg7 : memref<128xf32, #tpu.memory_space<vmem>>) target(%dma_start3A_592 : memref<10240xf32, #tpu.memory_space<vmem_shared>>) offsets(%dma_start3A_590 : memref<128xi32, #tpu.memory_space<vmem>>) semaphore(%arg10 : memref<!tpu.dma_semaphore, #tpu.memory_space<semaphore_mem>>) {add = true}
    %dma_start3A_593 = arith.constant 4 : i32
    %dma_start3A_594 = arith.constant 0 : i32
    %dma_start3A_595 = tpu.memref_slice %arg6[%dma_start3A_593, %dma_start3A_594] : memref<8x128xi32, #tpu.memory_space<vmem>> -> memref<1x128xi32, #tpu.memory_space<vmem>>
    %dma_start3A_596 = tpu.memref_squeeze %dma_start3A_595 : memref<1x128xi32, #tpu.memory_space<vmem>> -> memref<128xi32, #tpu.memory_space<vmem>>
    %dma_start3A_597 = arith.constant 0 : i32
    %dma_start3A_598 = tpu.memref_slice %arg8[%dma_start3A_597] : memref<10240xf32, #tpu.memory_space<vmem_shared>> -> memref<10240xf32, #tpu.memory_space<vmem_shared>>
    tpu.enqueue_indirect_dma source(%arg7 : memref<128xf32, #tpu.memory_space<vmem>>) target(%dma_start3A_598 : memref<10240xf32, #tpu.memory_space<vmem_shared>>) offsets(%dma_start3A_596 : memref<128xi32, #tpu.memory_space<vmem>>) semaphore(%arg10 : memref<!tpu.dma_semaphore, #tpu.memory_space<semaphore_mem>>) {add = true}
    %dma_start3A_599 = arith.constant 5 : i32
    %dma_start3A_600 = arith.constant 0 : i32
    %dma_start3A_601 = tpu.memref_slice %arg6[%dma_start3A_599, %dma_start3A_600] : memref<8x128xi32, #tpu.memory_space<vmem>> -> memref<1x128xi32, #tpu.memory_space<vmem>>
    %dma_start3A_602 = tpu.memref_squeeze %dma_start3A_601 : memref<1x128xi32, #tpu.memory_space<vmem>> -> memref<128xi32, #tpu.memory_space<vmem>>
    %dma_start3A_603 = arith.constant 0 : i32
    %dma_start3A_604 = tpu.memref_slice %arg8[%dma_start3A_603] : memref<10240xf32, #tpu.memory_space<vmem_shared>> -> memref<10240xf32, #tpu.memory_space<vmem_shared>>
    tpu.enqueue_indirect_dma source(%arg7 : memref<128xf32, #tpu.memory_space<vmem>>) target(%dma_start3A_604 : memref<10240xf32, #tpu.memory_space<vmem_shared>>) offsets(%dma_start3A_602 : memref<128xi32, #tpu.memory_space<vmem>>) semaphore(%arg10 : memref<!tpu.dma_semaphore, #tpu.memory_space<semaphore_mem>>) {add = true}
    %dma_start3A_605 = arith.constant 6 : i32
    %dma_start3A_606 = arith.constant 0 : i32
    %dma_start3A_607 = tpu.memref_slice %arg6[%dma_start3A_605, %dma_start3A_606] : memref<8x128xi32, #tpu.memory_space<vmem>> -> memref<1x128xi32, #tpu.memory_space<vmem>>
    %dma_start3A_608 = tpu.memref_squeeze %dma_start3A_607 : memref<1x128xi32, #tpu.memory_space<vmem>> -> memref<128xi32, #tpu.memory_space<vmem>>
    %dma_start3A_609 = arith.constant 0 : i32
    %dma_start3A_610 = tpu.memref_slice %arg8[%dma_start3A_609] : memref<10240xf32, #tpu.memory_space<vmem_shared>> -> memref<10240xf32, #tpu.memory_space<vmem_shared>>
    tpu.enqueue_indirect_dma source(%arg7 : memref<128xf32, #tpu.memory_space<vmem>>) target(%dma_start3A_610 : memref<10240xf32, #tpu.memory_space<vmem_shared>>) offsets(%dma_start3A_608 : memref<128xi32, #tpu.memory_space<vmem>>) semaphore(%arg10 : memref<!tpu.dma_semaphore, #tpu.memory_space<semaphore_mem>>) {add = true}
    %dma_start3A_611 = arith.constant 7 : i32
    %dma_start3A_612 = arith.constant 0 : i32
    %dma_start3A_613 = tpu.memref_slice %arg6[%dma_start3A_611, %dma_start3A_612] : memref<8x128xi32, #tpu.memory_space<vmem>> -> memref<1x128xi32, #tpu.memory_space<vmem>>
    %dma_start3A_614 = tpu.memref_squeeze %dma_start3A_613 : memref<1x128xi32, #tpu.memory_space<vmem>> -> memref<128xi32, #tpu.memory_space<vmem>>
    %dma_start3A_615 = arith.constant 0 : i32
    %dma_start3A_616 = tpu.memref_slice %arg8[%dma_start3A_615] : memref<10240xf32, #tpu.memory_space<vmem_shared>> -> memref<10240xf32, #tpu.memory_space<vmem_shared>>
    tpu.enqueue_indirect_dma source(%arg7 : memref<128xf32, #tpu.memory_space<vmem>>) target(%dma_start3A_616 : memref<10240xf32, #tpu.memory_space<vmem_shared>>) offsets(%dma_start3A_614 : memref<128xi32, #tpu.memory_space<vmem>>) semaphore(%arg10 : memref<!tpu.dma_semaphore, #tpu.memory_space<semaphore_mem>>) {add = true}
    %dma_wait3A_617 = arith.constant 0 : i32
    %dma_wait3A_618 = arith.constant 0 : i32
    %dma_wait3A_619 = tpu.memref_slice %arg5[%dma_wait3A_617, %dma_wait3A_618] : memref<8x128xi32, #tpu.memory_space<vmem>> -> memref<1x128xi32, #tpu.memory_space<vmem>>
    %dma_wait3A_620 = tpu.memref_squeeze %dma_wait3A_619 : memref<1x128xi32, #tpu.memory_space<vmem>> -> memref<128xi32, #tpu.memory_space<vmem>>
    %dma_wait3A_621 = arith.constant 0 : i32
    %dma_wait3A_622 = tpu.memref_slice %arg8[%dma_wait3A_621] : memref<10240xf32, #tpu.memory_space<vmem_shared>> -> memref<10240xf32, #tpu.memory_space<vmem_shared>>
    tpu.wait_indirect_dma semaphore(%arg9 : memref<!tpu.dma_semaphore, #tpu.memory_space<semaphore_mem>>) src(%arg7 : memref<128xf32, #tpu.memory_space<vmem>>) dst(%dma_wait3A_622 : memref<10240xf32, #tpu.memory_space<vmem_shared>>)
    %dma_wait3A_623 = arith.constant 1 : i32
    %dma_wait3A_624 = arith.constant 0 : i32
    %dma_wait3A_625 = tpu.memref_slice %arg5[%dma_wait3A_623, %dma_wait3A_624] : memref<8x128xi32, #tpu.memory_space<vmem>> -> memref<1x128xi32, #tpu.memory_space<vmem>>
    %dma_wait3A_626 = tpu.memref_squeeze %dma_wait3A_625 : memref<1x128xi32, #tpu.memory_space<vmem>> -> memref<128xi32, #tpu.memory_space<vmem>>
    %dma_wait3A_627 = arith.constant 0 : i32
    %dma_wait3A_628 = tpu.memref_slice %arg8[%dma_wait3A_627] : memref<10240xf32, #tpu.memory_space<vmem_shared>> -> memref<10240xf32, #tpu.memory_space<vmem_shared>>
    tpu.wait_indirect_dma semaphore(%arg9 : memref<!tpu.dma_semaphore, #tpu.memory_space<semaphore_mem>>) src(%arg7 : memref<128xf32, #tpu.memory_space<vmem>>) dst(%dma_wait3A_628 : memref<10240xf32, #tpu.memory_space<vmem_shared>>)
    %dma_wait3A_629 = arith.constant 2 : i32
    %dma_wait3A_630 = arith.constant 0 : i32
    %dma_wait3A_631 = tpu.memref_slice %arg5[%dma_wait3A_629, %dma_wait3A_630] : memref<8x128xi32, #tpu.memory_space<vmem>> -> memref<1x128xi32, #tpu.memory_space<vmem>>
    %dma_wait3A_632 = tpu.memref_squeeze %dma_wait3A_631 : memref<1x128xi32, #tpu.memory_space<vmem>> -> memref<128xi32, #tpu.memory_space<vmem>>
    %dma_wait3A_633 = arith.constant 0 : i32
    %dma_wait3A_634 = tpu.memref_slice %arg8[%dma_wait3A_633] : memref<10240xf32, #tpu.memory_space<vmem_shared>> -> memref<10240xf32, #tpu.memory_space<vmem_shared>>
    tpu.wait_indirect_dma semaphore(%arg9 : memref<!tpu.dma_semaphore, #tpu.memory_space<semaphore_mem>>) src(%arg7 : memref<128xf32, #tpu.memory_space<vmem>>) dst(%dma_wait3A_634 : memref<10240xf32, #tpu.memory_space<vmem_shared>>)
    %dma_wait3A_635 = arith.constant 3 : i32
    %dma_wait3A_636 = arith.constant 0 : i32
    %dma_wait3A_637 = tpu.memref_slice %arg5[%dma_wait3A_635, %dma_wait3A_636] : memref<8x128xi32, #tpu.memory_space<vmem>> -> memref<1x128xi32, #tpu.memory_space<vmem>>
    %dma_wait3A_638 = tpu.memref_squeeze %dma_wait3A_637 : memref<1x128xi32, #tpu.memory_space<vmem>> -> memref<128xi32, #tpu.memory_space<vmem>>
    %dma_wait3A_639 = arith.constant 0 : i32
    %dma_wait3A_640 = tpu.memref_slice %arg8[%dma_wait3A_639] : memref<10240xf32, #tpu.memory_space<vmem_shared>> -> memref<10240xf32, #tpu.memory_space<vmem_shared>>
    tpu.wait_indirect_dma semaphore(%arg9 : memref<!tpu.dma_semaphore, #tpu.memory_space<semaphore_mem>>) src(%arg7 : memref<128xf32, #tpu.memory_space<vmem>>) dst(%dma_wait3A_640 : memref<10240xf32, #tpu.memory_space<vmem_shared>>)
    %dma_wait3A_641 = arith.constant 4 : i32
    %dma_wait3A_642 = arith.constant 0 : i32
    %dma_wait3A_643 = tpu.memref_slice %arg5[%dma_wait3A_641, %dma_wait3A_642] : memref<8x128xi32, #tpu.memory_space<vmem>> -> memref<1x128xi32, #tpu.memory_space<vmem>>
    %dma_wait3A_644 = tpu.memref_squeeze %dma_wait3A_643 : memref<1x128xi32, #tpu.memory_space<vmem>> -> memref<128xi32, #tpu.memory_space<vmem>>
    %dma_wait3A_645 = arith.constant 0 : i32
    %dma_wait3A_646 = tpu.memref_slice %arg8[%dma_wait3A_645] : memref<10240xf32, #tpu.memory_space<vmem_shared>> -> memref<10240xf32, #tpu.memory_space<vmem_shared>>
    tpu.wait_indirect_dma semaphore(%arg9 : memref<!tpu.dma_semaphore, #tpu.memory_space<semaphore_mem>>) src(%arg7 : memref<128xf32, #tpu.memory_space<vmem>>) dst(%dma_wait3A_646 : memref<10240xf32, #tpu.memory_space<vmem_shared>>)
    %dma_wait3A_647 = arith.constant 5 : i32
    %dma_wait3A_648 = arith.constant 0 : i32
    %dma_wait3A_649 = tpu.memref_slice %arg5[%dma_wait3A_647, %dma_wait3A_648] : memref<8x128xi32, #tpu.memory_space<vmem>> -> memref<1x128xi32, #tpu.memory_space<vmem>>
    %dma_wait3A_650 = tpu.memref_squeeze %dma_wait3A_649 : memref<1x128xi32, #tpu.memory_space<vmem>> -> memref<128xi32, #tpu.memory_space<vmem>>
    %dma_wait3A_651 = arith.constant 0 : i32
    %dma_wait3A_652 = tpu.memref_slice %arg8[%dma_wait3A_651] : memref<10240xf32, #tpu.memory_space<vmem_shared>> -> memref<10240xf32, #tpu.memory_space<vmem_shared>>
    tpu.wait_indirect_dma semaphore(%arg9 : memref<!tpu.dma_semaphore, #tpu.memory_space<semaphore_mem>>) src(%arg7 : memref<128xf32, #tpu.memory_space<vmem>>) dst(%dma_wait3A_652 : memref<10240xf32, #tpu.memory_space<vmem_shared>>)
    %dma_wait3A_653 = arith.constant 6 : i32
    %dma_wait3A_654 = arith.constant 0 : i32
    %dma_wait3A_655 = tpu.memref_slice %arg5[%dma_wait3A_653, %dma_wait3A_654] : memref<8x128xi32, #tpu.memory_space<vmem>> -> memref<1x128xi32, #tpu.memory_space<vmem>>
    %dma_wait3A_656 = tpu.memref_squeeze %dma_wait3A_655 : memref<1x128xi32, #tpu.memory_space<vmem>> -> memref<128xi32, #tpu.memory_space<vmem>>
    %dma_wait3A_657 = arith.constant 0 : i32
    %dma_wait3A_658 = tpu.memref_slice %arg8[%dma_wait3A_657] : memref<10240xf32, #tpu.memory_space<vmem_shared>> -> memref<10240xf32, #tpu.memory_space<vmem_shared>>
    tpu.wait_indirect_dma semaphore(%arg9 : memref<!tpu.dma_semaphore, #tpu.memory_space<semaphore_mem>>) src(%arg7 : memref<128xf32, #tpu.memory_space<vmem>>) dst(%dma_wait3A_658 : memref<10240xf32, #tpu.memory_space<vmem_shared>>)
    %dma_wait3A_659 = arith.constant 7 : i32
    %dma_wait3A_660 = arith.constant 0 : i32
    %dma_wait3A_661 = tpu.memref_slice %arg5[%dma_wait3A_659, %dma_wait3A_660] : memref<8x128xi32, #tpu.memory_space<vmem>> -> memref<1x128xi32, #tpu.memory_space<vmem>>
    %dma_wait3A_662 = tpu.memref_squeeze %dma_wait3A_661 : memref<1x128xi32, #tpu.memory_space<vmem>> -> memref<128xi32, #tpu.memory_space<vmem>>
    %dma_wait3A_663 = arith.constant 0 : i32
    %dma_wait3A_664 = tpu.memref_slice %arg8[%dma_wait3A_663] : memref<10240xf32, #tpu.memory_space<vmem_shared>> -> memref<10240xf32, #tpu.memory_space<vmem_shared>>
    tpu.wait_indirect_dma semaphore(%arg9 : memref<!tpu.dma_semaphore, #tpu.memory_space<semaphore_mem>>) src(%arg7 : memref<128xf32, #tpu.memory_space<vmem>>) dst(%dma_wait3A_664 : memref<10240xf32, #tpu.memory_space<vmem_shared>>)
    %dma_start3A_665 = arith.constant 6 : i32
    %dma_start3A_666 = arith.constant 0 : i32
    %dma_start3A_667 = arith.constant 0 : i32
    %dma_start3A_668 = tpu.memref_slice %arg2[%add3A, %dma_start3A_665, %dma_start3A_666, %dma_start3A_667] : memref<32x10x8x128xi32, #tpu.memory_space<hbm>> -> memref<1x1x8x128xi32, #tpu.memory_space<hbm>>
    %dma_start3A_669 = tpu.memref_squeeze %dma_start3A_668 : memref<1x1x8x128xi32, #tpu.memory_space<hbm>> -> memref<8x128xi32, #tpu.memory_space<hbm>>
    %dma_start3A_670 = arith.constant 0 : i32
    %dma_start3A_671 = arith.constant 0 : i32
    %dma_start3A_672 = tpu.memref_slice %arg2[%add3A, %dma_start3A_665, %dma_start3A_670, %dma_start3A_671] : memref<32x10x8x128xi32, #tpu.memory_space<hbm>> -> memref<1x1x8x128xi32, #tpu.memory_space<hbm>>
    %dma_start3A_673 = tpu.memref_squeeze %dma_start3A_672 : memref<1x1x8x128xi32, #tpu.memory_space<hbm>> -> memref<8x128xi32, #tpu.memory_space<hbm>>
    tpu.enqueue_dma source(%dma_start3A_673 : memref<8x128xi32, #tpu.memory_space<hbm>>) target(%arg5 : memref<8x128xi32, #tpu.memory_space<vmem>>) target_semaphore(%arg11 : memref<!tpu.dma_semaphore, #tpu.memory_space<semaphore_mem>>)
    %dma_wait3A_674 = arith.constant 6 : i32
    %dma_wait3A_675 = arith.constant 0 : i32
    %dma_wait3A_676 = arith.constant 0 : i32
    %dma_wait3A_677 = tpu.memref_slice %arg2[%add3A, %dma_wait3A_674, %dma_wait3A_675, %dma_wait3A_676] : memref<32x10x8x128xi32, #tpu.memory_space<hbm>> -> memref<1x1x8x128xi32, #tpu.memory_space<hbm>>
    %dma_wait3A_678 = tpu.memref_squeeze %dma_wait3A_677 : memref<1x1x8x128xi32, #tpu.memory_space<hbm>> -> memref<8x128xi32, #tpu.memory_space<hbm>>
    %dma_wait3A_679 = arith.constant 0 : i32
    %dma_wait3A_680 = arith.constant 0 : i32
    %dma_wait3A_681 = tpu.memref_slice %arg2[%add3A, %dma_wait3A_674, %dma_wait3A_679, %dma_wait3A_680] : memref<32x10x8x128xi32, #tpu.memory_space<hbm>> -> memref<1x1x8x128xi32, #tpu.memory_space<hbm>>
    %dma_wait3A_682 = tpu.memref_squeeze %dma_wait3A_681 : memref<1x1x8x128xi32, #tpu.memory_space<hbm>> -> memref<8x128xi32, #tpu.memory_space<hbm>>
    tpu.wait_dma2 semaphore(%arg11 : memref<!tpu.dma_semaphore, #tpu.memory_space<semaphore_mem>>) src(%dma_wait3A_682 : memref<8x128xi32, #tpu.memory_space<hbm>>) dst(%arg5 : memref<8x128xi32, #tpu.memory_space<vmem>>)
    %dma_start3A_683 = arith.constant 0 : i32
    %dma_start3A_684 = arith.constant 0 : i32
    %dma_start3A_685 = tpu.memref_slice %arg5[%dma_start3A_683, %dma_start3A_684] : memref<8x128xi32, #tpu.memory_space<vmem>> -> memref<1x128xi32, #tpu.memory_space<vmem>>
    %dma_start3A_686 = tpu.memref_squeeze %dma_start3A_685 : memref<1x128xi32, #tpu.memory_space<vmem>> -> memref<128xi32, #tpu.memory_space<vmem>>
    %dma_start3A_687 = arith.constant 0 : i32
    %dma_start3A_688 = tpu.memref_slice %arg8[%dma_start3A_687] : memref<10240xf32, #tpu.memory_space<vmem_shared>> -> memref<10240xf32, #tpu.memory_space<vmem_shared>>
    tpu.enqueue_indirect_dma source(%arg7 : memref<128xf32, #tpu.memory_space<vmem>>) target(%dma_start3A_688 : memref<10240xf32, #tpu.memory_space<vmem_shared>>) offsets(%dma_start3A_686 : memref<128xi32, #tpu.memory_space<vmem>>) semaphore(%arg9 : memref<!tpu.dma_semaphore, #tpu.memory_space<semaphore_mem>>) {add = true}
    %dma_start3A_689 = arith.constant 1 : i32
    %dma_start3A_690 = arith.constant 0 : i32
    %dma_start3A_691 = tpu.memref_slice %arg5[%dma_start3A_689, %dma_start3A_690] : memref<8x128xi32, #tpu.memory_space<vmem>> -> memref<1x128xi32, #tpu.memory_space<vmem>>
    %dma_start3A_692 = tpu.memref_squeeze %dma_start3A_691 : memref<1x128xi32, #tpu.memory_space<vmem>> -> memref<128xi32, #tpu.memory_space<vmem>>
    %dma_start3A_693 = arith.constant 0 : i32
    %dma_start3A_694 = tpu.memref_slice %arg8[%dma_start3A_693] : memref<10240xf32, #tpu.memory_space<vmem_shared>> -> memref<10240xf32, #tpu.memory_space<vmem_shared>>
    tpu.enqueue_indirect_dma source(%arg7 : memref<128xf32, #tpu.memory_space<vmem>>) target(%dma_start3A_694 : memref<10240xf32, #tpu.memory_space<vmem_shared>>) offsets(%dma_start3A_692 : memref<128xi32, #tpu.memory_space<vmem>>) semaphore(%arg9 : memref<!tpu.dma_semaphore, #tpu.memory_space<semaphore_mem>>) {add = true}
    %dma_start3A_695 = arith.constant 2 : i32
    %dma_start3A_696 = arith.constant 0 : i32
    %dma_start3A_697 = tpu.memref_slice %arg5[%dma_start3A_695, %dma_start3A_696] : memref<8x128xi32, #tpu.memory_space<vmem>> -> memref<1x128xi32, #tpu.memory_space<vmem>>
    %dma_start3A_698 = tpu.memref_squeeze %dma_start3A_697 : memref<1x128xi32, #tpu.memory_space<vmem>> -> memref<128xi32, #tpu.memory_space<vmem>>
    %dma_start3A_699 = arith.constant 0 : i32
    %dma_start3A_700 = tpu.memref_slice %arg8[%dma_start3A_699] : memref<10240xf32, #tpu.memory_space<vmem_shared>> -> memref<10240xf32, #tpu.memory_space<vmem_shared>>
    tpu.enqueue_indirect_dma source(%arg7 : memref<128xf32, #tpu.memory_space<vmem>>) target(%dma_start3A_700 : memref<10240xf32, #tpu.memory_space<vmem_shared>>) offsets(%dma_start3A_698 : memref<128xi32, #tpu.memory_space<vmem>>) semaphore(%arg9 : memref<!tpu.dma_semaphore, #tpu.memory_space<semaphore_mem>>) {add = true}
    %dma_start3A_701 = arith.constant 3 : i32
    %dma_start3A_702 = arith.constant 0 : i32
    %dma_start3A_703 = tpu.memref_slice %arg5[%dma_start3A_701, %dma_start3A_702] : memref<8x128xi32, #tpu.memory_space<vmem>> -> memref<1x128xi32, #tpu.memory_space<vmem>>
    %dma_start3A_704 = tpu.memref_squeeze %dma_start3A_703 : memref<1x128xi32, #tpu.memory_space<vmem>> -> memref<128xi32, #tpu.memory_space<vmem>>
    %dma_start3A_705 = arith.constant 0 : i32
    %dma_start3A_706 = tpu.memref_slice %arg8[%dma_start3A_705] : memref<10240xf32, #tpu.memory_space<vmem_shared>> -> memref<10240xf32, #tpu.memory_space<vmem_shared>>
    tpu.enqueue_indirect_dma source(%arg7 : memref<128xf32, #tpu.memory_space<vmem>>) target(%dma_start3A_706 : memref<10240xf32, #tpu.memory_space<vmem_shared>>) offsets(%dma_start3A_704 : memref<128xi32, #tpu.memory_space<vmem>>) semaphore(%arg9 : memref<!tpu.dma_semaphore, #tpu.memory_space<semaphore_mem>>) {add = true}
    %dma_start3A_707 = arith.constant 4 : i32
    %dma_start3A_708 = arith.constant 0 : i32
    %dma_start3A_709 = tpu.memref_slice %arg5[%dma_start3A_707, %dma_start3A_708] : memref<8x128xi32, #tpu.memory_space<vmem>> -> memref<1x128xi32, #tpu.memory_space<vmem>>
    %dma_start3A_710 = tpu.memref_squeeze %dma_start3A_709 : memref<1x128xi32, #tpu.memory_space<vmem>> -> memref<128xi32, #tpu.memory_space<vmem>>
    %dma_start3A_711 = arith.constant 0 : i32
    %dma_start3A_712 = tpu.memref_slice %arg8[%dma_start3A_711] : memref<10240xf32, #tpu.memory_space<vmem_shared>> -> memref<10240xf32, #tpu.memory_space<vmem_shared>>
    tpu.enqueue_indirect_dma source(%arg7 : memref<128xf32, #tpu.memory_space<vmem>>) target(%dma_start3A_712 : memref<10240xf32, #tpu.memory_space<vmem_shared>>) offsets(%dma_start3A_710 : memref<128xi32, #tpu.memory_space<vmem>>) semaphore(%arg9 : memref<!tpu.dma_semaphore, #tpu.memory_space<semaphore_mem>>) {add = true}
    %dma_start3A_713 = arith.constant 5 : i32
    %dma_start3A_714 = arith.constant 0 : i32
    %dma_start3A_715 = tpu.memref_slice %arg5[%dma_start3A_713, %dma_start3A_714] : memref<8x128xi32, #tpu.memory_space<vmem>> -> memref<1x128xi32, #tpu.memory_space<vmem>>
    %dma_start3A_716 = tpu.memref_squeeze %dma_start3A_715 : memref<1x128xi32, #tpu.memory_space<vmem>> -> memref<128xi32, #tpu.memory_space<vmem>>
    %dma_start3A_717 = arith.constant 0 : i32
    %dma_start3A_718 = tpu.memref_slice %arg8[%dma_start3A_717] : memref<10240xf32, #tpu.memory_space<vmem_shared>> -> memref<10240xf32, #tpu.memory_space<vmem_shared>>
    tpu.enqueue_indirect_dma source(%arg7 : memref<128xf32, #tpu.memory_space<vmem>>) target(%dma_start3A_718 : memref<10240xf32, #tpu.memory_space<vmem_shared>>) offsets(%dma_start3A_716 : memref<128xi32, #tpu.memory_space<vmem>>) semaphore(%arg9 : memref<!tpu.dma_semaphore, #tpu.memory_space<semaphore_mem>>) {add = true}
    %dma_start3A_719 = arith.constant 6 : i32
    %dma_start3A_720 = arith.constant 0 : i32
    %dma_start3A_721 = tpu.memref_slice %arg5[%dma_start3A_719, %dma_start3A_720] : memref<8x128xi32, #tpu.memory_space<vmem>> -> memref<1x128xi32, #tpu.memory_space<vmem>>
    %dma_start3A_722 = tpu.memref_squeeze %dma_start3A_721 : memref<1x128xi32, #tpu.memory_space<vmem>> -> memref<128xi32, #tpu.memory_space<vmem>>
    %dma_start3A_723 = arith.constant 0 : i32
    %dma_start3A_724 = tpu.memref_slice %arg8[%dma_start3A_723] : memref<10240xf32, #tpu.memory_space<vmem_shared>> -> memref<10240xf32, #tpu.memory_space<vmem_shared>>
    tpu.enqueue_indirect_dma source(%arg7 : memref<128xf32, #tpu.memory_space<vmem>>) target(%dma_start3A_724 : memref<10240xf32, #tpu.memory_space<vmem_shared>>) offsets(%dma_start3A_722 : memref<128xi32, #tpu.memory_space<vmem>>) semaphore(%arg9 : memref<!tpu.dma_semaphore, #tpu.memory_space<semaphore_mem>>) {add = true}
    %dma_start3A_725 = arith.constant 7 : i32
    %dma_start3A_726 = arith.constant 0 : i32
    %dma_start3A_727 = tpu.memref_slice %arg5[%dma_start3A_725, %dma_start3A_726] : memref<8x128xi32, #tpu.memory_space<vmem>> -> memref<1x128xi32, #tpu.memory_space<vmem>>
    %dma_start3A_728 = tpu.memref_squeeze %dma_start3A_727 : memref<1x128xi32, #tpu.memory_space<vmem>> -> memref<128xi32, #tpu.memory_space<vmem>>
    %dma_start3A_729 = arith.constant 0 : i32
    %dma_start3A_730 = tpu.memref_slice %arg8[%dma_start3A_729] : memref<10240xf32, #tpu.memory_space<vmem_shared>> -> memref<10240xf32, #tpu.memory_space<vmem_shared>>
    tpu.enqueue_indirect_dma source(%arg7 : memref<128xf32, #tpu.memory_space<vmem>>) target(%dma_start3A_730 : memref<10240xf32, #tpu.memory_space<vmem_shared>>) offsets(%dma_start3A_728 : memref<128xi32, #tpu.memory_space<vmem>>) semaphore(%arg9 : memref<!tpu.dma_semaphore, #tpu.memory_space<semaphore_mem>>) {add = true}
    %dma_wait3A_731 = arith.constant 0 : i32
    %dma_wait3A_732 = arith.constant 0 : i32
    %dma_wait3A_733 = tpu.memref_slice %arg6[%dma_wait3A_731, %dma_wait3A_732] : memref<8x128xi32, #tpu.memory_space<vmem>> -> memref<1x128xi32, #tpu.memory_space<vmem>>
    %dma_wait3A_734 = tpu.memref_squeeze %dma_wait3A_733 : memref<1x128xi32, #tpu.memory_space<vmem>> -> memref<128xi32, #tpu.memory_space<vmem>>
    %dma_wait3A_735 = arith.constant 0 : i32
    %dma_wait3A_736 = tpu.memref_slice %arg8[%dma_wait3A_735] : memref<10240xf32, #tpu.memory_space<vmem_shared>> -> memref<10240xf32, #tpu.memory_space<vmem_shared>>
    tpu.wait_indirect_dma semaphore(%arg10 : memref<!tpu.dma_semaphore, #tpu.memory_space<semaphore_mem>>) src(%arg7 : memref<128xf32, #tpu.memory_space<vmem>>) dst(%dma_wait3A_736 : memref<10240xf32, #tpu.memory_space<vmem_shared>>)
    %dma_wait3A_737 = arith.constant 1 : i32
    %dma_wait3A_738 = arith.constant 0 : i32
    %dma_wait3A_739 = tpu.memref_slice %arg6[%dma_wait3A_737, %dma_wait3A_738] : memref<8x128xi32, #tpu.memory_space<vmem>> -> memref<1x128xi32, #tpu.memory_space<vmem>>
    %dma_wait3A_740 = tpu.memref_squeeze %dma_wait3A_739 : memref<1x128xi32, #tpu.memory_space<vmem>> -> memref<128xi32, #tpu.memory_space<vmem>>
    %dma_wait3A_741 = arith.constant 0 : i32
    %dma_wait3A_742 = tpu.memref_slice %arg8[%dma_wait3A_741] : memref<10240xf32, #tpu.memory_space<vmem_shared>> -> memref<10240xf32, #tpu.memory_space<vmem_shared>>
    tpu.wait_indirect_dma semaphore(%arg10 : memref<!tpu.dma_semaphore, #tpu.memory_space<semaphore_mem>>) src(%arg7 : memref<128xf32, #tpu.memory_space<vmem>>) dst(%dma_wait3A_742 : memref<10240xf32, #tpu.memory_space<vmem_shared>>)
    %dma_wait3A_743 = arith.constant 2 : i32
    %dma_wait3A_744 = arith.constant 0 : i32
    %dma_wait3A_745 = tpu.memref_slice %arg6[%dma_wait3A_743, %dma_wait3A_744] : memref<8x128xi32, #tpu.memory_space<vmem>> -> memref<1x128xi32, #tpu.memory_space<vmem>>
    %dma_wait3A_746 = tpu.memref_squeeze %dma_wait3A_745 : memref<1x128xi32, #tpu.memory_space<vmem>> -> memref<128xi32, #tpu.memory_space<vmem>>
    %dma_wait3A_747 = arith.constant 0 : i32
    %dma_wait3A_748 = tpu.memref_slice %arg8[%dma_wait3A_747] : memref<10240xf32, #tpu.memory_space<vmem_shared>> -> memref<10240xf32, #tpu.memory_space<vmem_shared>>
    tpu.wait_indirect_dma semaphore(%arg10 : memref<!tpu.dma_semaphore, #tpu.memory_space<semaphore_mem>>) src(%arg7 : memref<128xf32, #tpu.memory_space<vmem>>) dst(%dma_wait3A_748 : memref<10240xf32, #tpu.memory_space<vmem_shared>>)
    %dma_wait3A_749 = arith.constant 3 : i32
    %dma_wait3A_750 = arith.constant 0 : i32
    %dma_wait3A_751 = tpu.memref_slice %arg6[%dma_wait3A_749, %dma_wait3A_750] : memref<8x128xi32, #tpu.memory_space<vmem>> -> memref<1x128xi32, #tpu.memory_space<vmem>>
    %dma_wait3A_752 = tpu.memref_squeeze %dma_wait3A_751 : memref<1x128xi32, #tpu.memory_space<vmem>> -> memref<128xi32, #tpu.memory_space<vmem>>
    %dma_wait3A_753 = arith.constant 0 : i32
    %dma_wait3A_754 = tpu.memref_slice %arg8[%dma_wait3A_753] : memref<10240xf32, #tpu.memory_space<vmem_shared>> -> memref<10240xf32, #tpu.memory_space<vmem_shared>>
    tpu.wait_indirect_dma semaphore(%arg10 : memref<!tpu.dma_semaphore, #tpu.memory_space<semaphore_mem>>) src(%arg7 : memref<128xf32, #tpu.memory_space<vmem>>) dst(%dma_wait3A_754 : memref<10240xf32, #tpu.memory_space<vmem_shared>>)
    %dma_wait3A_755 = arith.constant 4 : i32
    %dma_wait3A_756 = arith.constant 0 : i32
    %dma_wait3A_757 = tpu.memref_slice %arg6[%dma_wait3A_755, %dma_wait3A_756] : memref<8x128xi32, #tpu.memory_space<vmem>> -> memref<1x128xi32, #tpu.memory_space<vmem>>
    %dma_wait3A_758 = tpu.memref_squeeze %dma_wait3A_757 : memref<1x128xi32, #tpu.memory_space<vmem>> -> memref<128xi32, #tpu.memory_space<vmem>>
    %dma_wait3A_759 = arith.constant 0 : i32
    %dma_wait3A_760 = tpu.memref_slice %arg8[%dma_wait3A_759] : memref<10240xf32, #tpu.memory_space<vmem_shared>> -> memref<10240xf32, #tpu.memory_space<vmem_shared>>
    tpu.wait_indirect_dma semaphore(%arg10 : memref<!tpu.dma_semaphore, #tpu.memory_space<semaphore_mem>>) src(%arg7 : memref<128xf32, #tpu.memory_space<vmem>>) dst(%dma_wait3A_760 : memref<10240xf32, #tpu.memory_space<vmem_shared>>)
    %dma_wait3A_761 = arith.constant 5 : i32
    %dma_wait3A_762 = arith.constant 0 : i32
    %dma_wait3A_763 = tpu.memref_slice %arg6[%dma_wait3A_761, %dma_wait3A_762] : memref<8x128xi32, #tpu.memory_space<vmem>> -> memref<1x128xi32, #tpu.memory_space<vmem>>
    %dma_wait3A_764 = tpu.memref_squeeze %dma_wait3A_763 : memref<1x128xi32, #tpu.memory_space<vmem>> -> memref<128xi32, #tpu.memory_space<vmem>>
    %dma_wait3A_765 = arith.constant 0 : i32
    %dma_wait3A_766 = tpu.memref_slice %arg8[%dma_wait3A_765] : memref<10240xf32, #tpu.memory_space<vmem_shared>> -> memref<10240xf32, #tpu.memory_space<vmem_shared>>
    tpu.wait_indirect_dma semaphore(%arg10 : memref<!tpu.dma_semaphore, #tpu.memory_space<semaphore_mem>>) src(%arg7 : memref<128xf32, #tpu.memory_space<vmem>>) dst(%dma_wait3A_766 : memref<10240xf32, #tpu.memory_space<vmem_shared>>)
    %dma_wait3A_767 = arith.constant 6 : i32
    %dma_wait3A_768 = arith.constant 0 : i32
    %dma_wait3A_769 = tpu.memref_slice %arg6[%dma_wait3A_767, %dma_wait3A_768] : memref<8x128xi32, #tpu.memory_space<vmem>> -> memref<1x128xi32, #tpu.memory_space<vmem>>
    %dma_wait3A_770 = tpu.memref_squeeze %dma_wait3A_769 : memref<1x128xi32, #tpu.memory_space<vmem>> -> memref<128xi32, #tpu.memory_space<vmem>>
    %dma_wait3A_771 = arith.constant 0 : i32
    %dma_wait3A_772 = tpu.memref_slice %arg8[%dma_wait3A_771] : memref<10240xf32, #tpu.memory_space<vmem_shared>> -> memref<10240xf32, #tpu.memory_space<vmem_shared>>
    tpu.wait_indirect_dma semaphore(%arg10 : memref<!tpu.dma_semaphore, #tpu.memory_space<semaphore_mem>>) src(%arg7 : memref<128xf32, #tpu.memory_space<vmem>>) dst(%dma_wait3A_772 : memref<10240xf32, #tpu.memory_space<vmem_shared>>)
    %dma_wait3A_773 = arith.constant 7 : i32
    %dma_wait3A_774 = arith.constant 0 : i32
    %dma_wait3A_775 = tpu.memref_slice %arg6[%dma_wait3A_773, %dma_wait3A_774] : memref<8x128xi32, #tpu.memory_space<vmem>> -> memref<1x128xi32, #tpu.memory_space<vmem>>
    %dma_wait3A_776 = tpu.memref_squeeze %dma_wait3A_775 : memref<1x128xi32, #tpu.memory_space<vmem>> -> memref<128xi32, #tpu.memory_space<vmem>>
    %dma_wait3A_777 = arith.constant 0 : i32
    %dma_wait3A_778 = tpu.memref_slice %arg8[%dma_wait3A_777] : memref<10240xf32, #tpu.memory_space<vmem_shared>> -> memref<10240xf32, #tpu.memory_space<vmem_shared>>
    tpu.wait_indirect_dma semaphore(%arg10 : memref<!tpu.dma_semaphore, #tpu.memory_space<semaphore_mem>>) src(%arg7 : memref<128xf32, #tpu.memory_space<vmem>>) dst(%dma_wait3A_778 : memref<10240xf32, #tpu.memory_space<vmem_shared>>)
    %dma_start3A_779 = arith.constant 7 : i32
    %dma_start3A_780 = arith.constant 0 : i32
    %dma_start3A_781 = arith.constant 0 : i32
    %dma_start3A_782 = tpu.memref_slice %arg2[%add3A, %dma_start3A_779, %dma_start3A_780, %dma_start3A_781] : memref<32x10x8x128xi32, #tpu.memory_space<hbm>> -> memref<1x1x8x128xi32, #tpu.memory_space<hbm>>
    %dma_start3A_783 = tpu.memref_squeeze %dma_start3A_782 : memref<1x1x8x128xi32, #tpu.memory_space<hbm>> -> memref<8x128xi32, #tpu.memory_space<hbm>>
    %dma_start3A_784 = arith.constant 0 : i32
    %dma_start3A_785 = arith.constant 0 : i32
    %dma_start3A_786 = tpu.memref_slice %arg2[%add3A, %dma_start3A_779, %dma_start3A_784, %dma_start3A_785] : memref<32x10x8x128xi32, #tpu.memory_space<hbm>> -> memref<1x1x8x128xi32, #tpu.memory_space<hbm>>
    %dma_start3A_787 = tpu.memref_squeeze %dma_start3A_786 : memref<1x1x8x128xi32, #tpu.memory_space<hbm>> -> memref<8x128xi32, #tpu.memory_space<hbm>>
    tpu.enqueue_dma source(%dma_start3A_787 : memref<8x128xi32, #tpu.memory_space<hbm>>) target(%arg6 : memref<8x128xi32, #tpu.memory_space<vmem>>) target_semaphore(%arg11 : memref<!tpu.dma_semaphore, #tpu.memory_space<semaphore_mem>>)
    %dma_wait3A_788 = arith.constant 7 : i32
    %dma_wait3A_789 = arith.constant 0 : i32
    %dma_wait3A_790 = arith.constant 0 : i32
    %dma_wait3A_791 = tpu.memref_slice %arg2[%add3A, %dma_wait3A_788, %dma_wait3A_789, %dma_wait3A_790] : memref<32x10x8x128xi32, #tpu.memory_space<hbm>> -> memref<1x1x8x128xi32, #tpu.memory_space<hbm>>
    %dma_wait3A_792 = tpu.memref_squeeze %dma_wait3A_791 : memref<1x1x8x128xi32, #tpu.memory_space<hbm>> -> memref<8x128xi32, #tpu.memory_space<hbm>>
    %dma_wait3A_793 = arith.constant 0 : i32
    %dma_wait3A_794 = arith.constant 0 : i32
    %dma_wait3A_795 = tpu.memref_slice %arg2[%add3A, %dma_wait3A_788, %dma_wait3A_793, %dma_wait3A_794] : memref<32x10x8x128xi32, #tpu.memory_space<hbm>> -> memref<1x1x8x128xi32, #tpu.memory_space<hbm>>
    %dma_wait3A_796 = tpu.memref_squeeze %dma_wait3A_795 : memref<1x1x8x128xi32, #tpu.memory_space<hbm>> -> memref<8x128xi32, #tpu.memory_space<hbm>>
    tpu.wait_dma2 semaphore(%arg11 : memref<!tpu.dma_semaphore, #tpu.memory_space<semaphore_mem>>) src(%dma_wait3A_796 : memref<8x128xi32, #tpu.memory_space<hbm>>) dst(%arg6 : memref<8x128xi32, #tpu.memory_space<vmem>>)
    %dma_start3A_797 = arith.constant 0 : i32
    %dma_start3A_798 = arith.constant 0 : i32
    %dma_start3A_799 = tpu.memref_slice %arg6[%dma_start3A_797, %dma_start3A_798] : memref<8x128xi32, #tpu.memory_space<vmem>> -> memref<1x128xi32, #tpu.memory_space<vmem>>
    %dma_start3A_800 = tpu.memref_squeeze %dma_start3A_799 : memref<1x128xi32, #tpu.memory_space<vmem>> -> memref<128xi32, #tpu.memory_space<vmem>>
    %dma_start3A_801 = arith.constant 0 : i32
    %dma_start3A_802 = tpu.memref_slice %arg8[%dma_start3A_801] : memref<10240xf32, #tpu.memory_space<vmem_shared>> -> memref<10240xf32, #tpu.memory_space<vmem_shared>>
    tpu.enqueue_indirect_dma source(%arg7 : memref<128xf32, #tpu.memory_space<vmem>>) target(%dma_start3A_802 : memref<10240xf32, #tpu.memory_space<vmem_shared>>) offsets(%dma_start3A_800 : memref<128xi32, #tpu.memory_space<vmem>>) semaphore(%arg10 : memref<!tpu.dma_semaphore, #tpu.memory_space<semaphore_mem>>) {add = true}
    %dma_start3A_803 = arith.constant 1 : i32
    %dma_start3A_804 = arith.constant 0 : i32
    %dma_start3A_805 = tpu.memref_slice %arg6[%dma_start3A_803, %dma_start3A_804] : memref<8x128xi32, #tpu.memory_space<vmem>> -> memref<1x128xi32, #tpu.memory_space<vmem>>
    %dma_start3A_806 = tpu.memref_squeeze %dma_start3A_805 : memref<1x128xi32, #tpu.memory_space<vmem>> -> memref<128xi32, #tpu.memory_space<vmem>>
    %dma_start3A_807 = arith.constant 0 : i32
    %dma_start3A_808 = tpu.memref_slice %arg8[%dma_start3A_807] : memref<10240xf32, #tpu.memory_space<vmem_shared>> -> memref<10240xf32, #tpu.memory_space<vmem_shared>>
    tpu.enqueue_indirect_dma source(%arg7 : memref<128xf32, #tpu.memory_space<vmem>>) target(%dma_start3A_808 : memref<10240xf32, #tpu.memory_space<vmem_shared>>) offsets(%dma_start3A_806 : memref<128xi32, #tpu.memory_space<vmem>>) semaphore(%arg10 : memref<!tpu.dma_semaphore, #tpu.memory_space<semaphore_mem>>) {add = true}
    %dma_start3A_809 = arith.constant 2 : i32
    %dma_start3A_810 = arith.constant 0 : i32
    %dma_start3A_811 = tpu.memref_slice %arg6[%dma_start3A_809, %dma_start3A_810] : memref<8x128xi32, #tpu.memory_space<vmem>> -> memref<1x128xi32, #tpu.memory_space<vmem>>
    %dma_start3A_812 = tpu.memref_squeeze %dma_start3A_811 : memref<1x128xi32, #tpu.memory_space<vmem>> -> memref<128xi32, #tpu.memory_space<vmem>>
    %dma_start3A_813 = arith.constant 0 : i32
    %dma_start3A_814 = tpu.memref_slice %arg8[%dma_start3A_813] : memref<10240xf32, #tpu.memory_space<vmem_shared>> -> memref<10240xf32, #tpu.memory_space<vmem_shared>>
    tpu.enqueue_indirect_dma source(%arg7 : memref<128xf32, #tpu.memory_space<vmem>>) target(%dma_start3A_814 : memref<10240xf32, #tpu.memory_space<vmem_shared>>) offsets(%dma_start3A_812 : memref<128xi32, #tpu.memory_space<vmem>>) semaphore(%arg10 : memref<!tpu.dma_semaphore, #tpu.memory_space<semaphore_mem>>) {add = true}
    %dma_start3A_815 = arith.constant 3 : i32
    %dma_start3A_816 = arith.constant 0 : i32
    %dma_start3A_817 = tpu.memref_slice %arg6[%dma_start3A_815, %dma_start3A_816] : memref<8x128xi32, #tpu.memory_space<vmem>> -> memref<1x128xi32, #tpu.memory_space<vmem>>
    %dma_start3A_818 = tpu.memref_squeeze %dma_start3A_817 : memref<1x128xi32, #tpu.memory_space<vmem>> -> memref<128xi32, #tpu.memory_space<vmem>>
    %dma_start3A_819 = arith.constant 0 : i32
    %dma_start3A_820 = tpu.memref_slice %arg8[%dma_start3A_819] : memref<10240xf32, #tpu.memory_space<vmem_shared>> -> memref<10240xf32, #tpu.memory_space<vmem_shared>>
    tpu.enqueue_indirect_dma source(%arg7 : memref<128xf32, #tpu.memory_space<vmem>>) target(%dma_start3A_820 : memref<10240xf32, #tpu.memory_space<vmem_shared>>) offsets(%dma_start3A_818 : memref<128xi32, #tpu.memory_space<vmem>>) semaphore(%arg10 : memref<!tpu.dma_semaphore, #tpu.memory_space<semaphore_mem>>) {add = true}
    %dma_start3A_821 = arith.constant 4 : i32
    %dma_start3A_822 = arith.constant 0 : i32
    %dma_start3A_823 = tpu.memref_slice %arg6[%dma_start3A_821, %dma_start3A_822] : memref<8x128xi32, #tpu.memory_space<vmem>> -> memref<1x128xi32, #tpu.memory_space<vmem>>
    %dma_start3A_824 = tpu.memref_squeeze %dma_start3A_823 : memref<1x128xi32, #tpu.memory_space<vmem>> -> memref<128xi32, #tpu.memory_space<vmem>>
    %dma_start3A_825 = arith.constant 0 : i32
    %dma_start3A_826 = tpu.memref_slice %arg8[%dma_start3A_825] : memref<10240xf32, #tpu.memory_space<vmem_shared>> -> memref<10240xf32, #tpu.memory_space<vmem_shared>>
    tpu.enqueue_indirect_dma source(%arg7 : memref<128xf32, #tpu.memory_space<vmem>>) target(%dma_start3A_826 : memref<10240xf32, #tpu.memory_space<vmem_shared>>) offsets(%dma_start3A_824 : memref<128xi32, #tpu.memory_space<vmem>>) semaphore(%arg10 : memref<!tpu.dma_semaphore, #tpu.memory_space<semaphore_mem>>) {add = true}
    %dma_start3A_827 = arith.constant 5 : i32
    %dma_start3A_828 = arith.constant 0 : i32
    %dma_start3A_829 = tpu.memref_slice %arg6[%dma_start3A_827, %dma_start3A_828] : memref<8x128xi32, #tpu.memory_space<vmem>> -> memref<1x128xi32, #tpu.memory_space<vmem>>
    %dma_start3A_830 = tpu.memref_squeeze %dma_start3A_829 : memref<1x128xi32, #tpu.memory_space<vmem>> -> memref<128xi32, #tpu.memory_space<vmem>>
    %dma_start3A_831 = arith.constant 0 : i32
    %dma_start3A_832 = tpu.memref_slice %arg8[%dma_start3A_831] : memref<10240xf32, #tpu.memory_space<vmem_shared>> -> memref<10240xf32, #tpu.memory_space<vmem_shared>>
    tpu.enqueue_indirect_dma source(%arg7 : memref<128xf32, #tpu.memory_space<vmem>>) target(%dma_start3A_832 : memref<10240xf32, #tpu.memory_space<vmem_shared>>) offsets(%dma_start3A_830 : memref<128xi32, #tpu.memory_space<vmem>>) semaphore(%arg10 : memref<!tpu.dma_semaphore, #tpu.memory_space<semaphore_mem>>) {add = true}
    %dma_start3A_833 = arith.constant 6 : i32
    %dma_start3A_834 = arith.constant 0 : i32
    %dma_start3A_835 = tpu.memref_slice %arg6[%dma_start3A_833, %dma_start3A_834] : memref<8x128xi32, #tpu.memory_space<vmem>> -> memref<1x128xi32, #tpu.memory_space<vmem>>
    %dma_start3A_836 = tpu.memref_squeeze %dma_start3A_835 : memref<1x128xi32, #tpu.memory_space<vmem>> -> memref<128xi32, #tpu.memory_space<vmem>>
    %dma_start3A_837 = arith.constant 0 : i32
    %dma_start3A_838 = tpu.memref_slice %arg8[%dma_start3A_837] : memref<10240xf32, #tpu.memory_space<vmem_shared>> -> memref<10240xf32, #tpu.memory_space<vmem_shared>>
    tpu.enqueue_indirect_dma source(%arg7 : memref<128xf32, #tpu.memory_space<vmem>>) target(%dma_start3A_838 : memref<10240xf32, #tpu.memory_space<vmem_shared>>) offsets(%dma_start3A_836 : memref<128xi32, #tpu.memory_space<vmem>>) semaphore(%arg10 : memref<!tpu.dma_semaphore, #tpu.memory_space<semaphore_mem>>) {add = true}
    %dma_start3A_839 = arith.constant 7 : i32
    %dma_start3A_840 = arith.constant 0 : i32
    %dma_start3A_841 = tpu.memref_slice %arg6[%dma_start3A_839, %dma_start3A_840] : memref<8x128xi32, #tpu.memory_space<vmem>> -> memref<1x128xi32, #tpu.memory_space<vmem>>
    %dma_start3A_842 = tpu.memref_squeeze %dma_start3A_841 : memref<1x128xi32, #tpu.memory_space<vmem>> -> memref<128xi32, #tpu.memory_space<vmem>>
    %dma_start3A_843 = arith.constant 0 : i32
    %dma_start3A_844 = tpu.memref_slice %arg8[%dma_start3A_843] : memref<10240xf32, #tpu.memory_space<vmem_shared>> -> memref<10240xf32, #tpu.memory_space<vmem_shared>>
    tpu.enqueue_indirect_dma source(%arg7 : memref<128xf32, #tpu.memory_space<vmem>>) target(%dma_start3A_844 : memref<10240xf32, #tpu.memory_space<vmem_shared>>) offsets(%dma_start3A_842 : memref<128xi32, #tpu.memory_space<vmem>>) semaphore(%arg10 : memref<!tpu.dma_semaphore, #tpu.memory_space<semaphore_mem>>) {add = true}
    %dma_wait3A_845 = arith.constant 0 : i32
    %dma_wait3A_846 = arith.constant 0 : i32
    %dma_wait3A_847 = tpu.memref_slice %arg5[%dma_wait3A_845, %dma_wait3A_846] : memref<8x128xi32, #tpu.memory_space<vmem>> -> memref<1x128xi32, #tpu.memory_space<vmem>>
    %dma_wait3A_848 = tpu.memref_squeeze %dma_wait3A_847 : memref<1x128xi32, #tpu.memory_space<vmem>> -> memref<128xi32, #tpu.memory_space<vmem>>
    %dma_wait3A_849 = arith.constant 0 : i32
    %dma_wait3A_850 = tpu.memref_slice %arg8[%dma_wait3A_849] : memref<10240xf32, #tpu.memory_space<vmem_shared>> -> memref<10240xf32, #tpu.memory_space<vmem_shared>>
    tpu.wait_indirect_dma semaphore(%arg9 : memref<!tpu.dma_semaphore, #tpu.memory_space<semaphore_mem>>) src(%arg7 : memref<128xf32, #tpu.memory_space<vmem>>) dst(%dma_wait3A_850 : memref<10240xf32, #tpu.memory_space<vmem_shared>>)
    %dma_wait3A_851 = arith.constant 1 : i32
    %dma_wait3A_852 = arith.constant 0 : i32
    %dma_wait3A_853 = tpu.memref_slice %arg5[%dma_wait3A_851, %dma_wait3A_852] : memref<8x128xi32, #tpu.memory_space<vmem>> -> memref<1x128xi32, #tpu.memory_space<vmem>>
    %dma_wait3A_854 = tpu.memref_squeeze %dma_wait3A_853 : memref<1x128xi32, #tpu.memory_space<vmem>> -> memref<128xi32, #tpu.memory_space<vmem>>
    %dma_wait3A_855 = arith.constant 0 : i32
    %dma_wait3A_856 = tpu.memref_slice %arg8[%dma_wait3A_855] : memref<10240xf32, #tpu.memory_space<vmem_shared>> -> memref<10240xf32, #tpu.memory_space<vmem_shared>>
    tpu.wait_indirect_dma semaphore(%arg9 : memref<!tpu.dma_semaphore, #tpu.memory_space<semaphore_mem>>) src(%arg7 : memref<128xf32, #tpu.memory_space<vmem>>) dst(%dma_wait3A_856 : memref<10240xf32, #tpu.memory_space<vmem_shared>>)
    %dma_wait3A_857 = arith.constant 2 : i32
    %dma_wait3A_858 = arith.constant 0 : i32
    %dma_wait3A_859 = tpu.memref_slice %arg5[%dma_wait3A_857, %dma_wait3A_858] : memref<8x128xi32, #tpu.memory_space<vmem>> -> memref<1x128xi32, #tpu.memory_space<vmem>>
    %dma_wait3A_860 = tpu.memref_squeeze %dma_wait3A_859 : memref<1x128xi32, #tpu.memory_space<vmem>> -> memref<128xi32, #tpu.memory_space<vmem>>
    %dma_wait3A_861 = arith.constant 0 : i32
    %dma_wait3A_862 = tpu.memref_slice %arg8[%dma_wait3A_861] : memref<10240xf32, #tpu.memory_space<vmem_shared>> -> memref<10240xf32, #tpu.memory_space<vmem_shared>>
    tpu.wait_indirect_dma semaphore(%arg9 : memref<!tpu.dma_semaphore, #tpu.memory_space<semaphore_mem>>) src(%arg7 : memref<128xf32, #tpu.memory_space<vmem>>) dst(%dma_wait3A_862 : memref<10240xf32, #tpu.memory_space<vmem_shared>>)
    %dma_wait3A_863 = arith.constant 3 : i32
    %dma_wait3A_864 = arith.constant 0 : i32
    %dma_wait3A_865 = tpu.memref_slice %arg5[%dma_wait3A_863, %dma_wait3A_864] : memref<8x128xi32, #tpu.memory_space<vmem>> -> memref<1x128xi32, #tpu.memory_space<vmem>>
    %dma_wait3A_866 = tpu.memref_squeeze %dma_wait3A_865 : memref<1x128xi32, #tpu.memory_space<vmem>> -> memref<128xi32, #tpu.memory_space<vmem>>
    %dma_wait3A_867 = arith.constant 0 : i32
    %dma_wait3A_868 = tpu.memref_slice %arg8[%dma_wait3A_867] : memref<10240xf32, #tpu.memory_space<vmem_shared>> -> memref<10240xf32, #tpu.memory_space<vmem_shared>>
    tpu.wait_indirect_dma semaphore(%arg9 : memref<!tpu.dma_semaphore, #tpu.memory_space<semaphore_mem>>) src(%arg7 : memref<128xf32, #tpu.memory_space<vmem>>) dst(%dma_wait3A_868 : memref<10240xf32, #tpu.memory_space<vmem_shared>>)
    %dma_wait3A_869 = arith.constant 4 : i32
    %dma_wait3A_870 = arith.constant 0 : i32
    %dma_wait3A_871 = tpu.memref_slice %arg5[%dma_wait3A_869, %dma_wait3A_870] : memref<8x128xi32, #tpu.memory_space<vmem>> -> memref<1x128xi32, #tpu.memory_space<vmem>>
    %dma_wait3A_872 = tpu.memref_squeeze %dma_wait3A_871 : memref<1x128xi32, #tpu.memory_space<vmem>> -> memref<128xi32, #tpu.memory_space<vmem>>
    %dma_wait3A_873 = arith.constant 0 : i32
    %dma_wait3A_874 = tpu.memref_slice %arg8[%dma_wait3A_873] : memref<10240xf32, #tpu.memory_space<vmem_shared>> -> memref<10240xf32, #tpu.memory_space<vmem_shared>>
    tpu.wait_indirect_dma semaphore(%arg9 : memref<!tpu.dma_semaphore, #tpu.memory_space<semaphore_mem>>) src(%arg7 : memref<128xf32, #tpu.memory_space<vmem>>) dst(%dma_wait3A_874 : memref<10240xf32, #tpu.memory_space<vmem_shared>>)
    %dma_wait3A_875 = arith.constant 5 : i32
    %dma_wait3A_876 = arith.constant 0 : i32
    %dma_wait3A_877 = tpu.memref_slice %arg5[%dma_wait3A_875, %dma_wait3A_876] : memref<8x128xi32, #tpu.memory_space<vmem>> -> memref<1x128xi32, #tpu.memory_space<vmem>>
    %dma_wait3A_878 = tpu.memref_squeeze %dma_wait3A_877 : memref<1x128xi32, #tpu.memory_space<vmem>> -> memref<128xi32, #tpu.memory_space<vmem>>
    %dma_wait3A_879 = arith.constant 0 : i32
    %dma_wait3A_880 = tpu.memref_slice %arg8[%dma_wait3A_879] : memref<10240xf32, #tpu.memory_space<vmem_shared>> -> memref<10240xf32, #tpu.memory_space<vmem_shared>>
    tpu.wait_indirect_dma semaphore(%arg9 : memref<!tpu.dma_semaphore, #tpu.memory_space<semaphore_mem>>) src(%arg7 : memref<128xf32, #tpu.memory_space<vmem>>) dst(%dma_wait3A_880 : memref<10240xf32, #tpu.memory_space<vmem_shared>>)
    %dma_wait3A_881 = arith.constant 6 : i32
    %dma_wait3A_882 = arith.constant 0 : i32
    %dma_wait3A_883 = tpu.memref_slice %arg5[%dma_wait3A_881, %dma_wait3A_882] : memref<8x128xi32, #tpu.memory_space<vmem>> -> memref<1x128xi32, #tpu.memory_space<vmem>>
    %dma_wait3A_884 = tpu.memref_squeeze %dma_wait3A_883 : memref<1x128xi32, #tpu.memory_space<vmem>> -> memref<128xi32, #tpu.memory_space<vmem>>
    %dma_wait3A_885 = arith.constant 0 : i32
    %dma_wait3A_886 = tpu.memref_slice %arg8[%dma_wait3A_885] : memref<10240xf32, #tpu.memory_space<vmem_shared>> -> memref<10240xf32, #tpu.memory_space<vmem_shared>>
    tpu.wait_indirect_dma semaphore(%arg9 : memref<!tpu.dma_semaphore, #tpu.memory_space<semaphore_mem>>) src(%arg7 : memref<128xf32, #tpu.memory_space<vmem>>) dst(%dma_wait3A_886 : memref<10240xf32, #tpu.memory_space<vmem_shared>>)
    %dma_wait3A_887 = arith.constant 7 : i32
    %dma_wait3A_888 = arith.constant 0 : i32
    %dma_wait3A_889 = tpu.memref_slice %arg5[%dma_wait3A_887, %dma_wait3A_888] : memref<8x128xi32, #tpu.memory_space<vmem>> -> memref<1x128xi32, #tpu.memory_space<vmem>>
    %dma_wait3A_890 = tpu.memref_squeeze %dma_wait3A_889 : memref<1x128xi32, #tpu.memory_space<vmem>> -> memref<128xi32, #tpu.memory_space<vmem>>
    %dma_wait3A_891 = arith.constant 0 : i32
    %dma_wait3A_892 = tpu.memref_slice %arg8[%dma_wait3A_891] : memref<10240xf32, #tpu.memory_space<vmem_shared>> -> memref<10240xf32, #tpu.memory_space<vmem_shared>>
    tpu.wait_indirect_dma semaphore(%arg9 : memref<!tpu.dma_semaphore, #tpu.memory_space<semaphore_mem>>) src(%arg7 : memref<128xf32, #tpu.memory_space<vmem>>) dst(%dma_wait3A_892 : memref<10240xf32, #tpu.memory_space<vmem_shared>>)
    %dma_start3A_893 = arith.constant 8 : i32
    %dma_start3A_894 = arith.constant 0 : i32
    %dma_start3A_895 = arith.constant 0 : i32
    %dma_start3A_896 = tpu.memref_slice %arg2[%add3A, %dma_start3A_893, %dma_start3A_894, %dma_start3A_895] : memref<32x10x8x128xi32, #tpu.memory_space<hbm>> -> memref<1x1x8x128xi32, #tpu.memory_space<hbm>>
    %dma_start3A_897 = tpu.memref_squeeze %dma_start3A_896 : memref<1x1x8x128xi32, #tpu.memory_space<hbm>> -> memref<8x128xi32, #tpu.memory_space<hbm>>
    %dma_start3A_898 = arith.constant 0 : i32
    %dma_start3A_899 = arith.constant 0 : i32
    %dma_start3A_900 = tpu.memref_slice %arg2[%add3A, %dma_start3A_893, %dma_start3A_898, %dma_start3A_899] : memref<32x10x8x128xi32, #tpu.memory_space<hbm>> -> memref<1x1x8x128xi32, #tpu.memory_space<hbm>>
    %dma_start3A_901 = tpu.memref_squeeze %dma_start3A_900 : memref<1x1x8x128xi32, #tpu.memory_space<hbm>> -> memref<8x128xi32, #tpu.memory_space<hbm>>
    tpu.enqueue_dma source(%dma_start3A_901 : memref<8x128xi32, #tpu.memory_space<hbm>>) target(%arg5 : memref<8x128xi32, #tpu.memory_space<vmem>>) target_semaphore(%arg11 : memref<!tpu.dma_semaphore, #tpu.memory_space<semaphore_mem>>)
    %dma_wait3A_902 = arith.constant 8 : i32
    %dma_wait3A_903 = arith.constant 0 : i32
    %dma_wait3A_904 = arith.constant 0 : i32
    %dma_wait3A_905 = tpu.memref_slice %arg2[%add3A, %dma_wait3A_902, %dma_wait3A_903, %dma_wait3A_904] : memref<32x10x8x128xi32, #tpu.memory_space<hbm>> -> memref<1x1x8x128xi32, #tpu.memory_space<hbm>>
    %dma_wait3A_906 = tpu.memref_squeeze %dma_wait3A_905 : memref<1x1x8x128xi32, #tpu.memory_space<hbm>> -> memref<8x128xi32, #tpu.memory_space<hbm>>
    %dma_wait3A_907 = arith.constant 0 : i32
    %dma_wait3A_908 = arith.constant 0 : i32
    %dma_wait3A_909 = tpu.memref_slice %arg2[%add3A, %dma_wait3A_902, %dma_wait3A_907, %dma_wait3A_908] : memref<32x10x8x128xi32, #tpu.memory_space<hbm>> -> memref<1x1x8x128xi32, #tpu.memory_space<hbm>>
    %dma_wait3A_910 = tpu.memref_squeeze %dma_wait3A_909 : memref<1x1x8x128xi32, #tpu.memory_space<hbm>> -> memref<8x128xi32, #tpu.memory_space<hbm>>
    tpu.wait_dma2 semaphore(%arg11 : memref<!tpu.dma_semaphore, #tpu.memory_space<semaphore_mem>>) src(%dma_wait3A_910 : memref<8x128xi32, #tpu.memory_space<hbm>>) dst(%arg5 : memref<8x128xi32, #tpu.memory_space<vmem>>)
    %dma_start3A_911 = arith.constant 0 : i32
    %dma_start3A_912 = arith.constant 0 : i32
    %dma_start3A_913 = tpu.memref_slice %arg5[%dma_start3A_911, %dma_start3A_912] : memref<8x128xi32, #tpu.memory_space<vmem>> -> memref<1x128xi32, #tpu.memory_space<vmem>>
    %dma_start3A_914 = tpu.memref_squeeze %dma_start3A_913 : memref<1x128xi32, #tpu.memory_space<vmem>> -> memref<128xi32, #tpu.memory_space<vmem>>
    %dma_start3A_915 = arith.constant 0 : i32
    %dma_start3A_916 = tpu.memref_slice %arg8[%dma_start3A_915] : memref<10240xf32, #tpu.memory_space<vmem_shared>> -> memref<10240xf32, #tpu.memory_space<vmem_shared>>
    tpu.enqueue_indirect_dma source(%arg7 : memref<128xf32, #tpu.memory_space<vmem>>) target(%dma_start3A_916 : memref<10240xf32, #tpu.memory_space<vmem_shared>>) offsets(%dma_start3A_914 : memref<128xi32, #tpu.memory_space<vmem>>) semaphore(%arg9 : memref<!tpu.dma_semaphore, #tpu.memory_space<semaphore_mem>>) {add = true}
    %dma_start3A_917 = arith.constant 1 : i32
    %dma_start3A_918 = arith.constant 0 : i32
    %dma_start3A_919 = tpu.memref_slice %arg5[%dma_start3A_917, %dma_start3A_918] : memref<8x128xi32, #tpu.memory_space<vmem>> -> memref<1x128xi32, #tpu.memory_space<vmem>>
    %dma_start3A_920 = tpu.memref_squeeze %dma_start3A_919 : memref<1x128xi32, #tpu.memory_space<vmem>> -> memref<128xi32, #tpu.memory_space<vmem>>
    %dma_start3A_921 = arith.constant 0 : i32
    %dma_start3A_922 = tpu.memref_slice %arg8[%dma_start3A_921] : memref<10240xf32, #tpu.memory_space<vmem_shared>> -> memref<10240xf32, #tpu.memory_space<vmem_shared>>
    tpu.enqueue_indirect_dma source(%arg7 : memref<128xf32, #tpu.memory_space<vmem>>) target(%dma_start3A_922 : memref<10240xf32, #tpu.memory_space<vmem_shared>>) offsets(%dma_start3A_920 : memref<128xi32, #tpu.memory_space<vmem>>) semaphore(%arg9 : memref<!tpu.dma_semaphore, #tpu.memory_space<semaphore_mem>>) {add = true}
    %dma_start3A_923 = arith.constant 2 : i32
    %dma_start3A_924 = arith.constant 0 : i32
    %dma_start3A_925 = tpu.memref_slice %arg5[%dma_start3A_923, %dma_start3A_924] : memref<8x128xi32, #tpu.memory_space<vmem>> -> memref<1x128xi32, #tpu.memory_space<vmem>>
    %dma_start3A_926 = tpu.memref_squeeze %dma_start3A_925 : memref<1x128xi32, #tpu.memory_space<vmem>> -> memref<128xi32, #tpu.memory_space<vmem>>
    %dma_start3A_927 = arith.constant 0 : i32
    %dma_start3A_928 = tpu.memref_slice %arg8[%dma_start3A_927] : memref<10240xf32, #tpu.memory_space<vmem_shared>> -> memref<10240xf32, #tpu.memory_space<vmem_shared>>
    tpu.enqueue_indirect_dma source(%arg7 : memref<128xf32, #tpu.memory_space<vmem>>) target(%dma_start3A_928 : memref<10240xf32, #tpu.memory_space<vmem_shared>>) offsets(%dma_start3A_926 : memref<128xi32, #tpu.memory_space<vmem>>) semaphore(%arg9 : memref<!tpu.dma_semaphore, #tpu.memory_space<semaphore_mem>>) {add = true}
    %dma_start3A_929 = arith.constant 3 : i32
    %dma_start3A_930 = arith.constant 0 : i32
    %dma_start3A_931 = tpu.memref_slice %arg5[%dma_start3A_929, %dma_start3A_930] : memref<8x128xi32, #tpu.memory_space<vmem>> -> memref<1x128xi32, #tpu.memory_space<vmem>>
    %dma_start3A_932 = tpu.memref_squeeze %dma_start3A_931 : memref<1x128xi32, #tpu.memory_space<vmem>> -> memref<128xi32, #tpu.memory_space<vmem>>
    %dma_start3A_933 = arith.constant 0 : i32
    %dma_start3A_934 = tpu.memref_slice %arg8[%dma_start3A_933] : memref<10240xf32, #tpu.memory_space<vmem_shared>> -> memref<10240xf32, #tpu.memory_space<vmem_shared>>
    tpu.enqueue_indirect_dma source(%arg7 : memref<128xf32, #tpu.memory_space<vmem>>) target(%dma_start3A_934 : memref<10240xf32, #tpu.memory_space<vmem_shared>>) offsets(%dma_start3A_932 : memref<128xi32, #tpu.memory_space<vmem>>) semaphore(%arg9 : memref<!tpu.dma_semaphore, #tpu.memory_space<semaphore_mem>>) {add = true}
    %dma_start3A_935 = arith.constant 4 : i32
    %dma_start3A_936 = arith.constant 0 : i32
    %dma_start3A_937 = tpu.memref_slice %arg5[%dma_start3A_935, %dma_start3A_936] : memref<8x128xi32, #tpu.memory_space<vmem>> -> memref<1x128xi32, #tpu.memory_space<vmem>>
    %dma_start3A_938 = tpu.memref_squeeze %dma_start3A_937 : memref<1x128xi32, #tpu.memory_space<vmem>> -> memref<128xi32, #tpu.memory_space<vmem>>
    %dma_start3A_939 = arith.constant 0 : i32
    %dma_start3A_940 = tpu.memref_slice %arg8[%dma_start3A_939] : memref<10240xf32, #tpu.memory_space<vmem_shared>> -> memref<10240xf32, #tpu.memory_space<vmem_shared>>
    tpu.enqueue_indirect_dma source(%arg7 : memref<128xf32, #tpu.memory_space<vmem>>) target(%dma_start3A_940 : memref<10240xf32, #tpu.memory_space<vmem_shared>>) offsets(%dma_start3A_938 : memref<128xi32, #tpu.memory_space<vmem>>) semaphore(%arg9 : memref<!tpu.dma_semaphore, #tpu.memory_space<semaphore_mem>>) {add = true}
    %dma_start3A_941 = arith.constant 5 : i32
    %dma_start3A_942 = arith.constant 0 : i32
    %dma_start3A_943 = tpu.memref_slice %arg5[%dma_start3A_941, %dma_start3A_942] : memref<8x128xi32, #tpu.memory_space<vmem>> -> memref<1x128xi32, #tpu.memory_space<vmem>>
    %dma_start3A_944 = tpu.memref_squeeze %dma_start3A_943 : memref<1x128xi32, #tpu.memory_space<vmem>> -> memref<128xi32, #tpu.memory_space<vmem>>
    %dma_start3A_945 = arith.constant 0 : i32
    %dma_start3A_946 = tpu.memref_slice %arg8[%dma_start3A_945] : memref<10240xf32, #tpu.memory_space<vmem_shared>> -> memref<10240xf32, #tpu.memory_space<vmem_shared>>
    tpu.enqueue_indirect_dma source(%arg7 : memref<128xf32, #tpu.memory_space<vmem>>) target(%dma_start3A_946 : memref<10240xf32, #tpu.memory_space<vmem_shared>>) offsets(%dma_start3A_944 : memref<128xi32, #tpu.memory_space<vmem>>) semaphore(%arg9 : memref<!tpu.dma_semaphore, #tpu.memory_space<semaphore_mem>>) {add = true}
    %dma_start3A_947 = arith.constant 6 : i32
    %dma_start3A_948 = arith.constant 0 : i32
    %dma_start3A_949 = tpu.memref_slice %arg5[%dma_start3A_947, %dma_start3A_948] : memref<8x128xi32, #tpu.memory_space<vmem>> -> memref<1x128xi32, #tpu.memory_space<vmem>>
    %dma_start3A_950 = tpu.memref_squeeze %dma_start3A_949 : memref<1x128xi32, #tpu.memory_space<vmem>> -> memref<128xi32, #tpu.memory_space<vmem>>
    %dma_start3A_951 = arith.constant 0 : i32
    %dma_start3A_952 = tpu.memref_slice %arg8[%dma_start3A_951] : memref<10240xf32, #tpu.memory_space<vmem_shared>> -> memref<10240xf32, #tpu.memory_space<vmem_shared>>
    tpu.enqueue_indirect_dma source(%arg7 : memref<128xf32, #tpu.memory_space<vmem>>) target(%dma_start3A_952 : memref<10240xf32, #tpu.memory_space<vmem_shared>>) offsets(%dma_start3A_950 : memref<128xi32, #tpu.memory_space<vmem>>) semaphore(%arg9 : memref<!tpu.dma_semaphore, #tpu.memory_space<semaphore_mem>>) {add = true}
    %dma_start3A_953 = arith.constant 7 : i32
    %dma_start3A_954 = arith.constant 0 : i32
    %dma_start3A_955 = tpu.memref_slice %arg5[%dma_start3A_953, %dma_start3A_954] : memref<8x128xi32, #tpu.memory_space<vmem>> -> memref<1x128xi32, #tpu.memory_space<vmem>>
    %dma_start3A_956 = tpu.memref_squeeze %dma_start3A_955 : memref<1x128xi32, #tpu.memory_space<vmem>> -> memref<128xi32, #tpu.memory_space<vmem>>
    %dma_start3A_957 = arith.constant 0 : i32
    %dma_start3A_958 = tpu.memref_slice %arg8[%dma_start3A_957] : memref<10240xf32, #tpu.memory_space<vmem_shared>> -> memref<10240xf32, #tpu.memory_space<vmem_shared>>
    tpu.enqueue_indirect_dma source(%arg7 : memref<128xf32, #tpu.memory_space<vmem>>) target(%dma_start3A_958 : memref<10240xf32, #tpu.memory_space<vmem_shared>>) offsets(%dma_start3A_956 : memref<128xi32, #tpu.memory_space<vmem>>) semaphore(%arg9 : memref<!tpu.dma_semaphore, #tpu.memory_space<semaphore_mem>>) {add = true}
    %dma_wait3A_959 = arith.constant 0 : i32
    %dma_wait3A_960 = arith.constant 0 : i32
    %dma_wait3A_961 = tpu.memref_slice %arg6[%dma_wait3A_959, %dma_wait3A_960] : memref<8x128xi32, #tpu.memory_space<vmem>> -> memref<1x128xi32, #tpu.memory_space<vmem>>
    %dma_wait3A_962 = tpu.memref_squeeze %dma_wait3A_961 : memref<1x128xi32, #tpu.memory_space<vmem>> -> memref<128xi32, #tpu.memory_space<vmem>>
    %dma_wait3A_963 = arith.constant 0 : i32
    %dma_wait3A_964 = tpu.memref_slice %arg8[%dma_wait3A_963] : memref<10240xf32, #tpu.memory_space<vmem_shared>> -> memref<10240xf32, #tpu.memory_space<vmem_shared>>
    tpu.wait_indirect_dma semaphore(%arg10 : memref<!tpu.dma_semaphore, #tpu.memory_space<semaphore_mem>>) src(%arg7 : memref<128xf32, #tpu.memory_space<vmem>>) dst(%dma_wait3A_964 : memref<10240xf32, #tpu.memory_space<vmem_shared>>)
    %dma_wait3A_965 = arith.constant 1 : i32
    %dma_wait3A_966 = arith.constant 0 : i32
    %dma_wait3A_967 = tpu.memref_slice %arg6[%dma_wait3A_965, %dma_wait3A_966] : memref<8x128xi32, #tpu.memory_space<vmem>> -> memref<1x128xi32, #tpu.memory_space<vmem>>
    %dma_wait3A_968 = tpu.memref_squeeze %dma_wait3A_967 : memref<1x128xi32, #tpu.memory_space<vmem>> -> memref<128xi32, #tpu.memory_space<vmem>>
    %dma_wait3A_969 = arith.constant 0 : i32
    %dma_wait3A_970 = tpu.memref_slice %arg8[%dma_wait3A_969] : memref<10240xf32, #tpu.memory_space<vmem_shared>> -> memref<10240xf32, #tpu.memory_space<vmem_shared>>
    tpu.wait_indirect_dma semaphore(%arg10 : memref<!tpu.dma_semaphore, #tpu.memory_space<semaphore_mem>>) src(%arg7 : memref<128xf32, #tpu.memory_space<vmem>>) dst(%dma_wait3A_970 : memref<10240xf32, #tpu.memory_space<vmem_shared>>)
    %dma_wait3A_971 = arith.constant 2 : i32
    %dma_wait3A_972 = arith.constant 0 : i32
    %dma_wait3A_973 = tpu.memref_slice %arg6[%dma_wait3A_971, %dma_wait3A_972] : memref<8x128xi32, #tpu.memory_space<vmem>> -> memref<1x128xi32, #tpu.memory_space<vmem>>
    %dma_wait3A_974 = tpu.memref_squeeze %dma_wait3A_973 : memref<1x128xi32, #tpu.memory_space<vmem>> -> memref<128xi32, #tpu.memory_space<vmem>>
    %dma_wait3A_975 = arith.constant 0 : i32
    %dma_wait3A_976 = tpu.memref_slice %arg8[%dma_wait3A_975] : memref<10240xf32, #tpu.memory_space<vmem_shared>> -> memref<10240xf32, #tpu.memory_space<vmem_shared>>
    tpu.wait_indirect_dma semaphore(%arg10 : memref<!tpu.dma_semaphore, #tpu.memory_space<semaphore_mem>>) src(%arg7 : memref<128xf32, #tpu.memory_space<vmem>>) dst(%dma_wait3A_976 : memref<10240xf32, #tpu.memory_space<vmem_shared>>)
    %dma_wait3A_977 = arith.constant 3 : i32
    %dma_wait3A_978 = arith.constant 0 : i32
    %dma_wait3A_979 = tpu.memref_slice %arg6[%dma_wait3A_977, %dma_wait3A_978] : memref<8x128xi32, #tpu.memory_space<vmem>> -> memref<1x128xi32, #tpu.memory_space<vmem>>
    %dma_wait3A_980 = tpu.memref_squeeze %dma_wait3A_979 : memref<1x128xi32, #tpu.memory_space<vmem>> -> memref<128xi32, #tpu.memory_space<vmem>>
    %dma_wait3A_981 = arith.constant 0 : i32
    %dma_wait3A_982 = tpu.memref_slice %arg8[%dma_wait3A_981] : memref<10240xf32, #tpu.memory_space<vmem_shared>> -> memref<10240xf32, #tpu.memory_space<vmem_shared>>
    tpu.wait_indirect_dma semaphore(%arg10 : memref<!tpu.dma_semaphore, #tpu.memory_space<semaphore_mem>>) src(%arg7 : memref<128xf32, #tpu.memory_space<vmem>>) dst(%dma_wait3A_982 : memref<10240xf32, #tpu.memory_space<vmem_shared>>)
    %dma_wait3A_983 = arith.constant 4 : i32
    %dma_wait3A_984 = arith.constant 0 : i32
    %dma_wait3A_985 = tpu.memref_slice %arg6[%dma_wait3A_983, %dma_wait3A_984] : memref<8x128xi32, #tpu.memory_space<vmem>> -> memref<1x128xi32, #tpu.memory_space<vmem>>
    %dma_wait3A_986 = tpu.memref_squeeze %dma_wait3A_985 : memref<1x128xi32, #tpu.memory_space<vmem>> -> memref<128xi32, #tpu.memory_space<vmem>>
    %dma_wait3A_987 = arith.constant 0 : i32
    %dma_wait3A_988 = tpu.memref_slice %arg8[%dma_wait3A_987] : memref<10240xf32, #tpu.memory_space<vmem_shared>> -> memref<10240xf32, #tpu.memory_space<vmem_shared>>
    tpu.wait_indirect_dma semaphore(%arg10 : memref<!tpu.dma_semaphore, #tpu.memory_space<semaphore_mem>>) src(%arg7 : memref<128xf32, #tpu.memory_space<vmem>>) dst(%dma_wait3A_988 : memref<10240xf32, #tpu.memory_space<vmem_shared>>)
    %dma_wait3A_989 = arith.constant 5 : i32
    %dma_wait3A_990 = arith.constant 0 : i32
    %dma_wait3A_991 = tpu.memref_slice %arg6[%dma_wait3A_989, %dma_wait3A_990] : memref<8x128xi32, #tpu.memory_space<vmem>> -> memref<1x128xi32, #tpu.memory_space<vmem>>
    %dma_wait3A_992 = tpu.memref_squeeze %dma_wait3A_991 : memref<1x128xi32, #tpu.memory_space<vmem>> -> memref<128xi32, #tpu.memory_space<vmem>>
    %dma_wait3A_993 = arith.constant 0 : i32
    %dma_wait3A_994 = tpu.memref_slice %arg8[%dma_wait3A_993] : memref<10240xf32, #tpu.memory_space<vmem_shared>> -> memref<10240xf32, #tpu.memory_space<vmem_shared>>
    tpu.wait_indirect_dma semaphore(%arg10 : memref<!tpu.dma_semaphore, #tpu.memory_space<semaphore_mem>>) src(%arg7 : memref<128xf32, #tpu.memory_space<vmem>>) dst(%dma_wait3A_994 : memref<10240xf32, #tpu.memory_space<vmem_shared>>)
    %dma_wait3A_995 = arith.constant 6 : i32
    %dma_wait3A_996 = arith.constant 0 : i32
    %dma_wait3A_997 = tpu.memref_slice %arg6[%dma_wait3A_995, %dma_wait3A_996] : memref<8x128xi32, #tpu.memory_space<vmem>> -> memref<1x128xi32, #tpu.memory_space<vmem>>
    %dma_wait3A_998 = tpu.memref_squeeze %dma_wait3A_997 : memref<1x128xi32, #tpu.memory_space<vmem>> -> memref<128xi32, #tpu.memory_space<vmem>>
    %dma_wait3A_999 = arith.constant 0 : i32
    %dma_wait3A_1000 = tpu.memref_slice %arg8[%dma_wait3A_999] : memref<10240xf32, #tpu.memory_space<vmem_shared>> -> memref<10240xf32, #tpu.memory_space<vmem_shared>>
    tpu.wait_indirect_dma semaphore(%arg10 : memref<!tpu.dma_semaphore, #tpu.memory_space<semaphore_mem>>) src(%arg7 : memref<128xf32, #tpu.memory_space<vmem>>) dst(%dma_wait3A_1000 : memref<10240xf32, #tpu.memory_space<vmem_shared>>)
    %dma_wait3A_1001 = arith.constant 7 : i32
    %dma_wait3A_1002 = arith.constant 0 : i32
    %dma_wait3A_1003 = tpu.memref_slice %arg6[%dma_wait3A_1001, %dma_wait3A_1002] : memref<8x128xi32, #tpu.memory_space<vmem>> -> memref<1x128xi32, #tpu.memory_space<vmem>>
    %dma_wait3A_1004 = tpu.memref_squeeze %dma_wait3A_1003 : memref<1x128xi32, #tpu.memory_space<vmem>> -> memref<128xi32, #tpu.memory_space<vmem>>
    %dma_wait3A_1005 = arith.constant 0 : i32
    %dma_wait3A_1006 = tpu.memref_slice %arg8[%dma_wait3A_1005] : memref<10240xf32, #tpu.memory_space<vmem_shared>> -> memref<10240xf32, #tpu.memory_space<vmem_shared>>
    tpu.wait_indirect_dma semaphore(%arg10 : memref<!tpu.dma_semaphore, #tpu.memory_space<semaphore_mem>>) src(%arg7 : memref<128xf32, #tpu.memory_space<vmem>>) dst(%dma_wait3A_1006 : memref<10240xf32, #tpu.memory_space<vmem_shared>>)
    %dma_start3A_1007 = arith.constant 9 : i32
    %dma_start3A_1008 = arith.constant 0 : i32
    %dma_start3A_1009 = arith.constant 0 : i32
    %dma_start3A_1010 = tpu.memref_slice %arg2[%add3A, %dma_start3A_1007, %dma_start3A_1008, %dma_start3A_1009] : memref<32x10x8x128xi32, #tpu.memory_space<hbm>> -> memref<1x1x8x128xi32, #tpu.memory_space<hbm>>
    %dma_start3A_1011 = tpu.memref_squeeze %dma_start3A_1010 : memref<1x1x8x128xi32, #tpu.memory_space<hbm>> -> memref<8x128xi32, #tpu.memory_space<hbm>>
    %dma_start3A_1012 = arith.constant 0 : i32
    %dma_start3A_1013 = arith.constant 0 : i32
    %dma_start3A_1014 = tpu.memref_slice %arg2[%add3A, %dma_start3A_1007, %dma_start3A_1012, %dma_start3A_1013] : memref<32x10x8x128xi32, #tpu.memory_space<hbm>> -> memref<1x1x8x128xi32, #tpu.memory_space<hbm>>
    %dma_start3A_1015 = tpu.memref_squeeze %dma_start3A_1014 : memref<1x1x8x128xi32, #tpu.memory_space<hbm>> -> memref<8x128xi32, #tpu.memory_space<hbm>>
    tpu.enqueue_dma source(%dma_start3A_1015 : memref<8x128xi32, #tpu.memory_space<hbm>>) target(%arg6 : memref<8x128xi32, #tpu.memory_space<vmem>>) target_semaphore(%arg11 : memref<!tpu.dma_semaphore, #tpu.memory_space<semaphore_mem>>)
    %dma_wait3A_1016 = arith.constant 9 : i32
    %dma_wait3A_1017 = arith.constant 0 : i32
    %dma_wait3A_1018 = arith.constant 0 : i32
    %dma_wait3A_1019 = tpu.memref_slice %arg2[%add3A, %dma_wait3A_1016, %dma_wait3A_1017, %dma_wait3A_1018] : memref<32x10x8x128xi32, #tpu.memory_space<hbm>> -> memref<1x1x8x128xi32, #tpu.memory_space<hbm>>
    %dma_wait3A_1020 = tpu.memref_squeeze %dma_wait3A_1019 : memref<1x1x8x128xi32, #tpu.memory_space<hbm>> -> memref<8x128xi32, #tpu.memory_space<hbm>>
    %dma_wait3A_1021 = arith.constant 0 : i32
    %dma_wait3A_1022 = arith.constant 0 : i32
    %dma_wait3A_1023 = tpu.memref_slice %arg2[%add3A, %dma_wait3A_1016, %dma_wait3A_1021, %dma_wait3A_1022] : memref<32x10x8x128xi32, #tpu.memory_space<hbm>> -> memref<1x1x8x128xi32, #tpu.memory_space<hbm>>
    %dma_wait3A_1024 = tpu.memref_squeeze %dma_wait3A_1023 : memref<1x1x8x128xi32, #tpu.memory_space<hbm>> -> memref<8x128xi32, #tpu.memory_space<hbm>>
    tpu.wait_dma2 semaphore(%arg11 : memref<!tpu.dma_semaphore, #tpu.memory_space<semaphore_mem>>) src(%dma_wait3A_1024 : memref<8x128xi32, #tpu.memory_space<hbm>>) dst(%arg6 : memref<8x128xi32, #tpu.memory_space<vmem>>)
    %dma_start3A_1025 = arith.constant 0 : i32
    %dma_start3A_1026 = arith.constant 0 : i32
    %dma_start3A_1027 = tpu.memref_slice %arg6[%dma_start3A_1025, %dma_start3A_1026] : memref<8x128xi32, #tpu.memory_space<vmem>> -> memref<1x128xi32, #tpu.memory_space<vmem>>
    %dma_start3A_1028 = tpu.memref_squeeze %dma_start3A_1027 : memref<1x128xi32, #tpu.memory_space<vmem>> -> memref<128xi32, #tpu.memory_space<vmem>>
    %dma_start3A_1029 = arith.constant 0 : i32
    %dma_start3A_1030 = tpu.memref_slice %arg8[%dma_start3A_1029] : memref<10240xf32, #tpu.memory_space<vmem_shared>> -> memref<10240xf32, #tpu.memory_space<vmem_shared>>
    tpu.enqueue_indirect_dma source(%arg7 : memref<128xf32, #tpu.memory_space<vmem>>) target(%dma_start3A_1030 : memref<10240xf32, #tpu.memory_space<vmem_shared>>) offsets(%dma_start3A_1028 : memref<128xi32, #tpu.memory_space<vmem>>) semaphore(%arg10 : memref<!tpu.dma_semaphore, #tpu.memory_space<semaphore_mem>>) {add = true}
    %dma_start3A_1031 = arith.constant 1 : i32
    %dma_start3A_1032 = arith.constant 0 : i32
    %dma_start3A_1033 = tpu.memref_slice %arg6[%dma_start3A_1031, %dma_start3A_1032] : memref<8x128xi32, #tpu.memory_space<vmem>> -> memref<1x128xi32, #tpu.memory_space<vmem>>
    %dma_start3A_1034 = tpu.memref_squeeze %dma_start3A_1033 : memref<1x128xi32, #tpu.memory_space<vmem>> -> memref<128xi32, #tpu.memory_space<vmem>>
    %dma_start3A_1035 = arith.constant 0 : i32
    %dma_start3A_1036 = tpu.memref_slice %arg8[%dma_start3A_1035] : memref<10240xf32, #tpu.memory_space<vmem_shared>> -> memref<10240xf32, #tpu.memory_space<vmem_shared>>
    tpu.enqueue_indirect_dma source(%arg7 : memref<128xf32, #tpu.memory_space<vmem>>) target(%dma_start3A_1036 : memref<10240xf32, #tpu.memory_space<vmem_shared>>) offsets(%dma_start3A_1034 : memref<128xi32, #tpu.memory_space<vmem>>) semaphore(%arg10 : memref<!tpu.dma_semaphore, #tpu.memory_space<semaphore_mem>>) {add = true}
    %dma_start3A_1037 = arith.constant 2 : i32
    %dma_start3A_1038 = arith.constant 0 : i32
    %dma_start3A_1039 = tpu.memref_slice %arg6[%dma_start3A_1037, %dma_start3A_1038] : memref<8x128xi32, #tpu.memory_space<vmem>> -> memref<1x128xi32, #tpu.memory_space<vmem>>
    %dma_start3A_1040 = tpu.memref_squeeze %dma_start3A_1039 : memref<1x128xi32, #tpu.memory_space<vmem>> -> memref<128xi32, #tpu.memory_space<vmem>>
    %dma_start3A_1041 = arith.constant 0 : i32
    %dma_start3A_1042 = tpu.memref_slice %arg8[%dma_start3A_1041] : memref<10240xf32, #tpu.memory_space<vmem_shared>> -> memref<10240xf32, #tpu.memory_space<vmem_shared>>
    tpu.enqueue_indirect_dma source(%arg7 : memref<128xf32, #tpu.memory_space<vmem>>) target(%dma_start3A_1042 : memref<10240xf32, #tpu.memory_space<vmem_shared>>) offsets(%dma_start3A_1040 : memref<128xi32, #tpu.memory_space<vmem>>) semaphore(%arg10 : memref<!tpu.dma_semaphore, #tpu.memory_space<semaphore_mem>>) {add = true}
    %dma_start3A_1043 = arith.constant 3 : i32
    %dma_start3A_1044 = arith.constant 0 : i32
    %dma_start3A_1045 = tpu.memref_slice %arg6[%dma_start3A_1043, %dma_start3A_1044] : memref<8x128xi32, #tpu.memory_space<vmem>> -> memref<1x128xi32, #tpu.memory_space<vmem>>
    %dma_start3A_1046 = tpu.memref_squeeze %dma_start3A_1045 : memref<1x128xi32, #tpu.memory_space<vmem>> -> memref<128xi32, #tpu.memory_space<vmem>>
    %dma_start3A_1047 = arith.constant 0 : i32
    %dma_start3A_1048 = tpu.memref_slice %arg8[%dma_start3A_1047] : memref<10240xf32, #tpu.memory_space<vmem_shared>> -> memref<10240xf32, #tpu.memory_space<vmem_shared>>
    tpu.enqueue_indirect_dma source(%arg7 : memref<128xf32, #tpu.memory_space<vmem>>) target(%dma_start3A_1048 : memref<10240xf32, #tpu.memory_space<vmem_shared>>) offsets(%dma_start3A_1046 : memref<128xi32, #tpu.memory_space<vmem>>) semaphore(%arg10 : memref<!tpu.dma_semaphore, #tpu.memory_space<semaphore_mem>>) {add = true}
    %dma_start3A_1049 = arith.constant 4 : i32
    %dma_start3A_1050 = arith.constant 0 : i32
    %dma_start3A_1051 = tpu.memref_slice %arg6[%dma_start3A_1049, %dma_start3A_1050] : memref<8x128xi32, #tpu.memory_space<vmem>> -> memref<1x128xi32, #tpu.memory_space<vmem>>
    %dma_start3A_1052 = tpu.memref_squeeze %dma_start3A_1051 : memref<1x128xi32, #tpu.memory_space<vmem>> -> memref<128xi32, #tpu.memory_space<vmem>>
    %dma_start3A_1053 = arith.constant 0 : i32
    %dma_start3A_1054 = tpu.memref_slice %arg8[%dma_start3A_1053] : memref<10240xf32, #tpu.memory_space<vmem_shared>> -> memref<10240xf32, #tpu.memory_space<vmem_shared>>
    tpu.enqueue_indirect_dma source(%arg7 : memref<128xf32, #tpu.memory_space<vmem>>) target(%dma_start3A_1054 : memref<10240xf32, #tpu.memory_space<vmem_shared>>) offsets(%dma_start3A_1052 : memref<128xi32, #tpu.memory_space<vmem>>) semaphore(%arg10 : memref<!tpu.dma_semaphore, #tpu.memory_space<semaphore_mem>>) {add = true}
    %dma_start3A_1055 = arith.constant 5 : i32
    %dma_start3A_1056 = arith.constant 0 : i32
    %dma_start3A_1057 = tpu.memref_slice %arg6[%dma_start3A_1055, %dma_start3A_1056] : memref<8x128xi32, #tpu.memory_space<vmem>> -> memref<1x128xi32, #tpu.memory_space<vmem>>
    %dma_start3A_1058 = tpu.memref_squeeze %dma_start3A_1057 : memref<1x128xi32, #tpu.memory_space<vmem>> -> memref<128xi32, #tpu.memory_space<vmem>>
    %dma_start3A_1059 = arith.constant 0 : i32
    %dma_start3A_1060 = tpu.memref_slice %arg8[%dma_start3A_1059] : memref<10240xf32, #tpu.memory_space<vmem_shared>> -> memref<10240xf32, #tpu.memory_space<vmem_shared>>
    tpu.enqueue_indirect_dma source(%arg7 : memref<128xf32, #tpu.memory_space<vmem>>) target(%dma_start3A_1060 : memref<10240xf32, #tpu.memory_space<vmem_shared>>) offsets(%dma_start3A_1058 : memref<128xi32, #tpu.memory_space<vmem>>) semaphore(%arg10 : memref<!tpu.dma_semaphore, #tpu.memory_space<semaphore_mem>>) {add = true}
    %dma_start3A_1061 = arith.constant 6 : i32
    %dma_start3A_1062 = arith.constant 0 : i32
    %dma_start3A_1063 = tpu.memref_slice %arg6[%dma_start3A_1061, %dma_start3A_1062] : memref<8x128xi32, #tpu.memory_space<vmem>> -> memref<1x128xi32, #tpu.memory_space<vmem>>
    %dma_start3A_1064 = tpu.memref_squeeze %dma_start3A_1063 : memref<1x128xi32, #tpu.memory_space<vmem>> -> memref<128xi32, #tpu.memory_space<vmem>>
    %dma_start3A_1065 = arith.constant 0 : i32
    %dma_start3A_1066 = tpu.memref_slice %arg8[%dma_start3A_1065] : memref<10240xf32, #tpu.memory_space<vmem_shared>> -> memref<10240xf32, #tpu.memory_space<vmem_shared>>
    tpu.enqueue_indirect_dma source(%arg7 : memref<128xf32, #tpu.memory_space<vmem>>) target(%dma_start3A_1066 : memref<10240xf32, #tpu.memory_space<vmem_shared>>) offsets(%dma_start3A_1064 : memref<128xi32, #tpu.memory_space<vmem>>) semaphore(%arg10 : memref<!tpu.dma_semaphore, #tpu.memory_space<semaphore_mem>>) {add = true}
    %dma_start3A_1067 = arith.constant 7 : i32
    %dma_start3A_1068 = arith.constant 0 : i32
    %dma_start3A_1069 = tpu.memref_slice %arg6[%dma_start3A_1067, %dma_start3A_1068] : memref<8x128xi32, #tpu.memory_space<vmem>> -> memref<1x128xi32, #tpu.memory_space<vmem>>
    %dma_start3A_1070 = tpu.memref_squeeze %dma_start3A_1069 : memref<1x128xi32, #tpu.memory_space<vmem>> -> memref<128xi32, #tpu.memory_space<vmem>>
    %dma_start3A_1071 = arith.constant 0 : i32
    %dma_start3A_1072 = tpu.memref_slice %arg8[%dma_start3A_1071] : memref<10240xf32, #tpu.memory_space<vmem_shared>> -> memref<10240xf32, #tpu.memory_space<vmem_shared>>
    tpu.enqueue_indirect_dma source(%arg7 : memref<128xf32, #tpu.memory_space<vmem>>) target(%dma_start3A_1072 : memref<10240xf32, #tpu.memory_space<vmem_shared>>) offsets(%dma_start3A_1070 : memref<128xi32, #tpu.memory_space<vmem>>) semaphore(%arg10 : memref<!tpu.dma_semaphore, #tpu.memory_space<semaphore_mem>>) {add = true}
    %dma_wait3A_1073 = arith.constant 0 : i32
    %dma_wait3A_1074 = arith.constant 0 : i32
    %dma_wait3A_1075 = tpu.memref_slice %arg5[%dma_wait3A_1073, %dma_wait3A_1074] : memref<8x128xi32, #tpu.memory_space<vmem>> -> memref<1x128xi32, #tpu.memory_space<vmem>>
    %dma_wait3A_1076 = tpu.memref_squeeze %dma_wait3A_1075 : memref<1x128xi32, #tpu.memory_space<vmem>> -> memref<128xi32, #tpu.memory_space<vmem>>
    %dma_wait3A_1077 = arith.constant 0 : i32
    %dma_wait3A_1078 = tpu.memref_slice %arg8[%dma_wait3A_1077] : memref<10240xf32, #tpu.memory_space<vmem_shared>> -> memref<10240xf32, #tpu.memory_space<vmem_shared>>
    tpu.wait_indirect_dma semaphore(%arg9 : memref<!tpu.dma_semaphore, #tpu.memory_space<semaphore_mem>>) src(%arg7 : memref<128xf32, #tpu.memory_space<vmem>>) dst(%dma_wait3A_1078 : memref<10240xf32, #tpu.memory_space<vmem_shared>>)
    %dma_wait3A_1079 = arith.constant 1 : i32
    %dma_wait3A_1080 = arith.constant 0 : i32
    %dma_wait3A_1081 = tpu.memref_slice %arg5[%dma_wait3A_1079, %dma_wait3A_1080] : memref<8x128xi32, #tpu.memory_space<vmem>> -> memref<1x128xi32, #tpu.memory_space<vmem>>
    %dma_wait3A_1082 = tpu.memref_squeeze %dma_wait3A_1081 : memref<1x128xi32, #tpu.memory_space<vmem>> -> memref<128xi32, #tpu.memory_space<vmem>>
    %dma_wait3A_1083 = arith.constant 0 : i32
    %dma_wait3A_1084 = tpu.memref_slice %arg8[%dma_wait3A_1083] : memref<10240xf32, #tpu.memory_space<vmem_shared>> -> memref<10240xf32, #tpu.memory_space<vmem_shared>>
    tpu.wait_indirect_dma semaphore(%arg9 : memref<!tpu.dma_semaphore, #tpu.memory_space<semaphore_mem>>) src(%arg7 : memref<128xf32, #tpu.memory_space<vmem>>) dst(%dma_wait3A_1084 : memref<10240xf32, #tpu.memory_space<vmem_shared>>)
    %dma_wait3A_1085 = arith.constant 2 : i32
    %dma_wait3A_1086 = arith.constant 0 : i32
    %dma_wait3A_1087 = tpu.memref_slice %arg5[%dma_wait3A_1085, %dma_wait3A_1086] : memref<8x128xi32, #tpu.memory_space<vmem>> -> memref<1x128xi32, #tpu.memory_space<vmem>>
    %dma_wait3A_1088 = tpu.memref_squeeze %dma_wait3A_1087 : memref<1x128xi32, #tpu.memory_space<vmem>> -> memref<128xi32, #tpu.memory_space<vmem>>
    %dma_wait3A_1089 = arith.constant 0 : i32
    %dma_wait3A_1090 = tpu.memref_slice %arg8[%dma_wait3A_1089] : memref<10240xf32, #tpu.memory_space<vmem_shared>> -> memref<10240xf32, #tpu.memory_space<vmem_shared>>
    tpu.wait_indirect_dma semaphore(%arg9 : memref<!tpu.dma_semaphore, #tpu.memory_space<semaphore_mem>>) src(%arg7 : memref<128xf32, #tpu.memory_space<vmem>>) dst(%dma_wait3A_1090 : memref<10240xf32, #tpu.memory_space<vmem_shared>>)
    %dma_wait3A_1091 = arith.constant 3 : i32
    %dma_wait3A_1092 = arith.constant 0 : i32
    %dma_wait3A_1093 = tpu.memref_slice %arg5[%dma_wait3A_1091, %dma_wait3A_1092] : memref<8x128xi32, #tpu.memory_space<vmem>> -> memref<1x128xi32, #tpu.memory_space<vmem>>
    %dma_wait3A_1094 = tpu.memref_squeeze %dma_wait3A_1093 : memref<1x128xi32, #tpu.memory_space<vmem>> -> memref<128xi32, #tpu.memory_space<vmem>>
    %dma_wait3A_1095 = arith.constant 0 : i32
    %dma_wait3A_1096 = tpu.memref_slice %arg8[%dma_wait3A_1095] : memref<10240xf32, #tpu.memory_space<vmem_shared>> -> memref<10240xf32, #tpu.memory_space<vmem_shared>>
    tpu.wait_indirect_dma semaphore(%arg9 : memref<!tpu.dma_semaphore, #tpu.memory_space<semaphore_mem>>) src(%arg7 : memref<128xf32, #tpu.memory_space<vmem>>) dst(%dma_wait3A_1096 : memref<10240xf32, #tpu.memory_space<vmem_shared>>)
    %dma_wait3A_1097 = arith.constant 4 : i32
    %dma_wait3A_1098 = arith.constant 0 : i32
    %dma_wait3A_1099 = tpu.memref_slice %arg5[%dma_wait3A_1097, %dma_wait3A_1098] : memref<8x128xi32, #tpu.memory_space<vmem>> -> memref<1x128xi32, #tpu.memory_space<vmem>>
    %dma_wait3A_1100 = tpu.memref_squeeze %dma_wait3A_1099 : memref<1x128xi32, #tpu.memory_space<vmem>> -> memref<128xi32, #tpu.memory_space<vmem>>
    %dma_wait3A_1101 = arith.constant 0 : i32
    %dma_wait3A_1102 = tpu.memref_slice %arg8[%dma_wait3A_1101] : memref<10240xf32, #tpu.memory_space<vmem_shared>> -> memref<10240xf32, #tpu.memory_space<vmem_shared>>
    tpu.wait_indirect_dma semaphore(%arg9 : memref<!tpu.dma_semaphore, #tpu.memory_space<semaphore_mem>>) src(%arg7 : memref<128xf32, #tpu.memory_space<vmem>>) dst(%dma_wait3A_1102 : memref<10240xf32, #tpu.memory_space<vmem_shared>>)
    %dma_wait3A_1103 = arith.constant 5 : i32
    %dma_wait3A_1104 = arith.constant 0 : i32
    %dma_wait3A_1105 = tpu.memref_slice %arg5[%dma_wait3A_1103, %dma_wait3A_1104] : memref<8x128xi32, #tpu.memory_space<vmem>> -> memref<1x128xi32, #tpu.memory_space<vmem>>
    %dma_wait3A_1106 = tpu.memref_squeeze %dma_wait3A_1105 : memref<1x128xi32, #tpu.memory_space<vmem>> -> memref<128xi32, #tpu.memory_space<vmem>>
    %dma_wait3A_1107 = arith.constant 0 : i32
    %dma_wait3A_1108 = tpu.memref_slice %arg8[%dma_wait3A_1107] : memref<10240xf32, #tpu.memory_space<vmem_shared>> -> memref<10240xf32, #tpu.memory_space<vmem_shared>>
    tpu.wait_indirect_dma semaphore(%arg9 : memref<!tpu.dma_semaphore, #tpu.memory_space<semaphore_mem>>) src(%arg7 : memref<128xf32, #tpu.memory_space<vmem>>) dst(%dma_wait3A_1108 : memref<10240xf32, #tpu.memory_space<vmem_shared>>)
    %dma_wait3A_1109 = arith.constant 6 : i32
    %dma_wait3A_1110 = arith.constant 0 : i32
    %dma_wait3A_1111 = tpu.memref_slice %arg5[%dma_wait3A_1109, %dma_wait3A_1110] : memref<8x128xi32, #tpu.memory_space<vmem>> -> memref<1x128xi32, #tpu.memory_space<vmem>>
    %dma_wait3A_1112 = tpu.memref_squeeze %dma_wait3A_1111 : memref<1x128xi32, #tpu.memory_space<vmem>> -> memref<128xi32, #tpu.memory_space<vmem>>
    %dma_wait3A_1113 = arith.constant 0 : i32
    %dma_wait3A_1114 = tpu.memref_slice %arg8[%dma_wait3A_1113] : memref<10240xf32, #tpu.memory_space<vmem_shared>> -> memref<10240xf32, #tpu.memory_space<vmem_shared>>
    tpu.wait_indirect_dma semaphore(%arg9 : memref<!tpu.dma_semaphore, #tpu.memory_space<semaphore_mem>>) src(%arg7 : memref<128xf32, #tpu.memory_space<vmem>>) dst(%dma_wait3A_1114 : memref<10240xf32, #tpu.memory_space<vmem_shared>>)
    %dma_wait3A_1115 = arith.constant 7 : i32
    %dma_wait3A_1116 = arith.constant 0 : i32
    %dma_wait3A_1117 = tpu.memref_slice %arg5[%dma_wait3A_1115, %dma_wait3A_1116] : memref<8x128xi32, #tpu.memory_space<vmem>> -> memref<1x128xi32, #tpu.memory_space<vmem>>
    %dma_wait3A_1118 = tpu.memref_squeeze %dma_wait3A_1117 : memref<1x128xi32, #tpu.memory_space<vmem>> -> memref<128xi32, #tpu.memory_space<vmem>>
    %dma_wait3A_1119 = arith.constant 0 : i32
    %dma_wait3A_1120 = tpu.memref_slice %arg8[%dma_wait3A_1119] : memref<10240xf32, #tpu.memory_space<vmem_shared>> -> memref<10240xf32, #tpu.memory_space<vmem_shared>>
    tpu.wait_indirect_dma semaphore(%arg9 : memref<!tpu.dma_semaphore, #tpu.memory_space<semaphore_mem>>) src(%arg7 : memref<128xf32, #tpu.memory_space<vmem>>) dst(%dma_wait3A_1120 : memref<10240xf32, #tpu.memory_space<vmem_shared>>)
    %dma_wait3A_1121 = arith.constant 0 : i32
    %dma_wait3A_1122 = arith.constant 0 : i32
    %dma_wait3A_1123 = tpu.memref_slice %arg6[%dma_wait3A_1121, %dma_wait3A_1122] : memref<8x128xi32, #tpu.memory_space<vmem>> -> memref<1x128xi32, #tpu.memory_space<vmem>>
    %dma_wait3A_1124 = tpu.memref_squeeze %dma_wait3A_1123 : memref<1x128xi32, #tpu.memory_space<vmem>> -> memref<128xi32, #tpu.memory_space<vmem>>
    %dma_wait3A_1125 = arith.constant 0 : i32
    %dma_wait3A_1126 = tpu.memref_slice %arg8[%dma_wait3A_1125] : memref<10240xf32, #tpu.memory_space<vmem_shared>> -> memref<10240xf32, #tpu.memory_space<vmem_shared>>
    tpu.wait_indirect_dma semaphore(%arg10 : memref<!tpu.dma_semaphore, #tpu.memory_space<semaphore_mem>>) src(%arg7 : memref<128xf32, #tpu.memory_space<vmem>>) dst(%dma_wait3A_1126 : memref<10240xf32, #tpu.memory_space<vmem_shared>>)
    %dma_wait3A_1127 = arith.constant 1 : i32
    %dma_wait3A_1128 = arith.constant 0 : i32
    %dma_wait3A_1129 = tpu.memref_slice %arg6[%dma_wait3A_1127, %dma_wait3A_1128] : memref<8x128xi32, #tpu.memory_space<vmem>> -> memref<1x128xi32, #tpu.memory_space<vmem>>
    %dma_wait3A_1130 = tpu.memref_squeeze %dma_wait3A_1129 : memref<1x128xi32, #tpu.memory_space<vmem>> -> memref<128xi32, #tpu.memory_space<vmem>>
    %dma_wait3A_1131 = arith.constant 0 : i32
    %dma_wait3A_1132 = tpu.memref_slice %arg8[%dma_wait3A_1131] : memref<10240xf32, #tpu.memory_space<vmem_shared>> -> memref<10240xf32, #tpu.memory_space<vmem_shared>>
    tpu.wait_indirect_dma semaphore(%arg10 : memref<!tpu.dma_semaphore, #tpu.memory_space<semaphore_mem>>) src(%arg7 : memref<128xf32, #tpu.memory_space<vmem>>) dst(%dma_wait3A_1132 : memref<10240xf32, #tpu.memory_space<vmem_shared>>)
    %dma_wait3A_1133 = arith.constant 2 : i32
    %dma_wait3A_1134 = arith.constant 0 : i32
    %dma_wait3A_1135 = tpu.memref_slice %arg6[%dma_wait3A_1133, %dma_wait3A_1134] : memref<8x128xi32, #tpu.memory_space<vmem>> -> memref<1x128xi32, #tpu.memory_space<vmem>>
    %dma_wait3A_1136 = tpu.memref_squeeze %dma_wait3A_1135 : memref<1x128xi32, #tpu.memory_space<vmem>> -> memref<128xi32, #tpu.memory_space<vmem>>
    %dma_wait3A_1137 = arith.constant 0 : i32
    %dma_wait3A_1138 = tpu.memref_slice %arg8[%dma_wait3A_1137] : memref<10240xf32, #tpu.memory_space<vmem_shared>> -> memref<10240xf32, #tpu.memory_space<vmem_shared>>
    tpu.wait_indirect_dma semaphore(%arg10 : memref<!tpu.dma_semaphore, #tpu.memory_space<semaphore_mem>>) src(%arg7 : memref<128xf32, #tpu.memory_space<vmem>>) dst(%dma_wait3A_1138 : memref<10240xf32, #tpu.memory_space<vmem_shared>>)
    %dma_wait3A_1139 = arith.constant 3 : i32
    %dma_wait3A_1140 = arith.constant 0 : i32
    %dma_wait3A_1141 = tpu.memref_slice %arg6[%dma_wait3A_1139, %dma_wait3A_1140] : memref<8x128xi32, #tpu.memory_space<vmem>> -> memref<1x128xi32, #tpu.memory_space<vmem>>
    %dma_wait3A_1142 = tpu.memref_squeeze %dma_wait3A_1141 : memref<1x128xi32, #tpu.memory_space<vmem>> -> memref<128xi32, #tpu.memory_space<vmem>>
    %dma_wait3A_1143 = arith.constant 0 : i32
    %dma_wait3A_1144 = tpu.memref_slice %arg8[%dma_wait3A_1143] : memref<10240xf32, #tpu.memory_space<vmem_shared>> -> memref<10240xf32, #tpu.memory_space<vmem_shared>>
    tpu.wait_indirect_dma semaphore(%arg10 : memref<!tpu.dma_semaphore, #tpu.memory_space<semaphore_mem>>) src(%arg7 : memref<128xf32, #tpu.memory_space<vmem>>) dst(%dma_wait3A_1144 : memref<10240xf32, #tpu.memory_space<vmem_shared>>)
    %dma_wait3A_1145 = arith.constant 4 : i32
    %dma_wait3A_1146 = arith.constant 0 : i32
    %dma_wait3A_1147 = tpu.memref_slice %arg6[%dma_wait3A_1145, %dma_wait3A_1146] : memref<8x128xi32, #tpu.memory_space<vmem>> -> memref<1x128xi32, #tpu.memory_space<vmem>>
    %dma_wait3A_1148 = tpu.memref_squeeze %dma_wait3A_1147 : memref<1x128xi32, #tpu.memory_space<vmem>> -> memref<128xi32, #tpu.memory_space<vmem>>
    %dma_wait3A_1149 = arith.constant 0 : i32
    %dma_wait3A_1150 = tpu.memref_slice %arg8[%dma_wait3A_1149] : memref<10240xf32, #tpu.memory_space<vmem_shared>> -> memref<10240xf32, #tpu.memory_space<vmem_shared>>
    tpu.wait_indirect_dma semaphore(%arg10 : memref<!tpu.dma_semaphore, #tpu.memory_space<semaphore_mem>>) src(%arg7 : memref<128xf32, #tpu.memory_space<vmem>>) dst(%dma_wait3A_1150 : memref<10240xf32, #tpu.memory_space<vmem_shared>>)
    %dma_wait3A_1151 = arith.constant 5 : i32
    %dma_wait3A_1152 = arith.constant 0 : i32
    %dma_wait3A_1153 = tpu.memref_slice %arg6[%dma_wait3A_1151, %dma_wait3A_1152] : memref<8x128xi32, #tpu.memory_space<vmem>> -> memref<1x128xi32, #tpu.memory_space<vmem>>
    %dma_wait3A_1154 = tpu.memref_squeeze %dma_wait3A_1153 : memref<1x128xi32, #tpu.memory_space<vmem>> -> memref<128xi32, #tpu.memory_space<vmem>>
    %dma_wait3A_1155 = arith.constant 0 : i32
    %dma_wait3A_1156 = tpu.memref_slice %arg8[%dma_wait3A_1155] : memref<10240xf32, #tpu.memory_space<vmem_shared>> -> memref<10240xf32, #tpu.memory_space<vmem_shared>>
    tpu.wait_indirect_dma semaphore(%arg10 : memref<!tpu.dma_semaphore, #tpu.memory_space<semaphore_mem>>) src(%arg7 : memref<128xf32, #tpu.memory_space<vmem>>) dst(%dma_wait3A_1156 : memref<10240xf32, #tpu.memory_space<vmem_shared>>)
    %dma_wait3A_1157 = arith.constant 6 : i32
    %dma_wait3A_1158 = arith.constant 0 : i32
    %dma_wait3A_1159 = tpu.memref_slice %arg6[%dma_wait3A_1157, %dma_wait3A_1158] : memref<8x128xi32, #tpu.memory_space<vmem>> -> memref<1x128xi32, #tpu.memory_space<vmem>>
    %dma_wait3A_1160 = tpu.memref_squeeze %dma_wait3A_1159 : memref<1x128xi32, #tpu.memory_space<vmem>> -> memref<128xi32, #tpu.memory_space<vmem>>
    %dma_wait3A_1161 = arith.constant 0 : i32
    %dma_wait3A_1162 = tpu.memref_slice %arg8[%dma_wait3A_1161] : memref<10240xf32, #tpu.memory_space<vmem_shared>> -> memref<10240xf32, #tpu.memory_space<vmem_shared>>
    tpu.wait_indirect_dma semaphore(%arg10 : memref<!tpu.dma_semaphore, #tpu.memory_space<semaphore_mem>>) src(%arg7 : memref<128xf32, #tpu.memory_space<vmem>>) dst(%dma_wait3A_1162 : memref<10240xf32, #tpu.memory_space<vmem_shared>>)
    %dma_wait3A_1163 = arith.constant 7 : i32
    %dma_wait3A_1164 = arith.constant 0 : i32
    %dma_wait3A_1165 = tpu.memref_slice %arg6[%dma_wait3A_1163, %dma_wait3A_1164] : memref<8x128xi32, #tpu.memory_space<vmem>> -> memref<1x128xi32, #tpu.memory_space<vmem>>
    %dma_wait3A_1166 = tpu.memref_squeeze %dma_wait3A_1165 : memref<1x128xi32, #tpu.memory_space<vmem>> -> memref<128xi32, #tpu.memory_space<vmem>>
    %dma_wait3A_1167 = arith.constant 0 : i32
    %dma_wait3A_1168 = tpu.memref_slice %arg8[%dma_wait3A_1167] : memref<10240xf32, #tpu.memory_space<vmem_shared>> -> memref<10240xf32, #tpu.memory_space<vmem_shared>>
    tpu.wait_indirect_dma semaphore(%arg10 : memref<!tpu.dma_semaphore, #tpu.memory_space<semaphore_mem>>) src(%arg7 : memref<128xf32, #tpu.memory_space<vmem>>) dst(%dma_wait3A_1168 : memref<10240xf32, #tpu.memory_space<vmem_shared>>)
    %barrier3A_1169 = arith.constant 0 : index
    tpu.barrier barrier_id(%barrier3A_1169)
    %eq3A = arith.constant 0 : i32
    %eq3A_1170 = arith.cmpi eq, %arg1, %eq3A : i32
    %convert_element_type3A = arith.extui %eq3A_1170 : i1 to i32
    %cond3A = arith.constant 0 : i32
    %cond3A_1171 = arith.cmpi ne, %convert_element_type3A, %cond3A : i32
    scf.if %cond3A_1171 {
      "tpu.region"() ({
        %run_scoped3A_1172 = tpu.sem_alloc : memref<!tpu.dma_semaphore, #tpu.memory_space<semaphore_mem>>
        %dma_start3A_1173 = arith.constant 0 : i32
        %dma_start3A_1174 = tpu.memref_slice %arg4[%arg0, %dma_start3A_1173] : memref<2x10240xf32, #tpu.memory_space<hbm>> -> memref<1x10240xf32, #tpu.memory_space<hbm>>
        %dma_start3A_1175 = tpu.memref_squeeze %dma_start3A_1174 : memref<1x10240xf32, #tpu.memory_space<hbm>> -> memref<10240xf32, #tpu.memory_space<hbm>>
        tpu.enqueue_dma source(%arg8 : memref<10240xf32, #tpu.memory_space<vmem_shared>>) target(%dma_start3A_1175 : memref<10240xf32, #tpu.memory_space<hbm>>) target_semaphore(%run_scoped3A_1172 : memref<!tpu.dma_semaphore, #tpu.memory_space<semaphore_mem>>)
        %dma_wait3A_1176 = arith.constant 0 : i32
        %dma_wait3A_1177 = tpu.memref_slice %arg4[%arg0, %dma_wait3A_1176] : memref<2x10240xf32, #tpu.memory_space<hbm>> -> memref<1x10240xf32, #tpu.memory_space<hbm>>
        %dma_wait3A_1178 = tpu.memref_squeeze %dma_wait3A_1177 : memref<1x10240xf32, #tpu.memory_space<hbm>> -> memref<10240xf32, #tpu.memory_space<hbm>>
        tpu.wait_dma2 semaphore(%run_scoped3A_1172 : memref<!tpu.dma_semaphore, #tpu.memory_space<semaphore_mem>>) src(%arg8 : memref<10240xf32, #tpu.memory_space<vmem_shared>>) dst(%dma_wait3A_1178 : memref<10240xf32, #tpu.memory_space<hbm>>)
        tpu.yield
      }) : () -> ()
    } else {
    }
    return
  }
}

#map = affine_map<(d0, d1) -> (0, 0)>
#map1 = affine_map<(d0, d1) -> (0, 0, 0, 0)>
#map2 = affine_map<(d0, d1) -> (0, 0, 0)>
module attributes {stable_mosaic.version = 14 : i64} {
  func.func @_sc_scatter(%arg0: i32, %arg1: i32, %arg2: memref<10000x128xf32, #tpu.memory_space<hbm>>, %arg3: memref<32x10x8x128xi32, #tpu.memory_space<hbm>>, %arg4: memref<32x10x8x128xi32, #tpu.memory_space<hbm>>, %arg5: memref<640x128xf32, #tpu.memory_space<hbm>>, %arg6: memref<2x10240x128xf32, #tpu.memory_space<hbm>>, %arg7: memref<8x128xi32, #tpu.memory_space<vmem>>, %arg8: memref<8x128xi32, #tpu.memory_space<vmem>>, %arg9: memref<8x128xi32, #tpu.memory_space<vmem>>, %arg10: memref<8x128xi32, #tpu.memory_space<vmem>>, %arg11: memref<128x128xf32, #tpu.memory_space<vmem>>, %arg12: memref<128x128xf32, #tpu.memory_space<vmem>>, %arg13: memref<10240x128xf32, #tpu.memory_space<vmem_shared>>, %arg14: memref<!tpu.dma_semaphore, #tpu.memory_space<semaphore_mem>>, %arg15: memref<!tpu.dma_semaphore, #tpu.memory_space<semaphore_mem>>, %arg16: memref<!tpu.dma_semaphore, #tpu.memory_space<semaphore_mem>>) attributes {dimension_semantics = [#tpu.dimension_semantics<core_parallel>, #tpu.dimension_semantics<subcore_parallel>], iteration_bounds = array<i64: 2, 16>, scalar_prefetch = 0 : i64, scratch_operands = 10 : i64, tpu.core_type = #tpu.core_type<sc_vector_subcore>, window_params = [{transform_indices = #map}, {transform_indices = #map1}, {transform_indices = #map1}, {transform_indices = #map}, {transform_indices = #map2}]} {
    %mul3A = arith.constant 16 : i32
    %mul3A_0 = arith.muli %arg0, %mul3A : i32
    %add3A = arith.addi %mul3A_0, %arg1 : i32
    %mul3A_1 = arith.constant 640 : i32
    %mul3A_2 = arith.muli %arg1, %mul3A_1 : i32
    %multiple_of3A = tpu.assume_multiple %mul3A_2, 8 : i32
    %run_scoped3A = arith.constant 0 : i32
    "tpu.region"() ({
      %run_scoped3A_16 = tpu.sem_alloc : memref<!tpu.dma_semaphore, #tpu.memory_space<semaphore_mem>>
      %dma_start3A_17 = arith.constant 0 : i32
      %dma_start3A_18 = arith.constant 0 : i32
      %dma_start3A_19 = tpu.memref_slice %arg3[%add3A, %run_scoped3A, %dma_start3A_17, %dma_start3A_18] : memref<32x10x8x128xi32, #tpu.memory_space<hbm>> -> memref<1x1x8x128xi32, #tpu.memory_space<hbm>>
      %dma_start3A_20 = tpu.memref_squeeze %dma_start3A_19 : memref<1x1x8x128xi32, #tpu.memory_space<hbm>> -> memref<8x128xi32, #tpu.memory_space<hbm>>
      %dma_start3A_21 = arith.constant 0 : i32
      %dma_start3A_22 = arith.constant 0 : i32
      %dma_start3A_23 = tpu.memref_slice %arg3[%add3A, %run_scoped3A, %dma_start3A_21, %dma_start3A_22] : memref<32x10x8x128xi32, #tpu.memory_space<hbm>> -> memref<1x1x8x128xi32, #tpu.memory_space<hbm>>
      %dma_start3A_24 = tpu.memref_squeeze %dma_start3A_23 : memref<1x1x8x128xi32, #tpu.memory_space<hbm>> -> memref<8x128xi32, #tpu.memory_space<hbm>>
      tpu.enqueue_dma source(%dma_start3A_24 : memref<8x128xi32, #tpu.memory_space<hbm>>) target(%arg7 : memref<8x128xi32, #tpu.memory_space<vmem>>) target_semaphore(%run_scoped3A_16 : memref<!tpu.dma_semaphore, #tpu.memory_space<semaphore_mem>>)
      %dma_wait3A = arith.constant 0 : i32
      %dma_wait3A_25 = arith.constant 0 : i32
      %dma_wait3A_26 = tpu.memref_slice %arg3[%add3A, %run_scoped3A, %dma_wait3A, %dma_wait3A_25] : memref<32x10x8x128xi32, #tpu.memory_space<hbm>> -> memref<1x1x8x128xi32, #tpu.memory_space<hbm>>
      %dma_wait3A_27 = tpu.memref_squeeze %dma_wait3A_26 : memref<1x1x8x128xi32, #tpu.memory_space<hbm>> -> memref<8x128xi32, #tpu.memory_space<hbm>>
      %dma_wait3A_28 = arith.constant 0 : i32
      %dma_wait3A_29 = arith.constant 0 : i32
      %dma_wait3A_30 = tpu.memref_slice %arg3[%add3A, %run_scoped3A, %dma_wait3A_28, %dma_wait3A_29] : memref<32x10x8x128xi32, #tpu.memory_space<hbm>> -> memref<1x1x8x128xi32, #tpu.memory_space<hbm>>
      %dma_wait3A_31 = tpu.memref_squeeze %dma_wait3A_30 : memref<1x1x8x128xi32, #tpu.memory_space<hbm>> -> memref<8x128xi32, #tpu.memory_space<hbm>>
      tpu.wait_dma2 semaphore(%run_scoped3A_16 : memref<!tpu.dma_semaphore, #tpu.memory_space<semaphore_mem>>) src(%dma_wait3A_31 : memref<8x128xi32, #tpu.memory_space<hbm>>) dst(%arg7 : memref<8x128xi32, #tpu.memory_space<vmem>>)
      tpu.yield
    }) : () -> ()
    %run_scoped3A_3 = arith.constant 0 : i32
    "tpu.region"() ({
      %run_scoped3A_16 = tpu.sem_alloc : memref<!tpu.dma_semaphore, #tpu.memory_space<semaphore_mem>>
      %dma_start3A_17 = arith.constant 0 : i32
      %dma_start3A_18 = arith.constant 0 : i32
      %dma_start3A_19 = tpu.memref_slice %arg4[%add3A, %run_scoped3A_3, %dma_start3A_17, %dma_start3A_18] : memref<32x10x8x128xi32, #tpu.memory_space<hbm>> -> memref<1x1x8x128xi32, #tpu.memory_space<hbm>>
      %dma_start3A_20 = tpu.memref_squeeze %dma_start3A_19 : memref<1x1x8x128xi32, #tpu.memory_space<hbm>> -> memref<8x128xi32, #tpu.memory_space<hbm>>
      %dma_start3A_21 = arith.constant 0 : i32
      %dma_start3A_22 = arith.constant 0 : i32
      %dma_start3A_23 = tpu.memref_slice %arg4[%add3A, %run_scoped3A_3, %dma_start3A_21, %dma_start3A_22] : memref<32x10x8x128xi32, #tpu.memory_space<hbm>> -> memref<1x1x8x128xi32, #tpu.memory_space<hbm>>
      %dma_start3A_24 = tpu.memref_squeeze %dma_start3A_23 : memref<1x1x8x128xi32, #tpu.memory_space<hbm>> -> memref<8x128xi32, #tpu.memory_space<hbm>>
      tpu.enqueue_dma source(%dma_start3A_24 : memref<8x128xi32, #tpu.memory_space<hbm>>) target(%arg8 : memref<8x128xi32, #tpu.memory_space<vmem>>) target_semaphore(%run_scoped3A_16 : memref<!tpu.dma_semaphore, #tpu.memory_space<semaphore_mem>>)
      %dma_wait3A = arith.constant 0 : i32
      %dma_wait3A_25 = arith.constant 0 : i32
      %dma_wait3A_26 = tpu.memref_slice %arg4[%add3A, %run_scoped3A_3, %dma_wait3A, %dma_wait3A_25] : memref<32x10x8x128xi32, #tpu.memory_space<hbm>> -> memref<1x1x8x128xi32, #tpu.memory_space<hbm>>
      %dma_wait3A_27 = tpu.memref_squeeze %dma_wait3A_26 : memref<1x1x8x128xi32, #tpu.memory_space<hbm>> -> memref<8x128xi32, #tpu.memory_space<hbm>>
      %dma_wait3A_28 = arith.constant 0 : i32
      %dma_wait3A_29 = arith.constant 0 : i32
      %dma_wait3A_30 = tpu.memref_slice %arg4[%add3A, %run_scoped3A_3, %dma_wait3A_28, %dma_wait3A_29] : memref<32x10x8x128xi32, #tpu.memory_space<hbm>> -> memref<1x1x8x128xi32, #tpu.memory_space<hbm>>
      %dma_wait3A_31 = tpu.memref_squeeze %dma_wait3A_30 : memref<1x1x8x128xi32, #tpu.memory_space<hbm>> -> memref<8x128xi32, #tpu.memory_space<hbm>>
      tpu.wait_dma2 semaphore(%run_scoped3A_16 : memref<!tpu.dma_semaphore, #tpu.memory_space<semaphore_mem>>) src(%dma_wait3A_31 : memref<8x128xi32, #tpu.memory_space<hbm>>) dst(%arg8 : memref<8x128xi32, #tpu.memory_space<vmem>>)
      tpu.yield
    }) : () -> ()
    %dma_start3A = arith.constant 0 : i32
    %dma_start3A_4 = arith.constant 0 : i32
    %dma_start3A_5 = tpu.memref_slice %arg7[%dma_start3A, %dma_start3A_4] : memref<8x128xi32, #tpu.memory_space<vmem>> -> memref<1x128xi32, #tpu.memory_space<vmem>>
    %dma_start3A_6 = tpu.memref_squeeze %dma_start3A_5 : memref<1x128xi32, #tpu.memory_space<vmem>> -> memref<128xi32, #tpu.memory_space<vmem>>
    %dma_start3A_7 = arith.constant 0 : i32
    %dma_start3A_8 = arith.constant 0 : i32
    %dma_start3A_9 = tpu.memref_slice %arg2[%dma_start3A_7, %dma_start3A_8] : memref<10000x128xf32, #tpu.memory_space<hbm>> -> memref<10000x128xf32, #tpu.memory_space<hbm>>
    tpu.enqueue_indirect_dma source(%dma_start3A_9 : memref<10000x128xf32, #tpu.memory_space<hbm>>) target(%arg11 : memref<128x128xf32, #tpu.memory_space<vmem>>) offsets(%dma_start3A_6 : memref<128xi32, #tpu.memory_space<vmem>>) semaphore(%arg14 : memref<!tpu.dma_semaphore, #tpu.memory_space<semaphore_mem>>)
    "tpu.region"() ({
      %run_scoped3A_16 = tpu.sem_alloc : memref<!tpu.dma_semaphore, #tpu.memory_space<semaphore_mem>>
      %dma_start3A_17 = arith.constant 0 : i32
      %dma_start3A_18 = tpu.memref_slice %arg13[%multiple_of3A, %dma_start3A_17] : memref<10240x128xf32, #tpu.memory_space<vmem_shared>> -> memref<640x128xf32, #tpu.memory_space<vmem_shared>>
      tpu.enqueue_dma source(%arg5 : memref<640x128xf32, #tpu.memory_space<hbm>>) target(%dma_start3A_18 : memref<640x128xf32, #tpu.memory_space<vmem_shared>>) target_semaphore(%run_scoped3A_16 : memref<!tpu.dma_semaphore, #tpu.memory_space<semaphore_mem>>)
      %dma_wait3A = arith.constant 0 : i32
      %dma_wait3A_19 = tpu.memref_slice %arg13[%multiple_of3A, %dma_wait3A] : memref<10240x128xf32, #tpu.memory_space<vmem_shared>> -> memref<640x128xf32, #tpu.memory_space<vmem_shared>>
      tpu.wait_dma2 semaphore(%run_scoped3A_16 : memref<!tpu.dma_semaphore, #tpu.memory_space<semaphore_mem>>) src(%arg5 : memref<640x128xf32, #tpu.memory_space<hbm>>) dst(%dma_wait3A_19 : memref<640x128xf32, #tpu.memory_space<vmem_shared>>)
      tpu.yield
    }) : () -> ()
    %barrier3A = arith.constant 0 : index
    tpu.barrier barrier_id(%barrier3A)
    %scan3A = arith.constant 0 : i32
    %scan3A_10 = arith.constant 0 : i32
    %scan3A_11 = arith.constant 5 : i32
    %scan3A_12 = arith.addi %scan3A_10, %scan3A_11 : i32
    %scan3A_13 = arith.constant 1 : i32
    scf.for %scan3A_16 = %scan3A_10 to %scan3A_12 step %scan3A_13  : i32 {
      %mul3A_17 = arith.constant 2 : i32
      %mul3A_18 = arith.muli %scan3A_16, %mul3A_17 : i32
      %add3A_19 = arith.constant 1 : i32
      %add3A_20 = arith.addi %mul3A_18, %add3A_19 : i32
      %lt3A = arith.constant 10 : i32
      %lt3A_21 = arith.cmpi slt, %add3A_20, %lt3A : i32
      %convert_element_type3A = arith.extui %lt3A_21 : i1 to i32
      %cond3A = arith.constant 0 : i32
      %cond3A_22 = arith.cmpi ne, %convert_element_type3A, %cond3A : i32
      scf.if %cond3A_22 {
        %add3A_44 = arith.constant 1 : i32
        %add3A_45 = arith.addi %mul3A_18, %add3A_44 : i32
        %dma_start3A_46 = arith.constant 0 : i32
        %dma_start3A_47 = arith.constant 0 : i32
        %dma_start3A_48 = tpu.memref_slice %arg3[%add3A, %add3A_45, %dma_start3A_46, %dma_start3A_47] : memref<32x10x8x128xi32, #tpu.memory_space<hbm>> -> memref<1x1x8x128xi32, #tpu.memory_space<hbm>>
        %dma_start3A_49 = tpu.memref_squeeze %dma_start3A_48 : memref<1x1x8x128xi32, #tpu.memory_space<hbm>> -> memref<8x128xi32, #tpu.memory_space<hbm>>
        %dma_start3A_50 = arith.constant 0 : i32
        %dma_start3A_51 = arith.constant 0 : i32
        %dma_start3A_52 = tpu.memref_slice %arg3[%add3A, %add3A_45, %dma_start3A_50, %dma_start3A_51] : memref<32x10x8x128xi32, #tpu.memory_space<hbm>> -> memref<1x1x8x128xi32, #tpu.memory_space<hbm>>
        %dma_start3A_53 = tpu.memref_squeeze %dma_start3A_52 : memref<1x1x8x128xi32, #tpu.memory_space<hbm>> -> memref<8x128xi32, #tpu.memory_space<hbm>>
        tpu.enqueue_dma source(%dma_start3A_53 : memref<8x128xi32, #tpu.memory_space<hbm>>) target(%arg9 : memref<8x128xi32, #tpu.memory_space<vmem>>) target_semaphore(%arg16 : memref<!tpu.dma_semaphore, #tpu.memory_space<semaphore_mem>>)
        %add3A_54 = arith.constant 1 : i32
        %add3A_55 = arith.addi %mul3A_18, %add3A_54 : i32
        %dma_start3A_56 = arith.constant 0 : i32
        %dma_start3A_57 = arith.constant 0 : i32
        %dma_start3A_58 = tpu.memref_slice %arg4[%add3A, %add3A_55, %dma_start3A_56, %dma_start3A_57] : memref<32x10x8x128xi32, #tpu.memory_space<hbm>> -> memref<1x1x8x128xi32, #tpu.memory_space<hbm>>
        %dma_start3A_59 = tpu.memref_squeeze %dma_start3A_58 : memref<1x1x8x128xi32, #tpu.memory_space<hbm>> -> memref<8x128xi32, #tpu.memory_space<hbm>>
        %dma_start3A_60 = arith.constant 0 : i32
        %dma_start3A_61 = arith.constant 0 : i32
        %dma_start3A_62 = tpu.memref_slice %arg4[%add3A, %add3A_55, %dma_start3A_60, %dma_start3A_61] : memref<32x10x8x128xi32, #tpu.memory_space<hbm>> -> memref<1x1x8x128xi32, #tpu.memory_space<hbm>>
        %dma_start3A_63 = tpu.memref_squeeze %dma_start3A_62 : memref<1x1x8x128xi32, #tpu.memory_space<hbm>> -> memref<8x128xi32, #tpu.memory_space<hbm>>
        tpu.enqueue_dma source(%dma_start3A_63 : memref<8x128xi32, #tpu.memory_space<hbm>>) target(%arg10 : memref<8x128xi32, #tpu.memory_space<vmem>>) target_semaphore(%arg16 : memref<!tpu.dma_semaphore, #tpu.memory_space<semaphore_mem>>)
      } else {
      }
      %scan3A_23 = arith.constant 0 : i32
      %scan3A_24 = arith.constant 0 : i32
      %scan3A_25 = arith.constant 4 : i32
      %scan3A_26 = arith.addi %scan3A_24, %scan3A_25 : i32
      %scan3A_27 = arith.constant 1 : i32
      scf.for %scan3A_44 = %scan3A_24 to %scan3A_26 step %scan3A_27  : i32 {
        %mul3A_45 = arith.constant 2 : i32
        %mul3A_46 = arith.muli %scan3A_44, %mul3A_45 : i32
        %add3A_47 = arith.constant 1 : i32
        %add3A_48 = arith.addi %mul3A_46, %add3A_47 : i32
        %dma_start3A_49 = arith.constant 0 : i32
        %dma_start3A_50 = tpu.memref_slice %arg7[%add3A_48, %dma_start3A_49] : memref<8x128xi32, #tpu.memory_space<vmem>> -> memref<1x128xi32, #tpu.memory_space<vmem>>
        %dma_start3A_51 = tpu.memref_squeeze %dma_start3A_50 : memref<1x128xi32, #tpu.memory_space<vmem>> -> memref<128xi32, #tpu.memory_space<vmem>>
        %dma_start3A_52 = arith.constant 0 : i32
        %dma_start3A_53 = arith.constant 0 : i32
        %dma_start3A_54 = tpu.memref_slice %arg2[%dma_start3A_52, %dma_start3A_53] : memref<10000x128xf32, #tpu.memory_space<hbm>> -> memref<10000x128xf32, #tpu.memory_space<hbm>>
        tpu.enqueue_indirect_dma source(%dma_start3A_54 : memref<10000x128xf32, #tpu.memory_space<hbm>>) target(%arg12 : memref<128x128xf32, #tpu.memory_space<vmem>>) offsets(%dma_start3A_51 : memref<128xi32, #tpu.memory_space<vmem>>) semaphore(%arg15 : memref<!tpu.dma_semaphore, #tpu.memory_space<semaphore_mem>>)
        %dma_wait3A = arith.constant 0 : i32
        %dma_wait3A_55 = tpu.memref_slice %arg7[%mul3A_46, %dma_wait3A] : memref<8x128xi32, #tpu.memory_space<vmem>> -> memref<1x128xi32, #tpu.memory_space<vmem>>
        %dma_wait3A_56 = tpu.memref_squeeze %dma_wait3A_55 : memref<1x128xi32, #tpu.memory_space<vmem>> -> memref<128xi32, #tpu.memory_space<vmem>>
        %dma_wait3A_57 = arith.constant 0 : i32
        %dma_wait3A_58 = arith.constant 0 : i32
        %dma_wait3A_59 = tpu.memref_slice %arg2[%dma_wait3A_57, %dma_wait3A_58] : memref<10000x128xf32, #tpu.memory_space<hbm>> -> memref<10000x128xf32, #tpu.memory_space<hbm>>
        tpu.wait_indirect_dma semaphore(%arg14 : memref<!tpu.dma_semaphore, #tpu.memory_space<semaphore_mem>>) src(%dma_wait3A_59 : memref<10000x128xf32, #tpu.memory_space<hbm>>) dst(%arg11 : memref<128x128xf32, #tpu.memory_space<vmem>>)
        "tpu.region"() ({
          %run_scoped3A_85 = tpu.sem_alloc : memref<!tpu.dma_semaphore, #tpu.memory_space<semaphore_mem>>
          %dma_start3A_86 = arith.constant 0 : i32
          %dma_start3A_87 = tpu.memref_slice %arg8[%mul3A_46, %dma_start3A_86] : memref<8x128xi32, #tpu.memory_space<vmem>> -> memref<1x128xi32, #tpu.memory_space<vmem>>
          %dma_start3A_88 = tpu.memref_squeeze %dma_start3A_87 : memref<1x128xi32, #tpu.memory_space<vmem>> -> memref<128xi32, #tpu.memory_space<vmem>>
          %dma_start3A_89 = arith.constant 0 : i32
          %dma_start3A_90 = arith.constant 0 : i32
          %dma_start3A_91 = tpu.memref_slice %arg13[%dma_start3A_89, %dma_start3A_90] : memref<10240x128xf32, #tpu.memory_space<vmem_shared>> -> memref<10240x128xf32, #tpu.memory_space<vmem_shared>>
          tpu.enqueue_indirect_dma source(%arg11 : memref<128x128xf32, #tpu.memory_space<vmem>>) target(%dma_start3A_91 : memref<10240x128xf32, #tpu.memory_space<vmem_shared>>) offsets(%dma_start3A_88 : memref<128xi32, #tpu.memory_space<vmem>>) semaphore(%run_scoped3A_85 : memref<!tpu.dma_semaphore, #tpu.memory_space<semaphore_mem>>) {add = true}
          %dma_wait3A_92 = arith.constant 0 : i32
          %dma_wait3A_93 = tpu.memref_slice %arg8[%mul3A_46, %dma_wait3A_92] : memref<8x128xi32, #tpu.memory_space<vmem>> -> memref<1x128xi32, #tpu.memory_space<vmem>>
          %dma_wait3A_94 = tpu.memref_squeeze %dma_wait3A_93 : memref<1x128xi32, #tpu.memory_space<vmem>> -> memref<128xi32, #tpu.memory_space<vmem>>
          %dma_wait3A_95 = arith.constant 0 : i32
          %dma_wait3A_96 = arith.constant 0 : i32
          %dma_wait3A_97 = tpu.memref_slice %arg13[%dma_wait3A_95, %dma_wait3A_96] : memref<10240x128xf32, #tpu.memory_space<vmem_shared>> -> memref<10240x128xf32, #tpu.memory_space<vmem_shared>>
          tpu.wait_indirect_dma semaphore(%run_scoped3A_85 : memref<!tpu.dma_semaphore, #tpu.memory_space<semaphore_mem>>) src(%arg11 : memref<128x128xf32, #tpu.memory_space<vmem>>) dst(%dma_wait3A_97 : memref<10240x128xf32, #tpu.memory_space<vmem_shared>>)
          tpu.yield
        }) : () -> ()
        %add3A_60 = arith.constant 2 : i32
        %add3A_61 = arith.addi %mul3A_46, %add3A_60 : i32
        %lt3A_62 = arith.constant 8 : i32
        %lt3A_63 = arith.cmpi slt, %add3A_61, %lt3A_62 : i32
        %convert_element_type3A_64 = arith.extui %lt3A_63 : i1 to i32
        %cond3A_65 = arith.constant 0 : i32
        %cond3A_66 = arith.cmpi ne, %convert_element_type3A_64, %cond3A_65 : i32
        scf.if %cond3A_66 {
          %add3A_85 = arith.constant 2 : i32
          %add3A_86 = arith.addi %mul3A_46, %add3A_85 : i32
          %dma_start3A_87 = arith.constant 0 : i32
          %dma_start3A_88 = tpu.memref_slice %arg7[%add3A_86, %dma_start3A_87] : memref<8x128xi32, #tpu.memory_space<vmem>> -> memref<1x128xi32, #tpu.memory_space<vmem>>
          %dma_start3A_89 = tpu.memref_squeeze %dma_start3A_88 : memref<1x128xi32, #tpu.memory_space<vmem>> -> memref<128xi32, #tpu.memory_space<vmem>>
          %dma_start3A_90 = arith.constant 0 : i32
          %dma_start3A_91 = arith.constant 0 : i32
          %dma_start3A_92 = tpu.memref_slice %arg2[%dma_start3A_90, %dma_start3A_91] : memref<10000x128xf32, #tpu.memory_space<hbm>> -> memref<10000x128xf32, #tpu.memory_space<hbm>>
          tpu.enqueue_indirect_dma source(%dma_start3A_92 : memref<10000x128xf32, #tpu.memory_space<hbm>>) target(%arg11 : memref<128x128xf32, #tpu.memory_space<vmem>>) offsets(%dma_start3A_89 : memref<128xi32, #tpu.memory_space<vmem>>) semaphore(%arg14 : memref<!tpu.dma_semaphore, #tpu.memory_space<semaphore_mem>>)
        } else {
        }
        %eq3A = arith.constant 3 : i32
        %eq3A_67 = arith.cmpi eq, %scan3A_44, %eq3A : i32
        %add3A_68 = arith.constant 1 : i32
        %add3A_69 = arith.addi %mul3A_18, %add3A_68 : i32
        %lt3A_70 = arith.constant 10 : i32
        %lt3A_71 = arith.cmpi slt, %add3A_69, %lt3A_70 : i32
        %and3A = arith.andi %eq3A_67, %lt3A_71 : i1
        %convert_element_type3A_72 = arith.extui %and3A : i1 to i32
        %cond3A_73 = arith.constant 0 : i32
        %cond3A_74 = arith.cmpi ne, %convert_element_type3A_72, %cond3A_73 : i32
        scf.if %cond3A_74 {
          %add3A_85 = arith.constant 1 : i32
          %add3A_86 = arith.addi %mul3A_18, %add3A_85 : i32
          %dma_wait3A_87 = arith.constant 0 : i32
          %dma_wait3A_88 = arith.constant 0 : i32
          %dma_wait3A_89 = tpu.memref_slice %arg3[%add3A, %add3A_86, %dma_wait3A_87, %dma_wait3A_88] : memref<32x10x8x128xi32, #tpu.memory_space<hbm>> -> memref<1x1x8x128xi32, #tpu.memory_space<hbm>>
          %dma_wait3A_90 = tpu.memref_squeeze %dma_wait3A_89 : memref<1x1x8x128xi32, #tpu.memory_space<hbm>> -> memref<8x128xi32, #tpu.memory_space<hbm>>
          %dma_wait3A_91 = arith.constant 0 : i32
          %dma_wait3A_92 = arith.constant 0 : i32
          %dma_wait3A_93 = tpu.memref_slice %arg3[%add3A, %add3A_86, %dma_wait3A_91, %dma_wait3A_92] : memref<32x10x8x128xi32, #tpu.memory_space<hbm>> -> memref<1x1x8x128xi32, #tpu.memory_space<hbm>>
          %dma_wait3A_94 = tpu.memref_squeeze %dma_wait3A_93 : memref<1x1x8x128xi32, #tpu.memory_space<hbm>> -> memref<8x128xi32, #tpu.memory_space<hbm>>
          tpu.wait_dma2 semaphore(%arg16 : memref<!tpu.dma_semaphore, #tpu.memory_space<semaphore_mem>>) src(%dma_wait3A_94 : memref<8x128xi32, #tpu.memory_space<hbm>>) dst(%arg9 : memref<8x128xi32, #tpu.memory_space<vmem>>)
          %add3A_95 = arith.constant 1 : i32
          %add3A_96 = arith.addi %mul3A_18, %add3A_95 : i32
          %dma_wait3A_97 = arith.constant 0 : i32
          %dma_wait3A_98 = arith.constant 0 : i32
          %dma_wait3A_99 = tpu.memref_slice %arg4[%add3A, %add3A_96, %dma_wait3A_97, %dma_wait3A_98] : memref<32x10x8x128xi32, #tpu.memory_space<hbm>> -> memref<1x1x8x128xi32, #tpu.memory_space<hbm>>
          %dma_wait3A_100 = tpu.memref_squeeze %dma_wait3A_99 : memref<1x1x8x128xi32, #tpu.memory_space<hbm>> -> memref<8x128xi32, #tpu.memory_space<hbm>>
          %dma_wait3A_101 = arith.constant 0 : i32
          %dma_wait3A_102 = arith.constant 0 : i32
          %dma_wait3A_103 = tpu.memref_slice %arg4[%add3A, %add3A_96, %dma_wait3A_101, %dma_wait3A_102] : memref<32x10x8x128xi32, #tpu.memory_space<hbm>> -> memref<1x1x8x128xi32, #tpu.memory_space<hbm>>
          %dma_wait3A_104 = tpu.memref_squeeze %dma_wait3A_103 : memref<1x1x8x128xi32, #tpu.memory_space<hbm>> -> memref<8x128xi32, #tpu.memory_space<hbm>>
          tpu.wait_dma2 semaphore(%arg16 : memref<!tpu.dma_semaphore, #tpu.memory_space<semaphore_mem>>) src(%dma_wait3A_104 : memref<8x128xi32, #tpu.memory_space<hbm>>) dst(%arg10 : memref<8x128xi32, #tpu.memory_space<vmem>>)
          %dma_start3A_105 = arith.constant 0 : i32
          %dma_start3A_106 = arith.constant 0 : i32
          %dma_start3A_107 = tpu.memref_slice %arg9[%dma_start3A_105, %dma_start3A_106] : memref<8x128xi32, #tpu.memory_space<vmem>> -> memref<1x128xi32, #tpu.memory_space<vmem>>
          %dma_start3A_108 = tpu.memref_squeeze %dma_start3A_107 : memref<1x128xi32, #tpu.memory_space<vmem>> -> memref<128xi32, #tpu.memory_space<vmem>>
          %dma_start3A_109 = arith.constant 0 : i32
          %dma_start3A_110 = arith.constant 0 : i32
          %dma_start3A_111 = tpu.memref_slice %arg2[%dma_start3A_109, %dma_start3A_110] : memref<10000x128xf32, #tpu.memory_space<hbm>> -> memref<10000x128xf32, #tpu.memory_space<hbm>>
          tpu.enqueue_indirect_dma source(%dma_start3A_111 : memref<10000x128xf32, #tpu.memory_space<hbm>>) target(%arg11 : memref<128x128xf32, #tpu.memory_space<vmem>>) offsets(%dma_start3A_108 : memref<128xi32, #tpu.memory_space<vmem>>) semaphore(%arg14 : memref<!tpu.dma_semaphore, #tpu.memory_space<semaphore_mem>>)
        } else {
        }
        %add3A_75 = arith.constant 1 : i32
        %add3A_76 = arith.addi %mul3A_46, %add3A_75 : i32
        %dma_wait3A_77 = arith.constant 0 : i32
        %dma_wait3A_78 = tpu.memref_slice %arg7[%add3A_76, %dma_wait3A_77] : memref<8x128xi32, #tpu.memory_space<vmem>> -> memref<1x128xi32, #tpu.memory_space<vmem>>
        %dma_wait3A_79 = tpu.memref_squeeze %dma_wait3A_78 : memref<1x128xi32, #tpu.memory_space<vmem>> -> memref<128xi32, #tpu.memory_space<vmem>>
        %dma_wait3A_80 = arith.constant 0 : i32
        %dma_wait3A_81 = arith.constant 0 : i32
        %dma_wait3A_82 = tpu.memref_slice %arg2[%dma_wait3A_80, %dma_wait3A_81] : memref<10000x128xf32, #tpu.memory_space<hbm>> -> memref<10000x128xf32, #tpu.memory_space<hbm>>
        tpu.wait_indirect_dma semaphore(%arg15 : memref<!tpu.dma_semaphore, #tpu.memory_space<semaphore_mem>>) src(%dma_wait3A_82 : memref<10000x128xf32, #tpu.memory_space<hbm>>) dst(%arg12 : memref<128x128xf32, #tpu.memory_space<vmem>>)
        %add3A_83 = arith.constant 1 : i32
        %add3A_84 = arith.addi %mul3A_46, %add3A_83 : i32
        "tpu.region"() ({
          %run_scoped3A_85 = tpu.sem_alloc : memref<!tpu.dma_semaphore, #tpu.memory_space<semaphore_mem>>
          %dma_start3A_86 = arith.constant 0 : i32
          %dma_start3A_87 = tpu.memref_slice %arg8[%add3A_84, %dma_start3A_86] : memref<8x128xi32, #tpu.memory_space<vmem>> -> memref<1x128xi32, #tpu.memory_space<vmem>>
          %dma_start3A_88 = tpu.memref_squeeze %dma_start3A_87 : memref<1x128xi32, #tpu.memory_space<vmem>> -> memref<128xi32, #tpu.memory_space<vmem>>
          %dma_start3A_89 = arith.constant 0 : i32
          %dma_start3A_90 = arith.constant 0 : i32
          %dma_start3A_91 = tpu.memref_slice %arg13[%dma_start3A_89, %dma_start3A_90] : memref<10240x128xf32, #tpu.memory_space<vmem_shared>> -> memref<10240x128xf32, #tpu.memory_space<vmem_shared>>
          tpu.enqueue_indirect_dma source(%arg12 : memref<128x128xf32, #tpu.memory_space<vmem>>) target(%dma_start3A_91 : memref<10240x128xf32, #tpu.memory_space<vmem_shared>>) offsets(%dma_start3A_88 : memref<128xi32, #tpu.memory_space<vmem>>) semaphore(%run_scoped3A_85 : memref<!tpu.dma_semaphore, #tpu.memory_space<semaphore_mem>>) {add = true}
          %dma_wait3A_92 = arith.constant 0 : i32
          %dma_wait3A_93 = tpu.memref_slice %arg8[%add3A_84, %dma_wait3A_92] : memref<8x128xi32, #tpu.memory_space<vmem>> -> memref<1x128xi32, #tpu.memory_space<vmem>>
          %dma_wait3A_94 = tpu.memref_squeeze %dma_wait3A_93 : memref<1x128xi32, #tpu.memory_space<vmem>> -> memref<128xi32, #tpu.memory_space<vmem>>
          %dma_wait3A_95 = arith.constant 0 : i32
          %dma_wait3A_96 = arith.constant 0 : i32
          %dma_wait3A_97 = tpu.memref_slice %arg13[%dma_wait3A_95, %dma_wait3A_96] : memref<10240x128xf32, #tpu.memory_space<vmem_shared>> -> memref<10240x128xf32, #tpu.memory_space<vmem_shared>>
          tpu.wait_indirect_dma semaphore(%run_scoped3A_85 : memref<!tpu.dma_semaphore, #tpu.memory_space<semaphore_mem>>) src(%arg12 : memref<128x128xf32, #tpu.memory_space<vmem>>) dst(%dma_wait3A_97 : memref<10240x128xf32, #tpu.memory_space<vmem_shared>>)
          tpu.yield
        }) : () -> ()
      }
      %scan3A_28 = arith.constant 4 : i32
      %add3A_29 = arith.constant 1 : i32
      %add3A_30 = arith.addi %mul3A_18, %add3A_29 : i32
      %add3A_31 = arith.constant 1 : i32
      %add3A_32 = arith.addi %add3A_30, %add3A_31 : i32
      %lt3A_33 = arith.constant 10 : i32
      %lt3A_34 = arith.cmpi slt, %add3A_32, %lt3A_33 : i32
      %convert_element_type3A_35 = arith.extui %lt3A_34 : i1 to i32
      %cond3A_36 = arith.constant 0 : i32
      %cond3A_37 = arith.cmpi ne, %convert_element_type3A_35, %cond3A_36 : i32
      scf.if %cond3A_37 {
        %add3A_44 = arith.constant 1 : i32
        %add3A_45 = arith.addi %add3A_30, %add3A_44 : i32
        %dma_start3A_46 = arith.constant 0 : i32
        %dma_start3A_47 = arith.constant 0 : i32
        %dma_start3A_48 = tpu.memref_slice %arg3[%add3A, %add3A_45, %dma_start3A_46, %dma_start3A_47] : memref<32x10x8x128xi32, #tpu.memory_space<hbm>> -> memref<1x1x8x128xi32, #tpu.memory_space<hbm>>
        %dma_start3A_49 = tpu.memref_squeeze %dma_start3A_48 : memref<1x1x8x128xi32, #tpu.memory_space<hbm>> -> memref<8x128xi32, #tpu.memory_space<hbm>>
        %dma_start3A_50 = arith.constant 0 : i32
        %dma_start3A_51 = arith.constant 0 : i32
        %dma_start3A_52 = tpu.memref_slice %arg3[%add3A, %add3A_45, %dma_start3A_50, %dma_start3A_51] : memref<32x10x8x128xi32, #tpu.memory_space<hbm>> -> memref<1x1x8x128xi32, #tpu.memory_space<hbm>>
        %dma_start3A_53 = tpu.memref_squeeze %dma_start3A_52 : memref<1x1x8x128xi32, #tpu.memory_space<hbm>> -> memref<8x128xi32, #tpu.memory_space<hbm>>
        tpu.enqueue_dma source(%dma_start3A_53 : memref<8x128xi32, #tpu.memory_space<hbm>>) target(%arg7 : memref<8x128xi32, #tpu.memory_space<vmem>>) target_semaphore(%arg16 : memref<!tpu.dma_semaphore, #tpu.memory_space<semaphore_mem>>)
        %add3A_54 = arith.constant 1 : i32
        %add3A_55 = arith.addi %add3A_30, %add3A_54 : i32
        %dma_start3A_56 = arith.constant 0 : i32
        %dma_start3A_57 = arith.constant 0 : i32
        %dma_start3A_58 = tpu.memref_slice %arg4[%add3A, %add3A_55, %dma_start3A_56, %dma_start3A_57] : memref<32x10x8x128xi32, #tpu.memory_space<hbm>> -> memref<1x1x8x128xi32, #tpu.memory_space<hbm>>
        %dma_start3A_59 = tpu.memref_squeeze %dma_start3A_58 : memref<1x1x8x128xi32, #tpu.memory_space<hbm>> -> memref<8x128xi32, #tpu.memory_space<hbm>>
        %dma_start3A_60 = arith.constant 0 : i32
        %dma_start3A_61 = arith.constant 0 : i32
        %dma_start3A_62 = tpu.memref_slice %arg4[%add3A, %add3A_55, %dma_start3A_60, %dma_start3A_61] : memref<32x10x8x128xi32, #tpu.memory_space<hbm>> -> memref<1x1x8x128xi32, #tpu.memory_space<hbm>>
        %dma_start3A_63 = tpu.memref_squeeze %dma_start3A_62 : memref<1x1x8x128xi32, #tpu.memory_space<hbm>> -> memref<8x128xi32, #tpu.memory_space<hbm>>
        tpu.enqueue_dma source(%dma_start3A_63 : memref<8x128xi32, #tpu.memory_space<hbm>>) target(%arg8 : memref<8x128xi32, #tpu.memory_space<vmem>>) target_semaphore(%arg16 : memref<!tpu.dma_semaphore, #tpu.memory_space<semaphore_mem>>)
      } else {
      }
      %scan3A_38 = arith.constant 0 : i32
      %scan3A_39 = arith.constant 0 : i32
      %scan3A_40 = arith.constant 4 : i32
      %scan3A_41 = arith.addi %scan3A_39, %scan3A_40 : i32
      %scan3A_42 = arith.constant 1 : i32
      scf.for %scan3A_44 = %scan3A_39 to %scan3A_41 step %scan3A_42  : i32 {
        %mul3A_45 = arith.constant 2 : i32
        %mul3A_46 = arith.muli %scan3A_44, %mul3A_45 : i32
        %add3A_47 = arith.constant 1 : i32
        %add3A_48 = arith.addi %mul3A_46, %add3A_47 : i32
        %dma_start3A_49 = arith.constant 0 : i32
        %dma_start3A_50 = tpu.memref_slice %arg9[%add3A_48, %dma_start3A_49] : memref<8x128xi32, #tpu.memory_space<vmem>> -> memref<1x128xi32, #tpu.memory_space<vmem>>
        %dma_start3A_51 = tpu.memref_squeeze %dma_start3A_50 : memref<1x128xi32, #tpu.memory_space<vmem>> -> memref<128xi32, #tpu.memory_space<vmem>>
        %dma_start3A_52 = arith.constant 0 : i32
        %dma_start3A_53 = arith.constant 0 : i32
        %dma_start3A_54 = tpu.memref_slice %arg2[%dma_start3A_52, %dma_start3A_53] : memref<10000x128xf32, #tpu.memory_space<hbm>> -> memref<10000x128xf32, #tpu.memory_space<hbm>>
        tpu.enqueue_indirect_dma source(%dma_start3A_54 : memref<10000x128xf32, #tpu.memory_space<hbm>>) target(%arg12 : memref<128x128xf32, #tpu.memory_space<vmem>>) offsets(%dma_start3A_51 : memref<128xi32, #tpu.memory_space<vmem>>) semaphore(%arg15 : memref<!tpu.dma_semaphore, #tpu.memory_space<semaphore_mem>>)
        %dma_wait3A = arith.constant 0 : i32
        %dma_wait3A_55 = tpu.memref_slice %arg9[%mul3A_46, %dma_wait3A] : memref<8x128xi32, #tpu.memory_space<vmem>> -> memref<1x128xi32, #tpu.memory_space<vmem>>
        %dma_wait3A_56 = tpu.memref_squeeze %dma_wait3A_55 : memref<1x128xi32, #tpu.memory_space<vmem>> -> memref<128xi32, #tpu.memory_space<vmem>>
        %dma_wait3A_57 = arith.constant 0 : i32
        %dma_wait3A_58 = arith.constant 0 : i32
        %dma_wait3A_59 = tpu.memref_slice %arg2[%dma_wait3A_57, %dma_wait3A_58] : memref<10000x128xf32, #tpu.memory_space<hbm>> -> memref<10000x128xf32, #tpu.memory_space<hbm>>
        tpu.wait_indirect_dma semaphore(%arg14 : memref<!tpu.dma_semaphore, #tpu.memory_space<semaphore_mem>>) src(%dma_wait3A_59 : memref<10000x128xf32, #tpu.memory_space<hbm>>) dst(%arg11 : memref<128x128xf32, #tpu.memory_space<vmem>>)
        "tpu.region"() ({
          %run_scoped3A_85 = tpu.sem_alloc : memref<!tpu.dma_semaphore, #tpu.memory_space<semaphore_mem>>
          %dma_start3A_86 = arith.constant 0 : i32
          %dma_start3A_87 = tpu.memref_slice %arg10[%mul3A_46, %dma_start3A_86] : memref<8x128xi32, #tpu.memory_space<vmem>> -> memref<1x128xi32, #tpu.memory_space<vmem>>
          %dma_start3A_88 = tpu.memref_squeeze %dma_start3A_87 : memref<1x128xi32, #tpu.memory_space<vmem>> -> memref<128xi32, #tpu.memory_space<vmem>>
          %dma_start3A_89 = arith.constant 0 : i32
          %dma_start3A_90 = arith.constant 0 : i32
          %dma_start3A_91 = tpu.memref_slice %arg13[%dma_start3A_89, %dma_start3A_90] : memref<10240x128xf32, #tpu.memory_space<vmem_shared>> -> memref<10240x128xf32, #tpu.memory_space<vmem_shared>>
          tpu.enqueue_indirect_dma source(%arg11 : memref<128x128xf32, #tpu.memory_space<vmem>>) target(%dma_start3A_91 : memref<10240x128xf32, #tpu.memory_space<vmem_shared>>) offsets(%dma_start3A_88 : memref<128xi32, #tpu.memory_space<vmem>>) semaphore(%run_scoped3A_85 : memref<!tpu.dma_semaphore, #tpu.memory_space<semaphore_mem>>) {add = true}
          %dma_wait3A_92 = arith.constant 0 : i32
          %dma_wait3A_93 = tpu.memref_slice %arg10[%mul3A_46, %dma_wait3A_92] : memref<8x128xi32, #tpu.memory_space<vmem>> -> memref<1x128xi32, #tpu.memory_space<vmem>>
          %dma_wait3A_94 = tpu.memref_squeeze %dma_wait3A_93 : memref<1x128xi32, #tpu.memory_space<vmem>> -> memref<128xi32, #tpu.memory_space<vmem>>
          %dma_wait3A_95 = arith.constant 0 : i32
          %dma_wait3A_96 = arith.constant 0 : i32
          %dma_wait3A_97 = tpu.memref_slice %arg13[%dma_wait3A_95, %dma_wait3A_96] : memref<10240x128xf32, #tpu.memory_space<vmem_shared>> -> memref<10240x128xf32, #tpu.memory_space<vmem_shared>>
          tpu.wait_indirect_dma semaphore(%run_scoped3A_85 : memref<!tpu.dma_semaphore, #tpu.memory_space<semaphore_mem>>) src(%arg11 : memref<128x128xf32, #tpu.memory_space<vmem>>) dst(%dma_wait3A_97 : memref<10240x128xf32, #tpu.memory_space<vmem_shared>>)
          tpu.yield
        }) : () -> ()
        %add3A_60 = arith.constant 2 : i32
        %add3A_61 = arith.addi %mul3A_46, %add3A_60 : i32
        %lt3A_62 = arith.constant 8 : i32
        %lt3A_63 = arith.cmpi slt, %add3A_61, %lt3A_62 : i32
        %convert_element_type3A_64 = arith.extui %lt3A_63 : i1 to i32
        %cond3A_65 = arith.constant 0 : i32
        %cond3A_66 = arith.cmpi ne, %convert_element_type3A_64, %cond3A_65 : i32
        scf.if %cond3A_66 {
          %add3A_85 = arith.constant 2 : i32
          %add3A_86 = arith.addi %mul3A_46, %add3A_85 : i32
          %dma_start3A_87 = arith.constant 0 : i32
          %dma_start3A_88 = tpu.memref_slice %arg9[%add3A_86, %dma_start3A_87] : memref<8x128xi32, #tpu.memory_space<vmem>> -> memref<1x128xi32, #tpu.memory_space<vmem>>
          %dma_start3A_89 = tpu.memref_squeeze %dma_start3A_88 : memref<1x128xi32, #tpu.memory_space<vmem>> -> memref<128xi32, #tpu.memory_space<vmem>>
          %dma_start3A_90 = arith.constant 0 : i32
          %dma_start3A_91 = arith.constant 0 : i32
          %dma_start3A_92 = tpu.memref_slice %arg2[%dma_start3A_90, %dma_start3A_91] : memref<10000x128xf32, #tpu.memory_space<hbm>> -> memref<10000x128xf32, #tpu.memory_space<hbm>>
          tpu.enqueue_indirect_dma source(%dma_start3A_92 : memref<10000x128xf32, #tpu.memory_space<hbm>>) target(%arg11 : memref<128x128xf32, #tpu.memory_space<vmem>>) offsets(%dma_start3A_89 : memref<128xi32, #tpu.memory_space<vmem>>) semaphore(%arg14 : memref<!tpu.dma_semaphore, #tpu.memory_space<semaphore_mem>>)
        } else {
        }
        %eq3A = arith.constant 3 : i32
        %eq3A_67 = arith.cmpi eq, %scan3A_44, %eq3A : i32
        %add3A_68 = arith.constant 1 : i32
        %add3A_69 = arith.addi %add3A_30, %add3A_68 : i32
        %lt3A_70 = arith.constant 10 : i32
        %lt3A_71 = arith.cmpi slt, %add3A_69, %lt3A_70 : i32
        %and3A = arith.andi %eq3A_67, %lt3A_71 : i1
        %convert_element_type3A_72 = arith.extui %and3A : i1 to i32
        %cond3A_73 = arith.constant 0 : i32
        %cond3A_74 = arith.cmpi ne, %convert_element_type3A_72, %cond3A_73 : i32
        scf.if %cond3A_74 {
          %add3A_85 = arith.constant 1 : i32
          %add3A_86 = arith.addi %add3A_30, %add3A_85 : i32
          %dma_wait3A_87 = arith.constant 0 : i32
          %dma_wait3A_88 = arith.constant 0 : i32
          %dma_wait3A_89 = tpu.memref_slice %arg3[%add3A, %add3A_86, %dma_wait3A_87, %dma_wait3A_88] : memref<32x10x8x128xi32, #tpu.memory_space<hbm>> -> memref<1x1x8x128xi32, #tpu.memory_space<hbm>>
          %dma_wait3A_90 = tpu.memref_squeeze %dma_wait3A_89 : memref<1x1x8x128xi32, #tpu.memory_space<hbm>> -> memref<8x128xi32, #tpu.memory_space<hbm>>
          %dma_wait3A_91 = arith.constant 0 : i32
          %dma_wait3A_92 = arith.constant 0 : i32
          %dma_wait3A_93 = tpu.memref_slice %arg3[%add3A, %add3A_86, %dma_wait3A_91, %dma_wait3A_92] : memref<32x10x8x128xi32, #tpu.memory_space<hbm>> -> memref<1x1x8x128xi32, #tpu.memory_space<hbm>>
          %dma_wait3A_94 = tpu.memref_squeeze %dma_wait3A_93 : memref<1x1x8x128xi32, #tpu.memory_space<hbm>> -> memref<8x128xi32, #tpu.memory_space<hbm>>
          tpu.wait_dma2 semaphore(%arg16 : memref<!tpu.dma_semaphore, #tpu.memory_space<semaphore_mem>>) src(%dma_wait3A_94 : memref<8x128xi32, #tpu.memory_space<hbm>>) dst(%arg7 : memref<8x128xi32, #tpu.memory_space<vmem>>)
          %add3A_95 = arith.constant 1 : i32
          %add3A_96 = arith.addi %add3A_30, %add3A_95 : i32
          %dma_wait3A_97 = arith.constant 0 : i32
          %dma_wait3A_98 = arith.constant 0 : i32
          %dma_wait3A_99 = tpu.memref_slice %arg4[%add3A, %add3A_96, %dma_wait3A_97, %dma_wait3A_98] : memref<32x10x8x128xi32, #tpu.memory_space<hbm>> -> memref<1x1x8x128xi32, #tpu.memory_space<hbm>>
          %dma_wait3A_100 = tpu.memref_squeeze %dma_wait3A_99 : memref<1x1x8x128xi32, #tpu.memory_space<hbm>> -> memref<8x128xi32, #tpu.memory_space<hbm>>
          %dma_wait3A_101 = arith.constant 0 : i32
          %dma_wait3A_102 = arith.constant 0 : i32
          %dma_wait3A_103 = tpu.memref_slice %arg4[%add3A, %add3A_96, %dma_wait3A_101, %dma_wait3A_102] : memref<32x10x8x128xi32, #tpu.memory_space<hbm>> -> memref<1x1x8x128xi32, #tpu.memory_space<hbm>>
          %dma_wait3A_104 = tpu.memref_squeeze %dma_wait3A_103 : memref<1x1x8x128xi32, #tpu.memory_space<hbm>> -> memref<8x128xi32, #tpu.memory_space<hbm>>
          tpu.wait_dma2 semaphore(%arg16 : memref<!tpu.dma_semaphore, #tpu.memory_space<semaphore_mem>>) src(%dma_wait3A_104 : memref<8x128xi32, #tpu.memory_space<hbm>>) dst(%arg8 : memref<8x128xi32, #tpu.memory_space<vmem>>)
          %dma_start3A_105 = arith.constant 0 : i32
          %dma_start3A_106 = arith.constant 0 : i32
          %dma_start3A_107 = tpu.memref_slice %arg7[%dma_start3A_105, %dma_start3A_106] : memref<8x128xi32, #tpu.memory_space<vmem>> -> memref<1x128xi32, #tpu.memory_space<vmem>>
          %dma_start3A_108 = tpu.memref_squeeze %dma_start3A_107 : memref<1x128xi32, #tpu.memory_space<vmem>> -> memref<128xi32, #tpu.memory_space<vmem>>
          %dma_start3A_109 = arith.constant 0 : i32
          %dma_start3A_110 = arith.constant 0 : i32
          %dma_start3A_111 = tpu.memref_slice %arg2[%dma_start3A_109, %dma_start3A_110] : memref<10000x128xf32, #tpu.memory_space<hbm>> -> memref<10000x128xf32, #tpu.memory_space<hbm>>
          tpu.enqueue_indirect_dma source(%dma_start3A_111 : memref<10000x128xf32, #tpu.memory_space<hbm>>) target(%arg11 : memref<128x128xf32, #tpu.memory_space<vmem>>) offsets(%dma_start3A_108 : memref<128xi32, #tpu.memory_space<vmem>>) semaphore(%arg14 : memref<!tpu.dma_semaphore, #tpu.memory_space<semaphore_mem>>)
        } else {
        }
        %add3A_75 = arith.constant 1 : i32
        %add3A_76 = arith.addi %mul3A_46, %add3A_75 : i32
        %dma_wait3A_77 = arith.constant 0 : i32
        %dma_wait3A_78 = tpu.memref_slice %arg9[%add3A_76, %dma_wait3A_77] : memref<8x128xi32, #tpu.memory_space<vmem>> -> memref<1x128xi32, #tpu.memory_space<vmem>>
        %dma_wait3A_79 = tpu.memref_squeeze %dma_wait3A_78 : memref<1x128xi32, #tpu.memory_space<vmem>> -> memref<128xi32, #tpu.memory_space<vmem>>
        %dma_wait3A_80 = arith.constant 0 : i32
        %dma_wait3A_81 = arith.constant 0 : i32
        %dma_wait3A_82 = tpu.memref_slice %arg2[%dma_wait3A_80, %dma_wait3A_81] : memref<10000x128xf32, #tpu.memory_space<hbm>> -> memref<10000x128xf32, #tpu.memory_space<hbm>>
        tpu.wait_indirect_dma semaphore(%arg15 : memref<!tpu.dma_semaphore, #tpu.memory_space<semaphore_mem>>) src(%dma_wait3A_82 : memref<10000x128xf32, #tpu.memory_space<hbm>>) dst(%arg12 : memref<128x128xf32, #tpu.memory_space<vmem>>)
        %add3A_83 = arith.constant 1 : i32
        %add3A_84 = arith.addi %mul3A_46, %add3A_83 : i32
        "tpu.region"() ({
          %run_scoped3A_85 = tpu.sem_alloc : memref<!tpu.dma_semaphore, #tpu.memory_space<semaphore_mem>>
          %dma_start3A_86 = arith.constant 0 : i32
          %dma_start3A_87 = tpu.memref_slice %arg10[%add3A_84, %dma_start3A_86] : memref<8x128xi32, #tpu.memory_space<vmem>> -> memref<1x128xi32, #tpu.memory_space<vmem>>
          %dma_start3A_88 = tpu.memref_squeeze %dma_start3A_87 : memref<1x128xi32, #tpu.memory_space<vmem>> -> memref<128xi32, #tpu.memory_space<vmem>>
          %dma_start3A_89 = arith.constant 0 : i32
          %dma_start3A_90 = arith.constant 0 : i32
          %dma_start3A_91 = tpu.memref_slice %arg13[%dma_start3A_89, %dma_start3A_90] : memref<10240x128xf32, #tpu.memory_space<vmem_shared>> -> memref<10240x128xf32, #tpu.memory_space<vmem_shared>>
          tpu.enqueue_indirect_dma source(%arg12 : memref<128x128xf32, #tpu.memory_space<vmem>>) target(%dma_start3A_91 : memref<10240x128xf32, #tpu.memory_space<vmem_shared>>) offsets(%dma_start3A_88 : memref<128xi32, #tpu.memory_space<vmem>>) semaphore(%run_scoped3A_85 : memref<!tpu.dma_semaphore, #tpu.memory_space<semaphore_mem>>) {add = true}
          %dma_wait3A_92 = arith.constant 0 : i32
          %dma_wait3A_93 = tpu.memref_slice %arg10[%add3A_84, %dma_wait3A_92] : memref<8x128xi32, #tpu.memory_space<vmem>> -> memref<1x128xi32, #tpu.memory_space<vmem>>
          %dma_wait3A_94 = tpu.memref_squeeze %dma_wait3A_93 : memref<1x128xi32, #tpu.memory_space<vmem>> -> memref<128xi32, #tpu.memory_space<vmem>>
          %dma_wait3A_95 = arith.constant 0 : i32
          %dma_wait3A_96 = arith.constant 0 : i32
          %dma_wait3A_97 = tpu.memref_slice %arg13[%dma_wait3A_95, %dma_wait3A_96] : memref<10240x128xf32, #tpu.memory_space<vmem_shared>> -> memref<10240x128xf32, #tpu.memory_space<vmem_shared>>
          tpu.wait_indirect_dma semaphore(%run_scoped3A_85 : memref<!tpu.dma_semaphore, #tpu.memory_space<semaphore_mem>>) src(%arg12 : memref<128x128xf32, #tpu.memory_space<vmem>>) dst(%dma_wait3A_97 : memref<10240x128xf32, #tpu.memory_space<vmem_shared>>)
          tpu.yield
        }) : () -> ()
      }
      %scan3A_43 = arith.constant 4 : i32
    }
    %scan3A_14 = arith.constant 5 : i32
    %barrier3A_15 = arith.constant 0 : index
    tpu.barrier barrier_id(%barrier3A_15)
    "tpu.region"() ({
      %run_scoped3A_16 = tpu.sem_alloc : memref<!tpu.dma_semaphore, #tpu.memory_space<semaphore_mem>>
      %dma_start3A_17 = arith.constant 0 : i32
      %dma_start3A_18 = tpu.memref_slice %arg6[%arg0, %multiple_of3A, %dma_start3A_17] : memref<2x10240x128xf32, #tpu.memory_space<hbm>> -> memref<1x640x128xf32, #tpu.memory_space<hbm>>
      %dma_start3A_19 = tpu.memref_squeeze %dma_start3A_18 : memref<1x640x128xf32, #tpu.memory_space<hbm>> -> memref<640x128xf32, #tpu.memory_space<hbm>>
      %dma_start3A_20 = arith.constant 0 : i32
      %dma_start3A_21 = tpu.memref_slice %arg13[%multiple_of3A, %dma_start3A_20] : memref<10240x128xf32, #tpu.memory_space<vmem_shared>> -> memref<640x128xf32, #tpu.memory_space<vmem_shared>>
      tpu.enqueue_dma source(%dma_start3A_21 : memref<640x128xf32, #tpu.memory_space<vmem_shared>>) target(%dma_start3A_19 : memref<640x128xf32, #tpu.memory_space<hbm>>) target_semaphore(%run_scoped3A_16 : memref<!tpu.dma_semaphore, #tpu.memory_space<semaphore_mem>>)
      %dma_wait3A = arith.constant 0 : i32
      %dma_wait3A_22 = tpu.memref_slice %arg6[%arg0, %multiple_of3A, %dma_wait3A] : memref<2x10240x128xf32, #tpu.memory_space<hbm>> -> memref<1x640x128xf32, #tpu.memory_space<hbm>>
      %dma_wait3A_23 = tpu.memref_squeeze %dma_wait3A_22 : memref<1x640x128xf32, #tpu.memory_space<hbm>> -> memref<640x128xf32, #tpu.memory_space<hbm>>
      %dma_wait3A_24 = arith.constant 0 : i32
      %dma_wait3A_25 = tpu.memref_slice %arg13[%multiple_of3A, %dma_wait3A_24] : memref<10240x128xf32, #tpu.memory_space<vmem_shared>> -> memref<640x128xf32, #tpu.memory_space<vmem_shared>>
      tpu.wait_dma2 semaphore(%run_scoped3A_16 : memref<!tpu.dma_semaphore, #tpu.memory_space<semaphore_mem>>) src(%dma_wait3A_25 : memref<640x128xf32, #tpu.memory_space<vmem_shared>>) dst(%dma_wait3A_23 : memref<640x128xf32, #tpu.memory_space<hbm>>)
      tpu.yield
    }) : () -> ()
    return
  }
}

module attributes {stable_mosaic.version = 14 : i64} {
  func.func @_f_body(%arg0: i32, %arg1: memref<2x1000x128xf32, #tpu.memory_space<vmem>>, %arg2: memref<1000x128xf32, #tpu.memory_space<vmem>>, %arg3: memref<1000x2xf32, #tpu.memory_space<vmem>>, %arg4: memref<1x128xf32, #tpu.memory_space<vmem>>, %arg5: memref<128x128xf32, #tpu.memory_space<vmem>>, %arg6: memref<1x128xf32, #tpu.memory_space<vmem>>, %arg7: memref<1000x128xf32, #tpu.memory_space<vmem>>) attributes {dimension_semantics = [#tpu.dimension_semantics<arbitrary>], iteration_bounds = array<i64: 10>, scalar_prefetch = 0 : i64, scratch_operands = 0 : i64, tpu.core_type = #tpu.core_type<tc>, window_params = [{transform_indices = @transform_0, window_bounds = array<i64: 2, 1000, 128>}, {transform_indices = @transform_1, window_bounds = array<i64: 1000, 128>}, {transform_indices = @transform_2, window_bounds = array<i64: 1000, 2>}, {pipeline_mode = #tpu.pipeline_mode<synchronous>, transform_indices = @transform_3, window_bounds = array<i64: 1, 128>}, {pipeline_mode = #tpu.pipeline_mode<synchronous>, transform_indices = @transform_4, window_bounds = array<i64: 128, 128>}, {pipeline_mode = #tpu.pipeline_mode<synchronous>, transform_indices = @transform_5, window_bounds = array<i64: 1, 128>}, {transform_indices = @transform_6, window_bounds = array<i64: 1000, 128>}]} {
    %get3A = arith.constant 0 : index
    %get3A_0 = arith.constant 0 : index
    %get3A_1 = arith.constant 0 : index
    %get3A_2 = vector.load %arg1[%get3A, %get3A_0, %get3A_1] : memref<2x1000x128xf32, #tpu.memory_space<vmem>>, vector<1x1000x128xf32>
    %get3A_3 = vector.shape_cast %get3A_2 : vector<1x1000x128xf32> to vector<1000x128xf32>
    %get3A_4 = arith.constant 1 : index
    %get3A_5 = arith.constant 0 : index
    %get3A_6 = arith.constant 0 : index
    %get3A_7 = vector.load %arg1[%get3A_4, %get3A_5, %get3A_6] : memref<2x1000x128xf32, #tpu.memory_space<vmem>>, vector<1x1000x128xf32>
    %get3A_8 = vector.shape_cast %get3A_7 : vector<1x1000x128xf32> to vector<1000x128xf32>
    %add3A = arith.addf %get3A_3, %get3A_8 : vector<1000x128xf32>
    %get3A_9 = arith.constant 0 : index
    %get3A_10 = arith.constant 0 : index
    %get3A_11 = vector.load %arg2[%get3A_9, %get3A_10] : memref<1000x128xf32, #tpu.memory_space<vmem>>, vector<1000x128xf32>
    %add3A_12 = arith.addf %add3A, %get3A_11 : vector<1000x128xf32>
    %get3A_13 = arith.constant 0 : index
    %get3A_14 = arith.constant 0 : index
    %get3A_15 = vector.load %arg3[%get3A_13, %get3A_14] : memref<1000x2xf32, #tpu.memory_space<vmem>>, vector<1000x1xf32>
    %add3A_16 = arith.constant 1.000000e+00 : f32
    %add3A_17 = vector.broadcast %add3A_16 : f32 to vector<1000x1xf32>
    %add3A_18 = arith.addf %add3A_17, %get3A_15 : vector<1000x1xf32>
    %get3A_19 = arith.constant 0 : index
    %get3A_20 = arith.constant 1 : index
    %get3A_21 = vector.load %arg3[%get3A_19, %get3A_20] : memref<1000x2xf32, #tpu.memory_space<vmem>>, vector<1000x1xf32>
    %add3A_22 = arith.addf %add3A_18, %get3A_21 : vector<1000x1xf32>
    %rsqrt3A = math.rsqrt %add3A_22 : vector<1000x1xf32>
    %mul3A = vector.broadcast %rsqrt3A : vector<1000x1xf32> to vector<1000x128xf32>
    %mul3A_23 = arith.mulf %add3A_12, %mul3A : vector<1000x128xf32>
    %get3A_24 = arith.constant 0 : index
    %get3A_25 = arith.constant 0 : index
    %get3A_26 = vector.load %arg4[%get3A_24, %get3A_25] : memref<1x128xf32, #tpu.memory_space<vmem>>, vector<1x128xf32>
    %add3A_27 = vector.broadcast %get3A_26 : vector<1x128xf32> to vector<1000x128xf32>
    %add3A_28 = arith.addf %mul3A_23, %add3A_27 : vector<1000x128xf32>
    %get3A_29 = arith.constant 0 : index
    %get3A_30 = arith.constant 0 : index
    %get3A_31 = vector.load %arg5[%get3A_29, %get3A_30] : memref<128x128xf32, #tpu.memory_space<vmem>>, vector<128x128xf32>
    %dot_general3A = arith.constant dense<0.000000e+00> : vector<1000x128xf32>
    %dot_general3A_32 = tpu.matmul %add3A_28, %get3A_31, %dot_general3A {dimension_numbers = #tpu.dot_dimension_numbers<[1], [1], [0], [0], [0, 0, 1, 0], [], []>, transpose_lhs_hint = false} : vector<1000x128xf32>, vector<128x128xf32>, vector<1000x128xf32> -> vector<1000x128xf32>
    %get3A_33 = arith.constant 0 : index
    %get3A_34 = arith.constant 0 : index
    %get3A_35 = vector.load %arg6[%get3A_33, %get3A_34] : memref<1x128xf32, #tpu.memory_space<vmem>>, vector<1x128xf32>
    %add3A_36 = vector.broadcast %get3A_35 : vector<1x128xf32> to vector<1000x128xf32>
    %add3A_37 = arith.addf %dot_general3A_32, %add3A_36 : vector<1000x128xf32>
    %swap3A = arith.constant 0 : index
    %swap3A_38 = arith.constant 0 : index
    %swap3A_39 = vector.load %arg7[%swap3A, %swap3A_38] : memref<1000x128xf32, #tpu.memory_space<vmem>>, vector<1000x128xf32>
    tpu.vector_store %arg7[%swap3A, %swap3A_38], %add3A_37 {strides = array<i32>} : memref<1000x128xf32, #tpu.memory_space<vmem>>, vector<1000x128xf32>,
    return
  }
  func.func @transform_0(%arg0: i32) -> (i32, i32, i32) {
    %c0_i32 = arith.constant 0 : i32
    %c0_i32_0 = arith.constant 0 : i32
    %c0_i32_1 = arith.constant 0 : i32
    return %c0_i32, %arg0, %c0_i32_0 : i32, i32, i32
  }
  func.func @transform_1(%arg0: i32) -> (i32, i32) {
    %c0_i32 = arith.constant 0 : i32
    %c0_i32_0 = arith.constant 0 : i32
    return %arg0, %c0_i32 : i32, i32
  }
  func.func @transform_2(%arg0: i32) -> (i32, i32) {
    %c0_i32 = arith.constant 0 : i32
    %c0_i32_0 = arith.constant 0 : i32
    return %arg0, %c0_i32 : i32, i32
  }
  func.func @transform_3(%arg0: i32) -> (i32, i32) {
    %c0_i32 = arith.constant 0 : i32
    %c0_i32_0 = arith.constant 0 : i32
    %c0_i32_1 = arith.constant 0 : i32
    return %c0_i32, %c0_i32_0 : i32, i32
  }
  func.func @transform_4(%arg0: i32) -> (i32, i32) {
    %c0_i32 = arith.constant 0 : i32
    %c0_i32_0 = arith.constant 0 : i32
    %c0_i32_1 = arith.constant 0 : i32
    return %c0_i32, %c0_i32_0 : i32, i32
  }
  func.func @transform_5(%arg0: i32) -> (i32, i32) {
    %c0_i32 = arith.constant 0 : i32
    %c0_i32_0 = arith.constant 0 : i32
    %c0_i32_1 = arith.constant 0 : i32
    return %c0_i32, %c0_i32_0 : i32, i32
  }
  func.func @transform_6(%arg0: i32) -> (i32, i32) {
    %c0_i32 = arith.constant 0 : i32
    %c0_i32_0 = arith.constant 0 : i32
    return %arg0, %c0_i32 : i32, i32
  }
}

module attributes {stable_mosaic.version = 14 : i64} {
  func.func @_u_body(%arg0: i32, %arg1: memref<1000x128xf32, #tpu.memory_space<vmem>>, %arg2: memref<128x128xf32, #tpu.memory_space<vmem>>, %arg3: memref<1x128xf32, #tpu.memory_space<vmem>>, %arg4: memref<128x128xf32, #tpu.memory_space<vmem>>, %arg5: memref<1000x2xf32, #tpu.memory_space<vmem>>, %arg6: memref<1000x128xf32, #tpu.memory_space<vmem>>) attributes {dimension_semantics = [#tpu.dimension_semantics<arbitrary>], iteration_bounds = array<i64: 10>, scalar_prefetch = 0 : i64, scratch_operands = 0 : i64, tpu.core_type = #tpu.core_type<tc>, window_params = [{transform_indices = @transform_0, window_bounds = array<i64: 1000, 128>}, {pipeline_mode = #tpu.pipeline_mode<synchronous>, transform_indices = @transform_1, window_bounds = array<i64: 128, 128>}, {pipeline_mode = #tpu.pipeline_mode<synchronous>, transform_indices = @transform_2, window_bounds = array<i64: 1, 128>}, {pipeline_mode = #tpu.pipeline_mode<synchronous>, transform_indices = @transform_3, window_bounds = array<i64: 128, 128>}, {transform_indices = @transform_4, window_bounds = array<i64: 1000, 2>}, {transform_indices = @transform_5, window_bounds = array<i64: 1000, 128>}]} {
    %get3A = arith.constant 0 : index
    %get3A_0 = arith.constant 0 : index
    %get3A_1 = vector.load %arg1[%get3A, %get3A_0] : memref<1000x128xf32, #tpu.memory_space<vmem>>, vector<1000x128xf32>
    %get3A_2 = arith.constant 0 : index
    %get3A_3 = arith.constant 0 : index
    %get3A_4 = vector.load %arg2[%get3A_2, %get3A_3] : memref<128x128xf32, #tpu.memory_space<vmem>>, vector<128x128xf32>
    %dot_general3A = arith.constant dense<0.000000e+00> : vector<1000x128xf32>
    %dot_general3A_5 = tpu.matmul %get3A_1, %get3A_4, %dot_general3A {dimension_numbers = #tpu.dot_dimension_numbers<[1], [1], [0], [0], [0, 0, 1, 0], [], []>, transpose_lhs_hint = false} : vector<1000x128xf32>, vector<128x128xf32>, vector<1000x128xf32> -> vector<1000x128xf32>
    %get3A_6 = arith.constant 0 : index
    %get3A_7 = arith.constant 0 : index
    %get3A_8 = vector.load %arg3[%get3A_6, %get3A_7] : memref<1x128xf32, #tpu.memory_space<vmem>>, vector<1x128xf32>
    %add3A = vector.broadcast %get3A_8 : vector<1x128xf32> to vector<1000x128xf32>
    %add3A_9 = arith.addf %dot_general3A_5, %add3A : vector<1000x128xf32>
    %max3A = arith.constant 0.000000e+00 : f32
    %max3A_10 = vector.broadcast %max3A : f32 to vector<1000x128xf32>
    %max3A_11 = arith.maximumf %add3A_9, %max3A_10 : vector<1000x128xf32>
    %get3A_12 = arith.constant 0 : index
    %get3A_13 = arith.constant 0 : index
    %get3A_14 = vector.load %arg4[%get3A_12, %get3A_13] : memref<128x128xf32, #tpu.memory_space<vmem>>, vector<128x128xf32>
    %dot_general3A_15 = arith.constant dense<0.000000e+00> : vector<1000x128xf32>
    %dot_general3A_16 = tpu.matmul %max3A_11, %get3A_14, %dot_general3A_15 {dimension_numbers = #tpu.dot_dimension_numbers<[1], [1], [0], [0], [0, 0, 1, 0], [], []>, transpose_lhs_hint = false} : vector<1000x128xf32>, vector<128x128xf32>, vector<1000x128xf32> -> vector<1000x128xf32>
    %get3A_17 = arith.constant 0 : index
    %get3A_18 = arith.constant 0 : index
    %get3A_19 = vector.load %arg5[%get3A_17, %get3A_18] : memref<1000x2xf32, #tpu.memory_space<vmem>>, vector<1000x1xf32>
    %add3A_20 = arith.constant 1.000000e+00 : f32
    %add3A_21 = vector.broadcast %add3A_20 : f32 to vector<1000x1xf32>
    %add3A_22 = arith.addf %add3A_21, %get3A_19 : vector<1000x1xf32>
    %get3A_23 = arith.constant 0 : index
    %get3A_24 = arith.constant 1 : index
    %get3A_25 = vector.load %arg5[%get3A_23, %get3A_24] : memref<1000x2xf32, #tpu.memory_space<vmem>>, vector<1000x1xf32>
    %add3A_26 = arith.addf %add3A_22, %get3A_25 : vector<1000x1xf32>
    %rsqrt3A = math.rsqrt %add3A_26 : vector<1000x1xf32>
    %mul3A = vector.broadcast %rsqrt3A : vector<1000x1xf32> to vector<1000x128xf32>
    %mul3A_27 = arith.mulf %dot_general3A_16, %mul3A : vector<1000x128xf32>
    %swap3A = arith.constant 0 : index
    %swap3A_28 = arith.constant 0 : index
    %swap3A_29 = vector.load %arg6[%swap3A, %swap3A_28] : memref<1000x128xf32, #tpu.memory_space<vmem>>, vector<1000x128xf32>
    tpu.vector_store %arg6[%swap3A, %swap3A_28], %mul3A_27 {strides = array<i32>} : memref<1000x128xf32, #tpu.memory_space<vmem>>, vector<1000x128xf32>,
    return
  }
  func.func @transform_0(%arg0: i32) -> (i32, i32) {
    %c0_i32 = arith.constant 0 : i32
    %c0_i32_0 = arith.constant 0 : i32
    return %arg0, %c0_i32 : i32, i32
  }
  func.func @transform_1(%arg0: i32) -> (i32, i32) {
    %c0_i32 = arith.constant 0 : i32
    %c0_i32_0 = arith.constant 0 : i32
    %c0_i32_1 = arith.constant 0 : i32
    return %c0_i32, %c0_i32_0 : i32, i32
  }
  func.func @transform_2(%arg0: i32) -> (i32, i32) {
    %c0_i32 = arith.constant 0 : i32
    %c0_i32_0 = arith.constant 0 : i32
    %c0_i32_1 = arith.constant 0 : i32
    return %c0_i32, %c0_i32_0 : i32, i32
  }
  func.func @transform_3(%arg0: i32) -> (i32, i32) {
    %c0_i32 = arith.constant 0 : i32
    %c0_i32_0 = arith.constant 0 : i32
    %c0_i32_1 = arith.constant 0 : i32
    return %c0_i32, %c0_i32_0 : i32, i32
  }
  func.func @transform_4(%arg0: i32) -> (i32, i32) {
    %c0_i32 = arith.constant 0 : i32
    %c0_i32_0 = arith.constant 0 : i32
    return %arg0, %c0_i32 : i32, i32
  }
  func.func @transform_5(%arg0: i32) -> (i32, i32) {
    %c0_i32 = arith.constant 0 : i32
    %c0_i32_0 = arith.constant 0 : i32
    return %arg0, %c0_i32 : i32, i32
  }
}

</mosaic_0001>

<sc_bundles>
// kernel: kernel.6.cloned.1.call-start
scs
__scs_entry_jumppad:
0x0: {  	(pc) =	sbr.rel $0x88, $3  }
0x1: {  	(tag) =	ssettag $0x0;
	lr =	simm.s32 $0x1  }
0x2: {  	[smem:$0x3F99] =	sst lr;
	_ =	strace $0xD0000000  }
0x3: {  	_ = 	snop  }
0x4: {  	_ = 	snop  }
0x5: {  	_ = 	snop  }
0x6: {  	_ = 	snop  }
0x7: {  	_ = 	snop  }
__scs_overlays_trampoline_lowered:
0x8: {  	[smem:$0x3FA8] =	sst s0  }
0x9: {  	[smem:$0x3FA9] =	sst s1  }
0xa: {  	[smem:$0x3FAA] =	sst s2  }
0xb: {  	[smem:$0x3FAB] =	sst s3  }
0xc: {  	[smem:$0x3FAC] =	sst s4  }
0xd: {  	[smem:$0x3FAD] =	sst s5  }
0xe: {  	[smem:$0x3FAE] =	sst s6  }
0xf: {  	[smem:$0x3FAF] =	sst s7  }
0x10: {  	[smem:$0x3FB0] =	sst s8  }
0x11: {  	[smem:$0x3FB1] =	sst s9;
	s0 =	simm.s32 @!p0 $0x0  }
0x12: {  	s1 =	sld [smem:$0x3F97];
	s0 =	simm.s32 @p0 $0x1  }
0x13: {  	[smem:$0x3FB2] =	sst s0;
	s0 =	simm.s32 @!p1 $0x0  }
0x14: {  	s2 =	sld [smem:$0x3F96];
	s0 =	simm.s32 @p1 $0x1  }
0x15: {  	[smem:$0x3FB3] =	sst s0;
	s0 =	simm.s32 @!p2 $0x0  }
0x16: {  	s3 =	sld [smem:$0x3FDB];
	s0 =	simm.s32 @p2 $0x1  }
0x17: {  	s4 =	simm.s32 $0x1BF5;
	[smem:$0x3FB5] =	sst s0  }
0x18: {  	s0 =	sld [smem:$0x3F98];
	_ =	swait.ge [sflag:s4], $0x0  }
0x19: {  	s7 =	sld [smem:$0x3F99]  }
0x1a: {  	s8 =	sadd.s32 $0xFFFFE003, lr  }
0x1b: {  	s9 =	sadd.s32 $0xFFFFFEF7, lr;
	s5 =	simm.s32 $0xFFFFFFFF;
	p2 =	slt.u32 s8, $0xFFFFF086  }
0x1c: {  	p1 =	slt.u32 s9, $0xF7A;
	s5 =	simm.s32 @!p2 $0x0  }
0x1d: {  	s5 =	simm.s32 @p1 $0x1;
	p0 =	seq.s32 s7, s2  }
0x1e: {  	s7 =	smul.u32 @!p0 $0xF7A, s2;
	p2 =	seq.s32 @!p0 s5, $0x0  }
0x1f: {  	s9 =	smul.u32 $0xF7A, s1;
	s8 =	simm.s32 @!p0 $0x1BF5;
	p2 =	por !p2, p0  }
0x20: {  	[sflag:s8] =	ssyncset.s32 @!p0 $0xFFFFF086;
	s6 =	sadd.s32 @!p0 s3, s7;
	s7 =	simm.s32 @!p0 $0x108  }
0x21: {  	s3 =	sadd.s32 s3, s9;
	s6 =	sadd.s32 @!p0 $0x88, s6;
	s7 =	simm.s32 @p2 $0x1082  }
0x22: {  	[simem:s7], [sflag:s8] =	dma.local @!p0 [hbm:s6], $0xF7A  }
0x23: {  	s9 =	sor.u32 $0xD0000000, s2;
	s6 =	simm.s32 $0x108;
	_ =	swait.ge @!p0 [sflag:s8], $0x0  }
0x24: {  	s3 =	sadd.s32 $0x88, s3;
	s6 =	simm.s32 @!p1 $0x1082;
	[sflag:s4] =	ssyncset.s32 $0xFFFFF086  }
0x25: {  	[simem:s6], [sflag:s4] =	dma.local [hbm:s3], $0xF7A  }
0x26: {  	[smem:$0x3F99] =	sst s1;
	(tag) =	ssettag s2;
	_ =	strace s9  }
0x27: {  	s1 =	sld [smem:$0x3FA9]  }
0x28: {  	s2 =	sld [smem:$0x3FAA]  }
0x29: {  	s4 =	sld [smem:$0x3FAC]  }
0x2a: {  	p0 =	seq.s32 s5, $0x0;
	s5 =	sld [smem:$0x3FAD]  }
0x2b: {  	s6 =	sld [smem:$0x3FAE]  }
0x2c: {  	s7 =	sld [smem:$0x3FAF]  }
0x2d: {  	s3 =	simm.s32 $0x108;
	s8 =	sld [smem:$0x3FB0]  }
0x2e: {  	s3 =	simm.s32 @!p0 $0x1082;
	s9 =	sld [smem:$0x3FB1]  }
0x2f: {  	lr =	sadd.s32 s0, s3;
	s0 =	sld [smem:$0x3FA8]  }
0x30: {  	s3 =	sld [smem:$0x3FAB]  }
0x31: {  	[smem:$0x3FB4] =	sst s10  }
0x32: {  	s10 =	sld [smem:$0x3FB2];
	_ =	sdelay $0x3  }
0x33: {  	p0 =	seq.s32 s10, $0x1;
	s10 =	sld [smem:$0x3FB4];
	_ =	sdelay $0x3  }
0x34: {  	[smem:$0x3FB4] =	sst s10  }
0x35: {  	s10 =	sld [smem:$0x3FB3];
	_ =	sdelay $0x3  }
0x36: {  	p1 =	seq.s32 s10, $0x1;
	s10 =	sld [smem:$0x3FB4];
	_ =	sdelay $0x3  }
0x37: {  	[smem:$0x3FB4] =	sst s10  }
0x38: {  	s10 =	sld [smem:$0x3FB5]  }
0x39: {  	_ = 	snop;
	(pc) =	sbr.ind lr, $3  }
0x3a: {  	_ = 	snop  }
0x3b: {  	_ = 	snop  }
0x3c: {  	p2 =	seq.s32 s10, $0x1;
	s10 =	sld [smem:$0x3FB4]  }
0x3d: {  	_ =	shalt  }
0x3e: {  	_ =	shalt  }
0x3f: {  	_ =	shalt  }
0x40: {  	_ =	shalt  }
0x41: {  	_ =	shalt  }
0x42: {  	_ =	shalt  }
0x43: {  	_ =	shalt  }
0x44: {  	_ =	shalt  }
0x45: {  	_ =	shalt  }
0x46: {  	_ =	shalt  }
0x47: {  	_ =	shalt  }
0x48: {  	_ =	shalt  }
0x49: {  	_ =	shalt  }
0x4a: {  	_ =	shalt  }
0x4b: {  	_ =	shalt  }
0x4c: {  	_ =	shalt  }
0x4d: {  	_ =	shalt  }
0x4e: {  	_ =	shalt  }
0x4f: {  	_ =	shalt  }
0x50: {  	_ =	shalt  }
0x51: {  	_ =	shalt  }
0x52: {  	_ =	shalt  }
0x53: {  	_ =	shalt  }
0x54: {  	_ =	shalt  }
0x55: {  	_ =	shalt  }
0x56: {  	_ =	shalt  }
0x57: {  	_ =	shalt  }
0x58: {  	_ =	shalt  }
0x59: {  	_ =	shalt  }
0x5a: {  	_ =	shalt  }
0x5b: {  	_ =	shalt  }
0x5c: {  	_ =	shalt  }
0x5d: {  	_ =	shalt  }
0x5e: {  	_ =	shalt  }
0x5f: {  	_ =	shalt  }
0x60: {  	_ =	shalt  }
0x61: {  	_ =	shalt  }
0x62: {  	_ =	shalt  }
0x63: {  	_ =	shalt  }
0x64: {  	_ =	shalt  }
0x65: {  	_ =	shalt  }
0x66: {  	_ =	shalt  }
0x67: {  	_ =	shalt  }
0x68: {  	_ =	shalt  }
0x69: {  	_ =	shalt  }
0x6a: {  	_ =	shalt  }
0x6b: {  	_ =	shalt  }
0x6c: {  	_ =	shalt  }
0x6d: {  	_ =	shalt  }
0x6e: {  	_ =	shalt  }
0x6f: {  	_ =	shalt  }
0x70: {  	_ =	shalt  }
0x71: {  	_ =	shalt  }
0x72: {  	_ =	shalt  }
0x73: {  	_ =	shalt  }
0x74: {  	_ =	shalt  }
0x75: {  	_ =	shalt  }
0x76: {  	_ =	shalt  }
0x77: {  	_ =	shalt  }
0x78: {  	_ =	shalt  }
0x79: {  	_ =	shalt  }
0x7a: {  	_ =	shalt  }
0x7b: {  	_ =	shalt  }
0x7c: {  	_ =	shalt  }
0x7d: {  	_ =	shalt  }
0x7e: {  	_ =	shalt  }
0x7f: {  	_ =	shalt  }
0x80: {  	_ =	shalt  }
0x81: {  	_ =	shalt  }
0x82: {  	_ =	shalt  }
0x83: {  	_ =	shalt  }
0x84: {  	_ =	shalt  }
0x85: {  	_ =	shalt  }
0x86: {  	_ =	shalt  }
0x87: {  	_ =	shalt  }
.Lfunc_end0:
.L_simem_size_0:
called_computation_lowered:
.L_overlay_start_0:
0x88: {  	s2 =	sld [smem:$0x3FD9]  }
0x89: {  	s3 =	sld [smem:$0x3FFE];
	_ =	sdelay $0x1  }
0x8a: {  	s1 =	srdreg.scid  }
0x8b: {  	s0 =	sand.u32 $0x1, s1  }
0x8c: {  	s17 =	sshll.u32 s0, $0xA;
	s2 =	sadd.s32 s3, s2  }
0x8d: {  	s2 =	sadd.s32 s2, s17  }
0x8e: {  	[smem:$0x3FC0] =	sst s2  }
0x8f: {  	_ = 	snop  }
0x90: {  	s2 =	sld [smem:$0x3FD0];
	(tm) =	ssettm $0x1  }
0x91: {  	s18 =	sld [smem:$0x3FFB];
	_ =	sdelay $0x3  }
0x92: {  	_ =	strace s18  }
0x93: {  	s3 =	sld [smem:$0x3FFC];
	_ =	sdelay $0x3  }
0x94: {  	_ =	strace s3  }
0x95: {  	s3 =	sld [smem:$0x3FFD];
	_ =	sdelay $0x3  }
0x96: {  	_ =	strace s3  }
0x97: {  	_ =	strace $0x8FFFFFFF  }
0x98: {  	s19 =	sld [smem:$0x3FDB];
	_ =	sdelay $0x1  }
0x99: {  	s4 =	simm.s32 $_scs_section_size  }
0x9a: {  	s5 =	simm.s32 $_size__tile_overlayer_lowered;
	s6 =	simm.s32 $_tile_overlayer_lowered  }
0x9b: {  	s22 =	simm.s32 $0x1BFF;
	s21 =	sshll.u32 s6, $0x1;
	s3 =	sadd.s32 s4, s19  }
0x9c: {  	s7 =	simm.s32 $0x0;
	s20 =	sshll.u32 s5, $0x1;
	s5 =	sadd.s32 s21, s3  }
0x9d: {  	[timem:s7], [sflag:s22] =	dma.local [hbm:s5], s20  }
0x9e: {  	_ =	swait.ge [sflag:s22], s20  }
0x9f: {  	s4 =	ssub.s32 $0x0, s20;
	[sflag:s22] =	ssyncset.done $0x0  }
0xa0: {  	[sflag:s22] =	ssyncadd.s32 s4;
	_ =	sdelay $0x1  }
0xa1: {  	s23 =	simm.s32 $0x1B8B  }
0xa2: {  	_ =	swait.ge [sflag:s23], $0x1  }
0xa3: {  	[sflag:s23] =	ssyncset.done $0x0  }
0xa4: {  	s25 =	simm.s32 $0x1B8E;
	s24 =	sld [smem:$0x3FFE];
	[sflag:s23] =	ssyncadd.s32 $0xFFFFFFFF  }
0xa5: {  	s26 =	simm.s32 $execute0_lowered;
	[smem:$0x3FD2] =	sst s25  }
0xa6: {  	s5 =	sshll.u32 s26, $0x1;
	_ =	strace $0x80000046;
	[dreg:$0x1] =	wrdreg $0xFFFFFFFF  }
0xa7: {  	s28 =	simm.s32 $_size_execute0_lowered;
	s3 =	sadd.s32 s3, s5;
	[dreg:$0x0] =	wrdreg $0x0  }
0xa8: {  	s5 =	sshll.u32 s28, $0x1;
	[dreg:$0x2] =	wrdreg s3  }
0xa9: {  	[dreg:$0x3] =	wrdreg s5  }
0xaa: {  	[dreg:$0x4] =	wrdreg $0xC0  }
0xab: {  	_ =	task [dreg:s7], $0x5FFFF  }
0xac: {  	[dreg:$0x1] =	wrdreg $0xFFFFFFFF  }
0xad: {  	[dreg:$0x0] =	wrdreg $0x60  }
0xae: {  	[dreg:$0x2] =	wrdreg s24  }
0xaf: {  	[dreg:$0x3] =	wrdreg s2  }
0xb0: {  	[dreg:$0x4] =	wrdreg $0x8800  }
0xb1: {  	[dreg:$0x5] =	wrdreg $0x9  }
0xb2: {  	_ =	task.clear_ibuf [dreg:s7], $0x6FFFF;
	_ =	strace $0x90000046  }
0xb3: {  	s29 =	simm.s32 $0x9;
	_ =	strace $0x80000048  }
0xb4: {  	_ =	swait.ge [sflag:s29], $0x1  }
0xb5: {  	[sflag:s29] =	ssyncadd.s32 $0xFFFFFFFF  }
0xb6: {  	_ =	strace $0x90000048  }
0xb7: {  	_ =	sfence  }
0xb8: {  	s30 =	sld [smem:$0x0];
	_ =	sdelay $0x2  }
0xb9: {  	s31 =	sshll.u32 s1, $0xD;
	s1 =	sshrl.u32 s1, $0x2  }
0xba: {  	s3 =	sand.u32 $0x4000, s31;
	s1 =	sadd.s32 s1, s30  }
0xbb: {  	s0 =	sor.u32 s3, s0;
	s1 =	sshll.u32 s1, $0x11  }
0xbc: {  	s0 =	sor.u32 s1, s0  }
0xbd: {  	s0 =	sadd.s32 $0x8F2B, s0  }
0xbe: {  	[sflag:s0] =	ssyncadd.remote.s32 $0x1  }
0xbf: {  	_ =	sfence.sel $0xFFFF  }
0xc0: {  	[dreg:$0x0] =	wrdreg $0xFFFFFFFF;
	(pc) =	sbr.abs _section_cstart, $3  }
0xc1: {  	[dreg:$0x1] =	wrdreg $0xFFFFFFFF  }
0xc2: {  	_ =	task.clear_ibuf [dreg:s7], $0x2FFFF;
	_ =	strace $0x9FFFFFFF  }
0xc3: {  	(tm) =	ssettm $0x7FFFFFFF  }
tec
execute0_lowered:
.L_overlay_start_1:
0x0: {  	(tag) =	ssettag $0x1  }
0x1: {  	s0 =	srdreg.scid  }
0x2: {  	s28 =	sand.u32 $0x1, s0  }
0x3: {  	s0 =	stileid.u32;
	s25 =	sshll.u32 s28, $0x4  }
0x4: {  	s1 =	sor.u32 s0, s25  }
0x5: {  	s4 =	smul.u32 $0x2800, s1  }
0x6: {  	s3 =	rddreg [dreg:$0x0];
	s5 =	smul.u32 $0x280, s0  }
0x7: {  	s26 =	rddreg [dreg:$0x1];
	s2 =	simm.s32 $0x0;
	s4 =	sshrl.u32 s4, $0x3  }
0x8: {  	[smem:$0x7FF] =	sst s2;
	s6 =	sshrl.u32 s5, $0x3;
	s4 =	sadd.s32 s4, s3  }
0x9: {  	s1 =	rddreg [dreg:$0x2];
	s3 =	sadd.s32 s6, s3;
	s13 =	sadd.s32 $0x2200, s4  }
0xa: {  	_ =	strace $0x80000047;
	s3 =	sadd.s32 $0x16200, s3;
	[dreg:$0x4] =	wrdreg s13  }
0xb: {  	s14 =	sadd.s32 $0x2280, s4;
	[dreg:$0x5] =	wrdreg s3  }
0xc: {  	s15 =	sadd.s32 $0x2300, s4;
	[dreg:$0x6] =	wrdreg s14  }
0xd: {  	v0 =	vimm.f32 $1.000000000e+00;
	s16 =	sadd.s32 $0x2380, s4;
	[dreg:$0x7] =	wrdreg s15  }
0xe: {  	[tilespmem:$0x800] =	vst v0;
	s17 =	sadd.s32 $0x2400, s4;
	[dreg:$0x8] =	wrdreg s16  }
0xf: {  	[tilespmem:$0x870] =	vst v0;
	s18 =	sadd.s32 $0x2480, s4;
	[dreg:$0x9] =	wrdreg s17  }
0x10: {  	[tilespmem:$0x860] =	vst v0;
	s19 =	sadd.s32 $0x2500, s4;
	[dreg:$0xa] =	wrdreg s18  }
0x11: {  	[tilespmem:$0x850] =	vst v0;
	s20 =	sadd.s32 $0x2580, s4;
	[dreg:$0xb] =	wrdreg s19  }
0x12: {  	[tilespmem:$0x840] =	vst v0;
	s21 =	sadd.s32 $0x2600, s4;
	[dreg:$0xc] =	wrdreg s20  }
0x13: {  	[tilespmem:$0x830] =	vst v0;
	s22 =	sadd.s32 $0x2680, s4;
	[dreg:$0xd] =	wrdreg s21  }
0x14: {  	[tilespmem:$0x820] =	vst v0;
	[dreg:$0xe] =	wrdreg s22  }
0x15: {  	[tilespmem:$0x810] =	vst v0;
	s3 =	simm.s32 $0x4;
	s6 =	rddreg [dreg:$0x4]  }
0x16: {  	[tilespmem:s2], [sflag:$0x4] =	stream.linear.gather [hbm4b:s6+s2], $0x400, $0x38;
	[tilespmem:$0xB00] =	vst v63  }
0x17: {  	s5 =	sadd.s32 s5, s1;
	_ =	swait.ge [sflag:s3], $0x400  }
0x18: {  	s24 =	sshll.u32 s0, $0x6;
	s5 =	sshrl.u32 s5, $0x3;
	[sflag:s3] =	ssyncset.done $0x0  }
0x19: {  	s4 =	sor.u32 $0x1C04, s24;
	s23 =	rddreg [dreg:$0x5];
	[sflag:s3] =	ssyncadd.s32 $0xFFFFFC00  }
0x1a: {  	[spmem:s5], [sflag:s4] =	dma.local [hbm:s23], $0x50  }
0x1b: {  	_ =	swait.ge [sflag:s3], $0x50  }
0x1c: {  	[sflag:s3] =	ssyncset.done $0x0  }
0x1d: {  	[sflag:s3] =	ssyncadd.s32 $0xFFFFFFB0  }
0x1e: {  	s7 =	simm.s32 $0x800;
	s6 =	simm.s32 $0x80;
	[bflag:$0x0] =	sbarrier.arrive $0xFFFF  }
0x1f: {  	[spmem:s1] =	stream.indirect.scatter.add.f32 [tilespmem:s7], [sflag:$0x1], $0x1, s2, s6, $0xb8;
	[tilespmem:$0xB00] =	vst v63  }
0x20: {  	_ = 	snop  }
0x21: {  	[spmem:s1] =	stream.indirect.scatter.add.f32 [tilespmem:s7], [sflag:$0x1], $0x1, s6, s6, $0xb8;
	[tilespmem:$0xB00] =	vst v63  }
0x22: {  	s8 =	simm.s32 $0x100  }
0x23: {  	[spmem:s1] =	stream.indirect.scatter.add.f32 [tilespmem:s7], [sflag:$0x1], $0x1, s8, s6, $0xb8;
	[tilespmem:$0xB00] =	vst v63  }
0x24: {  	s9 =	simm.s32 $0x180  }
0x25: {  	[spmem:s1] =	stream.indirect.scatter.add.f32 [tilespmem:s7], [sflag:$0x1], $0x1, s9, s6, $0xb8;
	[tilespmem:$0xB00] =	vst v63  }
0x26: {  	s10 =	simm.s32 $0x200  }
0x27: {  	[spmem:s1] =	stream.indirect.scatter.add.f32 [tilespmem:s7], [sflag:$0x1], $0x1, s10, s6, $0xb8;
	[tilespmem:$0xB00] =	vst v63  }
0x28: {  	s11 =	simm.s32 $0x280  }
0x29: {  	[spmem:s1] =	stream.indirect.scatter.add.f32 [tilespmem:s7], [sflag:$0x1], $0x1, s11, s6, $0xb8;
	[tilespmem:$0xB00] =	vst v63  }
0x2a: {  	s12 =	simm.s32 $0x300  }
0x2b: {  	[spmem:s1] =	stream.indirect.scatter.add.f32 [tilespmem:s7], [sflag:$0x1], $0x1, s12, s6, $0xb8;
	[tilespmem:$0xB00] =	vst v63  }
0x2c: {  	s13 =	simm.s32 $0x380  }
0x2d: {  	[spmem:s1] =	stream.indirect.scatter.add.f32 [tilespmem:s7], [sflag:$0x1], $0x1, s13, s6, $0xb8;
	[tilespmem:$0xB00] =	vst v63  }
0x2e: {  	s14 =	simm.s32 $0x400;
	s15 =	simm.s32 $0x3;
	s16 =	rddreg [dreg:$0x6]  }
0x2f: {  	[tilespmem:s14], [sflag:$0x3] =	stream.linear.gather [hbm4b:s16+s2], $0x400, $0x38;
	[tilespmem:$0xB00] =	vst v63  }
0x30: {  	_ =	swait.ge [sflag:s15], $0x400  }
0x31: {  	[sflag:s15] =	ssyncset.done $0x0  }
0x32: {  	[sflag:s15] =	ssyncadd.s32 $0xFFFFFC00  }
0x33: {  	[spmem:s1] =	stream.indirect.scatter.add.f32 [tilespmem:s7], [sflag:$0x2], $0x1, s14, s6, $0xb8;
	[tilespmem:$0xB00] =	vst v63  }
0x34: {  	s16 =	simm.s32 $0x480  }
0x35: {  	[spmem:s1] =	stream.indirect.scatter.add.f32 [tilespmem:s7], [sflag:$0x2], $0x1, s16, s6, $0xb8;
	[tilespmem:$0xB00] =	vst v63  }
0x36: {  	s17 =	simm.s32 $0x500  }
0x37: {  	[spmem:s1] =	stream.indirect.scatter.add.f32 [tilespmem:s7], [sflag:$0x2], $0x1, s17, s6, $0xb8;
	[tilespmem:$0xB00] =	vst v63  }
0x38: {  	s18 =	simm.s32 $0x580  }
0x39: {  	[spmem:s1] =	stream.indirect.scatter.add.f32 [tilespmem:s7], [sflag:$0x2], $0x1, s18, s6, $0xb8;
	[tilespmem:$0xB00] =	vst v63  }
0x3a: {  	s19 =	simm.s32 $0x600  }
0x3b: {  	[spmem:s1] =	stream.indirect.scatter.add.f32 [tilespmem:s7], [sflag:$0x2], $0x1, s19, s6, $0xb8;
	[tilespmem:$0xB00] =	vst v63  }
0x3c: {  	s20 =	simm.s32 $0x680  }
0x3d: {  	[spmem:s1] =	stream.indirect.scatter.add.f32 [tilespmem:s7], [sflag:$0x2], $0x1, s20, s6, $0xb8;
	[tilespmem:$0xB00] =	vst v63  }
0x3e: {  	s21 =	simm.s32 $0x700  }
0x3f: {  	[spmem:s1] =	stream.indirect.scatter.add.f32 [tilespmem:s7], [sflag:$0x2], $0x1, s21, s6, $0xb8;
	[tilespmem:$0xB00] =	vst v63  }
0x40: {  	s22 =	simm.s32 $0x780;
	s23 =	simm.s32 $0x1  }
0x41: {  	[spmem:s1] =	stream.indirect.scatter.add.f32 [tilespmem:s7], [sflag:$0x2], $0x1, s22, s6, $0xb8;
	[tilespmem:$0xB00] =	vst v63  }
0x42: {  	_ =	swait.ge [sflag:s23], $0x80  }
0x43: {  	[sflag:s23] =	ssyncset.done $0x0  }
0x44: {  	[sflag:s23] =	ssyncadd.s32 $0xFFFFFF80  }
0x45: {  	_ =	swait.ge [sflag:s23], $0x80  }
0x46: {  	[sflag:s23] =	ssyncset.done $0x0  }
0x47: {  	[sflag:s23] =	ssyncadd.s32 $0xFFFFFF80  }
0x48: {  	_ =	swait.ge [sflag:s23], $0x80  }
0x49: {  	[sflag:s23] =	ssyncset.done $0x0  }
0x4a: {  	[sflag:s23] =	ssyncadd.s32 $0xFFFFFF80  }
0x4b: {  	_ =	swait.ge [sflag:s23], $0x80  }
0x4c: {  	[sflag:s23] =	ssyncset.done $0x0  }
0x4d: {  	[sflag:s23] =	ssyncadd.s32 $0xFFFFFF80  }
0x4e: {  	_ =	swait.ge [sflag:s23], $0x80  }
0x4f: {  	[sflag:s23] =	ssyncset.done $0x0  }
0x50: {  	[sflag:s23] =	ssyncadd.s32 $0xFFFFFF80  }
0x51: {  	_ =	swait.ge [sflag:s23], $0x80  }
0x52: {  	[sflag:s23] =	ssyncset.done $0x0  }
0x53: {  	[sflag:s23] =	ssyncadd.s32 $0xFFFFFF80  }
0x54: {  	_ =	swait.ge [sflag:s23], $0x80  }
0x55: {  	[sflag:s23] =	ssyncset.done $0x0  }
0x56: {  	[sflag:s23] =	ssyncadd.s32 $0xFFFFFF80  }
0x57: {  	_ =	swait.ge [sflag:s23], $0x80  }
0x58: {  	[sflag:s23] =	ssyncset.done $0x0  }
0x59: {  	s24 =	rddreg [dreg:$0x7];
	[sflag:s23] =	ssyncadd.s32 $0xFFFFFF80  }
0x5a: {  	[tilespmem:s2], [sflag:$0x3] =	stream.linear.gather [hbm4b:s24+s2], $0x400, $0x38;
	[tilespmem:$0xB00] =	vst v63  }
0x5b: {  	_ =	swait.ge [sflag:s15], $0x400  }
0x5c: {  	[sflag:s15] =	ssyncset.done $0x0  }
0x5d: {  	[sflag:s15] =	ssyncadd.s32 $0xFFFFFC00  }
0x5e: {  	[spmem:s1] =	stream.indirect.scatter.add.f32 [tilespmem:s7], [sflag:$0x1], $0x1, s2, s6, $0xb8;
	[tilespmem:$0xB00] =	vst v63  }
0x5f: {  	_ = 	snop  }
0x60: {  	[spmem:s1] =	stream.indirect.scatter.add.f32 [tilespmem:s7], [sflag:$0x1], $0x1, s6, s6, $0xb8;
	[tilespmem:$0xB00] =	vst v63  }
0x61: {  	_ = 	snop  }
0x62: {  	[spmem:s1] =	stream.indirect.scatter.add.f32 [tilespmem:s7], [sflag:$0x1], $0x1, s8, s6, $0xb8;
	[tilespmem:$0xB00] =	vst v63  }
0x63: {  	_ = 	snop  }
0x64: {  	[spmem:s1] =	stream.indirect.scatter.add.f32 [tilespmem:s7], [sflag:$0x1], $0x1, s9, s6, $0xb8;
	[tilespmem:$0xB00] =	vst v63  }
0x65: {  	_ = 	snop  }
0x66: {  	[spmem:s1] =	stream.indirect.scatter.add.f32 [tilespmem:s7], [sflag:$0x1], $0x1, s10, s6, $0xb8;
	[tilespmem:$0xB00] =	vst v63  }
0x67: {  	_ = 	snop  }
0x68: {  	[spmem:s1] =	stream.indirect.scatter.add.f32 [tilespmem:s7], [sflag:$0x1], $0x1, s11, s6, $0xb8;
	[tilespmem:$0xB00] =	vst v63  }
0x69: {  	_ = 	snop  }
0x6a: {  	[spmem:s1] =	stream.indirect.scatter.add.f32 [tilespmem:s7], [sflag:$0x1], $0x1, s12, s6, $0xb8;
	[tilespmem:$0xB00] =	vst v63  }
0x6b: {  	s24 =	simm.s32 $0x2  }
0x6c: {  	[spmem:s1] =	stream.indirect.scatter.add.f32 [tilespmem:s7], [sflag:$0x1], $0x1, s13, s6, $0xb8;
	[tilespmem:$0xB00] =	vst v63  }
0x6d: {  	_ =	swait.ge [sflag:s24], $0x80  }
0x6e: {  	[sflag:s24] =	ssyncset.done $0x0  }
0x6f: {  	[sflag:s24] =	ssyncadd.s32 $0xFFFFFF80  }
0x70: {  	_ =	swait.ge [sflag:s24], $0x80  }
0x71: {  	[sflag:s24] =	ssyncset.done $0x0  }
0x72: {  	[sflag:s24] =	ssyncadd.s32 $0xFFFFFF80  }
0x73: {  	_ =	swait.ge [sflag:s24], $0x80  }
0x74: {  	[sflag:s24] =	ssyncset.done $0x0  }
0x75: {  	[sflag:s24] =	ssyncadd.s32 $0xFFFFFF80  }
0x76: {  	_ =	swait.ge [sflag:s24], $0x80  }
0x77: {  	[sflag:s24] =	ssyncset.done $0x0  }
0x78: {  	[sflag:s24] =	ssyncadd.s32 $0xFFFFFF80  }
0x79: {  	_ =	swait.ge [sflag:s24], $0x80  }
0x7a: {  	[sflag:s24] =	ssyncset.done $0x0  }
0x7b: {  	[sflag:s24] =	ssyncadd.s32 $0xFFFFFF80  }
0x7c: {  	_ =	swait.ge [sflag:s24], $0x80  }
0x7d: {  	[sflag:s24] =	ssyncset.done $0x0  }
0x7e: {  	[sflag:s24] =	ssyncadd.s32 $0xFFFFFF80  }
0x7f: {  	_ =	swait.ge [sflag:s24], $0x80  }
0x80: {  	[sflag:s24] =	ssyncset.done $0x0  }
0x81: {  	[sflag:s24] =	ssyncadd.s32 $0xFFFFFF80  }
0x82: {  	_ =	swait.ge [sflag:s24], $0x80  }
0x83: {  	[sflag:s24] =	ssyncset.done $0x0  }
0x84: {  	s29 =	rddreg [dreg:$0x8];
	[sflag:s24] =	ssyncadd.s32 $0xFFFFFF80  }
0x85: {  	[tilespmem:s14], [sflag:$0x3] =	stream.linear.gather [hbm4b:s29+s2], $0x400, $0x38;
	[tilespmem:$0xB00] =	vst v63  }
0x86: {  	_ =	swait.ge [sflag:s15], $0x400  }
0x87: {  	[sflag:s15] =	ssyncset.done $0x0  }
0x88: {  	[sflag:s15] =	ssyncadd.s32 $0xFFFFFC00  }
0x89: {  	[spmem:s1] =	stream.indirect.scatter.add.f32 [tilespmem:s7], [sflag:$0x2], $0x1, s14, s6, $0xb8;
	[tilespmem:$0xB00] =	vst v63  }
0x8a: {  	_ = 	snop  }
0x8b: {  	[spmem:s1] =	stream.indirect.scatter.add.f32 [tilespmem:s7], [sflag:$0x2], $0x1, s16, s6, $0xb8;
	[tilespmem:$0xB00] =	vst v63  }
0x8c: {  	_ = 	snop  }
0x8d: {  	[spmem:s1] =	stream.indirect.scatter.add.f32 [tilespmem:s7], [sflag:$0x2], $0x1, s17, s6, $0xb8;
	[tilespmem:$0xB00] =	vst v63  }
0x8e: {  	_ = 	snop  }
0x8f: {  	[spmem:s1] =	stream.indirect.scatter.add.f32 [tilespmem:s7], [sflag:$0x2], $0x1, s18, s6, $0xb8;
	[tilespmem:$0xB00] =	vst v63  }
0x90: {  	_ = 	snop  }
0x91: {  	[spmem:s1] =	stream.indirect.scatter.add.f32 [tilespmem:s7], [sflag:$0x2], $0x1, s19, s6, $0xb8;
	[tilespmem:$0xB00] =	vst v63  }
0x92: {  	_ = 	snop  }
0x93: {  	[spmem:s1] =	stream.indirect.scatter.add.f32 [tilespmem:s7], [sflag:$0x2], $0x1, s20, s6, $0xb8;
	[tilespmem:$0xB00] =	vst v63  }
0x94: {  	_ = 	snop  }
0x95: {  	[spmem:s1] =	stream.indirect.scatter.add.f32 [tilespmem:s7], [sflag:$0x2], $0x1, s21, s6, $0xb8;
	[tilespmem:$0xB00] =	vst v63  }
0x96: {  	_ = 	snop  }
0x97: {  	[spmem:s1] =	stream.indirect.scatter.add.f32 [tilespmem:s7], [sflag:$0x2], $0x1, s22, s6, $0xb8;
	[tilespmem:$0xB00] =	vst v63  }
0x98: {  	_ =	swait.ge [sflag:s23], $0x80  }
0x99: {  	[sflag:s23] =	ssyncset.done $0x0  }
0x9a: {  	[sflag:s23] =	ssyncadd.s32 $0xFFFFFF80  }
0x9b: {  	_ =	swait.ge [sflag:s23], $0x80  }
0x9c: {  	[sflag:s23] =	ssyncset.done $0x0  }
0x9d: {  	[sflag:s23] =	ssyncadd.s32 $0xFFFFFF80  }
0x9e: {  	_ =	swait.ge [sflag:s23], $0x80  }
0x9f: {  	[sflag:s23] =	ssyncset.done $0x0  }
0xa0: {  	[sflag:s23] =	ssyncadd.s32 $0xFFFFFF80  }
0xa1: {  	_ =	swait.ge [sflag:s23], $0x80  }
0xa2: {  	[sflag:s23] =	ssyncset.done $0x0  }
0xa3: {  	[sflag:s23] =	ssyncadd.s32 $0xFFFFFF80  }
0xa4: {  	_ =	swait.ge [sflag:s23], $0x80  }
0xa5: {  	[sflag:s23] =	ssyncset.done $0x0  }
0xa6: {  	[sflag:s23] =	ssyncadd.s32 $0xFFFFFF80  }
0xa7: {  	_ =	swait.ge [sflag:s23], $0x80  }
0xa8: {  	[sflag:s23] =	ssyncset.done $0x0  }
0xa9: {  	[sflag:s23] =	ssyncadd.s32 $0xFFFFFF80  }
0xaa: {  	_ =	swait.ge [sflag:s23], $0x80  }
0xab: {  	[sflag:s23] =	ssyncset.done $0x0  }
0xac: {  	[sflag:s23] =	ssyncadd.s32 $0xFFFFFF80  }
0xad: {  	_ =	swait.ge [sflag:s23], $0x80  }
0xae: {  	[sflag:s23] =	ssyncset.done $0x0  }
0xaf: {  	s29 =	rddreg [dreg:$0x9];
	[sflag:s23] =	ssyncadd.s32 $0xFFFFFF80  }
0xb0: {  	[tilespmem:s2], [sflag:$0x3] =	stream.linear.gather [hbm4b:s29+s2], $0x400, $0x38;
	[tilespmem:$0xB00] =	vst v63  }
0xb1: {  	_ =	swait.ge [sflag:s15], $0x400  }
0xb2: {  	[sflag:s15] =	ssyncset.done $0x0  }
0xb3: {  	[sflag:s15] =	ssyncadd.s32 $0xFFFFFC00  }
0xb4: {  	[spmem:s1] =	stream.indirect.scatter.add.f32 [tilespmem:s7], [sflag:$0x1], $0x1, s2, s6, $0xb8;
	[tilespmem:$0xB00] =	vst v63  }
0xb5: {  	_ = 	snop  }
0xb6: {  	[spmem:s1] =	stream.indirect.scatter.add.f32 [tilespmem:s7], [sflag:$0x1], $0x1, s6, s6, $0xb8;
	[tilespmem:$0xB00] =	vst v63  }
0xb7: {  	_ = 	snop  }
0xb8: {  	[spmem:s1] =	stream.indirect.scatter.add.f32 [tilespmem:s7], [sflag:$0x1], $0x1, s8, s6, $0xb8;
	[tilespmem:$0xB00] =	vst v63  }
0xb9: {  	_ = 	snop  }
0xba: {  	[spmem:s1] =	stream.indirect.scatter.add.f32 [tilespmem:s7], [sflag:$0x1], $0x1, s9, s6, $0xb8;
	[tilespmem:$0xB00] =	vst v63  }
0xbb: {  	_ = 	snop  }
0xbc: {  	[spmem:s1] =	stream.indirect.scatter.add.f32 [tilespmem:s7], [sflag:$0x1], $0x1, s10, s6, $0xb8;
	[tilespmem:$0xB00] =	vst v63  }
0xbd: {  	_ = 	snop  }
0xbe: {  	[spmem:s1] =	stream.indirect.scatter.add.f32 [tilespmem:s7], [sflag:$0x1], $0x1, s11, s6, $0xb8;
	[tilespmem:$0xB00] =	vst v63  }
0xbf: {  	_ = 	snop  }
0xc0: {  	[spmem:s1] =	stream.indirect.scatter.add.f32 [tilespmem:s7], [sflag:$0x1], $0x1, s12, s6, $0xb8;
	[tilespmem:$0xB00] =	vst v63  }
0xc1: {  	_ = 	snop  }
0xc2: {  	[spmem:s1] =	stream.indirect.scatter.add.f32 [tilespmem:s7], [sflag:$0x1], $0x1, s13, s6, $0xb8;
	[tilespmem:$0xB00] =	vst v63  }
0xc3: {  	_ =	swait.ge [sflag:s24], $0x80  }
0xc4: {  	[sflag:s24] =	ssyncset.done $0x0  }
0xc5: {  	[sflag:s24] =	ssyncadd.s32 $0xFFFFFF80  }
0xc6: {  	_ =	swait.ge [sflag:s24], $0x80  }
0xc7: {  	[sflag:s24] =	ssyncset.done $0x0  }
0xc8: {  	[sflag:s24] =	ssyncadd.s32 $0xFFFFFF80  }
0xc9: {  	_ =	swait.ge [sflag:s24], $0x80  }
0xca: {  	[sflag:s24] =	ssyncset.done $0x0  }
0xcb: {  	[sflag:s24] =	ssyncadd.s32 $0xFFFFFF80  }
0xcc: {  	_ =	swait.ge [sflag:s24], $0x80  }
0xcd: {  	[sflag:s24] =	ssyncset.done $0x0  }
0xce: {  	[sflag:s24] =	ssyncadd.s32 $0xFFFFFF80  }
0xcf: {  	_ =	swait.ge [sflag:s24], $0x80  }
0xd0: {  	[sflag:s24] =	ssyncset.done $0x0  }
0xd1: {  	[sflag:s24] =	ssyncadd.s32 $0xFFFFFF80  }
0xd2: {  	_ =	swait.ge [sflag:s24], $0x80  }
0xd3: {  	[sflag:s24] =	ssyncset.done $0x0  }
0xd4: {  	[sflag:s24] =	ssyncadd.s32 $0xFFFFFF80  }
0xd5: {  	_ =	swait.ge [sflag:s24], $0x80  }
0xd6: {  	[sflag:s24] =	ssyncset.done $0x0  }
0xd7: {  	[sflag:s24] =	ssyncadd.s32 $0xFFFFFF80  }
0xd8: {  	_ =	swait.ge [sflag:s24], $0x80  }
0xd9: {  	[sflag:s24] =	ssyncset.done $0x0  }
0xda: {  	s29 =	rddreg [dreg:$0xa];
	[sflag:s24] =	ssyncadd.s32 $0xFFFFFF80  }
0xdb: {  	[tilespmem:s14], [sflag:$0x3] =	stream.linear.gather [hbm4b:s29+s2], $0x400, $0x38;
	[tilespmem:$0xB00] =	vst v63  }
0xdc: {  	_ =	swait.ge [sflag:s15], $0x400  }
0xdd: {  	[sflag:s15] =	ssyncset.done $0x0  }
0xde: {  	[sflag:s15] =	ssyncadd.s32 $0xFFFFFC00  }
0xdf: {  	[spmem:s1] =	stream.indirect.scatter.add.f32 [tilespmem:s7], [sflag:$0x2], $0x1, s14, s6, $0xb8;
	[tilespmem:$0xB00] =	vst v63  }
0xe0: {  	_ = 	snop  }
0xe1: {  	[spmem:s1] =	stream.indirect.scatter.add.f32 [tilespmem:s7], [sflag:$0x2], $0x1, s16, s6, $0xb8;
	[tilespmem:$0xB00] =	vst v63  }
0xe2: {  	_ = 	snop  }
0xe3: {  	[spmem:s1] =	stream.indirect.scatter.add.f32 [tilespmem:s7], [sflag:$0x2], $0x1, s17, s6, $0xb8;
	[tilespmem:$0xB00] =	vst v63  }
0xe4: {  	_ = 	snop  }
0xe5: {  	[spmem:s1] =	stream.indirect.scatter.add.f32 [tilespmem:s7], [sflag:$0x2], $0x1, s18, s6, $0xb8;
	[tilespmem:$0xB00] =	vst v63  }
0xe6: {  	_ = 	snop  }
0xe7: {  	[spmem:s1] =	stream.indirect.scatter.add.f32 [tilespmem:s7], [sflag:$0x2], $0x1, s19, s6, $0xb8;
	[tilespmem:$0xB00] =	vst v63  }
0xe8: {  	_ = 	snop  }
0xe9: {  	[spmem:s1] =	stream.indirect.scatter.add.f32 [tilespmem:s7], [sflag:$0x2], $0x1, s20, s6, $0xb8;
	[tilespmem:$0xB00] =	vst v63  }
0xea: {  	_ = 	snop  }
0xeb: {  	[spmem:s1] =	stream.indirect.scatter.add.f32 [tilespmem:s7], [sflag:$0x2], $0x1, s21, s6, $0xb8;
	[tilespmem:$0xB00] =	vst v63  }
0xec: {  	_ = 	snop  }
0xed: {  	[spmem:s1] =	stream.indirect.scatter.add.f32 [tilespmem:s7], [sflag:$0x2], $0x1, s22, s6, $0xb8;
	[tilespmem:$0xB00] =	vst v63  }
0xee: {  	_ =	swait.ge [sflag:s23], $0x80  }
0xef: {  	[sflag:s23] =	ssyncset.done $0x0  }
0xf0: {  	[sflag:s23] =	ssyncadd.s32 $0xFFFFFF80  }
0xf1: {  	_ =	swait.ge [sflag:s23], $0x80  }
0xf2: {  	[sflag:s23] =	ssyncset.done $0x0  }
0xf3: {  	[sflag:s23] =	ssyncadd.s32 $0xFFFFFF80  }
0xf4: {  	_ =	swait.ge [sflag:s23], $0x80  }
0xf5: {  	[sflag:s23] =	ssyncset.done $0x0  }
0xf6: {  	[sflag:s23] =	ssyncadd.s32 $0xFFFFFF80  }
0xf7: {  	_ =	swait.ge [sflag:s23], $0x80  }
0xf8: {  	[sflag:s23] =	ssyncset.done $0x0  }
0xf9: {  	[sflag:s23] =	ssyncadd.s32 $0xFFFFFF80  }
0xfa: {  	_ =	swait.ge [sflag:s23], $0x80  }
0xfb: {  	[sflag:s23] =	ssyncset.done $0x0  }
0xfc: {  	[sflag:s23] =	ssyncadd.s32 $0xFFFFFF80  }
0xfd: {  	_ =	swait.ge [sflag:s23], $0x80  }
0xfe: {  	[sflag:s23] =	ssyncset.done $0x0  }
0xff: {  	[sflag:s23] =	ssyncadd.s32 $0xFFFFFF80  }
0x100: {  	_ =	swait.ge [sflag:s23], $0x80  }
0x101: {  	[sflag:s23] =	ssyncset.done $0x0  }
0x102: {  	[sflag:s23] =	ssyncadd.s32 $0xFFFFFF80  }
0x103: {  	_ =	swait.ge [sflag:s23], $0x80  }
0x104: {  	[sflag:s23] =	ssyncset.done $0x0  }
0x105: {  	s29 =	rddreg [dreg:$0xb];
	[sflag:s23] =	ssyncadd.s32 $0xFFFFFF80  }
0x106: {  	[tilespmem:s2], [sflag:$0x3] =	stream.linear.gather [hbm4b:s29+s2], $0x400, $0x38;
	[tilespmem:$0xB00] =	vst v63  }
0x107: {  	_ =	swait.ge [sflag:s15], $0x400  }
0x108: {  	[sflag:s15] =	ssyncset.done $0x0  }
0x109: {  	[sflag:s15] =	ssyncadd.s32 $0xFFFFFC00  }
0x10a: {  	[spmem:s1] =	stream.indirect.scatter.add.f32 [tilespmem:s7], [sflag:$0x1], $0x1, s2, s6, $0xb8;
	[tilespmem:$0xB00] =	vst v63  }
0x10b: {  	_ = 	snop  }
0x10c: {  	[spmem:s1] =	stream.indirect.scatter.add.f32 [tilespmem:s7], [sflag:$0x1], $0x1, s6, s6, $0xb8;
	[tilespmem:$0xB00] =	vst v63  }
0x10d: {  	_ = 	snop  }
0x10e: {  	[spmem:s1] =	stream.indirect.scatter.add.f32 [tilespmem:s7], [sflag:$0x1], $0x1, s8, s6, $0xb8;
	[tilespmem:$0xB00] =	vst v63  }
0x10f: {  	_ = 	snop  }
0x110: {  	[spmem:s1] =	stream.indirect.scatter.add.f32 [tilespmem:s7], [sflag:$0x1], $0x1, s9, s6, $0xb8;
	[tilespmem:$0xB00] =	vst v63  }
0x111: {  	_ = 	snop  }
0x112: {  	[spmem:s1] =	stream.indirect.scatter.add.f32 [tilespmem:s7], [sflag:$0x1], $0x1, s10, s6, $0xb8;
	[tilespmem:$0xB00] =	vst v63  }
0x113: {  	_ = 	snop  }
0x114: {  	[spmem:s1] =	stream.indirect.scatter.add.f32 [tilespmem:s7], [sflag:$0x1], $0x1, s11, s6, $0xb8;
	[tilespmem:$0xB00] =	vst v63  }
0x115: {  	_ = 	snop  }
0x116: {  	[spmem:s1] =	stream.indirect.scatter.add.f32 [tilespmem:s7], [sflag:$0x1], $0x1, s12, s6, $0xb8;
	[tilespmem:$0xB00] =	vst v63  }
0x117: {  	_ = 	snop  }
0x118: {  	[spmem:s1] =	stream.indirect.scatter.add.f32 [tilespmem:s7], [sflag:$0x1], $0x1, s13, s6, $0xb8;
	[tilespmem:$0xB00] =	vst v63  }
0x119: {  	_ =	swait.ge [sflag:s24], $0x80  }
0x11a: {  	[sflag:s24] =	ssyncset.done $0x0  }
0x11b: {  	[sflag:s24] =	ssyncadd.s32 $0xFFFFFF80  }
0x11c: {  	_ =	swait.ge [sflag:s24], $0x80  }
0x11d: {  	[sflag:s24] =	ssyncset.done $0x0  }
0x11e: {  	[sflag:s24] =	ssyncadd.s32 $0xFFFFFF80  }
0x11f: {  	_ =	swait.ge [sflag:s24], $0x80  }
0x120: {  	[sflag:s24] =	ssyncset.done $0x0  }
0x121: {  	[sflag:s24] =	ssyncadd.s32 $0xFFFFFF80  }
0x122: {  	_ =	swait.ge [sflag:s24], $0x80  }
0x123: {  	[sflag:s24] =	ssyncset.done $0x0  }
0x124: {  	[sflag:s24] =	ssyncadd.s32 $0xFFFFFF80  }
0x125: {  	_ =	swait.ge [sflag:s24], $0x80  }
0x126: {  	[sflag:s24] =	ssyncset.done $0x0  }
0x127: {  	[sflag:s24] =	ssyncadd.s32 $0xFFFFFF80  }
0x128: {  	_ =	swait.ge [sflag:s24], $0x80  }
0x129: {  	[sflag:s24] =	ssyncset.done $0x0  }
0x12a: {  	[sflag:s24] =	ssyncadd.s32 $0xFFFFFF80  }
0x12b: {  	_ =	swait.ge [sflag:s24], $0x80  }
0x12c: {  	[sflag:s24] =	ssyncset.done $0x0  }
0x12d: {  	[sflag:s24] =	ssyncadd.s32 $0xFFFFFF80  }
0x12e: {  	_ =	swait.ge [sflag:s24], $0x80  }
0x12f: {  	[sflag:s24] =	ssyncset.done $0x0  }
0x130: {  	s29 =	rddreg [dreg:$0xc];
	[sflag:s24] =	ssyncadd.s32 $0xFFFFFF80  }
0x131: {  	[tilespmem:s14], [sflag:$0x3] =	stream.linear.gather [hbm4b:s29+s2], $0x400, $0x38;
	[tilespmem:$0xB00] =	vst v63  }
0x132: {  	_ =	swait.ge [sflag:s15], $0x400  }
0x133: {  	[sflag:s15] =	ssyncset.done $0x0  }
0x134: {  	[sflag:s15] =	ssyncadd.s32 $0xFFFFFC00  }
0x135: {  	[spmem:s1] =	stream.indirect.scatter.add.f32 [tilespmem:s7], [sflag:$0x2], $0x1, s14, s6, $0xb8;
	[tilespmem:$0xB00] =	vst v63  }
0x136: {  	_ = 	snop  }
0x137: {  	[spmem:s1] =	stream.indirect.scatter.add.f32 [tilespmem:s7], [sflag:$0x2], $0x1, s16, s6, $0xb8;
	[tilespmem:$0xB00] =	vst v63  }
0x138: {  	_ = 	snop  }
0x139: {  	[spmem:s1] =	stream.indirect.scatter.add.f32 [tilespmem:s7], [sflag:$0x2], $0x1, s17, s6, $0xb8;
	[tilespmem:$0xB00] =	vst v63  }
0x13a: {  	_ = 	snop  }
0x13b: {  	[spmem:s1] =	stream.indirect.scatter.add.f32 [tilespmem:s7], [sflag:$0x2], $0x1, s18, s6, $0xb8;
	[tilespmem:$0xB00] =	vst v63  }
0x13c: {  	_ = 	snop  }
0x13d: {  	[spmem:s1] =	stream.indirect.scatter.add.f32 [tilespmem:s7], [sflag:$0x2], $0x1, s19, s6, $0xb8;
	[tilespmem:$0xB00] =	vst v63  }
0x13e: {  	_ = 	snop  }
0x13f: {  	[spmem:s1] =	stream.indirect.scatter.add.f32 [tilespmem:s7], [sflag:$0x2], $0x1, s20, s6, $0xb8;
	[tilespmem:$0xB00] =	vst v63  }
0x140: {  	_ = 	snop  }
0x141: {  	[spmem:s1] =	stream.indirect.scatter.add.f32 [tilespmem:s7], [sflag:$0x2], $0x1, s21, s6, $0xb8;
	[tilespmem:$0xB00] =	vst v63  }
0x142: {  	_ = 	snop  }
0x143: {  	[spmem:s1] =	stream.indirect.scatter.add.f32 [tilespmem:s7], [sflag:$0x2], $0x1, s22, s6, $0xb8;
	[tilespmem:$0xB00] =	vst v63  }
0x144: {  	_ =	swait.ge [sflag:s23], $0x80  }
0x145: {  	[sflag:s23] =	ssyncset.done $0x0  }
0x146: {  	[sflag:s23] =	ssyncadd.s32 $0xFFFFFF80  }
0x147: {  	_ =	swait.ge [sflag:s23], $0x80  }
0x148: {  	[sflag:s23] =	ssyncset.done $0x0  }
0x149: {  	[sflag:s23] =	ssyncadd.s32 $0xFFFFFF80  }
0x14a: {  	_ =	swait.ge [sflag:s23], $0x80  }
0x14b: {  	[sflag:s23] =	ssyncset.done $0x0  }
0x14c: {  	[sflag:s23] =	ssyncadd.s32 $0xFFFFFF80  }
0x14d: {  	_ =	swait.ge [sflag:s23], $0x80  }
0x14e: {  	[sflag:s23] =	ssyncset.done $0x0  }
0x14f: {  	[sflag:s23] =	ssyncadd.s32 $0xFFFFFF80  }
0x150: {  	_ =	swait.ge [sflag:s23], $0x80  }
0x151: {  	[sflag:s23] =	ssyncset.done $0x0  }
0x152: {  	[sflag:s23] =	ssyncadd.s32 $0xFFFFFF80  }
0x153: {  	_ =	swait.ge [sflag:s23], $0x80  }
0x154: {  	[sflag:s23] =	ssyncset.done $0x0  }
0x155: {  	[sflag:s23] =	ssyncadd.s32 $0xFFFFFF80  }
0x156: {  	_ =	swait.ge [sflag:s23], $0x80  }
0x157: {  	[sflag:s23] =	ssyncset.done $0x0  }
0x158: {  	[sflag:s23] =	ssyncadd.s32 $0xFFFFFF80  }
0x159: {  	_ =	swait.ge [sflag:s23], $0x80  }
0x15a: {  	[sflag:s23] =	ssyncset.done $0x0  }
0x15b: {  	s29 =	rddreg [dreg:$0xd];
	[sflag:s23] =	ssyncadd.s32 $0xFFFFFF80  }
0x15c: {  	[tilespmem:s2], [sflag:$0x3] =	stream.linear.gather [hbm4b:s29+s2], $0x400, $0x38;
	[tilespmem:$0xB00] =	vst v63  }
0x15d: {  	_ =	swait.ge [sflag:s15], $0x400  }
0x15e: {  	[sflag:s15] =	ssyncset.done $0x0  }
0x15f: {  	[sflag:s15] =	ssyncadd.s32 $0xFFFFFC00  }
0x160: {  	[spmem:s1] =	stream.indirect.scatter.add.f32 [tilespmem:s7], [sflag:$0x1], $0x1, s2, s6, $0xb8;
	[tilespmem:$0xB00] =	vst v63  }
0x161: {  	_ = 	snop  }
0x162: {  	[spmem:s1] =	stream.indirect.scatter.add.f32 [tilespmem:s7], [sflag:$0x1], $0x1, s6, s6, $0xb8;
	[tilespmem:$0xB00] =	vst v63  }
0x163: {  	_ = 	snop  }
0x164: {  	[spmem:s1] =	stream.indirect.scatter.add.f32 [tilespmem:s7], [sflag:$0x1], $0x1, s8, s6, $0xb8;
	[tilespmem:$0xB00] =	vst v63  }
0x165: {  	_ = 	snop  }
0x166: {  	[spmem:s1] =	stream.indirect.scatter.add.f32 [tilespmem:s7], [sflag:$0x1], $0x1, s9, s6, $0xb8;
	[tilespmem:$0xB00] =	vst v63  }
0x167: {  	_ = 	snop  }
0x168: {  	[spmem:s1] =	stream.indirect.scatter.add.f32 [tilespmem:s7], [sflag:$0x1], $0x1, s10, s6, $0xb8;
	[tilespmem:$0xB00] =	vst v63  }
0x169: {  	_ = 	snop  }
0x16a: {  	[spmem:s1] =	stream.indirect.scatter.add.f32 [tilespmem:s7], [sflag:$0x1], $0x1, s11, s6, $0xb8;
	[tilespmem:$0xB00] =	vst v63  }
0x16b: {  	_ = 	snop  }
0x16c: {  	[spmem:s1] =	stream.indirect.scatter.add.f32 [tilespmem:s7], [sflag:$0x1], $0x1, s12, s6, $0xb8;
	[tilespmem:$0xB00] =	vst v63  }
0x16d: {  	_ = 	snop  }
0x16e: {  	[spmem:s1] =	stream.indirect.scatter.add.f32 [tilespmem:s7], [sflag:$0x1], $0x1, s13, s6, $0xb8;
	[tilespmem:$0xB00] =	vst v63  }
0x16f: {  	_ =	swait.ge [sflag:s24], $0x80  }
0x170: {  	[sflag:s24] =	ssyncset.done $0x0  }
0x171: {  	[sflag:s24] =	ssyncadd.s32 $0xFFFFFF80  }
0x172: {  	_ =	swait.ge [sflag:s24], $0x80  }
0x173: {  	[sflag:s24] =	ssyncset.done $0x0  }
0x174: {  	[sflag:s24] =	ssyncadd.s32 $0xFFFFFF80  }
0x175: {  	_ =	swait.ge [sflag:s24], $0x80  }
0x176: {  	[sflag:s24] =	ssyncset.done $0x0  }
0x177: {  	[sflag:s24] =	ssyncadd.s32 $0xFFFFFF80  }
0x178: {  	_ =	swait.ge [sflag:s24], $0x80  }
0x179: {  	[sflag:s24] =	ssyncset.done $0x0  }
0x17a: {  	[sflag:s24] =	ssyncadd.s32 $0xFFFFFF80  }
0x17b: {  	_ =	swait.ge [sflag:s24], $0x80  }
0x17c: {  	[sflag:s24] =	ssyncset.done $0x0  }
0x17d: {  	[sflag:s24] =	ssyncadd.s32 $0xFFFFFF80  }
0x17e: {  	_ =	swait.ge [sflag:s24], $0x80  }
0x17f: {  	[sflag:s24] =	ssyncset.done $0x0  }
0x180: {  	[sflag:s24] =	ssyncadd.s32 $0xFFFFFF80  }
0x181: {  	_ =	swait.ge [sflag:s24], $0x80  }
0x182: {  	[sflag:s24] =	ssyncset.done $0x0  }
0x183: {  	[sflag:s24] =	ssyncadd.s32 $0xFFFFFF80  }
0x184: {  	_ =	swait.ge [sflag:s24], $0x80  }
0x185: {  	[sflag:s24] =	ssyncset.done $0x0  }
0x186: {  	s29 =	rddreg [dreg:$0xe];
	[sflag:s24] =	ssyncadd.s32 $0xFFFFFF80  }
0x187: {  	[tilespmem:s14], [sflag:$0x3] =	stream.linear.gather [hbm4b:s29+s2], $0x400, $0x38;
	[tilespmem:$0xB00] =	vst v63  }
0x188: {  	_ =	swait.ge [sflag:s15], $0x400  }
0x189: {  	[sflag:s15] =	ssyncset.done $0x0  }
0x18a: {  	[sflag:s15] =	ssyncadd.s32 $0xFFFFFC00  }
0x18b: {  	[spmem:s1] =	stream.indirect.scatter.add.f32 [tilespmem:s7], [sflag:$0x2], $0x1, s14, s6, $0xb8;
	[tilespmem:$0xB00] =	vst v63  }
0x18c: {  	_ = 	snop  }
0x18d: {  	[spmem:s1] =	stream.indirect.scatter.add.f32 [tilespmem:s7], [sflag:$0x2], $0x1, s16, s6, $0xb8;
	[tilespmem:$0xB00] =	vst v63  }
0x18e: {  	_ = 	snop  }
0x18f: {  	[spmem:s1] =	stream.indirect.scatter.add.f32 [tilespmem:s7], [sflag:$0x2], $0x1, s17, s6, $0xb8;
	[tilespmem:$0xB00] =	vst v63  }
0x190: {  	_ = 	snop  }
0x191: {  	[spmem:s1] =	stream.indirect.scatter.add.f32 [tilespmem:s7], [sflag:$0x2], $0x1, s18, s6, $0xb8;
	[tilespmem:$0xB00] =	vst v63  }
0x192: {  	_ = 	snop  }
0x193: {  	[spmem:s1] =	stream.indirect.scatter.add.f32 [tilespmem:s7], [sflag:$0x2], $0x1, s19, s6, $0xb8;
	[tilespmem:$0xB00] =	vst v63  }
0x194: {  	_ = 	snop  }
0x195: {  	[spmem:s1] =	stream.indirect.scatter.add.f32 [tilespmem:s7], [sflag:$0x2], $0x1, s20, s6, $0xb8;
	[tilespmem:$0xB00] =	vst v63  }
0x196: {  	_ = 	snop  }
0x197: {  	[spmem:s1] =	stream.indirect.scatter.add.f32 [tilespmem:s7], [sflag:$0x2], $0x1, s21, s6, $0xb8;
	[tilespmem:$0xB00] =	vst v63  }
0x198: {  	_ = 	snop  }
0x199: {  	[spmem:s1] =	stream.indirect.scatter.add.f32 [tilespmem:s7], [sflag:$0x2], $0x1, s22, s6, $0xb8;
	[tilespmem:$0xB00] =	vst v63  }
0x19a: {  	_ =	swait.ge [sflag:s23], $0x80  }
0x19b: {  	[sflag:s23] =	ssyncset.done $0x0  }
0x19c: {  	[sflag:s23] =	ssyncadd.s32 $0xFFFFFF80  }
0x19d: {  	_ =	swait.ge [sflag:s23], $0x80  }
0x19e: {  	[sflag:s23] =	ssyncset.done $0x0  }
0x19f: {  	[sflag:s23] =	ssyncadd.s32 $0xFFFFFF80  }
0x1a0: {  	_ =	swait.ge [sflag:s23], $0x80  }
0x1a1: {  	[sflag:s23] =	ssyncset.done $0x0  }
0x1a2: {  	[sflag:s23] =	ssyncadd.s32 $0xFFFFFF80  }
0x1a3: {  	_ =	swait.ge [sflag:s23], $0x80  }
0x1a4: {  	[sflag:s23] =	ssyncset.done $0x0  }
0x1a5: {  	[sflag:s23] =	ssyncadd.s32 $0xFFFFFF80  }
0x1a6: {  	_ =	swait.ge [sflag:s23], $0x80  }
0x1a7: {  	[sflag:s23] =	ssyncset.done $0x0  }
0x1a8: {  	[sflag:s23] =	ssyncadd.s32 $0xFFFFFF80  }
0x1a9: {  	_ =	swait.ge [sflag:s23], $0x80  }
0x1aa: {  	[sflag:s23] =	ssyncset.done $0x0  }
0x1ab: {  	[sflag:s23] =	ssyncadd.s32 $0xFFFFFF80  }
0x1ac: {  	_ =	swait.ge [sflag:s23], $0x80  }
0x1ad: {  	[sflag:s23] =	ssyncset.done $0x0  }
0x1ae: {  	[sflag:s23] =	ssyncadd.s32 $0xFFFFFF80  }
0x1af: {  	_ =	swait.ge [sflag:s23], $0x80  }
0x1b0: {  	[sflag:s23] =	ssyncset.done $0x0  }
0x1b1: {  	[sflag:s23] =	ssyncadd.s32 $0xFFFFFF80  }
0x1b2: {  	_ =	swait.ge [sflag:s24], $0x80  }
0x1b3: {  	[sflag:s24] =	ssyncset.done $0x0  }
0x1b4: {  	[sflag:s24] =	ssyncadd.s32 $0xFFFFFF80  }
0x1b5: {  	_ =	swait.ge [sflag:s24], $0x80  }
0x1b6: {  	[sflag:s24] =	ssyncset.done $0x0  }
0x1b7: {  	[sflag:s24] =	ssyncadd.s32 $0xFFFFFF80  }
0x1b8: {  	_ =	swait.ge [sflag:s24], $0x80  }
0x1b9: {  	[sflag:s24] =	ssyncset.done $0x0  }
0x1ba: {  	[sflag:s24] =	ssyncadd.s32 $0xFFFFFF80  }
0x1bb: {  	_ =	swait.ge [sflag:s24], $0x80  }
0x1bc: {  	[sflag:s24] =	ssyncset.done $0x0  }
0x1bd: {  	[sflag:s24] =	ssyncadd.s32 $0xFFFFFF80  }
0x1be: {  	_ =	swait.ge [sflag:s24], $0x80  }
0x1bf: {  	[sflag:s24] =	ssyncset.done $0x0  }
0x1c0: {  	[sflag:s24] =	ssyncadd.s32 $0xFFFFFF80  }
0x1c1: {  	_ =	swait.ge [sflag:s24], $0x80  }
0x1c2: {  	[sflag:s24] =	ssyncset.done $0x0  }
0x1c3: {  	[sflag:s24] =	ssyncadd.s32 $0xFFFFFF80  }
0x1c4: {  	s28 =	ssub.s32 $0x2, s28;
	_ =	swait.ge [sflag:s24], $0x80  }
0x1c5: {  	p0 =	sne.s32 s0, $0x0;
	s29 =	sshrl.u32 s28, $0x1;
	[sflag:s24] =	ssyncset.done $0x0  }
0x1c6: {  	s25 =	sadd.s32 s26, s25;
	s28 =	ssub.s32 s28, s29;
	[sflag:s24] =	ssyncadd.s32 $0xFFFFFF80  }
0x1c7: {  	s26 =	simm.s32 @!p0 $0x10;
	s0 =	smax.u32 s28, $0x1;
	_ =	swait.ge [sflag:s24], $0x80  }
0x1c8: {  	s31 =	simm.s32 @!p0 $0x1;
	s0 =	sadd.s32 $0xFFFFFFFF, s0;
	[sflag:s24] =	ssyncset.done $0x0  }
0x1c9: {  	s30 =	sshrl.u32 @!p0 s1, $0x3;
	p1 =	sne.s32 s0, $0x0;
	[sflag:s24] =	ssyncadd.s32 $0xFFFFFF80  }
.Ltmp0:
0x1ca: {  	s29 =	simm.s32 @!p0 $0x20;
	[bflag:$0x0] =	sbarrier.arrive $0xFFFF;
	(pc) =	sbr.rel @!p1 .LBB2_2-.Ltmp0, $4  }
0x1cb: {  	[hbm:s25@s29], [sflag:s4] =	dma.strided @!p0 [spmem:s30@s26], $0x500, s31, $0x10   }
0x1cc: {  	s29 =	simm.s32 @!p0 $0x4  }
0x1cd: {  	_ =	swait.ge @!p0 [sflag:s29], $0x500  }
0x1ce: {  	s28 =	simm.s32 @!p0 $0x20;
	[sflag:s29] =	ssyncset.done @!p0 $0x0  }
.LBB2_1:
0x1cf: {  	[sflag:s29] =	ssyncadd.s32 @!p0 $0xFFFFFB00  }
0x1d0: {  	[tilespmem:$0x800] =	vst v0  }
0x1d1: {  	[tilespmem:$0x870] =	vst v0  }
0x1d2: {  	[tilespmem:$0x860] =	vst v0  }
0x1d3: {  	[tilespmem:$0x850] =	vst v0  }
0x1d4: {  	[tilespmem:$0x840] =	vst v0  }
0x1d5: {  	[tilespmem:$0x830] =	vst v0  }
0x1d6: {  	[tilespmem:$0x820] =	vst v0  }
0x1d7: {  	s26 =	rddreg [dreg:$0x4];
	[tilespmem:$0x810] =	vst v0  }
0x1d8: {  	[tilespmem:s2], [sflag:$0x4] =	stream.linear.gather [hbm4b:s26+s2], $0x400, $0x38;
	[tilespmem:$0xB00] =	vst v63  }
0x1d9: {  	_ =	swait.ge [sflag:s3], $0x400  }
0x1da: {  	[sflag:s3] =	ssyncset.done $0x0  }
0x1db: {  	s26 =	rddreg [dreg:$0x5];
	[sflag:s3] =	ssyncadd.s32 $0xFFFFFC00  }
0x1dc: {  	[spmem:s5], [sflag:s4] =	dma.local [hbm:s26], $0x50  }
0x1dd: {  	_ =	swait.ge [sflag:s3], $0x50  }
0x1de: {  	[sflag:s3] =	ssyncset.done $0x0  }
0x1df: {  	[sflag:s3] =	ssyncadd.s32 $0xFFFFFFB0  }
0x1e0: {  	[bflag:$0x0] =	sbarrier.arrive $0xFFFF  }
0x1e1: {  	[spmem:s1] =	stream.indirect.scatter.add.f32 [tilespmem:s7], [sflag:$0x1], $0x1, s2, s6, $0xb8;
	[tilespmem:$0xB00] =	vst v63  }
0x1e2: {  	_ = 	snop  }
0x1e3: {  	[spmem:s1] =	stream.indirect.scatter.add.f32 [tilespmem:s7], [sflag:$0x1], $0x1, s6, s6, $0xb8;
	[tilespmem:$0xB00] =	vst v63  }
0x1e4: {  	_ = 	snop  }
0x1e5: {  	[spmem:s1] =	stream.indirect.scatter.add.f32 [tilespmem:s7], [sflag:$0x1], $0x1, s8, s6, $0xb8;
	[tilespmem:$0xB00] =	vst v63  }
0x1e6: {  	_ = 	snop  }
0x1e7: {  	[spmem:s1] =	stream.indirect.scatter.add.f32 [tilespmem:s7], [sflag:$0x1], $0x1, s9, s6, $0xb8;
	[tilespmem:$0xB00] =	vst v63  }
0x1e8: {  	_ = 	snop  }
0x1e9: {  	[spmem:s1] =	stream.indirect.scatter.add.f32 [tilespmem:s7], [sflag:$0x1], $0x1, s10, s6, $0xb8;
	[tilespmem:$0xB00] =	vst v63  }
0x1ea: {  	_ = 	snop  }
0x1eb: {  	[spmem:s1] =	stream.indirect.scatter.add.f32 [tilespmem:s7], [sflag:$0x1], $0x1, s11, s6, $0xb8;
	[tilespmem:$0xB00] =	vst v63  }
0x1ec: {  	_ = 	snop  }
0x1ed: {  	[spmem:s1] =	stream.indirect.scatter.add.f32 [tilespmem:s7], [sflag:$0x1], $0x1, s12, s6, $0xb8;
	[tilespmem:$0xB00] =	vst v63  }
0x1ee: {  	_ = 	snop  }
0x1ef: {  	[spmem:s1] =	stream.indirect.scatter.add.f32 [tilespmem:s7], [sflag:$0x1], $0x1, s13, s6, $0xb8;
	[tilespmem:$0xB00] =	vst v63  }
0x1f0: {  	s26 =	rddreg [dreg:$0x6]  }
0x1f1: {  	[tilespmem:s14], [sflag:$0x3] =	stream.linear.gather [hbm4b:s26+s2], $0x400, $0x38;
	[tilespmem:$0xB00] =	vst v63  }
0x1f2: {  	_ =	swait.ge [sflag:s15], $0x400  }
0x1f3: {  	[sflag:s15] =	ssyncset.done $0x0  }
0x1f4: {  	[sflag:s15] =	ssyncadd.s32 $0xFFFFFC00  }
0x1f5: {  	[spmem:s1] =	stream.indirect.scatter.add.f32 [tilespmem:s7], [sflag:$0x2], $0x1, s14, s6, $0xb8;
	[tilespmem:$0xB00] =	vst v63  }
0x1f6: {  	_ = 	snop  }
0x1f7: {  	[spmem:s1] =	stream.indirect.scatter.add.f32 [tilespmem:s7], [sflag:$0x2], $0x1, s16, s6, $0xb8;
	[tilespmem:$0xB00] =	vst v63  }
0x1f8: {  	_ = 	snop  }
0x1f9: {  	[spmem:s1] =	stream.indirect.scatter.add.f32 [tilespmem:s7], [sflag:$0x2], $0x1, s17, s6, $0xb8;
	[tilespmem:$0xB00] =	vst v63  }
0x1fa: {  	_ = 	snop  }
0x1fb: {  	[spmem:s1] =	stream.indirect.scatter.add.f32 [tilespmem:s7], [sflag:$0x2], $0x1, s18, s6, $0xb8;
	[tilespmem:$0xB00] =	vst v63  }
0x1fc: {  	_ = 	snop  }
0x1fd: {  	[spmem:s1] =	stream.indirect.scatter.add.f32 [tilespmem:s7], [sflag:$0x2], $0x1, s19, s6, $0xb8;
	[tilespmem:$0xB00] =	vst v63  }
0x1fe: {  	_ = 	snop  }
0x1ff: {  	[spmem:s1] =	stream.indirect.scatter.add.f32 [tilespmem:s7], [sflag:$0x2], $0x1, s20, s6, $0xb8;
	[tilespmem:$0xB00] =	vst v63  }
0x200: {  	_ = 	snop  }
0x201: {  	[spmem:s1] =	stream.indirect.scatter.add.f32 [tilespmem:s7], [sflag:$0x2], $0x1, s21, s6, $0xb8;
	[tilespmem:$0xB00] =	vst v63  }
0x202: {  	_ = 	snop  }
0x203: {  	[spmem:s1] =	stream.indirect.scatter.add.f32 [tilespmem:s7], [sflag:$0x2], $0x1, s22, s6, $0xb8;
	[tilespmem:$0xB00] =	vst v63  }
0x204: {  	_ =	swait.ge [sflag:s23], $0x80  }
0x205: {  	[sflag:s23] =	ssyncset.done $0x0  }
0x206: {  	[sflag:s23] =	ssyncadd.s32 $0xFFFFFF80  }
0x207: {  	_ =	swait.ge [sflag:s23], $0x80  }
0x208: {  	[sflag:s23] =	ssyncset.done $0x0  }
0x209: {  	[sflag:s23] =	ssyncadd.s32 $0xFFFFFF80  }
0x20a: {  	_ =	swait.ge [sflag:s23], $0x80  }
0x20b: {  	[sflag:s23] =	ssyncset.done $0x0  }
0x20c: {  	[sflag:s23] =	ssyncadd.s32 $0xFFFFFF80  }
0x20d: {  	_ =	swait.ge [sflag:s23], $0x80  }
0x20e: {  	[sflag:s23] =	ssyncset.done $0x0  }
0x20f: {  	[sflag:s23] =	ssyncadd.s32 $0xFFFFFF80  }
0x210: {  	_ =	swait.ge [sflag:s23], $0x80  }
0x211: {  	[sflag:s23] =	ssyncset.done $0x0  }
0x212: {  	[sflag:s23] =	ssyncadd.s32 $0xFFFFFF80  }
0x213: {  	_ =	swait.ge [sflag:s23], $0x80  }
0x214: {  	[sflag:s23] =	ssyncset.done $0x0  }
0x215: {  	[sflag:s23] =	ssyncadd.s32 $0xFFFFFF80  }
0x216: {  	_ =	swait.ge [sflag:s23], $0x80  }
0x217: {  	[sflag:s23] =	ssyncset.done $0x0  }
0x218: {  	[sflag:s23] =	ssyncadd.s32 $0xFFFFFF80  }
0x219: {  	_ =	swait.ge [sflag:s23], $0x80  }
0x21a: {  	[sflag:s23] =	ssyncset.done $0x0  }
0x21b: {  	s26 =	rddreg [dreg:$0x7];
	[sflag:s23] =	ssyncadd.s32 $0xFFFFFF80  }
0x21c: {  	[tilespmem:s2], [sflag:$0x3] =	stream.linear.gather [hbm4b:s26+s2], $0x400, $0x38;
	[tilespmem:$0xB00] =	vst v63  }
0x21d: {  	_ =	swait.ge [sflag:s15], $0x400  }
0x21e: {  	[sflag:s15] =	ssyncset.done $0x0  }
0x21f: {  	[sflag:s15] =	ssyncadd.s32 $0xFFFFFC00  }
0x220: {  	[spmem:s1] =	stream.indirect.scatter.add.f32 [tilespmem:s7], [sflag:$0x1], $0x1, s2, s6, $0xb8;
	[tilespmem:$0xB00] =	vst v63  }
0x221: {  	_ = 	snop  }
0x222: {  	[spmem:s1] =	stream.indirect.scatter.add.f32 [tilespmem:s7], [sflag:$0x1], $0x1, s6, s6, $0xb8;
	[tilespmem:$0xB00] =	vst v63  }
0x223: {  	_ = 	snop  }
0x224: {  	[spmem:s1] =	stream.indirect.scatter.add.f32 [tilespmem:s7], [sflag:$0x1], $0x1, s8, s6, $0xb8;
	[tilespmem:$0xB00] =	vst v63  }
0x225: {  	_ = 	snop  }
0x226: {  	[spmem:s1] =	stream.indirect.scatter.add.f32 [tilespmem:s7], [sflag:$0x1], $0x1, s9, s6, $0xb8;
	[tilespmem:$0xB00] =	vst v63  }
0x227: {  	_ = 	snop  }
0x228: {  	[spmem:s1] =	stream.indirect.scatter.add.f32 [tilespmem:s7], [sflag:$0x1], $0x1, s10, s6, $0xb8;
	[tilespmem:$0xB00] =	vst v63  }
0x229: {  	_ = 	snop  }
0x22a: {  	[spmem:s1] =	stream.indirect.scatter.add.f32 [tilespmem:s7], [sflag:$0x1], $0x1, s11, s6, $0xb8;
	[tilespmem:$0xB00] =	vst v63  }
0x22b: {  	_ = 	snop  }
0x22c: {  	[spmem:s1] =	stream.indirect.scatter.add.f32 [tilespmem:s7], [sflag:$0x1], $0x1, s12, s6, $0xb8;
	[tilespmem:$0xB00] =	vst v63  }
0x22d: {  	_ = 	snop  }
0x22e: {  	[spmem:s1] =	stream.indirect.scatter.add.f32 [tilespmem:s7], [sflag:$0x1], $0x1, s13, s6, $0xb8;
	[tilespmem:$0xB00] =	vst v63  }
0x22f: {  	_ =	swait.ge [sflag:s24], $0x80  }
0x230: {  	[sflag:s24] =	ssyncset.done $0x0  }
0x231: {  	[sflag:s24] =	ssyncadd.s32 $0xFFFFFF80  }
0x232: {  	_ =	swait.ge [sflag:s24], $0x80  }
0x233: {  	[sflag:s24] =	ssyncset.done $0x0  }
0x234: {  	[sflag:s24] =	ssyncadd.s32 $0xFFFFFF80  }
0x235: {  	_ =	swait.ge [sflag:s24], $0x80  }
0x236: {  	[sflag:s24] =	ssyncset.done $0x0  }
0x237: {  	[sflag:s24] =	ssyncadd.s32 $0xFFFFFF80  }
0x238: {  	_ =	swait.ge [sflag:s24], $0x80  }
0x239: {  	[sflag:s24] =	ssyncset.done $0x0  }
0x23a: {  	[sflag:s24] =	ssyncadd.s32 $0xFFFFFF80  }
0x23b: {  	_ =	swait.ge [sflag:s24], $0x80  }
0x23c: {  	[sflag:s24] =	ssyncset.done $0x0  }
0x23d: {  	[sflag:s24] =	ssyncadd.s32 $0xFFFFFF80  }
0x23e: {  	_ =	swait.ge [sflag:s24], $0x80  }
0x23f: {  	[sflag:s24] =	ssyncset.done $0x0  }
0x240: {  	[sflag:s24] =	ssyncadd.s32 $0xFFFFFF80  }
0x241: {  	_ =	swait.ge [sflag:s24], $0x80  }
0x242: {  	[sflag:s24] =	ssyncset.done $0x0  }
0x243: {  	[sflag:s24] =	ssyncadd.s32 $0xFFFFFF80  }
0x244: {  	_ =	swait.ge [sflag:s24], $0x80  }
0x245: {  	[sflag:s24] =	ssyncset.done $0x0  }
0x246: {  	s26 =	rddreg [dreg:$0x8];
	[sflag:s24] =	ssyncadd.s32 $0xFFFFFF80  }
0x247: {  	[tilespmem:s14], [sflag:$0x3] =	stream.linear.gather [hbm4b:s26+s2], $0x400, $0x38;
	[tilespmem:$0xB00] =	vst v63  }
0x248: {  	_ =	swait.ge [sflag:s15], $0x400  }
0x249: {  	[sflag:s15] =	ssyncset.done $0x0  }
0x24a: {  	[sflag:s15] =	ssyncadd.s32 $0xFFFFFC00  }
0x24b: {  	[spmem:s1] =	stream.indirect.scatter.add.f32 [tilespmem:s7], [sflag:$0x2], $0x1, s14, s6, $0xb8;
	[tilespmem:$0xB00] =	vst v63  }
0x24c: {  	_ = 	snop  }
0x24d: {  	[spmem:s1] =	stream.indirect.scatter.add.f32 [tilespmem:s7], [sflag:$0x2], $0x1, s16, s6, $0xb8;
	[tilespmem:$0xB00] =	vst v63  }
0x24e: {  	_ = 	snop  }
0x24f: {  	[spmem:s1] =	stream.indirect.scatter.add.f32 [tilespmem:s7], [sflag:$0x2], $0x1, s17, s6, $0xb8;
	[tilespmem:$0xB00] =	vst v63  }
0x250: {  	_ = 	snop  }
0x251: {  	[spmem:s1] =	stream.indirect.scatter.add.f32 [tilespmem:s7], [sflag:$0x2], $0x1, s18, s6, $0xb8;
	[tilespmem:$0xB00] =	vst v63  }
0x252: {  	_ = 	snop  }
0x253: {  	[spmem:s1] =	stream.indirect.scatter.add.f32 [tilespmem:s7], [sflag:$0x2], $0x1, s19, s6, $0xb8;
	[tilespmem:$0xB00] =	vst v63  }
0x254: {  	_ = 	snop  }
0x255: {  	[spmem:s1] =	stream.indirect.scatter.add.f32 [tilespmem:s7], [sflag:$0x2], $0x1, s20, s6, $0xb8;
	[tilespmem:$0xB00] =	vst v63  }
0x256: {  	_ = 	snop  }
0x257: {  	[spmem:s1] =	stream.indirect.scatter.add.f32 [tilespmem:s7], [sflag:$0x2], $0x1, s21, s6, $0xb8;
	[tilespmem:$0xB00] =	vst v63  }
0x258: {  	_ = 	snop  }
0x259: {  	[spmem:s1] =	stream.indirect.scatter.add.f32 [tilespmem:s7], [sflag:$0x2], $0x1, s22, s6, $0xb8;
	[tilespmem:$0xB00] =	vst v63  }
0x25a: {  	_ =	swait.ge [sflag:s23], $0x80  }
0x25b: {  	[sflag:s23] =	ssyncset.done $0x0  }
0x25c: {  	[sflag:s23] =	ssyncadd.s32 $0xFFFFFF80  }
0x25d: {  	_ =	swait.ge [sflag:s23], $0x80  }
0x25e: {  	[sflag:s23] =	ssyncset.done $0x0  }
0x25f: {  	[sflag:s23] =	ssyncadd.s32 $0xFFFFFF80  }
0x260: {  	_ =	swait.ge [sflag:s23], $0x80  }
0x261: {  	[sflag:s23] =	ssyncset.done $0x0  }
0x262: {  	[sflag:s23] =	ssyncadd.s32 $0xFFFFFF80  }
0x263: {  	_ =	swait.ge [sflag:s23], $0x80  }
0x264: {  	[sflag:s23] =	ssyncset.done $0x0  }
0x265: {  	[sflag:s23] =	ssyncadd.s32 $0xFFFFFF80  }
0x266: {  	_ =	swait.ge [sflag:s23], $0x80  }
0x267: {  	[sflag:s23] =	ssyncset.done $0x0  }
0x268: {  	[sflag:s23] =	ssyncadd.s32 $0xFFFFFF80  }
0x269: {  	_ =	swait.ge [sflag:s23], $0x80  }
0x26a: {  	[sflag:s23] =	ssyncset.done $0x0  }
0x26b: {  	[sflag:s23] =	ssyncadd.s32 $0xFFFFFF80  }
0x26c: {  	_ =	swait.ge [sflag:s23], $0x80  }
0x26d: {  	[sflag:s23] =	ssyncset.done $0x0  }
0x26e: {  	[sflag:s23] =	ssyncadd.s32 $0xFFFFFF80  }
0x26f: {  	_ =	swait.ge [sflag:s23], $0x80  }
0x270: {  	[sflag:s23] =	ssyncset.done $0x0  }
0x271: {  	s26 =	rddreg [dreg:$0x9];
	[sflag:s23] =	ssyncadd.s32 $0xFFFFFF80  }
0x272: {  	[tilespmem:s2], [sflag:$0x3] =	stream.linear.gather [hbm4b:s26+s2], $0x400, $0x38;
	[tilespmem:$0xB00] =	vst v63  }
0x273: {  	_ =	swait.ge [sflag:s15], $0x400  }
0x274: {  	[sflag:s15] =	ssyncset.done $0x0  }
0x275: {  	[sflag:s15] =	ssyncadd.s32 $0xFFFFFC00  }
0x276: {  	[spmem:s1] =	stream.indirect.scatter.add.f32 [tilespmem:s7], [sflag:$0x1], $0x1, s2, s6, $0xb8;
	[tilespmem:$0xB00] =	vst v63  }
0x277: {  	_ = 	snop  }
0x278: {  	[spmem:s1] =	stream.indirect.scatter.add.f32 [tilespmem:s7], [sflag:$0x1], $0x1, s6, s6, $0xb8;
	[tilespmem:$0xB00] =	vst v63  }
0x279: {  	_ = 	snop  }
0x27a: {  	[spmem:s1] =	stream.indirect.scatter.add.f32 [tilespmem:s7], [sflag:$0x1], $0x1, s8, s6, $0xb8;
	[tilespmem:$0xB00] =	vst v63  }
0x27b: {  	_ = 	snop  }
0x27c: {  	[spmem:s1] =	stream.indirect.scatter.add.f32 [tilespmem:s7], [sflag:$0x1], $0x1, s9, s6, $0xb8;
	[tilespmem:$0xB00] =	vst v63  }
0x27d: {  	_ = 	snop  }
0x27e: {  	[spmem:s1] =	stream.indirect.scatter.add.f32 [tilespmem:s7], [sflag:$0x1], $0x1, s10, s6, $0xb8;
	[tilespmem:$0xB00] =	vst v63  }
0x27f: {  	_ = 	snop  }
0x280: {  	[spmem:s1] =	stream.indirect.scatter.add.f32 [tilespmem:s7], [sflag:$0x1], $0x1, s11, s6, $0xb8;
	[tilespmem:$0xB00] =	vst v63  }
0x281: {  	_ = 	snop  }
0x282: {  	[spmem:s1] =	stream.indirect.scatter.add.f32 [tilespmem:s7], [sflag:$0x1], $0x1, s12, s6, $0xb8;
	[tilespmem:$0xB00] =	vst v63  }
0x283: {  	_ = 	snop  }
0x284: {  	[spmem:s1] =	stream.indirect.scatter.add.f32 [tilespmem:s7], [sflag:$0x1], $0x1, s13, s6, $0xb8;
	[tilespmem:$0xB00] =	vst v63  }
0x285: {  	_ =	swait.ge [sflag:s24], $0x80  }
0x286: {  	[sflag:s24] =	ssyncset.done $0x0  }
0x287: {  	[sflag:s24] =	ssyncadd.s32 $0xFFFFFF80  }
0x288: {  	_ =	swait.ge [sflag:s24], $0x80  }
0x289: {  	[sflag:s24] =	ssyncset.done $0x0  }
0x28a: {  	[sflag:s24] =	ssyncadd.s32 $0xFFFFFF80  }
0x28b: {  	_ =	swait.ge [sflag:s24], $0x80  }
0x28c: {  	[sflag:s24] =	ssyncset.done $0x0  }
0x28d: {  	[sflag:s24] =	ssyncadd.s32 $0xFFFFFF80  }
0x28e: {  	_ =	swait.ge [sflag:s24], $0x80  }
0x28f: {  	[sflag:s24] =	ssyncset.done $0x0  }
0x290: {  	[sflag:s24] =	ssyncadd.s32 $0xFFFFFF80  }
0x291: {  	_ =	swait.ge [sflag:s24], $0x80  }
0x292: {  	[sflag:s24] =	ssyncset.done $0x0  }
0x293: {  	[sflag:s24] =	ssyncadd.s32 $0xFFFFFF80  }
0x294: {  	_ =	swait.ge [sflag:s24], $0x80  }
0x295: {  	[sflag:s24] =	ssyncset.done $0x0  }
0x296: {  	[sflag:s24] =	ssyncadd.s32 $0xFFFFFF80  }
0x297: {  	_ =	swait.ge [sflag:s24], $0x80  }
0x298: {  	[sflag:s24] =	ssyncset.done $0x0  }
0x299: {  	[sflag:s24] =	ssyncadd.s32 $0xFFFFFF80  }
0x29a: {  	_ =	swait.ge [sflag:s24], $0x80  }
0x29b: {  	[sflag:s24] =	ssyncset.done $0x0  }
0x29c: {  	s26 =	rddreg [dreg:$0xa];
	[sflag:s24] =	ssyncadd.s32 $0xFFFFFF80  }
0x29d: {  	[tilespmem:s14], [sflag:$0x3] =	stream.linear.gather [hbm4b:s26+s2], $0x400, $0x38;
	[tilespmem:$0xB00] =	vst v63  }
0x29e: {  	_ =	swait.ge [sflag:s15], $0x400  }
0x29f: {  	[sflag:s15] =	ssyncset.done $0x0  }
0x2a0: {  	[sflag:s15] =	ssyncadd.s32 $0xFFFFFC00  }
0x2a1: {  	[spmem:s1] =	stream.indirect.scatter.add.f32 [tilespmem:s7], [sflag:$0x2], $0x1, s14, s6, $0xb8;
	[tilespmem:$0xB00] =	vst v63  }
0x2a2: {  	_ = 	snop  }
0x2a3: {  	[spmem:s1] =	stream.indirect.scatter.add.f32 [tilespmem:s7], [sflag:$0x2], $0x1, s16, s6, $0xb8;
	[tilespmem:$0xB00] =	vst v63  }
0x2a4: {  	_ = 	snop  }
0x2a5: {  	[spmem:s1] =	stream.indirect.scatter.add.f32 [tilespmem:s7], [sflag:$0x2], $0x1, s17, s6, $0xb8;
	[tilespmem:$0xB00] =	vst v63  }
0x2a6: {  	_ = 	snop  }
0x2a7: {  	[spmem:s1] =	stream.indirect.scatter.add.f32 [tilespmem:s7], [sflag:$0x2], $0x1, s18, s6, $0xb8;
	[tilespmem:$0xB00] =	vst v63  }
0x2a8: {  	_ = 	snop  }
0x2a9: {  	[spmem:s1] =	stream.indirect.scatter.add.f32 [tilespmem:s7], [sflag:$0x2], $0x1, s19, s6, $0xb8;
	[tilespmem:$0xB00] =	vst v63  }
0x2aa: {  	_ = 	snop  }
0x2ab: {  	[spmem:s1] =	stream.indirect.scatter.add.f32 [tilespmem:s7], [sflag:$0x2], $0x1, s20, s6, $0xb8;
	[tilespmem:$0xB00] =	vst v63  }
0x2ac: {  	_ = 	snop  }
0x2ad: {  	[spmem:s1] =	stream.indirect.scatter.add.f32 [tilespmem:s7], [sflag:$0x2], $0x1, s21, s6, $0xb8;
	[tilespmem:$0xB00] =	vst v63  }
0x2ae: {  	_ = 	snop  }
0x2af: {  	[spmem:s1] =	stream.indirect.scatter.add.f32 [tilespmem:s7], [sflag:$0x2], $0x1, s22, s6, $0xb8;
	[tilespmem:$0xB00] =	vst v63  }
0x2b0: {  	_ =	swait.ge [sflag:s23], $0x80  }
0x2b1: {  	[sflag:s23] =	ssyncset.done $0x0  }
0x2b2: {  	[sflag:s23] =	ssyncadd.s32 $0xFFFFFF80  }
0x2b3: {  	_ =	swait.ge [sflag:s23], $0x80  }
0x2b4: {  	[sflag:s23] =	ssyncset.done $0x0  }
0x2b5: {  	[sflag:s23] =	ssyncadd.s32 $0xFFFFFF80  }
0x2b6: {  	_ =	swait.ge [sflag:s23], $0x80  }
0x2b7: {  	[sflag:s23] =	ssyncset.done $0x0  }
0x2b8: {  	[sflag:s23] =	ssyncadd.s32 $0xFFFFFF80  }
0x2b9: {  	_ =	swait.ge [sflag:s23], $0x80  }
0x2ba: {  	[sflag:s23] =	ssyncset.done $0x0  }
0x2bb: {  	[sflag:s23] =	ssyncadd.s32 $0xFFFFFF80  }
0x2bc: {  	_ =	swait.ge [sflag:s23], $0x80  }
0x2bd: {  	[sflag:s23] =	ssyncset.done $0x0  }
0x2be: {  	[sflag:s23] =	ssyncadd.s32 $0xFFFFFF80  }
0x2bf: {  	_ =	swait.ge [sflag:s23], $0x80  }
0x2c0: {  	[sflag:s23] =	ssyncset.done $0x0  }
0x2c1: {  	[sflag:s23] =	ssyncadd.s32 $0xFFFFFF80  }
0x2c2: {  	_ =	swait.ge [sflag:s23], $0x80  }
0x2c3: {  	[sflag:s23] =	ssyncset.done $0x0  }
0x2c4: {  	[sflag:s23] =	ssyncadd.s32 $0xFFFFFF80  }
0x2c5: {  	_ =	swait.ge [sflag:s23], $0x80  }
0x2c6: {  	[sflag:s23] =	ssyncset.done $0x0  }
0x2c7: {  	s26 =	rddreg [dreg:$0xb];
	[sflag:s23] =	ssyncadd.s32 $0xFFFFFF80  }
0x2c8: {  	[tilespmem:s2], [sflag:$0x3] =	stream.linear.gather [hbm4b:s26+s2], $0x400, $0x38;
	[tilespmem:$0xB00] =	vst v63  }
0x2c9: {  	_ =	swait.ge [sflag:s15], $0x400  }
0x2ca: {  	[sflag:s15] =	ssyncset.done $0x0  }
0x2cb: {  	[sflag:s15] =	ssyncadd.s32 $0xFFFFFC00  }
0x2cc: {  	[spmem:s1] =	stream.indirect.scatter.add.f32 [tilespmem:s7], [sflag:$0x1], $0x1, s2, s6, $0xb8;
	[tilespmem:$0xB00] =	vst v63  }
0x2cd: {  	_ = 	snop  }
0x2ce: {  	[spmem:s1] =	stream.indirect.scatter.add.f32 [tilespmem:s7], [sflag:$0x1], $0x1, s6, s6, $0xb8;
	[tilespmem:$0xB00] =	vst v63  }
0x2cf: {  	_ = 	snop  }
0x2d0: {  	[spmem:s1] =	stream.indirect.scatter.add.f32 [tilespmem:s7], [sflag:$0x1], $0x1, s8, s6, $0xb8;
	[tilespmem:$0xB00] =	vst v63  }
0x2d1: {  	_ = 	snop  }
0x2d2: {  	[spmem:s1] =	stream.indirect.scatter.add.f32 [tilespmem:s7], [sflag:$0x1], $0x1, s9, s6, $0xb8;
	[tilespmem:$0xB00] =	vst v63  }
0x2d3: {  	_ = 	snop  }
0x2d4: {  	[spmem:s1] =	stream.indirect.scatter.add.f32 [tilespmem:s7], [sflag:$0x1], $0x1, s10, s6, $0xb8;
	[tilespmem:$0xB00] =	vst v63  }
0x2d5: {  	_ = 	snop  }
0x2d6: {  	[spmem:s1] =	stream.indirect.scatter.add.f32 [tilespmem:s7], [sflag:$0x1], $0x1, s11, s6, $0xb8;
	[tilespmem:$0xB00] =	vst v63  }
0x2d7: {  	_ = 	snop  }
0x2d8: {  	[spmem:s1] =	stream.indirect.scatter.add.f32 [tilespmem:s7], [sflag:$0x1], $0x1, s12, s6, $0xb8;
	[tilespmem:$0xB00] =	vst v63  }
0x2d9: {  	_ = 	snop  }
0x2da: {  	[spmem:s1] =	stream.indirect.scatter.add.f32 [tilespmem:s7], [sflag:$0x1], $0x1, s13, s6, $0xb8;
	[tilespmem:$0xB00] =	vst v63  }
0x2db: {  	_ =	swait.ge [sflag:s24], $0x80  }
0x2dc: {  	[sflag:s24] =	ssyncset.done $0x0  }
0x2dd: {  	[sflag:s24] =	ssyncadd.s32 $0xFFFFFF80  }
0x2de: {  	_ =	swait.ge [sflag:s24], $0x80  }
0x2df: {  	[sflag:s24] =	ssyncset.done $0x0  }
0x2e0: {  	[sflag:s24] =	ssyncadd.s32 $0xFFFFFF80  }
0x2e1: {  	_ =	swait.ge [sflag:s24], $0x80  }
0x2e2: {  	[sflag:s24] =	ssyncset.done $0x0  }
0x2e3: {  	[sflag:s24] =	ssyncadd.s32 $0xFFFFFF80  }
0x2e4: {  	_ =	swait.ge [sflag:s24], $0x80  }
0x2e5: {  	[sflag:s24] =	ssyncset.done $0x0  }
0x2e6: {  	[sflag:s24] =	ssyncadd.s32 $0xFFFFFF80  }
0x2e7: {  	_ =	swait.ge [sflag:s24], $0x80  }
0x2e8: {  	[sflag:s24] =	ssyncset.done $0x0  }
0x2e9: {  	[sflag:s24] =	ssyncadd.s32 $0xFFFFFF80  }
0x2ea: {  	_ =	swait.ge [sflag:s24], $0x80  }
0x2eb: {  	[sflag:s24] =	ssyncset.done $0x0  }
0x2ec: {  	[sflag:s24] =	ssyncadd.s32 $0xFFFFFF80  }
0x2ed: {  	_ =	swait.ge [sflag:s24], $0x80  }
0x2ee: {  	[sflag:s24] =	ssyncset.done $0x0  }
0x2ef: {  	[sflag:s24] =	ssyncadd.s32 $0xFFFFFF80  }
0x2f0: {  	_ =	swait.ge [sflag:s24], $0x80  }
0x2f1: {  	[sflag:s24] =	ssyncset.done $0x0  }
0x2f2: {  	s26 =	rddreg [dreg:$0xc];
	[sflag:s24] =	ssyncadd.s32 $0xFFFFFF80  }
0x2f3: {  	[tilespmem:s14], [sflag:$0x3] =	stream.linear.gather [hbm4b:s26+s2], $0x400, $0x38;
	[tilespmem:$0xB00] =	vst v63  }
0x2f4: {  	_ =	swait.ge [sflag:s15], $0x400  }
0x2f5: {  	[sflag:s15] =	ssyncset.done $0x0  }
0x2f6: {  	[sflag:s15] =	ssyncadd.s32 $0xFFFFFC00  }
0x2f7: {  	[spmem:s1] =	stream.indirect.scatter.add.f32 [tilespmem:s7], [sflag:$0x2], $0x1, s14, s6, $0xb8;
	[tilespmem:$0xB00] =	vst v63  }
0x2f8: {  	_ = 	snop  }
0x2f9: {  	[spmem:s1] =	stream.indirect.scatter.add.f32 [tilespmem:s7], [sflag:$0x2], $0x1, s16, s6, $0xb8;
	[tilespmem:$0xB00] =	vst v63  }
0x2fa: {  	_ = 	snop  }
0x2fb: {  	[spmem:s1] =	stream.indirect.scatter.add.f32 [tilespmem:s7], [sflag:$0x2], $0x1, s17, s6, $0xb8;
	[tilespmem:$0xB00] =	vst v63  }
0x2fc: {  	_ = 	snop  }
0x2fd: {  	[spmem:s1] =	stream.indirect.scatter.add.f32 [tilespmem:s7], [sflag:$0x2], $0x1, s18, s6, $0xb8;
	[tilespmem:$0xB00] =	vst v63  }
0x2fe: {  	_ = 	snop  }
0x2ff: {  	[spmem:s1] =	stream.indirect.scatter.add.f32 [tilespmem:s7], [sflag:$0x2], $0x1, s19, s6, $0xb8;
	[tilespmem:$0xB00] =	vst v63  }
0x300: {  	_ = 	snop  }
0x301: {  	[spmem:s1] =	stream.indirect.scatter.add.f32 [tilespmem:s7], [sflag:$0x2], $0x1, s20, s6, $0xb8;
	[tilespmem:$0xB00] =	vst v63  }
0x302: {  	_ = 	snop  }
0x303: {  	[spmem:s1] =	stream.indirect.scatter.add.f32 [tilespmem:s7], [sflag:$0x2], $0x1, s21, s6, $0xb8;
	[tilespmem:$0xB00] =	vst v63  }
0x304: {  	_ = 	snop  }
0x305: {  	[spmem:s1] =	stream.indirect.scatter.add.f32 [tilespmem:s7], [sflag:$0x2], $0x1, s22, s6, $0xb8;
	[tilespmem:$0xB00] =	vst v63  }
0x306: {  	_ =	swait.ge [sflag:s23], $0x80  }
0x307: {  	[sflag:s23] =	ssyncset.done $0x0  }
0x308: {  	[sflag:s23] =	ssyncadd.s32 $0xFFFFFF80  }
0x309: {  	_ =	swait.ge [sflag:s23], $0x80  }
0x30a: {  	[sflag:s23] =	ssyncset.done $0x0  }
0x30b: {  	[sflag:s23] =	ssyncadd.s32 $0xFFFFFF80  }
0x30c: {  	_ =	swait.ge [sflag:s23], $0x80  }
0x30d: {  	[sflag:s23] =	ssyncset.done $0x0  }
0x30e: {  	[sflag:s23] =	ssyncadd.s32 $0xFFFFFF80  }
0x30f: {  	_ =	swait.ge [sflag:s23], $0x80  }
0x310: {  	[sflag:s23] =	ssyncset.done $0x0  }
0x311: {  	[sflag:s23] =	ssyncadd.s32 $0xFFFFFF80  }
0x312: {  	_ =	swait.ge [sflag:s23], $0x80  }
0x313: {  	[sflag:s23] =	ssyncset.done $0x0  }
0x314: {  	[sflag:s23] =	ssyncadd.s32 $0xFFFFFF80  }
0x315: {  	_ =	swait.ge [sflag:s23], $0x80  }
0x316: {  	[sflag:s23] =	ssyncset.done $0x0  }
0x317: {  	[sflag:s23] =	ssyncadd.s32 $0xFFFFFF80  }
0x318: {  	_ =	swait.ge [sflag:s23], $0x80  }
0x319: {  	[sflag:s23] =	ssyncset.done $0x0  }
0x31a: {  	[sflag:s23] =	ssyncadd.s32 $0xFFFFFF80  }
0x31b: {  	_ =	swait.ge [sflag:s23], $0x80  }
0x31c: {  	[sflag:s23] =	ssyncset.done $0x0  }
0x31d: {  	s26 =	rddreg [dreg:$0xd];
	[sflag:s23] =	ssyncadd.s32 $0xFFFFFF80  }
0x31e: {  	[tilespmem:s2], [sflag:$0x3] =	stream.linear.gather [hbm4b:s26+s2], $0x400, $0x38;
	[tilespmem:$0xB00] =	vst v63  }
0x31f: {  	_ =	swait.ge [sflag:s15], $0x400  }
0x320: {  	[sflag:s15] =	ssyncset.done $0x0  }
0x321: {  	[sflag:s15] =	ssyncadd.s32 $0xFFFFFC00  }
0x322: {  	[spmem:s1] =	stream.indirect.scatter.add.f32 [tilespmem:s7], [sflag:$0x1], $0x1, s2, s6, $0xb8;
	[tilespmem:$0xB00] =	vst v63  }
0x323: {  	_ = 	snop  }
0x324: {  	[spmem:s1] =	stream.indirect.scatter.add.f32 [tilespmem:s7], [sflag:$0x1], $0x1, s6, s6, $0xb8;
	[tilespmem:$0xB00] =	vst v63  }
0x325: {  	_ = 	snop  }
0x326: {  	[spmem:s1] =	stream.indirect.scatter.add.f32 [tilespmem:s7], [sflag:$0x1], $0x1, s8, s6, $0xb8;
	[tilespmem:$0xB00] =	vst v63  }
0x327: {  	_ = 	snop  }
0x328: {  	[spmem:s1] =	stream.indirect.scatter.add.f32 [tilespmem:s7], [sflag:$0x1], $0x1, s9, s6, $0xb8;
	[tilespmem:$0xB00] =	vst v63  }
0x329: {  	_ = 	snop  }
0x32a: {  	[spmem:s1] =	stream.indirect.scatter.add.f32 [tilespmem:s7], [sflag:$0x1], $0x1, s10, s6, $0xb8;
	[tilespmem:$0xB00] =	vst v63  }
0x32b: {  	_ = 	snop  }
0x32c: {  	[spmem:s1] =	stream.indirect.scatter.add.f32 [tilespmem:s7], [sflag:$0x1], $0x1, s11, s6, $0xb8;
	[tilespmem:$0xB00] =	vst v63  }
0x32d: {  	_ = 	snop  }
0x32e: {  	[spmem:s1] =	stream.indirect.scatter.add.f32 [tilespmem:s7], [sflag:$0x1], $0x1, s12, s6, $0xb8;
	[tilespmem:$0xB00] =	vst v63  }
0x32f: {  	_ = 	snop  }
0x330: {  	[spmem:s1] =	stream.indirect.scatter.add.f32 [tilespmem:s7], [sflag:$0x1], $0x1, s13, s6, $0xb8;
	[tilespmem:$0xB00] =	vst v63  }
0x331: {  	_ =	swait.ge [sflag:s24], $0x80  }
0x332: {  	[sflag:s24] =	ssyncset.done $0x0  }
0x333: {  	[sflag:s24] =	ssyncadd.s32 $0xFFFFFF80  }
0x334: {  	_ =	swait.ge [sflag:s24], $0x80  }
0x335: {  	[sflag:s24] =	ssyncset.done $0x0  }
0x336: {  	[sflag:s24] =	ssyncadd.s32 $0xFFFFFF80  }
0x337: {  	_ =	swait.ge [sflag:s24], $0x80  }
0x338: {  	[sflag:s24] =	ssyncset.done $0x0  }
0x339: {  	[sflag:s24] =	ssyncadd.s32 $0xFFFFFF80  }
0x33a: {  	_ =	swait.ge [sflag:s24], $0x80  }
0x33b: {  	[sflag:s24] =	ssyncset.done $0x0  }
0x33c: {  	[sflag:s24] =	ssyncadd.s32 $0xFFFFFF80  }
0x33d: {  	_ =	swait.ge [sflag:s24], $0x80  }
0x33e: {  	[sflag:s24] =	ssyncset.done $0x0  }
0x33f: {  	[sflag:s24] =	ssyncadd.s32 $0xFFFFFF80  }
0x340: {  	_ =	swait.ge [sflag:s24], $0x80  }
0x341: {  	[sflag:s24] =	ssyncset.done $0x0  }
0x342: {  	[sflag:s24] =	ssyncadd.s32 $0xFFFFFF80  }
0x343: {  	_ =	swait.ge [sflag:s24], $0x80  }
0x344: {  	[sflag:s24] =	ssyncset.done $0x0  }
0x345: {  	[sflag:s24] =	ssyncadd.s32 $0xFFFFFF80  }
0x346: {  	_ =	swait.ge [sflag:s24], $0x80  }
0x347: {  	[sflag:s24] =	ssyncset.done $0x0  }
0x348: {  	s26 =	rddreg [dreg:$0xe];
	[sflag:s24] =	ssyncadd.s32 $0xFFFFFF80  }
0x349: {  	[tilespmem:s14], [sflag:$0x3] =	stream.linear.gather [hbm4b:s26+s2], $0x400, $0x38;
	[tilespmem:$0xB00] =	vst v63  }
0x34a: {  	_ =	swait.ge [sflag:s15], $0x400  }
0x34b: {  	[sflag:s15] =	ssyncset.done $0x0  }
0x34c: {  	[sflag:s15] =	ssyncadd.s32 $0xFFFFFC00  }
0x34d: {  	[spmem:s1] =	stream.indirect.scatter.add.f32 [tilespmem:s7], [sflag:$0x2], $0x1, s14, s6, $0xb8;
	[tilespmem:$0xB00] =	vst v63  }
0x34e: {  	_ = 	snop  }
0x34f: {  	[spmem:s1] =	stream.indirect.scatter.add.f32 [tilespmem:s7], [sflag:$0x2], $0x1, s16, s6, $0xb8;
	[tilespmem:$0xB00] =	vst v63  }
0x350: {  	_ = 	snop  }
0x351: {  	[spmem:s1] =	stream.indirect.scatter.add.f32 [tilespmem:s7], [sflag:$0x2], $0x1, s17, s6, $0xb8;
	[tilespmem:$0xB00] =	vst v63  }
0x352: {  	_ = 	snop  }
0x353: {  	[spmem:s1] =	stream.indirect.scatter.add.f32 [tilespmem:s7], [sflag:$0x2], $0x1, s18, s6, $0xb8;
	[tilespmem:$0xB00] =	vst v63  }
0x354: {  	_ = 	snop  }
0x355: {  	[spmem:s1] =	stream.indirect.scatter.add.f32 [tilespmem:s7], [sflag:$0x2], $0x1, s19, s6, $0xb8;
	[tilespmem:$0xB00] =	vst v63  }
0x356: {  	_ = 	snop  }
0x357: {  	[spmem:s1] =	stream.indirect.scatter.add.f32 [tilespmem:s7], [sflag:$0x2], $0x1, s20, s6, $0xb8;
	[tilespmem:$0xB00] =	vst v63  }
0x358: {  	_ = 	snop  }
0x359: {  	[spmem:s1] =	stream.indirect.scatter.add.f32 [tilespmem:s7], [sflag:$0x2], $0x1, s21, s6, $0xb8;
	[tilespmem:$0xB00] =	vst v63  }
0x35a: {  	_ = 	snop  }
0x35b: {  	[spmem:s1] =	stream.indirect.scatter.add.f32 [tilespmem:s7], [sflag:$0x2], $0x1, s22, s6, $0xb8;
	[tilespmem:$0xB00] =	vst v63  }
0x35c: {  	_ =	swait.ge [sflag:s23], $0x80  }
0x35d: {  	[sflag:s23] =	ssyncset.done $0x0  }
0x35e: {  	[sflag:s23] =	ssyncadd.s32 $0xFFFFFF80  }
0x35f: {  	_ =	swait.ge [sflag:s23], $0x80  }
0x360: {  	[sflag:s23] =	ssyncset.done $0x0  }
0x361: {  	[sflag:s23] =	ssyncadd.s32 $0xFFFFFF80  }
0x362: {  	_ =	swait.ge [sflag:s23], $0x80  }
0x363: {  	[sflag:s23] =	ssyncset.done $0x0  }
0x364: {  	[sflag:s23] =	ssyncadd.s32 $0xFFFFFF80  }
0x365: {  	_ =	swait.ge [sflag:s23], $0x80  }
0x366: {  	[sflag:s23] =	ssyncset.done $0x0  }
0x367: {  	[sflag:s23] =	ssyncadd.s32 $0xFFFFFF80  }
0x368: {  	_ =	swait.ge [sflag:s23], $0x80  }
0x369: {  	[sflag:s23] =	ssyncset.done $0x0  }
0x36a: {  	[sflag:s23] =	ssyncadd.s32 $0xFFFFFF80  }
0x36b: {  	_ =	swait.ge [sflag:s23], $0x80  }
0x36c: {  	[sflag:s23] =	ssyncset.done $0x0  }
0x36d: {  	[sflag:s23] =	ssyncadd.s32 $0xFFFFFF80  }
0x36e: {  	_ =	swait.ge [sflag:s23], $0x80  }
0x36f: {  	[sflag:s23] =	ssyncset.done $0x0  }
0x370: {  	[sflag:s23] =	ssyncadd.s32 $0xFFFFFF80  }
0x371: {  	_ =	swait.ge [sflag:s23], $0x80  }
0x372: {  	[sflag:s23] =	ssyncset.done $0x0  }
0x373: {  	[sflag:s23] =	ssyncadd.s32 $0xFFFFFF80  }
0x374: {  	_ =	swait.ge [sflag:s24], $0x80  }
0x375: {  	[sflag:s24] =	ssyncset.done $0x0  }
0x376: {  	[sflag:s24] =	ssyncadd.s32 $0xFFFFFF80  }
0x377: {  	_ =	swait.ge [sflag:s24], $0x80  }
0x378: {  	[sflag:s24] =	ssyncset.done $0x0  }
0x379: {  	[sflag:s24] =	ssyncadd.s32 $0xFFFFFF80  }
0x37a: {  	_ =	swait.ge [sflag:s24], $0x80  }
0x37b: {  	[sflag:s24] =	ssyncset.done $0x0  }
0x37c: {  	[sflag:s24] =	ssyncadd.s32 $0xFFFFFF80  }
0x37d: {  	_ =	swait.ge [sflag:s24], $0x80  }
0x37e: {  	[sflag:s24] =	ssyncset.done $0x0  }
0x37f: {  	[sflag:s24] =	ssyncadd.s32 $0xFFFFFF80  }
0x380: {  	_ =	swait.ge [sflag:s24], $0x80  }
0x381: {  	[sflag:s24] =	ssyncset.done $0x0  }
0x382: {  	[sflag:s24] =	ssyncadd.s32 $0xFFFFFF80  }
0x383: {  	_ =	swait.ge [sflag:s24], $0x80  }
0x384: {  	[sflag:s24] =	ssyncset.done $0x0  }
0x385: {  	[sflag:s24] =	ssyncadd.s32 $0xFFFFFF80  }
0x386: {  	_ =	swait.ge [sflag:s24], $0x80  }
0x387: {  	[sflag:s24] =	ssyncset.done $0x0  }
0x388: {  	[sflag:s24] =	ssyncadd.s32 $0xFFFFFF80  }
0x389: {  	s0 =	sadd.s32 $0xFFFFFFFF, s0;
	_ =	swait.ge [sflag:s24], $0x80  }
0x38a: {  	p1 =	sne.s32 s0, $0x0;
	[sflag:s24] =	ssyncset.done $0x0  }
.Ltmp1:
0x38b: {  	[sflag:s24] =	ssyncadd.s32 $0xFFFFFF80;
	(pc) =	sbr.rel @p1 .LBB2_1-.Ltmp1, $4  }
0x38c: {  	s26 =	simm.s32 @!p0 $0x10;
	[bflag:$0x0] =	sbarrier.arrive $0xFFFF  }
0x38d: {  	[hbm:s25@s28], [sflag:s4] =	dma.strided @!p0 [spmem:s30@s26], $0x500, s31, $0x10   }
0x38e: {  	_ =	swait.ge @!p0 [sflag:s29], $0x500  }
0x38f: {  	[sflag:s29] =	ssyncset.done @!p0 $0x0  }
.LBB2_2:
0x390: {  	[sflag:s29] =	ssyncadd.s32 @!p0 $0xFFFFFB00  }
0x391: {  	_ =	sfence.sel $0x180000  }
0x392: {  	[bflag:$0x0] =	sbarrier.arrive $0xFFFF  }
0x393: {  	_ =	strace $0x90000047  }
0x394: {  	[bflag:$0x2] =	sbarrier.arrive $0xFFFF  }
0x395: {  	s0 =	rddreg [dreg:$0x3]  }
0x396: {  	s0 =	sadd.s32 @!p0 $0x100000, s0  }
0x397: {  	[sflag:s0] =	ssyncadd.tile.s32 @!p0 $0x1;
	_ =	shalt  }
.Lfunc_end2:
_tile_overlayer_lowered:
.L_overlay_start_2:
0x398: {  	(tag) =	ssettag $0x2  }
0x399: {  	s0 =	rddreg [dreg:$0x0];
	s2 =	stileid.u32  }
0x39a: {  	s1 =	rddreg [dreg:$0x1];
	p0 =	sne.s32 s2, $0x0  }
0x39b: {  	s3 =	rddreg [dreg:$0x2];
	[bflag:$0x3] =	sbarrier.arrive $0xFFFF;
	s2 =	simm.s32 @!p0 $0x1C04  }
0x39c: {  	[timem:s3], [sflag:s2] =	dma.local @!p0 [hbm:s0], s1  }
0x39d: {  	s0 =	simm.s32 @!p0 $0x4  }
0x39e: {  	_ =	swait.ge @!p0 [sflag:s0], s1  }
0x39f: {  	s1 =	ssub.s32 @!p0 $0x0, s1;
	[sflag:s0] =	ssyncset.done @!p0 $0x0  }
0x3a0: {  	[sflag:s0] =	ssyncadd.s32 @!p0 s1  }
0x3a1: {  	[bflag:$0x3] =	sbarrier.arrive $0xFFFF  }
0x3a2: {  	_ =	shalt  }

// kernel: kernel.9.cloned.1.call-start
scs
__scs_entry_jumppad:
0x0: {  	(pc) =	sbr.rel $0x88, $3  }
0x1: {  	(tag) =	ssettag $0x0;
	lr =	simm.s32 $0x1  }
0x2: {  	[smem:$0x3F99] =	sst lr;
	_ =	strace $0xD0000000  }
0x3: {  	_ = 	snop  }
0x4: {  	_ = 	snop  }
0x5: {  	_ = 	snop  }
0x6: {  	_ = 	snop  }
0x7: {  	_ = 	snop  }
__scs_overlays_trampoline_lowered:
0x8: {  	[smem:$0x3FA8] =	sst s0  }
0x9: {  	[smem:$0x3FA9] =	sst s1  }
0xa: {  	[smem:$0x3FAA] =	sst s2  }
0xb: {  	[smem:$0x3FAB] =	sst s3  }
0xc: {  	[smem:$0x3FAC] =	sst s4  }
0xd: {  	[smem:$0x3FAD] =	sst s5  }
0xe: {  	[smem:$0x3FAE] =	sst s6  }
0xf: {  	[smem:$0x3FAF] =	sst s7  }
0x10: {  	[smem:$0x3FB0] =	sst s8  }
0x11: {  	[smem:$0x3FB1] =	sst s9;
	s0 =	simm.s32 @!p0 $0x0  }
0x12: {  	s1 =	sld [smem:$0x3F97];
	s0 =	simm.s32 @p0 $0x1  }
0x13: {  	[smem:$0x3FB2] =	sst s0;
	s0 =	simm.s32 @!p1 $0x0  }
0x14: {  	s2 =	sld [smem:$0x3F96];
	s0 =	simm.s32 @p1 $0x1  }
0x15: {  	[smem:$0x3FB3] =	sst s0;
	s0 =	simm.s32 @!p2 $0x0  }
0x16: {  	s3 =	sld [smem:$0x3FDB];
	s0 =	simm.s32 @p2 $0x1  }
0x17: {  	s4 =	simm.s32 $0x1BF5;
	[smem:$0x3FB5] =	sst s0  }
0x18: {  	s0 =	sld [smem:$0x3F98];
	_ =	swait.ge [sflag:s4], $0x0  }
0x19: {  	s7 =	sld [smem:$0x3F99]  }
0x1a: {  	s8 =	sadd.s32 $0xFFFFE003, lr  }
0x1b: {  	s9 =	sadd.s32 $0xFFFFFEF7, lr;
	s5 =	simm.s32 $0xFFFFFFFF;
	p2 =	slt.u32 s8, $0xFFFFF086  }
0x1c: {  	p1 =	slt.u32 s9, $0xF7A;
	s5 =	simm.s32 @!p2 $0x0  }
0x1d: {  	s5 =	simm.s32 @p1 $0x1;
	p0 =	seq.s32 s7, s2  }
0x1e: {  	s7 =	smul.u32 @!p0 $0xF7A, s2;
	p2 =	seq.s32 @!p0 s5, $0x0  }
0x1f: {  	s9 =	smul.u32 $0xF7A, s1;
	s8 =	simm.s32 @!p0 $0x1BF5;
	p2 =	por !p2, p0  }
0x20: {  	[sflag:s8] =	ssyncset.s32 @!p0 $0xFFFFF086;
	s6 =	sadd.s32 @!p0 s3, s7;
	s7 =	simm.s32 @!p0 $0x108  }
0x21: {  	s3 =	sadd.s32 s3, s9;
	s6 =	sadd.s32 @!p0 $0x88, s6;
	s7 =	simm.s32 @p2 $0x1082  }
0x22: {  	[simem:s7], [sflag:s8] =	dma.local @!p0 [hbm:s6], $0xF7A  }
0x23: {  	s9 =	sor.u32 $0xD0000000, s2;
	s6 =	simm.s32 $0x108;
	_ =	swait.ge @!p0 [sflag:s8], $0x0  }
0x24: {  	s3 =	sadd.s32 $0x88, s3;
	s6 =	simm.s32 @!p1 $0x1082;
	[sflag:s4] =	ssyncset.s32 $0xFFFFF086  }
0x25: {  	[simem:s6], [sflag:s4] =	dma.local [hbm:s3], $0xF7A  }
0x26: {  	[smem:$0x3F99] =	sst s1;
	(tag) =	ssettag s2;
	_ =	strace s9  }
0x27: {  	s1 =	sld [smem:$0x3FA9]  }
0x28: {  	s2 =	sld [smem:$0x3FAA]  }
0x29: {  	s4 =	sld [smem:$0x3FAC]  }
0x2a: {  	p0 =	seq.s32 s5, $0x0;
	s5 =	sld [smem:$0x3FAD]  }
0x2b: {  	s6 =	sld [smem:$0x3FAE]  }
0x2c: {  	s7 =	sld [smem:$0x3FAF]  }
0x2d: {  	s3 =	simm.s32 $0x108;
	s8 =	sld [smem:$0x3FB0]  }
0x2e: {  	s3 =	simm.s32 @!p0 $0x1082;
	s9 =	sld [smem:$0x3FB1]  }
0x2f: {  	lr =	sadd.s32 s0, s3;
	s0 =	sld [smem:$0x3FA8]  }
0x30: {  	s3 =	sld [smem:$0x3FAB]  }
0x31: {  	[smem:$0x3FB4] =	sst s10  }
0x32: {  	s10 =	sld [smem:$0x3FB2];
	_ =	sdelay $0x3  }
0x33: {  	p0 =	seq.s32 s10, $0x1;
	s10 =	sld [smem:$0x3FB4];
	_ =	sdelay $0x3  }
0x34: {  	[smem:$0x3FB4] =	sst s10  }
0x35: {  	s10 =	sld [smem:$0x3FB3];
	_ =	sdelay $0x3  }
0x36: {  	p1 =	seq.s32 s10, $0x1;
	s10 =	sld [smem:$0x3FB4];
	_ =	sdelay $0x3  }
0x37: {  	[smem:$0x3FB4] =	sst s10  }
0x38: {  	s10 =	sld [smem:$0x3FB5]  }
0x39: {  	_ = 	snop;
	(pc) =	sbr.ind lr, $3  }
0x3a: {  	_ = 	snop  }
0x3b: {  	_ = 	snop  }
0x3c: {  	p2 =	seq.s32 s10, $0x1;
	s10 =	sld [smem:$0x3FB4]  }
0x3d: {  	_ =	shalt  }
0x3e: {  	_ =	shalt  }
0x3f: {  	_ =	shalt  }
0x40: {  	_ =	shalt  }
0x41: {  	_ =	shalt  }
0x42: {  	_ =	shalt  }
0x43: {  	_ =	shalt  }
0x44: {  	_ =	shalt  }
0x45: {  	_ =	shalt  }
0x46: {  	_ =	shalt  }
0x47: {  	_ =	shalt  }
0x48: {  	_ =	shalt  }
0x49: {  	_ =	shalt  }
0x4a: {  	_ =	shalt  }
0x4b: {  	_ =	shalt  }
0x4c: {  	_ =	shalt  }
0x4d: {  	_ =	shalt  }
0x4e: {  	_ =	shalt  }
0x4f: {  	_ =	shalt  }
0x50: {  	_ =	shalt  }
0x51: {  	_ =	shalt  }
0x52: {  	_ =	shalt  }
0x53: {  	_ =	shalt  }
0x54: {  	_ =	shalt  }
0x55: {  	_ =	shalt  }
0x56: {  	_ =	shalt  }
0x57: {  	_ =	shalt  }
0x58: {  	_ =	shalt  }
0x59: {  	_ =	shalt  }
0x5a: {  	_ =	shalt  }
0x5b: {  	_ =	shalt  }
0x5c: {  	_ =	shalt  }
0x5d: {  	_ =	shalt  }
0x5e: {  	_ =	shalt  }
0x5f: {  	_ =	shalt  }
0x60: {  	_ =	shalt  }
0x61: {  	_ =	shalt  }
0x62: {  	_ =	shalt  }
0x63: {  	_ =	shalt  }
0x64: {  	_ =	shalt  }
0x65: {  	_ =	shalt  }
0x66: {  	_ =	shalt  }
0x67: {  	_ =	shalt  }
0x68: {  	_ =	shalt  }
0x69: {  	_ =	shalt  }
0x6a: {  	_ =	shalt  }
0x6b: {  	_ =	shalt  }
0x6c: {  	_ =	shalt  }
0x6d: {  	_ =	shalt  }
0x6e: {  	_ =	shalt  }
0x6f: {  	_ =	shalt  }
0x70: {  	_ =	shalt  }
0x71: {  	_ =	shalt  }
0x72: {  	_ =	shalt  }
0x73: {  	_ =	shalt  }
0x74: {  	_ =	shalt  }
0x75: {  	_ =	shalt  }
0x76: {  	_ =	shalt  }
0x77: {  	_ =	shalt  }
0x78: {  	_ =	shalt  }
0x79: {  	_ =	shalt  }
0x7a: {  	_ =	shalt  }
0x7b: {  	_ =	shalt  }
0x7c: {  	_ =	shalt  }
0x7d: {  	_ =	shalt  }
0x7e: {  	_ =	shalt  }
0x7f: {  	_ =	shalt  }
0x80: {  	_ =	shalt  }
0x81: {  	_ =	shalt  }
0x82: {  	_ =	shalt  }
0x83: {  	_ =	shalt  }
0x84: {  	_ =	shalt  }
0x85: {  	_ =	shalt  }
0x86: {  	_ =	shalt  }
0x87: {  	_ =	shalt  }
.Lfunc_end0:
.L_simem_size_0:
called_computation.1_lowered:
.L_overlay_start_0:
0x88: {  	s2 =	sld [smem:$0x3FD9]  }
0x89: {  	s3 =	sld [smem:$0x3FFE];
	_ =	sdelay $0x1  }
0x8a: {  	s1 =	srdreg.scid  }
0x8b: {  	s0 =	sand.u32 $0x1, s1  }
0x8c: {  	s17 =	sshll.u32 s0, $0xA;
	s2 =	sadd.s32 s3, s2  }
0x8d: {  	s2 =	sadd.s32 s2, s17  }
0x8e: {  	[smem:$0x3FC0] =	sst s2  }
0x8f: {  	_ = 	snop  }
0x90: {  	s2 =	sld [smem:$0x3FD0];
	(tm) =	ssettm $0x1  }
0x91: {  	s18 =	sld [smem:$0x3FFB];
	_ =	sdelay $0x3  }
0x92: {  	_ =	strace s18  }
0x93: {  	s3 =	sld [smem:$0x3FFC];
	_ =	sdelay $0x3  }
0x94: {  	_ =	strace s3  }
0x95: {  	s3 =	sld [smem:$0x3FFD];
	_ =	sdelay $0x3  }
0x96: {  	_ =	strace s3  }
0x97: {  	_ =	strace $0x8FFFFFFF  }
0x98: {  	s19 =	sld [smem:$0x3FDB];
	_ =	sdelay $0x1  }
0x99: {  	s4 =	simm.s32 $_scs_section_size  }
0x9a: {  	s5 =	simm.s32 $_size__tile_overlayer_lowered;
	s6 =	simm.s32 $_tile_overlayer_lowered  }
0x9b: {  	s22 =	simm.s32 $0x1BFF;
	s21 =	sshll.u32 s6, $0x1;
	s3 =	sadd.s32 s4, s19  }
0x9c: {  	s7 =	simm.s32 $0x0;
	s20 =	sshll.u32 s5, $0x1;
	s5 =	sadd.s32 s21, s3  }
0x9d: {  	[timem:s7], [sflag:s22] =	dma.local [hbm:s5], s20  }
0x9e: {  	_ =	swait.ge [sflag:s22], s20  }
0x9f: {  	s4 =	ssub.s32 $0x0, s20;
	[sflag:s22] =	ssyncset.done $0x0  }
0xa0: {  	[sflag:s22] =	ssyncadd.s32 s4;
	_ =	sdelay $0x1  }
0xa1: {  	s23 =	simm.s32 $0x1B8B  }
0xa2: {  	_ =	swait.ge [sflag:s23], $0x1  }
0xa3: {  	[sflag:s23] =	ssyncset.done $0x0  }
0xa4: {  	s25 =	simm.s32 $0x1B8E;
	s24 =	sld [smem:$0x3FFE];
	[sflag:s23] =	ssyncadd.s32 $0xFFFFFFFF  }
0xa5: {  	s26 =	simm.s32 $execute0_lowered;
	[smem:$0x3FD2] =	sst s25  }
0xa6: {  	s5 =	sshll.u32 s26, $0x1;
	_ =	strace $0x80000049;
	[dreg:$0x1] =	wrdreg $0xFFFFFFFF  }
0xa7: {  	s28 =	simm.s32 $_size_execute0_lowered;
	s3 =	sadd.s32 s3, s5;
	[dreg:$0x0] =	wrdreg $0x0  }
0xa8: {  	s5 =	sshll.u32 s28, $0x1;
	[dreg:$0x2] =	wrdreg s3  }
0xa9: {  	[dreg:$0x3] =	wrdreg s5  }
0xaa: {  	[dreg:$0x4] =	wrdreg $0xC0  }
0xab: {  	_ =	task [dreg:s7], $0x5FFFF  }
0xac: {  	[dreg:$0x1] =	wrdreg $0xFFFFFFFF  }
0xad: {  	[dreg:$0x0] =	wrdreg $0x60  }
0xae: {  	[dreg:$0x2] =	wrdreg s2  }
0xaf: {  	[dreg:$0x3] =	wrdreg s24  }
0xb0: {  	[dreg:$0x4] =	wrdreg $0x90000  }
0xb1: {  	[dreg:$0x5] =	wrdreg $0x9  }
0xb2: {  	_ =	task.clear_ibuf [dreg:s7], $0x6FFFF;
	_ =	strace $0x90000049  }
0xb3: {  	s29 =	simm.s32 $0x9;
	_ =	strace $0x8000004B  }
0xb4: {  	_ =	swait.ge [sflag:s29], $0x1  }
0xb5: {  	[sflag:s29] =	ssyncadd.s32 $0xFFFFFFFF  }
0xb6: {  	_ =	strace $0x9000004B  }
0xb7: {  	_ =	sfence  }
0xb8: {  	s30 =	sld [smem:$0x0];
	_ =	sdelay $0x2  }
0xb9: {  	s31 =	sshll.u32 s1, $0xD;
	s1 =	sshrl.u32 s1, $0x2  }
0xba: {  	s3 =	sand.u32 $0x4000, s31;
	s1 =	sadd.s32 s1, s30  }
0xbb: {  	s0 =	sor.u32 s3, s0;
	s1 =	sshll.u32 s1, $0x11  }
0xbc: {  	s0 =	sor.u32 s1, s0  }
0xbd: {  	s0 =	sadd.s32 $0x8F2B, s0  }
0xbe: {  	[sflag:s0] =	ssyncadd.remote.s32 $0x1  }
0xbf: {  	_ =	sfence.sel $0xFFFF  }
0xc0: {  	[dreg:$0x0] =	wrdreg $0xFFFFFFFF;
	(pc) =	sbr.abs _section_cstart, $3  }
0xc1: {  	[dreg:$0x1] =	wrdreg $0xFFFFFFFF  }
0xc2: {  	_ =	task.clear_ibuf [dreg:s7], $0x2FFFF;
	_ =	strace $0x9FFFFFFF  }
0xc3: {  	(tm) =	ssettm $0x7FFFFFFF  }
tec
execute0_lowered:
.L_overlay_start_1:
0x0: {  	(tag) =	ssettag $0x1  }
0x1: {  	s1 =	rddreg [dreg:$0x0];
	s0 =	srdreg.scid  }
0x2: {  	s2 =	rddreg [dreg:$0x1];
	s12 =	stileid.u32  }
0x3: {  	s3 =	rddreg [dreg:$0x2];
	s4 =	simm.s32 $0x0;
	s15 =	simm.s32 $0x100  }
0x4: {  	s16 =	simm.s32 $0x480;
	[smem:$0x7FF] =	sst s4;
	s10 =	sadd.s32 $0x16200, s2  }
0x5: {  	s18 =	simm.s32 $0x180;
	_ =	strace $0x8000004A;
	[dreg:$0x1d] =	wrdreg s10  }
0x6: {  	s20 =	simm.s32 $0x500;
	s21 =	simm.s32 $0x200;
	[dreg:$0x6] =	wrdreg s15  }
0x7: {  	s23 =	simm.s32 $0x580;
	s24 =	simm.s32 $0x280;
	[dreg:$0x7] =	wrdreg s16  }
0x8: {  	s25 =	simm.s32 $0x600;
	s26 =	simm.s32 $0x300;
	[dreg:$0x8] =	wrdreg s18  }
0x9: {  	s31 =	simm.s32 $0x680;
	s28 =	simm.s32 $0xF00;
	[dreg:$0x9] =	wrdreg s20  }
0xa: {  	s29 =	simm.s32 $0xF80;
	s7 =	smul.u32 $0x14000, s12;
	[dreg:$0xa] =	wrdreg s21  }
0xb: {  	s30 =	simm.s32 $0x0;
	s9 =	smul.u32 $0x2800, s12;
	[dreg:$0xb] =	wrdreg s23  }
0xc: {  	s0 =	sand.u32 $0x1, s0;
	s19 =	smul.u32 $0x50000, s12;
	[dreg:$0xc] =	wrdreg s24  }
0xd: {  	s5 =	sadd.s32 $0xC200, s2;
	s6 =	smul.u32 $0x140000, s0;
	[dreg:$0xd] =	wrdreg s25  }
0xe: {  	s8 =	smul.u32 $0x28000, s0;
	s13 =	ssub.s32 $0x2, s0;
	[dreg:$0xe] =	wrdreg s26  }
0xf: {  	s0 =	sshll.u32 s0, $0x4;
	[dreg:$0xf] =	wrdreg s31;
	s15 =	simm.s32 $0x80  }
0x10: {  	s16 =	simm.s32 $0x1000;
	s18 =	sshll.u32 s12, $0x6;
	s20 =	simm.s32 $0xC80  }
0x11: {  	s21 =	simm.s32 $0x980;
	s23 =	simm.s32 $0xA00;
	[dreg:$0x15] =	wrdreg s20  }
0x12: {  	s24 =	simm.s32 $0xD80;
	s25 =	simm.s32 $0xA80;
	[dreg:$0x16] =	wrdreg s21  }
0x13: {  	s26 =	simm.s32 $0xE00;
	s31 =	simm.s32 $0xB00;
	[dreg:$0x18] =	wrdreg s23  }
0x14: {  	s10 =	sshrl.u32 s13, $0x1;
	s0 =	sor.u32 s12, s0;
	[dreg:$0x19] =	wrdreg s24  }
0x15: {  	s22 =	sshrl.u32 s19, $0x2;
	s19 =	simm.s32 $0x900;
	[dreg:$0x1a] =	wrdreg s25  }
0x16: {  	s20 =	simm.s32 $0xC00;
	s21 =	simm.s32 $0x5000;
	[dreg:$0x1b] =	wrdreg s26  }
0x17: {  	s23 =	simm.s32 $0x2;
	[dreg:$0x1c] =	wrdreg s31;
	s7 =	sadd.s32 s7, s6  }
0x18: {  	s6 =	sadd.s32 $0x2200, s2;
	s8 =	sadd.s32 s9, s8;
	s0 =	smul.u32 $0x2800, s0  }
0x19: {  	s14 =	ssub.s32 s13, s10;
	s9 =	simm.s32 $0x700;
	s10 =	simm.s32 $0x780  }
0x1a: {  	[dreg:$0x14] =	wrdreg s19;
	s7 =	sshrl.u32 s7, $0x3;
	s11 =	sor.u32 $0x400, s8  }
0x1b: {  	[dreg:$0x11] =	wrdreg s9;
	s2 =	sadd.s32 s7, s2;
	s7 =	sshrl.u32 s11, $0x3  }
0x1c: {  	s24 =	simm.s32 $0x3;
	[dreg:$0x12] =	wrdreg s10;
	s11 =	sadd.s32 s7, s6  }
0x1d: {  	s0 =	sshrl.u32 s0, $0x3;
	s7 =	sadd.s32 s7, s5;
	[dreg:$0x4] =	wrdreg s11  }
0x1e: {  	s25 =	simm.s32 $0xE80;
	s17 =	sadd.s32 s5, s0;
	[dreg:$0x5] =	wrdreg s7  }
0x1f: {  	s26 =	simm.s32 $0xB80;
	s0 =	sadd.s32 s6, s0;
	[dreg:$0x1e] =	wrdreg s17  }
0x20: {  	s13 =	simm.s32 $0x4;
	s2 =	sadd.s32 $0x18A00, s2;
	[dreg:$0x1f] =	wrdreg s0  }
0x21: {  	s19 =	simm.s32 $0x800;
	s7 =	sadd.s32 s22, s3;
	[smem:$0x7FD] =	sst s2  }
0x22: {  	s11 =	smax.u32 s14, $0x1;
	s2 =	sadd.s32 $0x800, s8;
	s8 =	simm.s32 $0x380  }
0x23: {  	s14 =	simm.s32 $0x400;
	s17 =	simm.s32 $0x880;
	[dreg:$0x10] =	wrdreg s8  }
0x24: {  	s22 =	simm.s32 $0xD00;
	[dreg:$0x13] =	wrdreg s17;
	s17 =	sor.u32 $0x1C04, s18  }
0x25: {  	s18 =	sshrl.u32 s7, $0x3;
	[dreg:$0x17] =	wrdreg s22;
	s22 =	simm.s32 $0x1  }
.LBB2_1:
0x26: {  	s0 =	rddreg [dreg:$0x1e]  }
0x27: {  	[tilespmem:s4], [sflag:$0x4] =	stream.linear.gather [hbm4b:s0+s4], $0x400, $0x38;
	[tilespmem:$0x1D000] =	vst v63  }
0x28: {  	_ =	swait.ge [sflag:s13], $0x400  }
0x29: {  	[sflag:s13] =	ssyncset.done $0x0  }
0x2a: {  	s9 =	rddreg [dreg:$0x1f];
	[sflag:s13] =	ssyncadd.s32 $0xFFFFFC00  }
0x2b: {  	[tilespmem:s14], [sflag:$0x4] =	stream.linear.gather [hbm4b:s9+s4], $0x400, $0x38;
	[tilespmem:$0x1D000] =	vst v63  }
0x2c: {  	_ =	swait.ge [sflag:s13], $0x400  }
0x2d: {  	[sflag:s13] =	ssyncset.done $0x0  }
0x2e: {  	s10 =	rddreg [dreg:$0x1d];
	[sflag:s13] =	ssyncadd.s32 $0xFFFFFC00  }
0x2f: {  	[tilespmem:s16], [sflag:$0x1] =	stream.indirect.gather [hbm4b:s1+s15], $0x80, s4, s15, $0xb8;
	[tilespmem:$0x1D000] =	vst v63  }
0x30: {  	[spmem:s18], [sflag:s17] =	dma.local [hbm:s10], $0x2800  }
0x31: {  	_ =	swait.ge [sflag:s13], $0x2800  }
0x32: {  	[sflag:s13] =	ssyncset.done $0x0  }
0x33: {  	[sflag:s13] =	ssyncadd.s32 $0xFFFFD800  }
0x34: {  	[bflag:$0x0] =	sbarrier.arrive $0xFFFF  }
0x35: {  	s12 =	rddreg [dreg:$0x5]  }
0x36: {  	s7 =	rddreg [dreg:$0x4];
	s0 =	sadd.s32 $0x0, s12  }
0x37: {  	[tilespmem:s19], [sflag:$0x3] =	stream.linear.gather [hbm4b:s0+s4], $0x400, $0x38;
	[tilespmem:$0x1D000] =	vst v63  }
0x38: {  	s7 =	sadd.s32 $0x0, s7  }
0x39: {  	[tilespmem:s20], [sflag:$0x3] =	stream.linear.gather [hbm4b:s7+s4], $0x400, $0x38;
	[tilespmem:$0x1D000] =	vst v63  }
0x3a: {  	_ = 	snop  }
0x3b: {  	[tilespmem:s21], [sflag:$0x2] =	stream.indirect.gather [hbm4b:s1+s15], $0x80, s15, s15, $0xb8;
	[tilespmem:$0x1D000] =	vst v63  }
0x3c: {  	_ =	swait.ge [sflag:s22], $0x4000  }
0x3d: {  	[sflag:s22] =	ssyncset.done $0x0  }
0x3e: {  	[sflag:s22] =	ssyncadd.s32 $0xFFFFC000  }
0x3f: {  	[spmem:s3] =	stream.indirect.scatter.add.f32 [tilespmem:s16], [sflag:$0x4], $0x80, s14, s15, $0xb8;
	[tilespmem:$0x1D000] =	vst v63  }
0x40: {  	_ =	swait.ge [sflag:s13], $0x4000  }
0x41: {  	[sflag:s13] =	ssyncset.done $0x0  }
0x42: {  	s8 =	rddreg [dreg:$0x6];
	[sflag:s13] =	ssyncadd.s32 $0xFFFFC000  }
0x43: {  	[tilespmem:s16], [sflag:$0x1] =	stream.indirect.gather [hbm4b:s1+s15], $0x80, s8, s15, $0xb8;
	[tilespmem:$0x1D000] =	vst v63  }
0x44: {  	_ =	swait.ge [sflag:s23], $0x4000  }
0x45: {  	[sflag:s23] =	ssyncset.done $0x0  }
0x46: {  	s9 =	rddreg [dreg:$0x7];
	[sflag:s23] =	ssyncadd.s32 $0xFFFFC000  }
0x47: {  	[spmem:s3] =	stream.indirect.scatter.add.f32 [tilespmem:s21], [sflag:$0x4], $0x80, s9, s15, $0xb8;
	[tilespmem:$0x1D000] =	vst v63  }
0x48: {  	_ =	swait.ge [sflag:s13], $0x4000  }
0x49: {  	[sflag:s13] =	ssyncset.done $0x0  }
0x4a: {  	s10 =	rddreg [dreg:$0x8];
	[sflag:s13] =	ssyncadd.s32 $0xFFFFC000  }
0x4b: {  	[tilespmem:s21], [sflag:$0x2] =	stream.indirect.gather [hbm4b:s1+s15], $0x80, s10, s15, $0xb8;
	[tilespmem:$0x1D000] =	vst v63  }
0x4c: {  	_ =	swait.ge [sflag:s22], $0x4000  }
0x4d: {  	[sflag:s22] =	ssyncset.done $0x0  }
0x4e: {  	s12 =	rddreg [dreg:$0x9];
	[sflag:s22] =	ssyncadd.s32 $0xFFFFC000  }
0x4f: {  	[spmem:s3] =	stream.indirect.scatter.add.f32 [tilespmem:s16], [sflag:$0x4], $0x80, s12, s15, $0xb8;
	[tilespmem:$0x1D000] =	vst v63  }
0x50: {  	_ =	swait.ge [sflag:s13], $0x4000  }
0x51: {  	[sflag:s13] =	ssyncset.done $0x0  }
0x52: {  	s7 =	rddreg [dreg:$0xa];
	[sflag:s13] =	ssyncadd.s32 $0xFFFFC000  }
0x53: {  	[tilespmem:s16], [sflag:$0x1] =	stream.indirect.gather [hbm4b:s1+s15], $0x80, s7, s15, $0xb8;
	[tilespmem:$0x1D000] =	vst v63  }
0x54: {  	_ =	swait.ge [sflag:s23], $0x4000  }
0x55: {  	[sflag:s23] =	ssyncset.done $0x0  }
0x56: {  	s8 =	rddreg [dreg:$0xb];
	[sflag:s23] =	ssyncadd.s32 $0xFFFFC000  }
0x57: {  	[spmem:s3] =	stream.indirect.scatter.add.f32 [tilespmem:s21], [sflag:$0x4], $0x80, s8, s15, $0xb8;
	[tilespmem:$0x1D000] =	vst v63  }
0x58: {  	_ =	swait.ge [sflag:s13], $0x4000  }
0x59: {  	[sflag:s13] =	ssyncset.done $0x0  }
0x5a: {  	s9 =	rddreg [dreg:$0xc];
	[sflag:s13] =	ssyncadd.s32 $0xFFFFC000  }
0x5b: {  	[tilespmem:s21], [sflag:$0x2] =	stream.indirect.gather [hbm4b:s1+s15], $0x80, s9, s15, $0xb8;
	[tilespmem:$0x1D000] =	vst v63  }
0x5c: {  	_ =	swait.ge [sflag:s22], $0x4000  }
0x5d: {  	[sflag:s22] =	ssyncset.done $0x0  }
0x5e: {  	s10 =	rddreg [dreg:$0xd];
	[sflag:s22] =	ssyncadd.s32 $0xFFFFC000  }
0x5f: {  	[spmem:s3] =	stream.indirect.scatter.add.f32 [tilespmem:s16], [sflag:$0x4], $0x80, s10, s15, $0xb8;
	[tilespmem:$0x1D000] =	vst v63  }
0x60: {  	_ =	swait.ge [sflag:s13], $0x4000  }
0x61: {  	[sflag:s13] =	ssyncset.done $0x0  }
0x62: {  	s12 =	rddreg [dreg:$0xe];
	[sflag:s13] =	ssyncadd.s32 $0xFFFFC000  }
0x63: {  	[tilespmem:s16], [sflag:$0x1] =	stream.indirect.gather [hbm4b:s1+s15], $0x80, s12, s15, $0xb8;
	[tilespmem:$0x1D000] =	vst v63  }
0x64: {  	_ =	swait.ge [sflag:s23], $0x4000  }
0x65: {  	[sflag:s23] =	ssyncset.done $0x0  }
0x66: {  	s7 =	rddreg [dreg:$0xf];
	[sflag:s23] =	ssyncadd.s32 $0xFFFFC000  }
0x67: {  	[spmem:s3] =	stream.indirect.scatter.add.f32 [tilespmem:s21], [sflag:$0x4], $0x80, s7, s15, $0xb8;
	[tilespmem:$0x1D000] =	vst v63  }
0x68: {  	_ =	swait.ge [sflag:s13], $0x4000  }
0x69: {  	[sflag:s13] =	ssyncset.done $0x0  }
0x6a: {  	s8 =	rddreg [dreg:$0x10];
	[sflag:s13] =	ssyncadd.s32 $0xFFFFC000  }
0x6b: {  	[tilespmem:s21], [sflag:$0x2] =	stream.indirect.gather [hbm4b:s1+s15], $0x80, s8, s15, $0xb8;
	[tilespmem:$0x1D000] =	vst v63  }
0x6c: {  	_ =	swait.ge [sflag:s22], $0x4000  }
0x6d: {  	[sflag:s22] =	ssyncset.done $0x0  }
0x6e: {  	s9 =	rddreg [dreg:$0x11];
	[sflag:s22] =	ssyncadd.s32 $0xFFFFC000  }
0x6f: {  	[spmem:s3] =	stream.indirect.scatter.add.f32 [tilespmem:s16], [sflag:$0x4], $0x80, s9, s15, $0xb8;
	[tilespmem:$0x1D000] =	vst v63  }
0x70: {  	_ =	swait.ge [sflag:s13], $0x4000  }
0x71: {  	[sflag:s13] =	ssyncset.done $0x0  }
0x72: {  	[sflag:s13] =	ssyncadd.s32 $0xFFFFC000  }
0x73: {  	_ =	swait.ge [sflag:s24], $0x400  }
0x74: {  	[sflag:s24] =	ssyncset.done $0x0  }
0x75: {  	[sflag:s24] =	ssyncadd.s32 $0xFFFFFC00  }
0x76: {  	_ =	swait.ge [sflag:s24], $0x400  }
0x77: {  	[sflag:s24] =	ssyncset.done $0x0  }
0x78: {  	[sflag:s24] =	ssyncadd.s32 $0xFFFFFC00  }
0x79: {  	[tilespmem:s16], [sflag:$0x1] =	stream.indirect.gather [hbm4b:s1+s15], $0x80, s19, s15, $0xb8;
	[tilespmem:$0x1D000] =	vst v63  }
0x7a: {  	_ =	swait.ge [sflag:s23], $0x4000  }
0x7b: {  	[sflag:s23] =	ssyncset.done $0x0  }
0x7c: {  	s10 =	rddreg [dreg:$0x12];
	[sflag:s23] =	ssyncadd.s32 $0xFFFFC000  }
0x7d: {  	[spmem:s3] =	stream.indirect.scatter.add.f32 [tilespmem:s21], [sflag:$0x4], $0x80, s10, s15, $0xb8;
	[tilespmem:$0x1D000] =	vst v63  }
0x7e: {  	p0 =	por $0x0, $0x0;
	_ =	swait.ge [sflag:s13], $0x4000  }
0x7f: {  	s7 =	sshrl.u32 @!p0 s2, $0x3;
	[sflag:s13] =	ssyncset.done $0x0  }
0x80: {  	s0 =	simm.s32 @!p0 $0x0;
	s8 =	sadd.s32 @!p0 s5, s7;
	[sflag:s13] =	ssyncadd.s32 $0xFFFFC000  }
0x81: {  	[tilespmem:s0], [sflag:$0x3] =	stream.linear.gather @!p0 [hbm4b:s8+s0], $0x400, $0x38;
	[tilespmem:$0x1D000] =	vst v63  }
0x82: {  	s7 =	sadd.s32 @!p0 s6, s7;
	s8 =	simm.s32 @!p0 $0x400  }
0x83: {  	[tilespmem:s8], [sflag:$0x3] =	stream.linear.gather @!p0 [hbm4b:s7+s0], $0x400, $0x38;
	[tilespmem:$0x1D000] =	vst v63  }
0x84: {  	s12 =	rddreg [dreg:$0x13]  }
0x85: {  	[tilespmem:s21], [sflag:$0x2] =	stream.indirect.gather [hbm4b:s1+s15], $0x80, s12, s15, $0xb8;
	[tilespmem:$0x1D000] =	vst v63  }
0x86: {  	_ =	swait.ge [sflag:s22], $0x4000  }
0x87: {  	[sflag:s22] =	ssyncset.done $0x0  }
0x88: {  	[sflag:s22] =	ssyncadd.s32 $0xFFFFC000  }
0x89: {  	[spmem:s3] =	stream.indirect.scatter.add.f32 [tilespmem:s16], [sflag:$0x4], $0x80, s20, s15, $0xb8;
	[tilespmem:$0x1D000] =	vst v63  }
0x8a: {  	_ =	swait.ge [sflag:s13], $0x4000  }
0x8b: {  	[sflag:s13] =	ssyncset.done $0x0  }
0x8c: {  	s12 =	rddreg [dreg:$0x14];
	[sflag:s13] =	ssyncadd.s32 $0xFFFFC000  }
0x8d: {  	[tilespmem:s16], [sflag:$0x1] =	stream.indirect.gather [hbm4b:s1+s15], $0x80, s12, s15, $0xb8;
	[tilespmem:$0x1D000] =	vst v63  }
0x8e: {  	_ =	swait.ge [sflag:s23], $0x4000  }
0x8f: {  	[sflag:s23] =	ssyncset.done $0x0  }
0x90: {  	s8 =	rddreg [dreg:$0x15];
	[sflag:s23] =	ssyncadd.s32 $0xFFFFC000  }
0x91: {  	[spmem:s3] =	stream.indirect.scatter.add.f32 [tilespmem:s21], [sflag:$0x4], $0x80, s8, s15, $0xb8;
	[tilespmem:$0x1D000] =	vst v63  }
0x92: {  	_ =	swait.ge [sflag:s13], $0x4000  }
0x93: {  	[sflag:s13] =	ssyncset.done $0x0  }
0x94: {  	s9 =	rddreg [dreg:$0x16];
	[sflag:s13] =	ssyncadd.s32 $0xFFFFC000  }
0x95: {  	[tilespmem:s21], [sflag:$0x2] =	stream.indirect.gather [hbm4b:s1+s15], $0x80, s9, s15, $0xb8;
	[tilespmem:$0x1D000] =	vst v63  }
0x96: {  	_ =	swait.ge [sflag:s22], $0x4000  }
0x97: {  	[sflag:s22] =	ssyncset.done $0x0  }
0x98: {  	s10 =	rddreg [dreg:$0x17];
	[sflag:s22] =	ssyncadd.s32 $0xFFFFC000  }
0x99: {  	[spmem:s3] =	stream.indirect.scatter.add.f32 [tilespmem:s16], [sflag:$0x4], $0x80, s10, s15, $0xb8;
	[tilespmem:$0x1D000] =	vst v63  }
0x9a: {  	_ =	swait.ge [sflag:s13], $0x4000  }
0x9b: {  	[sflag:s13] =	ssyncset.done $0x0  }
0x9c: {  	s12 =	rddreg [dreg:$0x18];
	[sflag:s13] =	ssyncadd.s32 $0xFFFFC000  }
0x9d: {  	[tilespmem:s16], [sflag:$0x1] =	stream.indirect.gather [hbm4b:s1+s15], $0x80, s12, s15, $0xb8;
	[tilespmem:$0x1D000] =	vst v63  }
0x9e: {  	_ =	swait.ge [sflag:s23], $0x4000  }
0x9f: {  	[sflag:s23] =	ssyncset.done $0x0  }
0xa0: {  	s8 =	rddreg [dreg:$0x19];
	[sflag:s23] =	ssyncadd.s32 $0xFFFFC000  }
0xa1: {  	[spmem:s3] =	stream.indirect.scatter.add.f32 [tilespmem:s21], [sflag:$0x4], $0x80, s8, s15, $0xb8;
	[tilespmem:$0x1D000] =	vst v63  }
0xa2: {  	_ =	swait.ge [sflag:s13], $0x4000  }
0xa3: {  	[sflag:s13] =	ssyncset.done $0x0  }
0xa4: {  	s9 =	rddreg [dreg:$0x1a];
	[sflag:s13] =	ssyncadd.s32 $0xFFFFC000  }
0xa5: {  	[tilespmem:s21], [sflag:$0x2] =	stream.indirect.gather [hbm4b:s1+s15], $0x80, s9, s15, $0xb8;
	[tilespmem:$0x1D000] =	vst v63  }
0xa6: {  	_ =	swait.ge [sflag:s22], $0x4000  }
0xa7: {  	[sflag:s22] =	ssyncset.done $0x0  }
0xa8: {  	s10 =	rddreg [dreg:$0x1b];
	[sflag:s22] =	ssyncadd.s32 $0xFFFFC000  }
0xa9: {  	[spmem:s3] =	stream.indirect.scatter.add.f32 [tilespmem:s16], [sflag:$0x4], $0x80, s10, s15, $0xb8;
	[tilespmem:$0x1D000] =	vst v63  }
0xaa: {  	_ =	swait.ge [sflag:s13], $0x4000  }
0xab: {  	[sflag:s13] =	ssyncset.done $0x0  }
0xac: {  	s12 =	rddreg [dreg:$0x1c];
	[sflag:s13] =	ssyncadd.s32 $0xFFFFC000  }
0xad: {  	[tilespmem:s16], [sflag:$0x1] =	stream.indirect.gather [hbm4b:s1+s15], $0x80, s12, s15, $0xb8;
	[tilespmem:$0x1D000] =	vst v63  }
0xae: {  	_ =	swait.ge [sflag:s23], $0x4000  }
0xaf: {  	[sflag:s23] =	ssyncset.done $0x0  }
0xb0: {  	[sflag:s23] =	ssyncadd.s32 $0xFFFFC000  }
0xb1: {  	[spmem:s3] =	stream.indirect.scatter.add.f32 [tilespmem:s21], [sflag:$0x4], $0x80, s25, s15, $0xb8;
	[tilespmem:$0x1D000] =	vst v63  }
0xb2: {  	_ =	swait.ge [sflag:s13], $0x4000  }
0xb3: {  	[sflag:s13] =	ssyncset.done $0x0  }
0xb4: {  	[sflag:s13] =	ssyncadd.s32 $0xFFFFC000  }
0xb5: {  	[tilespmem:s21], [sflag:$0x2] =	stream.indirect.gather [hbm4b:s1+s15], $0x80, s26, s15, $0xb8;
	[tilespmem:$0x1D000] =	vst v63  }
0xb6: {  	_ =	swait.ge [sflag:s22], $0x4000  }
0xb7: {  	[sflag:s22] =	ssyncset.done $0x0  }
0xb8: {  	[sflag:s22] =	ssyncadd.s32 $0xFFFFC000  }
0xb9: {  	[spmem:s3] =	stream.indirect.scatter.add.f32 [tilespmem:s16], [sflag:$0x4], $0x80, s28, s15, $0xb8;
	[tilespmem:$0x1D000] =	vst v63  }
0xba: {  	_ =	swait.ge [sflag:s13], $0x4000  }
0xbb: {  	[sflag:s13] =	ssyncset.done $0x0  }
0xbc: {  	s7 =	simm.s32 @!p0 $0x3;
	[sflag:s13] =	ssyncadd.s32 $0xFFFFC000  }
0xbd: {  	_ =	swait.ge @!p0 [sflag:s7], $0x400  }
0xbe: {  	[sflag:s7] =	ssyncset.done @!p0 $0x0  }
0xbf: {  	[sflag:s7] =	ssyncadd.s32 @!p0 $0xFFFFFC00  }
0xc0: {  	_ =	swait.ge @!p0 [sflag:s7], $0x400  }
0xc1: {  	[sflag:s7] =	ssyncset.done @!p0 $0x0  }
0xc2: {  	s8 =	simm.s32 @!p0 $0x1000;
	[sflag:s7] =	ssyncadd.s32 @!p0 $0xFFFFFC00;
	s7 =	simm.s32 @!p0 $0x80  }
0xc3: {  	[tilespmem:s8], [sflag:$0x1] =	stream.indirect.gather @!p0 [hbm4b:s1+s7], $0x80, s0, s7, $0xb8;
	[tilespmem:$0x1D000] =	vst v63  }
0xc4: {  	_ =	swait.ge [sflag:s23], $0x4000  }
0xc5: {  	[sflag:s23] =	ssyncset.done $0x0  }
0xc6: {  	[sflag:s23] =	ssyncadd.s32 $0xFFFFC000  }
0xc7: {  	[spmem:s3] =	stream.indirect.scatter.add.f32 [tilespmem:s21], [sflag:$0x4], $0x80, s29, s15, $0xb8;
	[tilespmem:$0x1D000] =	vst v63  }
0xc8: {  	s31 =	simm.s32 $0x100;
	s12 =	smov.u32 s2;
	_ =	swait.ge [sflag:s13], $0x4000  }
0xc9: {  	s0 =	simm.s32 $0x200;
	s8 =	rddreg [dreg:$0x5];
	[sflag:s13] =	ssyncset.done $0x0  }
.LBB2_2:
0xca: {  	[sflag:s13] =	ssyncadd.s32 $0xFFFFC000;
	s9 =	rddreg [dreg:$0x4];
	s8 =	sadd.s32 s31, s8  }
0xcb: {  	[tilespmem:s19], [sflag:$0x3] =	stream.linear.gather [hbm4b:s8+s4], $0x400, $0x38;
	[tilespmem:$0x1D000] =	vst v63  }
0xcc: {  	s10 =	sadd.s32 s31, s9  }
0xcd: {  	[tilespmem:s20], [sflag:$0x3] =	stream.linear.gather [hbm4b:s10+s4], $0x400, $0x38;
	[tilespmem:$0x1D000] =	vst v63  }
0xce: {  	_ = 	snop  }
0xcf: {  	[tilespmem:s21], [sflag:$0x2] =	stream.indirect.gather [hbm4b:s1+s15], $0x80, s15, s15, $0xb8;
	[tilespmem:$0x1D000] =	vst v63  }
0xd0: {  	_ =	swait.ge [sflag:s22], $0x4000  }
0xd1: {  	[sflag:s22] =	ssyncset.done $0x0  }
0xd2: {  	[sflag:s22] =	ssyncadd.s32 $0xFFFFC000  }
0xd3: {  	[spmem:s3] =	stream.indirect.scatter.add.f32 [tilespmem:s16], [sflag:$0x4], $0x80, s14, s15, $0xb8;
	[tilespmem:$0x1D000] =	vst v63  }
0xd4: {  	_ =	swait.ge [sflag:s13], $0x4000  }
0xd5: {  	[sflag:s13] =	ssyncset.done $0x0  }
0xd6: {  	s9 =	rddreg [dreg:$0x6];
	[sflag:s13] =	ssyncadd.s32 $0xFFFFC000  }
0xd7: {  	[tilespmem:s16], [sflag:$0x1] =	stream.indirect.gather [hbm4b:s1+s15], $0x80, s9, s15, $0xb8;
	[tilespmem:$0x1D000] =	vst v63  }
0xd8: {  	_ =	swait.ge [sflag:s23], $0x4000  }
0xd9: {  	[sflag:s23] =	ssyncset.done $0x0  }
0xda: {  	s10 =	rddreg [dreg:$0x7];
	[sflag:s23] =	ssyncadd.s32 $0xFFFFC000  }
0xdb: {  	[spmem:s3] =	stream.indirect.scatter.add.f32 [tilespmem:s21], [sflag:$0x4], $0x80, s10, s15, $0xb8;
	[tilespmem:$0x1D000] =	vst v63  }
0xdc: {  	_ =	swait.ge [sflag:s13], $0x4000  }
0xdd: {  	[sflag:s13] =	ssyncset.done $0x0  }
0xde: {  	s9 =	rddreg [dreg:$0x8];
	[sflag:s13] =	ssyncadd.s32 $0xFFFFC000  }
0xdf: {  	[tilespmem:s21], [sflag:$0x2] =	stream.indirect.gather [hbm4b:s1+s15], $0x80, s9, s15, $0xb8;
	[tilespmem:$0x1D000] =	vst v63  }
0xe0: {  	_ =	swait.ge [sflag:s22], $0x4000  }
0xe1: {  	[sflag:s22] =	ssyncset.done $0x0  }
0xe2: {  	s10 =	rddreg [dreg:$0x9];
	[sflag:s22] =	ssyncadd.s32 $0xFFFFC000  }
0xe3: {  	[spmem:s3] =	stream.indirect.scatter.add.f32 [tilespmem:s16], [sflag:$0x4], $0x80, s10, s15, $0xb8;
	[tilespmem:$0x1D000] =	vst v63  }
0xe4: {  	_ =	swait.ge [sflag:s13], $0x4000  }
0xe5: {  	[sflag:s13] =	ssyncset.done $0x0  }
0xe6: {  	s9 =	rddreg [dreg:$0xa];
	[sflag:s13] =	ssyncadd.s32 $0xFFFFC000  }
0xe7: {  	[tilespmem:s16], [sflag:$0x1] =	stream.indirect.gather [hbm4b:s1+s15], $0x80, s9, s15, $0xb8;
	[tilespmem:$0x1D000] =	vst v63  }
0xe8: {  	_ =	swait.ge [sflag:s23], $0x4000  }
0xe9: {  	[sflag:s23] =	ssyncset.done $0x0  }
0xea: {  	s10 =	rddreg [dreg:$0xb];
	[sflag:s23] =	ssyncadd.s32 $0xFFFFC000  }
0xeb: {  	[spmem:s3] =	stream.indirect.scatter.add.f32 [tilespmem:s21], [sflag:$0x4], $0x80, s10, s15, $0xb8;
	[tilespmem:$0x1D000] =	vst v63  }
0xec: {  	_ =	swait.ge [sflag:s13], $0x4000  }
0xed: {  	[sflag:s13] =	ssyncset.done $0x0  }
0xee: {  	s9 =	rddreg [dreg:$0xc];
	[sflag:s13] =	ssyncadd.s32 $0xFFFFC000  }
0xef: {  	[tilespmem:s21], [sflag:$0x2] =	stream.indirect.gather [hbm4b:s1+s15], $0x80, s9, s15, $0xb8;
	[tilespmem:$0x1D000] =	vst v63  }
0xf0: {  	_ =	swait.ge [sflag:s22], $0x4000  }
0xf1: {  	[sflag:s22] =	ssyncset.done $0x0  }
0xf2: {  	s10 =	rddreg [dreg:$0xd];
	[sflag:s22] =	ssyncadd.s32 $0xFFFFC000  }
0xf3: {  	[spmem:s3] =	stream.indirect.scatter.add.f32 [tilespmem:s16], [sflag:$0x4], $0x80, s10, s15, $0xb8;
	[tilespmem:$0x1D000] =	vst v63  }
0xf4: {  	_ =	swait.ge [sflag:s13], $0x4000  }
0xf5: {  	[sflag:s13] =	ssyncset.done $0x0  }
0xf6: {  	s9 =	rddreg [dreg:$0xe];
	[sflag:s13] =	ssyncadd.s32 $0xFFFFC000  }
0xf7: {  	[tilespmem:s16], [sflag:$0x1] =	stream.indirect.gather [hbm4b:s1+s15], $0x80, s9, s15, $0xb8;
	[tilespmem:$0x1D000] =	vst v63  }
0xf8: {  	_ =	swait.ge [sflag:s23], $0x4000  }
0xf9: {  	[sflag:s23] =	ssyncset.done $0x0  }
0xfa: {  	s10 =	rddreg [dreg:$0xf];
	[sflag:s23] =	ssyncadd.s32 $0xFFFFC000  }
0xfb: {  	[spmem:s3] =	stream.indirect.scatter.add.f32 [tilespmem:s21], [sflag:$0x4], $0x80, s10, s15, $0xb8;
	[tilespmem:$0x1D000] =	vst v63  }
0xfc: {  	_ =	swait.ge [sflag:s13], $0x4000  }
0xfd: {  	[sflag:s13] =	ssyncset.done $0x0  }
0xfe: {  	s9 =	rddreg [dreg:$0x10];
	[sflag:s13] =	ssyncadd.s32 $0xFFFFC000  }
0xff: {  	[tilespmem:s21], [sflag:$0x2] =	stream.indirect.gather [hbm4b:s1+s15], $0x80, s9, s15, $0xb8;
	[tilespmem:$0x1D000] =	vst v63  }
0x100: {  	_ =	swait.ge [sflag:s22], $0x4000  }
0x101: {  	[sflag:s22] =	ssyncset.done $0x0  }
0x102: {  	s10 =	rddreg [dreg:$0x11];
	[sflag:s22] =	ssyncadd.s32 $0xFFFFC000  }
0x103: {  	[spmem:s3] =	stream.indirect.scatter.add.f32 [tilespmem:s16], [sflag:$0x4], $0x80, s10, s15, $0xb8;
	[tilespmem:$0x1D000] =	vst v63  }
0x104: {  	_ =	swait.ge [sflag:s13], $0x4000  }
0x105: {  	[sflag:s13] =	ssyncset.done $0x0  }
0x106: {  	[sflag:s13] =	ssyncadd.s32 $0xFFFFC000  }
0x107: {  	_ =	swait.ge [sflag:s24], $0x400  }
0x108: {  	[sflag:s24] =	ssyncset.done $0x0  }
0x109: {  	[sflag:s24] =	ssyncadd.s32 $0xFFFFFC00  }
0x10a: {  	_ =	swait.ge [sflag:s24], $0x400  }
0x10b: {  	[sflag:s24] =	ssyncset.done $0x0  }
0x10c: {  	[sflag:s24] =	ssyncadd.s32 $0xFFFFFC00  }
0x10d: {  	[tilespmem:s16], [sflag:$0x1] =	stream.indirect.gather [hbm4b:s1+s15], $0x80, s19, s15, $0xb8;
	[tilespmem:$0x1D000] =	vst v63  }
0x10e: {  	_ =	swait.ge [sflag:s23], $0x4000  }
0x10f: {  	[sflag:s23] =	ssyncset.done $0x0  }
0x110: {  	s12 =	sadd.s32 $0x800, s12;
	s9 =	rddreg [dreg:$0x12];
	[sflag:s23] =	ssyncadd.s32 $0xFFFFC000  }
0x111: {  	[spmem:s3] =	stream.indirect.scatter.add.f32 [tilespmem:s21], [sflag:$0x4], $0x80, s9, s15, $0xb8;
	[tilespmem:$0x1D000] =	vst v63  }
0x112: {  	s7 =	smov.u32 s0;
	p1 =	seq.s32 s31, $0x400;
	_ =	swait.ge [sflag:s13], $0x4000  }
0x113: {  	s31 =	smov.u32 s7;
	s8 =	sshrl.u32 @!p1 s12, $0x3;
	[sflag:s13] =	ssyncset.done $0x0  }
0x114: {  	s7 =	simm.s32 @!p1 $0x0;
	s9 =	sadd.s32 @!p1 s5, s8;
	[sflag:s13] =	ssyncadd.s32 $0xFFFFC000  }
0x115: {  	[tilespmem:s7], [sflag:$0x3] =	stream.linear.gather @!p1 [hbm4b:s9+s7], $0x400, $0x38;
	[tilespmem:$0x1D000] =	vst v63  }
0x116: {  	s8 =	sadd.s32 @!p1 s6, s8;
	s9 =	simm.s32 @!p1 $0x400  }
0x117: {  	[tilespmem:s9], [sflag:$0x3] =	stream.linear.gather @!p1 [hbm4b:s8+s7], $0x400, $0x38;
	[tilespmem:$0x1D000] =	vst v63  }
0x118: {  	s10 =	rddreg [dreg:$0x13]  }
0x119: {  	[tilespmem:s21], [sflag:$0x2] =	stream.indirect.gather [hbm4b:s1+s15], $0x80, s10, s15, $0xb8;
	[tilespmem:$0x1D000] =	vst v63  }
0x11a: {  	_ =	swait.ge [sflag:s22], $0x4000  }
0x11b: {  	[sflag:s22] =	ssyncset.done $0x0  }
0x11c: {  	[sflag:s22] =	ssyncadd.s32 $0xFFFFC000  }
0x11d: {  	[spmem:s3] =	stream.indirect.scatter.add.f32 [tilespmem:s16], [sflag:$0x4], $0x80, s20, s15, $0xb8;
	[tilespmem:$0x1D000] =	vst v63  }
0x11e: {  	_ =	swait.ge [sflag:s13], $0x4000  }
0x11f: {  	[sflag:s13] =	ssyncset.done $0x0  }
0x120: {  	s10 =	rddreg [dreg:$0x14];
	[sflag:s13] =	ssyncadd.s32 $0xFFFFC000  }
0x121: {  	[tilespmem:s16], [sflag:$0x1] =	stream.indirect.gather [hbm4b:s1+s15], $0x80, s10, s15, $0xb8;
	[tilespmem:$0x1D000] =	vst v63  }
0x122: {  	_ =	swait.ge [sflag:s23], $0x4000  }
0x123: {  	[sflag:s23] =	ssyncset.done $0x0  }
0x124: {  	s9 =	rddreg [dreg:$0x15];
	[sflag:s23] =	ssyncadd.s32 $0xFFFFC000  }
0x125: {  	[spmem:s3] =	stream.indirect.scatter.add.f32 [tilespmem:s21], [sflag:$0x4], $0x80, s9, s15, $0xb8;
	[tilespmem:$0x1D000] =	vst v63  }
0x126: {  	_ =	swait.ge [sflag:s13], $0x4000  }
0x127: {  	[sflag:s13] =	ssyncset.done $0x0  }
0x128: {  	s10 =	rddreg [dreg:$0x16];
	[sflag:s13] =	ssyncadd.s32 $0xFFFFC000  }
0x129: {  	[tilespmem:s21], [sflag:$0x2] =	stream.indirect.gather [hbm4b:s1+s15], $0x80, s10, s15, $0xb8;
	[tilespmem:$0x1D000] =	vst v63  }
0x12a: {  	_ =	swait.ge [sflag:s22], $0x4000  }
0x12b: {  	[sflag:s22] =	ssyncset.done $0x0  }
0x12c: {  	s9 =	rddreg [dreg:$0x17];
	[sflag:s22] =	ssyncadd.s32 $0xFFFFC000  }
0x12d: {  	[spmem:s3] =	stream.indirect.scatter.add.f32 [tilespmem:s16], [sflag:$0x4], $0x80, s9, s15, $0xb8;
	[tilespmem:$0x1D000] =	vst v63  }
0x12e: {  	_ =	swait.ge [sflag:s13], $0x4000  }
0x12f: {  	[sflag:s13] =	ssyncset.done $0x0  }
0x130: {  	s10 =	rddreg [dreg:$0x18];
	[sflag:s13] =	ssyncadd.s32 $0xFFFFC000  }
0x131: {  	[tilespmem:s16], [sflag:$0x1] =	stream.indirect.gather [hbm4b:s1+s15], $0x80, s10, s15, $0xb8;
	[tilespmem:$0x1D000] =	vst v63  }
0x132: {  	_ =	swait.ge [sflag:s23], $0x4000  }
0x133: {  	[sflag:s23] =	ssyncset.done $0x0  }
0x134: {  	s9 =	rddreg [dreg:$0x19];
	[sflag:s23] =	ssyncadd.s32 $0xFFFFC000  }
0x135: {  	[spmem:s3] =	stream.indirect.scatter.add.f32 [tilespmem:s21], [sflag:$0x4], $0x80, s9, s15, $0xb8;
	[tilespmem:$0x1D000] =	vst v63  }
0x136: {  	_ =	swait.ge [sflag:s13], $0x4000  }
0x137: {  	[sflag:s13] =	ssyncset.done $0x0  }
0x138: {  	s10 =	rddreg [dreg:$0x1a];
	[sflag:s13] =	ssyncadd.s32 $0xFFFFC000  }
0x139: {  	[tilespmem:s21], [sflag:$0x2] =	stream.indirect.gather [hbm4b:s1+s15], $0x80, s10, s15, $0xb8;
	[tilespmem:$0x1D000] =	vst v63  }
0x13a: {  	_ =	swait.ge [sflag:s22], $0x4000  }
0x13b: {  	[sflag:s22] =	ssyncset.done $0x0  }
0x13c: {  	s9 =	rddreg [dreg:$0x1b];
	[sflag:s22] =	ssyncadd.s32 $0xFFFFC000  }
0x13d: {  	[spmem:s3] =	stream.indirect.scatter.add.f32 [tilespmem:s16], [sflag:$0x4], $0x80, s9, s15, $0xb8;
	[tilespmem:$0x1D000] =	vst v63  }
0x13e: {  	_ =	swait.ge [sflag:s13], $0x4000  }
0x13f: {  	[sflag:s13] =	ssyncset.done $0x0  }
0x140: {  	s10 =	rddreg [dreg:$0x1c];
	[sflag:s13] =	ssyncadd.s32 $0xFFFFC000  }
0x141: {  	[tilespmem:s16], [sflag:$0x1] =	stream.indirect.gather [hbm4b:s1+s15], $0x80, s10, s15, $0xb8;
	[tilespmem:$0x1D000] =	vst v63  }
0x142: {  	_ =	swait.ge [sflag:s23], $0x4000  }
0x143: {  	[sflag:s23] =	ssyncset.done $0x0  }
0x144: {  	[sflag:s23] =	ssyncadd.s32 $0xFFFFC000  }
0x145: {  	[spmem:s3] =	stream.indirect.scatter.add.f32 [tilespmem:s21], [sflag:$0x4], $0x80, s25, s15, $0xb8;
	[tilespmem:$0x1D000] =	vst v63  }
0x146: {  	_ =	swait.ge [sflag:s13], $0x4000  }
0x147: {  	[sflag:s13] =	ssyncset.done $0x0  }
0x148: {  	[sflag:s13] =	ssyncadd.s32 $0xFFFFC000  }
0x149: {  	[tilespmem:s21], [sflag:$0x2] =	stream.indirect.gather [hbm4b:s1+s15], $0x80, s26, s15, $0xb8;
	[tilespmem:$0x1D000] =	vst v63  }
0x14a: {  	_ =	swait.ge [sflag:s22], $0x4000  }
0x14b: {  	[sflag:s22] =	ssyncset.done $0x0  }
0x14c: {  	[sflag:s22] =	ssyncadd.s32 $0xFFFFC000  }
0x14d: {  	[spmem:s3] =	stream.indirect.scatter.add.f32 [tilespmem:s16], [sflag:$0x4], $0x80, s28, s15, $0xb8;
	[tilespmem:$0x1D000] =	vst v63  }
0x14e: {  	_ =	swait.ge [sflag:s13], $0x4000  }
0x14f: {  	[sflag:s13] =	ssyncset.done $0x0  }
0x150: {  	s8 =	simm.s32 @!p1 $0x3;
	[sflag:s13] =	ssyncadd.s32 $0xFFFFC000  }
0x151: {  	_ =	swait.ge @!p1 [sflag:s8], $0x400  }
0x152: {  	[sflag:s8] =	ssyncset.done @!p1 $0x0  }
0x153: {  	[sflag:s8] =	ssyncadd.s32 @!p1 $0xFFFFFC00  }
0x154: {  	_ =	swait.ge @!p1 [sflag:s8], $0x400  }
0x155: {  	s0 =	sadd.s32 $0x100, s0;
	[sflag:s8] =	ssyncset.done @!p1 $0x0  }
0x156: {  	s9 =	simm.s32 @!p1 $0x1000;
	[sflag:s8] =	ssyncadd.s32 @!p1 $0xFFFFFC00;
	s8 =	simm.s32 @!p1 $0x80  }
0x157: {  	[tilespmem:s9], [sflag:$0x1] =	stream.indirect.gather @!p1 [hbm4b:s1+s8], $0x80, s7, s8, $0xb8;
	[tilespmem:$0x1D000] =	vst v63  }
0x158: {  	p0 =	sne.s32 s0, $0x500;
	_ =	swait.ge [sflag:s23], $0x4000  }
.Ltmp0:
0x159: {  	[sflag:s23] =	ssyncset.done $0x0;
	(pc) =	sbr.rel @p0 .LBB2_2-.Ltmp0, $4  }
0x15a: {  	[sflag:s23] =	ssyncadd.s32 $0xFFFFC000  }
0x15b: {  	[spmem:s3] =	stream.indirect.scatter.add.f32 [tilespmem:s21], [sflag:$0x4], $0x80, s29, s15, $0xb8;
	[tilespmem:$0x1D000] =	vst v63  }
0x15c: {  	_ =	swait.ge [sflag:s13], $0x4000  }
0x15d: {  	s8 =	rddreg [dreg:$0x5];
	[sflag:s13] =	ssyncset.done $0x0  }
0x15e: {  	s0 =	rddreg [dreg:$0x4];
	[sflag:s13] =	ssyncadd.s32 $0xFFFFC000;
	s7 =	sadd.s32 s31, s8  }
0x15f: {  	[tilespmem:s19], [sflag:$0x3] =	stream.linear.gather [hbm4b:s7+s4], $0x400, $0x38;
	[tilespmem:$0x1D000] =	vst v63  }
0x160: {  	s0 =	sadd.s32 s31, s0  }
0x161: {  	[tilespmem:s20], [sflag:$0x3] =	stream.linear.gather [hbm4b:s0+s4], $0x400, $0x38;
	[tilespmem:$0x1D000] =	vst v63  }
0x162: {  	_ = 	snop  }
0x163: {  	[tilespmem:s21], [sflag:$0x2] =	stream.indirect.gather [hbm4b:s1+s15], $0x80, s15, s15, $0xb8;
	[tilespmem:$0x1D000] =	vst v63  }
0x164: {  	_ =	swait.ge [sflag:s22], $0x4000  }
0x165: {  	[sflag:s22] =	ssyncset.done $0x0  }
0x166: {  	[sflag:s22] =	ssyncadd.s32 $0xFFFFC000  }
0x167: {  	[spmem:s3] =	stream.indirect.scatter.add.f32 [tilespmem:s16], [sflag:$0x4], $0x80, s14, s15, $0xb8;
	[tilespmem:$0x1D000] =	vst v63  }
0x168: {  	_ =	swait.ge [sflag:s13], $0x4000  }
0x169: {  	[sflag:s13] =	ssyncset.done $0x0  }
0x16a: {  	s7 =	rddreg [dreg:$0x6];
	[sflag:s13] =	ssyncadd.s32 $0xFFFFC000  }
0x16b: {  	[tilespmem:s16], [sflag:$0x1] =	stream.indirect.gather [hbm4b:s1+s15], $0x80, s7, s15, $0xb8;
	[tilespmem:$0x1D000] =	vst v63  }
0x16c: {  	_ =	swait.ge [sflag:s23], $0x4000  }
0x16d: {  	[sflag:s23] =	ssyncset.done $0x0  }
0x16e: {  	s8 =	rddreg [dreg:$0x7];
	[sflag:s23] =	ssyncadd.s32 $0xFFFFC000  }
0x16f: {  	[spmem:s3] =	stream.indirect.scatter.add.f32 [tilespmem:s21], [sflag:$0x4], $0x80, s8, s15, $0xb8;
	[tilespmem:$0x1D000] =	vst v63  }
0x170: {  	_ =	swait.ge [sflag:s13], $0x4000  }
0x171: {  	[sflag:s13] =	ssyncset.done $0x0  }
0x172: {  	s9 =	rddreg [dreg:$0x8];
	[sflag:s13] =	ssyncadd.s32 $0xFFFFC000  }
0x173: {  	[tilespmem:s21], [sflag:$0x2] =	stream.indirect.gather [hbm4b:s1+s15], $0x80, s9, s15, $0xb8;
	[tilespmem:$0x1D000] =	vst v63  }
0x174: {  	_ =	swait.ge [sflag:s22], $0x4000  }
0x175: {  	[sflag:s22] =	ssyncset.done $0x0  }
0x176: {  	s10 =	rddreg [dreg:$0x9];
	[sflag:s22] =	ssyncadd.s32 $0xFFFFC000  }
0x177: {  	[spmem:s3] =	stream.indirect.scatter.add.f32 [tilespmem:s16], [sflag:$0x4], $0x80, s10, s15, $0xb8;
	[tilespmem:$0x1D000] =	vst v63  }
0x178: {  	_ =	swait.ge [sflag:s13], $0x4000  }
0x179: {  	[sflag:s13] =	ssyncset.done $0x0  }
0x17a: {  	s7 =	rddreg [dreg:$0xa];
	[sflag:s13] =	ssyncadd.s32 $0xFFFFC000  }
0x17b: {  	[tilespmem:s16], [sflag:$0x1] =	stream.indirect.gather [hbm4b:s1+s15], $0x80, s7, s15, $0xb8;
	[tilespmem:$0x1D000] =	vst v63  }
0x17c: {  	_ =	swait.ge [sflag:s23], $0x4000  }
0x17d: {  	[sflag:s23] =	ssyncset.done $0x0  }
0x17e: {  	s8 =	rddreg [dreg:$0xb];
	[sflag:s23] =	ssyncadd.s32 $0xFFFFC000  }
0x17f: {  	[spmem:s3] =	stream.indirect.scatter.add.f32 [tilespmem:s21], [sflag:$0x4], $0x80, s8, s15, $0xb8;
	[tilespmem:$0x1D000] =	vst v63  }
0x180: {  	_ =	swait.ge [sflag:s13], $0x4000  }
0x181: {  	[sflag:s13] =	ssyncset.done $0x0  }
0x182: {  	s9 =	rddreg [dreg:$0xc];
	[sflag:s13] =	ssyncadd.s32 $0xFFFFC000  }
0x183: {  	[tilespmem:s21], [sflag:$0x2] =	stream.indirect.gather [hbm4b:s1+s15], $0x80, s9, s15, $0xb8;
	[tilespmem:$0x1D000] =	vst v63  }
0x184: {  	_ =	swait.ge [sflag:s22], $0x4000  }
0x185: {  	[sflag:s22] =	ssyncset.done $0x0  }
0x186: {  	s10 =	rddreg [dreg:$0xd];
	[sflag:s22] =	ssyncadd.s32 $0xFFFFC000  }
0x187: {  	[spmem:s3] =	stream.indirect.scatter.add.f32 [tilespmem:s16], [sflag:$0x4], $0x80, s10, s15, $0xb8;
	[tilespmem:$0x1D000] =	vst v63  }
0x188: {  	_ =	swait.ge [sflag:s13], $0x4000  }
0x189: {  	[sflag:s13] =	ssyncset.done $0x0  }
0x18a: {  	s7 =	rddreg [dreg:$0xe];
	[sflag:s13] =	ssyncadd.s32 $0xFFFFC000  }
0x18b: {  	[tilespmem:s16], [sflag:$0x1] =	stream.indirect.gather [hbm4b:s1+s15], $0x80, s7, s15, $0xb8;
	[tilespmem:$0x1D000] =	vst v63  }
0x18c: {  	_ =	swait.ge [sflag:s23], $0x4000  }
0x18d: {  	[sflag:s23] =	ssyncset.done $0x0  }
0x18e: {  	s8 =	rddreg [dreg:$0xf];
	[sflag:s23] =	ssyncadd.s32 $0xFFFFC000  }
0x18f: {  	[spmem:s3] =	stream.indirect.scatter.add.f32 [tilespmem:s21], [sflag:$0x4], $0x80, s8, s15, $0xb8;
	[tilespmem:$0x1D000] =	vst v63  }
0x190: {  	_ =	swait.ge [sflag:s13], $0x4000  }
0x191: {  	[sflag:s13] =	ssyncset.done $0x0  }
0x192: {  	s9 =	rddreg [dreg:$0x10];
	[sflag:s13] =	ssyncadd.s32 $0xFFFFC000  }
0x193: {  	[tilespmem:s21], [sflag:$0x2] =	stream.indirect.gather [hbm4b:s1+s15], $0x80, s9, s15, $0xb8;
	[tilespmem:$0x1D000] =	vst v63  }
0x194: {  	_ =	swait.ge [sflag:s22], $0x4000  }
0x195: {  	[sflag:s22] =	ssyncset.done $0x0  }
0x196: {  	s10 =	rddreg [dreg:$0x11];
	[sflag:s22] =	ssyncadd.s32 $0xFFFFC000  }
0x197: {  	[spmem:s3] =	stream.indirect.scatter.add.f32 [tilespmem:s16], [sflag:$0x4], $0x80, s10, s15, $0xb8;
	[tilespmem:$0x1D000] =	vst v63  }
0x198: {  	_ =	swait.ge [sflag:s13], $0x4000  }
0x199: {  	[sflag:s13] =	ssyncset.done $0x0  }
0x19a: {  	[sflag:s13] =	ssyncadd.s32 $0xFFFFC000  }
0x19b: {  	_ =	swait.ge [sflag:s24], $0x400  }
0x19c: {  	[sflag:s24] =	ssyncset.done $0x0  }
0x19d: {  	[sflag:s24] =	ssyncadd.s32 $0xFFFFFC00  }
0x19e: {  	_ =	swait.ge [sflag:s24], $0x400  }
0x19f: {  	[sflag:s24] =	ssyncset.done $0x0  }
0x1a0: {  	[sflag:s24] =	ssyncadd.s32 $0xFFFFFC00  }
0x1a1: {  	[tilespmem:s16], [sflag:$0x1] =	stream.indirect.gather [hbm4b:s1+s15], $0x80, s19, s15, $0xb8;
	[tilespmem:$0x1D000] =	vst v63  }
0x1a2: {  	_ =	swait.ge [sflag:s23], $0x4000  }
0x1a3: {  	[sflag:s23] =	ssyncset.done $0x0  }
0x1a4: {  	s7 =	rddreg [dreg:$0x12];
	[sflag:s23] =	ssyncadd.s32 $0xFFFFC000  }
0x1a5: {  	[spmem:s3] =	stream.indirect.scatter.add.f32 [tilespmem:s21], [sflag:$0x4], $0x80, s7, s15, $0xb8;
	[tilespmem:$0x1D000] =	vst v63  }
0x1a6: {  	p0 =	seq.s32 s31, $0x400;
	s0 =	sadd.s32 $0x800, s12;
	_ =	swait.ge [sflag:s13], $0x4000  }
0x1a7: {  	s7 =	sshrl.u32 @!p0 s0, $0x3;
	[sflag:s13] =	ssyncset.done $0x0  }
0x1a8: {  	s0 =	simm.s32 @!p0 $0x0;
	s8 =	sadd.s32 @!p0 s5, s7;
	[sflag:s13] =	ssyncadd.s32 $0xFFFFC000  }
0x1a9: {  	[tilespmem:s0], [sflag:$0x3] =	stream.linear.gather @!p0 [hbm4b:s8+s0], $0x400, $0x38;
	[tilespmem:$0x1D000] =	vst v63  }
0x1aa: {  	s7 =	sadd.s32 @!p0 s6, s7;
	s8 =	simm.s32 @!p0 $0x400  }
0x1ab: {  	[tilespmem:s8], [sflag:$0x3] =	stream.linear.gather @!p0 [hbm4b:s7+s0], $0x400, $0x38;
	[tilespmem:$0x1D000] =	vst v63  }
0x1ac: {  	s9 =	rddreg [dreg:$0x13]  }
0x1ad: {  	[tilespmem:s21], [sflag:$0x2] =	stream.indirect.gather [hbm4b:s1+s15], $0x80, s9, s15, $0xb8;
	[tilespmem:$0x1D000] =	vst v63  }
0x1ae: {  	_ =	swait.ge [sflag:s22], $0x4000  }
0x1af: {  	[sflag:s22] =	ssyncset.done $0x0  }
0x1b0: {  	[sflag:s22] =	ssyncadd.s32 $0xFFFFC000  }
0x1b1: {  	[spmem:s3] =	stream.indirect.scatter.add.f32 [tilespmem:s16], [sflag:$0x4], $0x80, s20, s15, $0xb8;
	[tilespmem:$0x1D000] =	vst v63  }
0x1b2: {  	_ =	swait.ge [sflag:s13], $0x4000  }
0x1b3: {  	[sflag:s13] =	ssyncset.done $0x0  }
0x1b4: {  	s8 =	rddreg [dreg:$0x14];
	[sflag:s13] =	ssyncadd.s32 $0xFFFFC000  }
0x1b5: {  	[tilespmem:s16], [sflag:$0x1] =	stream.indirect.gather [hbm4b:s1+s15], $0x80, s8, s15, $0xb8;
	[tilespmem:$0x1D000] =	vst v63  }
0x1b6: {  	_ =	swait.ge [sflag:s23], $0x4000  }
0x1b7: {  	[sflag:s23] =	ssyncset.done $0x0  }
0x1b8: {  	s9 =	rddreg [dreg:$0x15];
	[sflag:s23] =	ssyncadd.s32 $0xFFFFC000  }
0x1b9: {  	[spmem:s3] =	stream.indirect.scatter.add.f32 [tilespmem:s21], [sflag:$0x4], $0x80, s9, s15, $0xb8;
	[tilespmem:$0x1D000] =	vst v63  }
0x1ba: {  	_ =	swait.ge [sflag:s13], $0x4000  }
0x1bb: {  	[sflag:s13] =	ssyncset.done $0x0  }
0x1bc: {  	s10 =	rddreg [dreg:$0x16];
	[sflag:s13] =	ssyncadd.s32 $0xFFFFC000  }
0x1bd: {  	[tilespmem:s21], [sflag:$0x2] =	stream.indirect.gather [hbm4b:s1+s15], $0x80, s10, s15, $0xb8;
	[tilespmem:$0x1D000] =	vst v63  }
0x1be: {  	_ =	swait.ge [sflag:s22], $0x4000  }
0x1bf: {  	[sflag:s22] =	ssyncset.done $0x0  }
0x1c0: {  	s12 =	rddreg [dreg:$0x17];
	[sflag:s22] =	ssyncadd.s32 $0xFFFFC000  }
0x1c1: {  	[spmem:s3] =	stream.indirect.scatter.add.f32 [tilespmem:s16], [sflag:$0x4], $0x80, s12, s15, $0xb8;
	[tilespmem:$0x1D000] =	vst v63  }
0x1c2: {  	_ =	swait.ge [sflag:s13], $0x4000  }
0x1c3: {  	[sflag:s13] =	ssyncset.done $0x0  }
0x1c4: {  	s31 =	rddreg [dreg:$0x18];
	[sflag:s13] =	ssyncadd.s32 $0xFFFFC000  }
0x1c5: {  	[tilespmem:s16], [sflag:$0x1] =	stream.indirect.gather [hbm4b:s1+s15], $0x80, s31, s15, $0xb8;
	[tilespmem:$0x1D000] =	vst v63  }
0x1c6: {  	_ =	swait.ge [sflag:s23], $0x4000  }
0x1c7: {  	[sflag:s23] =	ssyncset.done $0x0  }
0x1c8: {  	s8 =	rddreg [dreg:$0x19];
	[sflag:s23] =	ssyncadd.s32 $0xFFFFC000  }
0x1c9: {  	[spmem:s3] =	stream.indirect.scatter.add.f32 [tilespmem:s21], [sflag:$0x4], $0x80, s8, s15, $0xb8;
	[tilespmem:$0x1D000] =	vst v63  }
0x1ca: {  	_ =	swait.ge [sflag:s13], $0x4000  }
0x1cb: {  	[sflag:s13] =	ssyncset.done $0x0  }
0x1cc: {  	s9 =	rddreg [dreg:$0x1a];
	[sflag:s13] =	ssyncadd.s32 $0xFFFFC000  }
0x1cd: {  	[tilespmem:s21], [sflag:$0x2] =	stream.indirect.gather [hbm4b:s1+s15], $0x80, s9, s15, $0xb8;
	[tilespmem:$0x1D000] =	vst v63  }
0x1ce: {  	_ =	swait.ge [sflag:s22], $0x4000  }
0x1cf: {  	[sflag:s22] =	ssyncset.done $0x0  }
0x1d0: {  	s10 =	rddreg [dreg:$0x1b];
	[sflag:s22] =	ssyncadd.s32 $0xFFFFC000  }
0x1d1: {  	[spmem:s3] =	stream.indirect.scatter.add.f32 [tilespmem:s16], [sflag:$0x4], $0x80, s10, s15, $0xb8;
	[tilespmem:$0x1D000] =	vst v63  }
0x1d2: {  	_ =	swait.ge [sflag:s13], $0x4000  }
0x1d3: {  	[sflag:s13] =	ssyncset.done $0x0  }
0x1d4: {  	s12 =	rddreg [dreg:$0x1c];
	[sflag:s13] =	ssyncadd.s32 $0xFFFFC000  }
0x1d5: {  	[tilespmem:s16], [sflag:$0x1] =	stream.indirect.gather [hbm4b:s1+s15], $0x80, s12, s15, $0xb8;
	[tilespmem:$0x1D000] =	vst v63  }
0x1d6: {  	_ =	swait.ge [sflag:s23], $0x4000  }
0x1d7: {  	[sflag:s23] =	ssyncset.done $0x0  }
0x1d8: {  	[sflag:s23] =	ssyncadd.s32 $0xFFFFC000  }
0x1d9: {  	[spmem:s3] =	stream.indirect.scatter.add.f32 [tilespmem:s21], [sflag:$0x4], $0x80, s25, s15, $0xb8;
	[tilespmem:$0x1D000] =	vst v63  }
0x1da: {  	_ =	swait.ge [sflag:s13], $0x4000  }
0x1db: {  	[sflag:s13] =	ssyncset.done $0x0  }
0x1dc: {  	[sflag:s13] =	ssyncadd.s32 $0xFFFFC000  }
0x1dd: {  	[tilespmem:s21], [sflag:$0x2] =	stream.indirect.gather [hbm4b:s1+s15], $0x80, s26, s15, $0xb8;
	[tilespmem:$0x1D000] =	vst v63  }
0x1de: {  	_ =	swait.ge [sflag:s22], $0x4000  }
0x1df: {  	[sflag:s22] =	ssyncset.done $0x0  }
0x1e0: {  	[sflag:s22] =	ssyncadd.s32 $0xFFFFC000  }
0x1e1: {  	[spmem:s3] =	stream.indirect.scatter.add.f32 [tilespmem:s16], [sflag:$0x4], $0x80, s28, s15, $0xb8;
	[tilespmem:$0x1D000] =	vst v63  }
0x1e2: {  	_ =	swait.ge [sflag:s13], $0x4000  }
0x1e3: {  	[sflag:s13] =	ssyncset.done $0x0  }
0x1e4: {  	s7 =	simm.s32 @!p0 $0x3;
	[sflag:s13] =	ssyncadd.s32 $0xFFFFC000  }
0x1e5: {  	_ =	swait.ge @!p0 [sflag:s7], $0x400  }
0x1e6: {  	[sflag:s7] =	ssyncset.done @!p0 $0x0  }
0x1e7: {  	[sflag:s7] =	ssyncadd.s32 @!p0 $0xFFFFFC00  }
0x1e8: {  	_ =	swait.ge @!p0 [sflag:s7], $0x400  }
0x1e9: {  	[sflag:s7] =	ssyncset.done @!p0 $0x0  }
0x1ea: {  	s8 =	simm.s32 @!p0 $0x1000;
	[sflag:s7] =	ssyncadd.s32 @!p0 $0xFFFFFC00;
	s7 =	simm.s32 @!p0 $0x80  }
0x1eb: {  	[tilespmem:s8], [sflag:$0x1] =	stream.indirect.gather @!p0 [hbm4b:s1+s7], $0x80, s0, s7, $0xb8;
	[tilespmem:$0x1D000] =	vst v63  }
0x1ec: {  	_ =	swait.ge [sflag:s23], $0x4000  }
0x1ed: {  	[sflag:s23] =	ssyncset.done $0x0  }
0x1ee: {  	[sflag:s23] =	ssyncadd.s32 $0xFFFFC000  }
0x1ef: {  	[spmem:s3] =	stream.indirect.scatter.add.f32 [tilespmem:s21], [sflag:$0x4], $0x80, s29, s15, $0xb8;
	[tilespmem:$0x1D000] =	vst v63  }
0x1f0: {  	_ =	swait.ge [sflag:s13], $0x4000  }
0x1f1: {  	[sflag:s13] =	ssyncset.done $0x0  }
0x1f2: {  	[sflag:s13] =	ssyncadd.s32 $0xFFFFC000  }
0x1f3: {  	[bflag:$0x0] =	sbarrier.arrive $0xFFFF  }
0x1f4: {  	s30 =	sadd.s32 $0x1, s30;
	s31 =	sld [smem:$0x7FD]  }
0x1f5: {  	p0 =	sne.s32 s30, s11  }
.Ltmp1:
0x1f6: {  	_ = 	snop;
	(pc) =	sbr.rel @p0 .LBB2_1-.Ltmp1, $4  }
0x1f7: {  	[hbm:s31], [sflag:s17] =	dma.local [spmem:s18], $0x2800  }
0x1f8: {  	_ =	swait.ge [sflag:s13], $0x2800  }
0x1f9: {  	[sflag:s13] =	ssyncset.done $0x0  }
0x1fa: {  	[sflag:s13] =	ssyncadd.s32 $0xFFFFD800  }
0x1fb: {  	_ =	sfence.sel $0x180000  }
0x1fc: {  	[bflag:$0x0] =	sbarrier.arrive $0xFFFF  }
0x1fd: {  	_ =	strace $0x9000004A  }
0x1fe: {  	s0 =	stileid.u32;
	[bflag:$0x2] =	sbarrier.arrive $0xFFFF  }
0x1ff: {  	p0 =	sne.s32 s0, $0x0;
	s0 =	rddreg [dreg:$0x3]  }
0x200: {  	s0 =	sadd.s32 @!p0 $0x100000, s0  }
0x201: {  	[sflag:s0] =	ssyncadd.tile.s32 @!p0 $0x1;
	_ =	shalt  }
.Lfunc_end2:
_tile_overlayer_lowered:
.L_overlay_start_2:
0x202: {  	(tag) =	ssettag $0x2  }
0x203: {  	s0 =	rddreg [dreg:$0x0];
	s2 =	stileid.u32  }
0x204: {  	s1 =	rddreg [dreg:$0x1];
	p0 =	sne.s32 s2, $0x0  }
0x205: {  	s3 =	rddreg [dreg:$0x2];
	[bflag:$0x3] =	sbarrier.arrive $0xFFFF;
	s2 =	simm.s32 @!p0 $0x1C04  }
0x206: {  	[timem:s3], [sflag:s2] =	dma.local @!p0 [hbm:s0], s1  }
0x207: {  	s0 =	simm.s32 @!p0 $0x4  }
0x208: {  	_ =	swait.ge @!p0 [sflag:s0], s1  }
0x209: {  	s1 =	ssub.s32 @!p0 $0x0, s1;
	[sflag:s0] =	ssyncset.done @!p0 $0x0  }
0x20a: {  	[sflag:s0] =	ssyncadd.s32 @!p0 s1  }
0x20b: {  	[bflag:$0x3] =	sbarrier.arrive $0xFFFF  }
0x20c: {  	_ =	shalt  }

</sc_bundles>
